<compile_context>
chip_gen: v7x
topology: tpu7x:2x2x1
jax: 0.10.2.dev20260603
libtpu: 0.0.44.dev20260713+nightly
codegen_flags: <defaults>
</compile_context>

<pallas_src>
import functools

import jax
import jax.numpy as jnp
from jax import lax
from jax.experimental import pallas as pl
from jax.experimental.pallas import tpu as pltpu
from jax.experimental.pallas import tpu_sc as plsc

N = 10000
E = 320000
D = 128
NC = 2
NS = 16
NW = NC * NS
EPT = E // NW
KCH = 80
NCHUNK = EPT // KCH
RPT = N // NS
BATCH = 2

_mesh = plsc.VectorSubcoreMesh(core_axis_name="c", subcore_axis_name="s")


HROW = 80
EPAD = HROW * 128


def _deg_body(dst_hbm, out_hbm, dstbuf, hist):
    c = lax.axis_index("c")
    s = lax.axis_index("s")
    wid = s * NC + c
    ones = jnp.ones((16,), jnp.float32)
    zeros = jnp.zeros((16,), jnp.float32)
    for b in range(BATCH):
        row = b * NW + wid
        pltpu.sync_copy(dst_hbm.at[row], dstbuf)

        def zero_body(i, carry):
            hist[lax.div(i, 8), pl.ds(lax.rem(i, 8) * 16, 16)] = zeros
            return carry

        lax.fori_loop(0, HROW * 8, zero_body, 0)

        def hist_body(i, carry):
            idx = dstbuf[lax.div(i, 8), pl.ds(lax.rem(i, 8) * 16, 16)]
            plsc.addupdate_scatter(
                hist,
                [lax.shift_right_logical(idx, 7),
                 lax.bitwise_and(idx, 127)],
                ones,
            )
            return carry

        lax.fori_loop(0, HROW * 8, hist_body, 0)
        pltpu.sync_copy(hist, out_hbm.at[row])


_deg_kernel = pl.kernel(
    _deg_body,
    out_type=jax.ShapeDtypeStruct((BATCH * NW, HROW, 128), jnp.float32),
    mesh=_mesh,
    compiler_params=pltpu.CompilerParams(needs_layout_passes=False),
    scratch_types=[
        pltpu.VMEM((HROW, 128), jnp.int32),
        pltpu.VMEM((HROW, 128), jnp.float32),
    ],
)


def _edge_body(hs_hbm, src_hbm, dst_hbm, out_hbm, idx_src, idx_dst, rows0,
               rows1, acc, sem0, sem1):
    c = lax.axis_index("c")
    s = lax.axis_index("s")
    wid = s * NC + c
    nblk = 7 + jnp.where(s < 13, 1, 0)

    def src_slice(j):
        return hs_hbm.at[idx_src.at[pl.ds(KCH * j, KCH)]]

    zeros16 = jnp.zeros((16,), jnp.float32)
    for b in range(BATCH):
        row = b * NW + wid
        pltpu.async_copy(src_hbm.at[pl.ds(row * EPT, EPT)], idx_src, sem0)
        pltpu.async_copy(dst_hbm.at[row], idx_dst, sem1)

        def zero_body(i, carry):
            rows0[lax.div(i, 8), pl.ds(lax.rem(i, 8) * 16, 16)] = zeros16
            return carry

        lax.fori_loop(0, 80 * 8, zero_body, 0)

        def init_body(k, carry):
            ro = 80 * s + 1280 * k
            pltpu.sync_copy(rows0, acc.at[pl.ds(ro, 80)])
            return carry

        lax.fori_loop(0, nblk, init_body, 0)
        pltpu.make_async_copy(src_hbm.at[pl.ds(row * EPT, EPT)], idx_src,
                              sem0).wait()
        pltpu.make_async_copy(dst_hbm.at[row], idx_dst, sem1).wait()
        plsc.subcore_barrier()

        pltpu.async_copy(src_slice(0), rows0, sem0)

        def chunk_body(i, carry):
            j0 = 2 * i
            pltpu.async_copy(src_slice(j0 + 1), rows1, sem1)
            pltpu.make_async_copy(src_slice(j0), rows0, sem0).wait()
            pltpu.sync_copy(rows0, acc.at[idx_dst.at[j0]], add=True)
            pltpu.async_copy(src_slice(j0 + 2), rows0, sem0)
            pltpu.make_async_copy(src_slice(j0 + 1), rows1, sem1).wait()
            pltpu.sync_copy(rows1, acc.at[idx_dst.at[j0 + 1]], add=True)
            return carry

        lax.fori_loop(0, (NCHUNK - 1) // 2, chunk_body, 0)
        pltpu.make_async_copy(src_slice(NCHUNK - 1), rows0, sem0).wait()
        pltpu.sync_copy(rows0, acc.at[idx_dst.at[NCHUNK - 1]], add=True)
        plsc.subcore_barrier()
        o0 = (b * NC + c) * N

        for k in range(8):
            rbuf = rows0 if k % 2 == 0 else rows1
            rsem = sem0 if k % 2 == 0 else sem1

            @pl.when(k < nblk)
            def _(k=k, rbuf=rbuf, rsem=rsem):
                ro = 80 * s + 1280 * k
                if k >= 2:
                    pltpu.make_async_copy(
                        rbuf, out_hbm.at[pl.ds(o0 + ro - 2560, 80)],
                        rsem).wait()
                pltpu.sync_copy(acc.at[pl.ds(ro, 80)], rbuf)
                pltpu.async_copy(rbuf, out_hbm.at[pl.ds(o0 + ro, 80)],
                                 rsem)

        pltpu.make_async_copy(rows0, out_hbm.at[pl.ds(o0, 80)],
                              sem0).wait()
        pltpu.make_async_copy(rows1, out_hbm.at[pl.ds(o0, 80)],
                              sem1).wait()
        plsc.subcore_barrier()


_edge_kernel = pl.kernel(
    _edge_body,
    out_type=jax.ShapeDtypeStruct((BATCH * NC * N, D), jnp.float32),
    mesh=_mesh,
    compiler_params=pltpu.CompilerParams(needs_layout_passes=False),
    scratch_types=[
        pltpu.VMEM((EPT,), jnp.int32),
        pltpu.VMEM((NCHUNK, KCH), jnp.int32),
        pltpu.VMEM((KCH, D), jnp.float32),
        pltpu.VMEM((KCH, D), jnp.float32),
        pltpu.VMEM_SHARED((N, D), jnp.float32),
        pltpu.SemaphoreType.DMA,
        pltpu.SemaphoreType.DMA,
    ],
)


BLK = 2000


def _k1_body(x_ref, w_ref, degp_ref, hs_ref, dinv_ref):
    deg = jnp.sum(degp_ref[0], axis=1) + 1.0
    dinv = lax.rsqrt(deg)[:, None]
    hs = jnp.dot(x_ref[0], w_ref[...], preferred_element_type=jnp.float32)
    hs_ref[0] = hs * dinv
    dinv_ref[0] = dinv


def _tc_k1(x, w1, degp):
    return pl.pallas_call(
        _k1_body,
        grid=(BATCH, N // BLK),
        in_specs=[
            pl.BlockSpec((1, BLK, D), lambda b, i: (b, i, 0)),
            pl.BlockSpec((D, D), lambda b, i: (0, 0)),
            pl.BlockSpec((1, BLK, NW), lambda b, i: (b, i, 0)),
        ],
        out_specs=[
            pl.BlockSpec((1, BLK, D), lambda b, i: (b, i, 0)),
            pl.BlockSpec((1, BLK, 1), lambda b, i: (b, i, 0)),
        ],
        out_shape=[
            jax.ShapeDtypeStruct((BATCH, N, D), jnp.float32),
            jax.ShapeDtypeStruct((BATCH, N, 1), jnp.float32),
        ],
    )(x, w1, degp)


def _k2_body(p_ref, hs_ref, dinv_ref, b1_ref, w2_ref, out_ref):
    dinv = dinv_ref[0]
    agg = p_ref[0, 0] + p_ref[0, 1] + hs_ref[0]
    h1 = dinv * agg + b1_ref[0]
    h1 = jnp.where(h1 > 0, h1, jnp.exp(jnp.minimum(h1, 0.0)) - 1.0)
    hs2 = jnp.dot(h1, w2_ref[...], preferred_element_type=jnp.float32)
    out_ref[0] = hs2 * dinv


def _tc_k2(p, hs, dinv, b1, w2):
    return pl.pallas_call(
        _k2_body,
        grid=(BATCH, N // BLK),
        in_specs=[
            pl.BlockSpec((1, NC, BLK, D), lambda b, i: (b, 0, i, 0)),
            pl.BlockSpec((1, BLK, D), lambda b, i: (b, i, 0)),
            pl.BlockSpec((1, BLK, 1), lambda b, i: (b, i, 0)),
            pl.BlockSpec((1, D), lambda b, i: (0, 0)),
            pl.BlockSpec((D, D), lambda b, i: (0, 0)),
        ],
        out_specs=pl.BlockSpec((1, BLK, D), lambda b, i: (b, i, 0)),
        out_shape=jax.ShapeDtypeStruct((BATCH, N, D), jnp.float32),
    )(p, hs, dinv, b1, w2)


def _k3_body(q_ref, hs_ref, dinv_ref, b2_ref, out_ref):
    dinv = dinv_ref[0]
    agg = q_ref[0, 0] + q_ref[0, 1] + hs_ref[0]
    out_ref[0] = dinv * agg + b2_ref[0]


def _tc_k3(q, hs, dinv, b2):
    return pl.pallas_call(
        _k3_body,
        grid=(BATCH, N // BLK),
        in_specs=[
            pl.BlockSpec((1, NC, BLK, D), lambda b, i: (b, 0, i, 0)),
            pl.BlockSpec((1, BLK, D), lambda b, i: (b, i, 0)),
            pl.BlockSpec((1, BLK, 1), lambda b, i: (b, i, 0)),
            pl.BlockSpec((1, D), lambda b, i: (0, 0)),
        ],
        out_specs=pl.BlockSpec((1, BLK, D), lambda b, i: (b, i, 0)),
        out_shape=jax.ShapeDtypeStruct((BATCH, N, D), jnp.float32),
    )(q, hs, dinv, b2)


@jax.jit
def kernel(x, edge_index, W1, b1, W2, b2):
    src = edge_index[:, 0, :]
    dst = edge_index[:, 1, :]
    src_shift = src + (jnp.arange(BATCH, dtype=jnp.int32) * N)[:, None]
    src_r = src_shift.reshape(BATCH * NW * EPT)
    dst_r = dst.reshape(BATCH * NW, NCHUNK, KCH)
    dst_pad = jnp.concatenate(
        [dst.reshape(BATCH * NW, EPT),
         jnp.full((BATCH * NW, EPAD - EPT), N, dtype=jnp.int32)], axis=1
    ).reshape(BATCH * NW, HROW, 128)

    degp = (_deg_kernel(dst_pad).reshape(BATCH, NW, EPAD)[:, :, :N]
            .transpose(0, 2, 1))

    hs1, dinv = _tc_k1(x, W1, degp)

    p = _edge_kernel(hs1.reshape(BATCH * N, D), src_r, dst_r)
    p = p.reshape(BATCH, NC, N, D)

    hs2 = _tc_k2(p, hs1, dinv, b1.reshape(1, D), W2)

    q = _edge_kernel(hs2.reshape(BATCH * N, D), src_r, dst_r)
    q = q.reshape(BATCH, NC, N, D)

    return _tc_k3(q, hs2, dinv, b2.reshape(1, D))

# --- scband reference (transcript-rebuilt; emitter-appended) ---
"""Pipeline reference for scband-thgcagent-40346922778758 (READ-ONLY COPY).

The authoritative reference and input builder live on the scoring server;
editing this copy changes nothing except your own understanding.
"""

import jax, jax.numpy as jnp
import numpy as np

B = 2
N = 10000
E = 320000
D_IN = 128
D_HID = 128
D_OUT = 128


def setup_inputs(seed: int = 0) -> dict:
    key = jax.random.key(seed)
    k1, k2, k3, k4, k5, k6 = jax.random.split(key, 6)
    x = jax.random.normal(k1, (B, N, D_IN), dtype=jnp.float32)
    edge_index = jax.random.randint(k2, (B, 2, E), 0, N, dtype=jnp.int32)
    # GATComm with num_layers=2: convs = [GCNConv(input_shape, hid_msg_dim), GCNConv(hid_msg_dim, msg_out_dim)]
    W1 = jax.random.normal(k3, (D_IN, D_HID), dtype=jnp.float32) * (1.0 / np.sqrt(D_IN))
    b1 = jnp.zeros((D_HID,), dtype=jnp.float32)
    W2 = jax.random.normal(k4, (D_HID, D_OUT), dtype=jnp.float32) * (1.0 / np.sqrt(D_HID))
    b2 = jnp.zeros((D_OUT,), dtype=jnp.float32)
    return {"x": x, "edge_index": edge_index, "W1": W1, "b1": b1, "W2": W2, "b2": b2}


def _gcn_layer(h, src, dst, W, b):
    # PyG-style GCNConv: x' = D^{-1/2} (A + I) D^{-1/2} X W + b
    Nn = h.shape[0]
    loops = jnp.arange(Nn, dtype=src.dtype)
    src2 = jnp.concatenate([src, loops])
    dst2 = jnp.concatenate([dst, loops])
    deg = jnp.zeros((Nn,), dtype=h.dtype).at[dst2].add(1.0)
    dinv = jnp.where(deg > 0, jax.lax.rsqrt(deg), 0.0)
    norm = dinv[src2] * dinv[dst2]
    hw = h @ W
    msg = jnp.take(hw, src2, axis=0) * norm[:, None]
    agg = jnp.zeros_like(hw).at[dst2].add(msg)
    return agg + b


def reference(x, edge_index, W1, b1, W2, b2):
    # GATComm.forward: unbind over batch dim, run num_layers GCN convs per graph,
    # ELU (+ dropout, identity in eval) between layers, stack results.
    outs = []
    for i in range(x.shape[0]):
        h = x[i]
        src = edge_index[i, 0]
        dst = edge_index[i, 1]
        h = _gcn_layer(h, src, dst, W1, b1)
        h = jax.nn.elu(h)
        # dropout p=0.2 is identity in eval mode
        h = _gcn_layer(h, src, dst, W2, b2)
        outs.append(h)
    return jnp.stack(outs, axis=0)

if __name__ == "__main__":
    import jax
    _d = setup_inputs()
    print(jax.jit(kernel)(*tuple(_d.values())))

</pallas_src>

<mosaic_0001>
#map = affine_map<(d0, d1) -> (0, 0, 0)>
module attributes {stable_mosaic.version = 14 : i64} {
  func.func @_deg_body(%arg0: i32, %arg1: i32, %arg2: memref<64x80x128xi32, #tpu.memory_space<hbm>>, %arg3: memref<64x80x128xf32, #tpu.memory_space<hbm>>, %arg4: memref<80x128xi32, #tpu.memory_space<vmem>>, %arg5: memref<80x128xf32, #tpu.memory_space<vmem>>) attributes {dimension_semantics = [#tpu.dimension_semantics<core_parallel>, #tpu.dimension_semantics<subcore_parallel>], iteration_bounds = array<i64: 2, 16>, scalar_prefetch = 0 : i64, scratch_operands = 2 : i64, tpu.core_type = #tpu.core_type<sc_vector_subcore>, window_params = [{transform_indices = #map}, {transform_indices = #map}]} {
    %mul3A = arith.constant 2 : i32
    %mul3A_0 = arith.muli %arg1, %mul3A : i32
    %add3A = arith.addi %mul3A_0, %arg0 : i32
    %broadcast_in_dim3A = arith.constant 1.000000e+00 : f32
    %broadcast_in_dim3A_1 = vector.broadcast %broadcast_in_dim3A : f32 to vector<16xf32>
    %broadcast_in_dim3A_2 = arith.constant 0.000000e+00 : f32
    %broadcast_in_dim3A_3 = vector.broadcast %broadcast_in_dim3A_2 : f32 to vector<16xf32>
    %add3A_4 = arith.constant 0 : i32
    %add3A_5 = arith.addi %add3A_4, %add3A : i32
    "tpu.region"() ({
      %run_scoped3A = tpu.sem_alloc : memref<!tpu.dma_semaphore, #tpu.memory_space<semaphore_mem>>
      %dma_start3A = arith.constant 0 : i32
      %dma_start3A_31 = arith.constant 0 : i32
      %dma_start3A_32 = tpu.memref_slice %arg2[%add3A_5, %dma_start3A, %dma_start3A_31] : memref<64x80x128xi32, #tpu.memory_space<hbm>> -> memref<1x80x128xi32, #tpu.memory_space<hbm>>
      %dma_start3A_33 = tpu.memref_squeeze %dma_start3A_32 : memref<1x80x128xi32, #tpu.memory_space<hbm>> -> memref<80x128xi32, #tpu.memory_space<hbm>>
      %dma_start3A_34 = arith.constant 0 : i32
      %dma_start3A_35 = arith.constant 0 : i32
      %dma_start3A_36 = tpu.memref_slice %arg2[%add3A_5, %dma_start3A_34, %dma_start3A_35] : memref<64x80x128xi32, #tpu.memory_space<hbm>> -> memref<1x80x128xi32, #tpu.memory_space<hbm>>
      %dma_start3A_37 = tpu.memref_squeeze %dma_start3A_36 : memref<1x80x128xi32, #tpu.memory_space<hbm>> -> memref<80x128xi32, #tpu.memory_space<hbm>>
      tpu.enqueue_dma source(%dma_start3A_37 : memref<80x128xi32, #tpu.memory_space<hbm>>) target(%arg4 : memref<80x128xi32, #tpu.memory_space<vmem>>) target_semaphore(%run_scoped3A : memref<!tpu.dma_semaphore, #tpu.memory_space<semaphore_mem>>)
      %dma_wait3A = arith.constant 0 : i32
      %dma_wait3A_38 = arith.constant 0 : i32
      %dma_wait3A_39 = tpu.memref_slice %arg2[%add3A_5, %dma_wait3A, %dma_wait3A_38] : memref<64x80x128xi32, #tpu.memory_space<hbm>> -> memref<1x80x128xi32, #tpu.memory_space<hbm>>
      %dma_wait3A_40 = tpu.memref_squeeze %dma_wait3A_39 : memref<1x80x128xi32, #tpu.memory_space<hbm>> -> memref<80x128xi32, #tpu.memory_space<hbm>>
      %dma_wait3A_41 = arith.constant 0 : i32
      %dma_wait3A_42 = arith.constant 0 : i32
      %dma_wait3A_43 = tpu.memref_slice %arg2[%add3A_5, %dma_wait3A_41, %dma_wait3A_42] : memref<64x80x128xi32, #tpu.memory_space<hbm>> -> memref<1x80x128xi32, #tpu.memory_space<hbm>>
      %dma_wait3A_44 = tpu.memref_squeeze %dma_wait3A_43 : memref<1x80x128xi32, #tpu.memory_space<hbm>> -> memref<80x128xi32, #tpu.memory_space<hbm>>
      tpu.wait_dma2 semaphore(%run_scoped3A : memref<!tpu.dma_semaphore, #tpu.memory_space<semaphore_mem>>) src(%dma_wait3A_44 : memref<80x128xi32, #tpu.memory_space<hbm>>) dst(%arg4 : memref<80x128xi32, #tpu.memory_space<vmem>>)
      tpu.yield
    }) : () -> ()
    %scan3A = arith.constant 0 : i32
    %scan3A_6 = arith.constant 0 : i32
    %scan3A_7 = arith.constant 640 : i32
    %scan3A_8 = arith.addi %scan3A_6, %scan3A_7 : i32
    %scan3A_9 = arith.constant 1 : i32
    scf.for %scan3A_31 = %scan3A_6 to %scan3A_8 step %scan3A_9  : i32 {
      %div3A = arith.constant 8 : i32
      %div3A_32 = arith.divsi %scan3A_31, %div3A : i32
      %rem3A = arith.constant 8 : i32
      %rem3A_33 = arith.remsi %scan3A_31, %rem3A : i32
      %mul3A_34 = arith.constant 16 : i32
      %mul3A_35 = arith.muli %rem3A_33, %mul3A_34 : i32
      %swap3A = arith.index_cast %div3A_32 : i32 to index
      %swap3A_36 = arith.index_cast %mul3A_35 : i32 to index
      %swap3A_37 = tpu.vector_load %arg5[%swap3A, %swap3A_36] {strides = array<i32>} : memref<80x128xf32, #tpu.memory_space<vmem>>, vector<16xf32>,
      tpu.vector_store %arg5[%swap3A, %swap3A_36], %broadcast_in_dim3A_3 {strides = array<i32>} : memref<80x128xf32, #tpu.memory_space<vmem>>, vector<16xf32>,
    }
    %scan3A_10 = arith.constant 640 : i32
    %scan3A_11 = arith.constant 0 : i32
    %scan3A_12 = arith.constant 0 : i32
    %scan3A_13 = arith.constant 640 : i32
    %scan3A_14 = arith.addi %scan3A_12, %scan3A_13 : i32
    %scan3A_15 = arith.constant 1 : i32
    scf.for %scan3A_31 = %scan3A_12 to %scan3A_14 step %scan3A_15  : i32 {
      %div3A = arith.constant 8 : i32
      %div3A_32 = arith.divsi %scan3A_31, %div3A : i32
      %rem3A = arith.constant 8 : i32
      %rem3A_33 = arith.remsi %scan3A_31, %rem3A : i32
      %mul3A_34 = arith.constant 16 : i32
      %mul3A_35 = arith.muli %rem3A_33, %mul3A_34 : i32
      %get3A = arith.index_cast %div3A_32 : i32 to index
      %get3A_36 = arith.index_cast %mul3A_35 : i32 to index
      %get3A_37 = tpu.vector_load %arg4[%get3A, %get3A_36] {strides = array<i32>} : memref<80x128xi32, #tpu.memory_space<vmem>>, vector<16xi32>,
      %shift_right_logical3A = arith.constant 7 : i32
      %shift_right_logical3A_38 = vector.broadcast %shift_right_logical3A : i32 to vector<16xi32>
      %shift_right_logical3A_39 = arith.shrui %get3A_37, %shift_right_logical3A_38 : vector<16xi32>
      %and3A = arith.constant 127 : i32
      %and3A_40 = vector.broadcast %and3A : i32 to vector<16xi32>
      %and3A_41 = arith.andi %get3A_37, %and3A_40 : vector<16xi32>
      tpu.vector_store_idx %arg5[%shift_right_logical3A_39, %and3A_41], %broadcast_in_dim3A_1 {add = true} : memref<80x128xf32, #tpu.memory_space<vmem>>[vector<16xi32>, vector<16xi32>], vector<16xf32>,
    }
    %scan3A_16 = arith.constant 640 : i32
    "tpu.region"() ({
      %run_scoped3A = tpu.sem_alloc : memref<!tpu.dma_semaphore, #tpu.memory_space<semaphore_mem>>
      %dma_start3A = arith.constant 0 : i32
      %dma_start3A_31 = arith.constant 0 : i32
      %dma_start3A_32 = tpu.memref_slice %arg3[%add3A_5, %dma_start3A, %dma_start3A_31] : memref<64x80x128xf32, #tpu.memory_space<hbm>> -> memref<1x80x128xf32, #tpu.memory_space<hbm>>
      %dma_start3A_33 = tpu.memref_squeeze %dma_start3A_32 : memref<1x80x128xf32, #tpu.memory_space<hbm>> -> memref<80x128xf32, #tpu.memory_space<hbm>>
      %dma_start3A_34 = arith.constant 0 : i32
      %dma_start3A_35 = arith.constant 0 : i32
      %dma_start3A_36 = tpu.memref_slice %arg3[%add3A_5, %dma_start3A_34, %dma_start3A_35] : memref<64x80x128xf32, #tpu.memory_space<hbm>> -> memref<1x80x128xf32, #tpu.memory_space<hbm>>
      %dma_start3A_37 = tpu.memref_squeeze %dma_start3A_36 : memref<1x80x128xf32, #tpu.memory_space<hbm>> -> memref<80x128xf32, #tpu.memory_space<hbm>>
      tpu.enqueue_dma source(%arg5 : memref<80x128xf32, #tpu.memory_space<vmem>>) target(%dma_start3A_37 : memref<80x128xf32, #tpu.memory_space<hbm>>) target_semaphore(%run_scoped3A : memref<!tpu.dma_semaphore, #tpu.memory_space<semaphore_mem>>)
      %dma_wait3A = arith.constant 0 : i32
      %dma_wait3A_38 = arith.constant 0 : i32
      %dma_wait3A_39 = tpu.memref_slice %arg3[%add3A_5, %dma_wait3A, %dma_wait3A_38] : memref<64x80x128xf32, #tpu.memory_space<hbm>> -> memref<1x80x128xf32, #tpu.memory_space<hbm>>
      %dma_wait3A_40 = tpu.memref_squeeze %dma_wait3A_39 : memref<1x80x128xf32, #tpu.memory_space<hbm>> -> memref<80x128xf32, #tpu.memory_space<hbm>>
      %dma_wait3A_41 = arith.constant 0 : i32
      %dma_wait3A_42 = arith.constant 0 : i32
      %dma_wait3A_43 = tpu.memref_slice %arg3[%add3A_5, %dma_wait3A_41, %dma_wait3A_42] : memref<64x80x128xf32, #tpu.memory_space<hbm>> -> memref<1x80x128xf32, #tpu.memory_space<hbm>>
      %dma_wait3A_44 = tpu.memref_squeeze %dma_wait3A_43 : memref<1x80x128xf32, #tpu.memory_space<hbm>> -> memref<80x128xf32, #tpu.memory_space<hbm>>
      tpu.wait_dma2 semaphore(%run_scoped3A : memref<!tpu.dma_semaphore, #tpu.memory_space<semaphore_mem>>) src(%arg5 : memref<80x128xf32, #tpu.memory_space<vmem>>) dst(%dma_wait3A_44 : memref<80x128xf32, #tpu.memory_space<hbm>>)
      tpu.yield
    }) : () -> ()
    %add3A_17 = arith.constant 32 : i32
    %add3A_18 = arith.addi %add3A_17, %add3A : i32
    "tpu.region"() ({
      %run_scoped3A = tpu.sem_alloc : memref<!tpu.dma_semaphore, #tpu.memory_space<semaphore_mem>>
      %dma_start3A = arith.constant 0 : i32
      %dma_start3A_31 = arith.constant 0 : i32
      %dma_start3A_32 = tpu.memref_slice %arg2[%add3A_18, %dma_start3A, %dma_start3A_31] : memref<64x80x128xi32, #tpu.memory_space<hbm>> -> memref<1x80x128xi32, #tpu.memory_space<hbm>>
      %dma_start3A_33 = tpu.memref_squeeze %dma_start3A_32 : memref<1x80x128xi32, #tpu.memory_space<hbm>> -> memref<80x128xi32, #tpu.memory_space<hbm>>
      %dma_start3A_34 = arith.constant 0 : i32
      %dma_start3A_35 = arith.constant 0 : i32
      %dma_start3A_36 = tpu.memref_slice %arg2[%add3A_18, %dma_start3A_34, %dma_start3A_35] : memref<64x80x128xi32, #tpu.memory_space<hbm>> -> memref<1x80x128xi32, #tpu.memory_space<hbm>>
      %dma_start3A_37 = tpu.memref_squeeze %dma_start3A_36 : memref<1x80x128xi32, #tpu.memory_space<hbm>> -> memref<80x128xi32, #tpu.memory_space<hbm>>
      tpu.enqueue_dma source(%dma_start3A_37 : memref<80x128xi32, #tpu.memory_space<hbm>>) target(%arg4 : memref<80x128xi32, #tpu.memory_space<vmem>>) target_semaphore(%run_scoped3A : memref<!tpu.dma_semaphore, #tpu.memory_space<semaphore_mem>>)
      %dma_wait3A = arith.constant 0 : i32
      %dma_wait3A_38 = arith.constant 0 : i32
      %dma_wait3A_39 = tpu.memref_slice %arg2[%add3A_18, %dma_wait3A, %dma_wait3A_38] : memref<64x80x128xi32, #tpu.memory_space<hbm>> -> memref<1x80x128xi32, #tpu.memory_space<hbm>>
      %dma_wait3A_40 = tpu.memref_squeeze %dma_wait3A_39 : memref<1x80x128xi32, #tpu.memory_space<hbm>> -> memref<80x128xi32, #tpu.memory_space<hbm>>
      %dma_wait3A_41 = arith.constant 0 : i32
      %dma_wait3A_42 = arith.constant 0 : i32
      %dma_wait3A_43 = tpu.memref_slice %arg2[%add3A_18, %dma_wait3A_41, %dma_wait3A_42] : memref<64x80x128xi32, #tpu.memory_space<hbm>> -> memref<1x80x128xi32, #tpu.memory_space<hbm>>
      %dma_wait3A_44 = tpu.memref_squeeze %dma_wait3A_43 : memref<1x80x128xi32, #tpu.memory_space<hbm>> -> memref<80x128xi32, #tpu.memory_space<hbm>>
      tpu.wait_dma2 semaphore(%run_scoped3A : memref<!tpu.dma_semaphore, #tpu.memory_space<semaphore_mem>>) src(%dma_wait3A_44 : memref<80x128xi32, #tpu.memory_space<hbm>>) dst(%arg4 : memref<80x128xi32, #tpu.memory_space<vmem>>)
      tpu.yield
    }) : () -> ()
    %scan3A_19 = arith.constant 0 : i32
    %scan3A_20 = arith.constant 0 : i32
    %scan3A_21 = arith.constant 640 : i32
    %scan3A_22 = arith.addi %scan3A_20, %scan3A_21 : i32
    %scan3A_23 = arith.constant 1 : i32
    scf.for %scan3A_31 = %scan3A_20 to %scan3A_22 step %scan3A_23  : i32 {
      %div3A = arith.constant 8 : i32
      %div3A_32 = arith.divsi %scan3A_31, %div3A : i32
      %rem3A = arith.constant 8 : i32
      %rem3A_33 = arith.remsi %scan3A_31, %rem3A : i32
      %mul3A_34 = arith.constant 16 : i32
      %mul3A_35 = arith.muli %rem3A_33, %mul3A_34 : i32
      %swap3A = arith.index_cast %div3A_32 : i32 to index
      %swap3A_36 = arith.index_cast %mul3A_35 : i32 to index
      %swap3A_37 = tpu.vector_load %arg5[%swap3A, %swap3A_36] {strides = array<i32>} : memref<80x128xf32, #tpu.memory_space<vmem>>, vector<16xf32>,
      tpu.vector_store %arg5[%swap3A, %swap3A_36], %broadcast_in_dim3A_3 {strides = array<i32>} : memref<80x128xf32, #tpu.memory_space<vmem>>, vector<16xf32>,
    }
    %scan3A_24 = arith.constant 640 : i32
    %scan3A_25 = arith.constant 0 : i32
    %scan3A_26 = arith.constant 0 : i32
    %scan3A_27 = arith.constant 640 : i32
    %scan3A_28 = arith.addi %scan3A_26, %scan3A_27 : i32
    %scan3A_29 = arith.constant 1 : i32
    scf.for %scan3A_31 = %scan3A_26 to %scan3A_28 step %scan3A_29  : i32 {
      %div3A = arith.constant 8 : i32
      %div3A_32 = arith.divsi %scan3A_31, %div3A : i32
      %rem3A = arith.constant 8 : i32
      %rem3A_33 = arith.remsi %scan3A_31, %rem3A : i32
      %mul3A_34 = arith.constant 16 : i32
      %mul3A_35 = arith.muli %rem3A_33, %mul3A_34 : i32
      %get3A = arith.index_cast %div3A_32 : i32 to index
      %get3A_36 = arith.index_cast %mul3A_35 : i32 to index
      %get3A_37 = tpu.vector_load %arg4[%get3A, %get3A_36] {strides = array<i32>} : memref<80x128xi32, #tpu.memory_space<vmem>>, vector<16xi32>,
      %shift_right_logical3A = arith.constant 7 : i32
      %shift_right_logical3A_38 = vector.broadcast %shift_right_logical3A : i32 to vector<16xi32>
      %shift_right_logical3A_39 = arith.shrui %get3A_37, %shift_right_logical3A_38 : vector<16xi32>
      %and3A = arith.constant 127 : i32
      %and3A_40 = vector.broadcast %and3A : i32 to vector<16xi32>
      %and3A_41 = arith.andi %get3A_37, %and3A_40 : vector<16xi32>
      tpu.vector_store_idx %arg5[%shift_right_logical3A_39, %and3A_41], %broadcast_in_dim3A_1 {add = true} : memref<80x128xf32, #tpu.memory_space<vmem>>[vector<16xi32>, vector<16xi32>], vector<16xf32>,
    }
    %scan3A_30 = arith.constant 640 : i32
    "tpu.region"() ({
      %run_scoped3A = tpu.sem_alloc : memref<!tpu.dma_semaphore, #tpu.memory_space<semaphore_mem>>
      %dma_start3A = arith.constant 0 : i32
      %dma_start3A_31 = arith.constant 0 : i32
      %dma_start3A_32 = tpu.memref_slice %arg3[%add3A_18, %dma_start3A, %dma_start3A_31] : memref<64x80x128xf32, #tpu.memory_space<hbm>> -> memref<1x80x128xf32, #tpu.memory_space<hbm>>
      %dma_start3A_33 = tpu.memref_squeeze %dma_start3A_32 : memref<1x80x128xf32, #tpu.memory_space<hbm>> -> memref<80x128xf32, #tpu.memory_space<hbm>>
      %dma_start3A_34 = arith.constant 0 : i32
      %dma_start3A_35 = arith.constant 0 : i32
      %dma_start3A_36 = tpu.memref_slice %arg3[%add3A_18, %dma_start3A_34, %dma_start3A_35] : memref<64x80x128xf32, #tpu.memory_space<hbm>> -> memref<1x80x128xf32, #tpu.memory_space<hbm>>
      %dma_start3A_37 = tpu.memref_squeeze %dma_start3A_36 : memref<1x80x128xf32, #tpu.memory_space<hbm>> -> memref<80x128xf32, #tpu.memory_space<hbm>>
      tpu.enqueue_dma source(%arg5 : memref<80x128xf32, #tpu.memory_space<vmem>>) target(%dma_start3A_37 : memref<80x128xf32, #tpu.memory_space<hbm>>) target_semaphore(%run_scoped3A : memref<!tpu.dma_semaphore, #tpu.memory_space<semaphore_mem>>)
      %dma_wait3A = arith.constant 0 : i32
      %dma_wait3A_38 = arith.constant 0 : i32
      %dma_wait3A_39 = tpu.memref_slice %arg3[%add3A_18, %dma_wait3A, %dma_wait3A_38] : memref<64x80x128xf32, #tpu.memory_space<hbm>> -> memref<1x80x128xf32, #tpu.memory_space<hbm>>
      %dma_wait3A_40 = tpu.memref_squeeze %dma_wait3A_39 : memref<1x80x128xf32, #tpu.memory_space<hbm>> -> memref<80x128xf32, #tpu.memory_space<hbm>>
      %dma_wait3A_41 = arith.constant 0 : i32
      %dma_wait3A_42 = arith.constant 0 : i32
      %dma_wait3A_43 = tpu.memref_slice %arg3[%add3A_18, %dma_wait3A_41, %dma_wait3A_42] : memref<64x80x128xf32, #tpu.memory_space<hbm>> -> memref<1x80x128xf32, #tpu.memory_space<hbm>>
      %dma_wait3A_44 = tpu.memref_squeeze %dma_wait3A_43 : memref<1x80x128xf32, #tpu.memory_space<hbm>> -> memref<80x128xf32, #tpu.memory_space<hbm>>
      tpu.wait_dma2 semaphore(%run_scoped3A : memref<!tpu.dma_semaphore, #tpu.memory_space<semaphore_mem>>) src(%arg5 : memref<80x128xf32, #tpu.memory_space<vmem>>) dst(%dma_wait3A_44 : memref<80x128xf32, #tpu.memory_space<hbm>>)
      tpu.yield
    }) : () -> ()
    return
  }
}

#map = affine_map<(d0, d1) -> (0, 0)>
#map1 = affine_map<(d0, d1) -> (0)>
#map2 = affine_map<(d0, d1) -> (0, 0, 0)>
module attributes {stable_mosaic.version = 14 : i64} {
  func.func @_edge_body(%arg0: i32, %arg1: i32, %arg2: memref<20000x128xf32, #tpu.memory_space<hbm>>, %arg3: memref<640000xi32, #tpu.memory_space<hbm>>, %arg4: memref<64x125x80xi32, #tpu.memory_space<hbm>>, %arg5: memref<40000x128xf32, #tpu.memory_space<hbm>>, %arg6: memref<10000xi32, #tpu.memory_space<vmem>>, %arg7: memref<125x80xi32, #tpu.memory_space<vmem>>, %arg8: memref<80x128xf32, #tpu.memory_space<vmem>>, %arg9: memref<80x128xf32, #tpu.memory_space<vmem>>, %arg10: memref<10000x128xf32, #tpu.memory_space<vmem_shared>>, %arg11: memref<!tpu.dma_semaphore, #tpu.memory_space<semaphore_mem>>, %arg12: memref<!tpu.dma_semaphore, #tpu.memory_space<semaphore_mem>>) attributes {dimension_semantics = [#tpu.dimension_semantics<core_parallel>, #tpu.dimension_semantics<subcore_parallel>], iteration_bounds = array<i64: 2, 16>, scalar_prefetch = 0 : i64, scratch_operands = 7 : i64, tpu.core_type = #tpu.core_type<sc_vector_subcore>, window_params = [{transform_indices = #map}, {transform_indices = #map1}, {transform_indices = #map2}, {transform_indices = #map}]} {
    %mul3A = arith.constant 2 : i32
    %mul3A_0 = arith.muli %arg1, %mul3A : i32
    %add3A = arith.addi %mul3A_0, %arg0 : i32
    %lt3A = arith.constant 13 : i32
    %lt3A_1 = arith.cmpi slt, %arg1, %lt3A : i32
    %jit3A = arith.constant 1 : i32
    %jit3A_2 = arith.constant 0 : i32
    %select_n3A = arith.select %lt3A_1, %jit3A, %jit3A_2 : i32
    %add3A_3 = arith.constant 7 : i32
    %add3A_4 = arith.addi %add3A_3, %select_n3A : i32
    %broadcast_in_dim3A = arith.constant 0.000000e+00 : f32
    %broadcast_in_dim3A_5 = vector.broadcast %broadcast_in_dim3A : f32 to vector<16xf32>
    %add3A_6 = arith.constant 0 : i32
    %add3A_7 = arith.addi %add3A_6, %add3A : i32
    %mul3A_8 = arith.constant 10000 : i32
    %mul3A_9 = arith.muli %add3A_7, %mul3A_8 : i32
    %dma_start3A = tpu.memref_slice %arg3[%mul3A_9] : memref<640000xi32, #tpu.memory_space<hbm>> -> memref<10000xi32, #tpu.memory_space<hbm>>
    %dma_start3A_10 = tpu.memref_slice %arg3[%mul3A_9] : memref<640000xi32, #tpu.memory_space<hbm>> -> memref<10000xi32, #tpu.memory_space<hbm>>
    tpu.enqueue_dma source(%dma_start3A_10 : memref<10000xi32, #tpu.memory_space<hbm>>) target(%arg6 : memref<10000xi32, #tpu.memory_space<vmem>>) target_semaphore(%arg11 : memref<!tpu.dma_semaphore, #tpu.memory_space<semaphore_mem>>)
    %dma_start3A_11 = arith.constant 0 : i32
    %dma_start3A_12 = arith.constant 0 : i32
    %dma_start3A_13 = tpu.memref_slice %arg4[%add3A_7, %dma_start3A_11, %dma_start3A_12] : memref<64x125x80xi32, #tpu.memory_space<hbm>> -> memref<1x125x80xi32, #tpu.memory_space<hbm>>
    %dma_start3A_14 = tpu.memref_squeeze %dma_start3A_13 : memref<1x125x80xi32, #tpu.memory_space<hbm>> -> memref<125x80xi32, #tpu.memory_space<hbm>>
    %dma_start3A_15 = arith.constant 0 : i32
    %dma_start3A_16 = arith.constant 0 : i32
    %dma_start3A_17 = tpu.memref_slice %arg4[%add3A_7, %dma_start3A_15, %dma_start3A_16] : memref<64x125x80xi32, #tpu.memory_space<hbm>> -> memref<1x125x80xi32, #tpu.memory_space<hbm>>
    %dma_start3A_18 = tpu.memref_squeeze %dma_start3A_17 : memref<1x125x80xi32, #tpu.memory_space<hbm>> -> memref<125x80xi32, #tpu.memory_space<hbm>>
    tpu.enqueue_dma source(%dma_start3A_18 : memref<125x80xi32, #tpu.memory_space<hbm>>) target(%arg7 : memref<125x80xi32, #tpu.memory_space<vmem>>) target_semaphore(%arg12 : memref<!tpu.dma_semaphore, #tpu.memory_space<semaphore_mem>>)
    %scan3A = arith.constant 0 : i32
    %scan3A_19 = arith.constant 0 : i32
    %scan3A_20 = arith.constant 640 : i32
    %scan3A_21 = arith.addi %scan3A_19, %scan3A_20 : i32
    %scan3A_22 = arith.constant 1 : i32
    scf.for %scan3A_225 = %scan3A_19 to %scan3A_21 step %scan3A_22  : i32 {
      %div3A = arith.constant 8 : i32
      %div3A_226 = arith.divsi %scan3A_225, %div3A : i32
      %rem3A = arith.constant 8 : i32
      %rem3A_227 = arith.remsi %scan3A_225, %rem3A : i32
      %mul3A_228 = arith.constant 16 : i32
      %mul3A_229 = arith.muli %rem3A_227, %mul3A_228 : i32
      %swap3A = arith.index_cast %div3A_226 : i32 to index
      %swap3A_230 = arith.index_cast %mul3A_229 : i32 to index
      %swap3A_231 = tpu.vector_load %arg8[%swap3A, %swap3A_230] {strides = array<i32>} : memref<80x128xf32, #tpu.memory_space<vmem>>, vector<16xf32>,
      tpu.vector_store %arg8[%swap3A, %swap3A_230], %broadcast_in_dim3A_5 {strides = array<i32>} : memref<80x128xf32, #tpu.memory_space<vmem>>, vector<16xf32>,
    }
    %scan3A_23 = arith.constant 640 : i32
    %while3A = arith.constant 0 : i32
    %while3A_24 = arith.constant 0 : i32
    %while3A_25 = arith.subi %add3A_4, %while3A_24 : i32
    %while3A_26 = arith.addi %while3A_24, %while3A_25 : i32
    %while3A_27 = arith.constant 1 : i32
    %while3A_28 = arith.divsi %while3A_25, %while3A_27 : i32
    %while3A_29 = arith.muli %while3A_28, %while3A_27 : i32
    %while3A_30 = arith.addi %while3A_24, %while3A_29 : i32
    %while3A_31 = arith.constant 1 : i32
    scf.for %while3A_225 = %while3A_24 to %while3A_30 step %while3A_31  : i32 {
      %mul3A_226 = arith.constant 80 : i32
      %mul3A_227 = arith.muli %mul3A_226, %arg1 : i32
      %mul3A_228 = arith.constant 1280 : i32
      %mul3A_229 = arith.muli %mul3A_228, %while3A_225 : i32
      %add3A_230 = arith.addi %mul3A_227, %mul3A_229 : i32
      "tpu.region"() ({
        %run_scoped3A_231 = tpu.sem_alloc : memref<!tpu.dma_semaphore, #tpu.memory_space<semaphore_mem>>
        %dma_start3A_232 = arith.constant 0 : i32
        %dma_start3A_233 = tpu.memref_slice %arg10[%add3A_230, %dma_start3A_232] : memref<10000x128xf32, #tpu.memory_space<vmem_shared>> -> memref<80x128xf32, #tpu.memory_space<vmem_shared>>
        %dma_start3A_234 = arith.constant 0 : i32
        %dma_start3A_235 = tpu.memref_slice %arg10[%add3A_230, %dma_start3A_234] : memref<10000x128xf32, #tpu.memory_space<vmem_shared>> -> memref<80x128xf32, #tpu.memory_space<vmem_shared>>
        tpu.enqueue_dma source(%arg8 : memref<80x128xf32, #tpu.memory_space<vmem>>) target(%dma_start3A_235 : memref<80x128xf32, #tpu.memory_space<vmem_shared>>) target_semaphore(%run_scoped3A_231 : memref<!tpu.dma_semaphore, #tpu.memory_space<semaphore_mem>>)
        %dma_wait3A_236 = arith.constant 0 : i32
        %dma_wait3A_237 = tpu.memref_slice %arg10[%add3A_230, %dma_wait3A_236] : memref<10000x128xf32, #tpu.memory_space<vmem_shared>> -> memref<80x128xf32, #tpu.memory_space<vmem_shared>>
        %dma_wait3A_238 = arith.constant 0 : i32
        %dma_wait3A_239 = tpu.memref_slice %arg10[%add3A_230, %dma_wait3A_238] : memref<10000x128xf32, #tpu.memory_space<vmem_shared>> -> memref<80x128xf32, #tpu.memory_space<vmem_shared>>
        tpu.wait_dma2 semaphore(%run_scoped3A_231 : memref<!tpu.dma_semaphore, #tpu.memory_space<semaphore_mem>>) src(%arg8 : memref<80x128xf32, #tpu.memory_space<vmem>>) dst(%dma_wait3A_239 : memref<80x128xf32, #tpu.memory_space<vmem_shared>>)
        tpu.yield
      }) : () -> ()
    }
    %while3A_32 = arith.constant 1 : i32
    scf.for %while3A_225 = %while3A_30 to %while3A_26 step %while3A_32  : i32 {
      %mul3A_226 = arith.constant 80 : i32
      %mul3A_227 = arith.muli %mul3A_226, %arg1 : i32
      %mul3A_228 = arith.constant 1280 : i32
      %mul3A_229 = arith.muli %mul3A_228, %while3A_225 : i32
      %add3A_230 = arith.addi %mul3A_227, %mul3A_229 : i32
      "tpu.region"() ({
        %run_scoped3A_231 = tpu.sem_alloc : memref<!tpu.dma_semaphore, #tpu.memory_space<semaphore_mem>>
        %dma_start3A_232 = arith.constant 0 : i32
        %dma_start3A_233 = tpu.memref_slice %arg10[%add3A_230, %dma_start3A_232] : memref<10000x128xf32, #tpu.memory_space<vmem_shared>> -> memref<80x128xf32, #tpu.memory_space<vmem_shared>>
        %dma_start3A_234 = arith.constant 0 : i32
        %dma_start3A_235 = tpu.memref_slice %arg10[%add3A_230, %dma_start3A_234] : memref<10000x128xf32, #tpu.memory_space<vmem_shared>> -> memref<80x128xf32, #tpu.memory_space<vmem_shared>>
        tpu.enqueue_dma source(%arg8 : memref<80x128xf32, #tpu.memory_space<vmem>>) target(%dma_start3A_235 : memref<80x128xf32, #tpu.memory_space<vmem_shared>>) target_semaphore(%run_scoped3A_231 : memref<!tpu.dma_semaphore, #tpu.memory_space<semaphore_mem>>)
        %dma_wait3A_236 = arith.constant 0 : i32
        %dma_wait3A_237 = tpu.memref_slice %arg10[%add3A_230, %dma_wait3A_236] : memref<10000x128xf32, #tpu.memory_space<vmem_shared>> -> memref<80x128xf32, #tpu.memory_space<vmem_shared>>
        %dma_wait3A_238 = arith.constant 0 : i32
        %dma_wait3A_239 = tpu.memref_slice %arg10[%add3A_230, %dma_wait3A_238] : memref<10000x128xf32, #tpu.memory_space<vmem_shared>> -> memref<80x128xf32, #tpu.memory_space<vmem_shared>>
        tpu.wait_dma2 semaphore(%run_scoped3A_231 : memref<!tpu.dma_semaphore, #tpu.memory_space<semaphore_mem>>) src(%arg8 : memref<80x128xf32, #tpu.memory_space<vmem>>) dst(%dma_wait3A_239 : memref<80x128xf32, #tpu.memory_space<vmem_shared>>)
        tpu.yield
      }) : () -> ()
    }
    %mul3A_33 = arith.constant 10000 : i32
    %mul3A_34 = arith.muli %add3A_7, %mul3A_33 : i32
    %dma_wait3A = tpu.memref_slice %arg3[%mul3A_34] : memref<640000xi32, #tpu.memory_space<hbm>> -> memref<10000xi32, #tpu.memory_space<hbm>>
    %dma_wait3A_35 = tpu.memref_slice %arg3[%mul3A_34] : memref<640000xi32, #tpu.memory_space<hbm>> -> memref<10000xi32, #tpu.memory_space<hbm>>
    tpu.wait_dma2 semaphore(%arg11 : memref<!tpu.dma_semaphore, #tpu.memory_space<semaphore_mem>>) src(%dma_wait3A_35 : memref<10000xi32, #tpu.memory_space<hbm>>) dst(%arg6 : memref<10000xi32, #tpu.memory_space<vmem>>)
    %dma_wait3A_36 = arith.constant 0 : i32
    %dma_wait3A_37 = arith.constant 0 : i32
    %dma_wait3A_38 = tpu.memref_slice %arg4[%add3A_7, %dma_wait3A_36, %dma_wait3A_37] : memref<64x125x80xi32, #tpu.memory_space<hbm>> -> memref<1x125x80xi32, #tpu.memory_space<hbm>>
    %dma_wait3A_39 = tpu.memref_squeeze %dma_wait3A_38 : memref<1x125x80xi32, #tpu.memory_space<hbm>> -> memref<125x80xi32, #tpu.memory_space<hbm>>
    %dma_wait3A_40 = arith.constant 0 : i32
    %dma_wait3A_41 = arith.constant 0 : i32
    %dma_wait3A_42 = tpu.memref_slice %arg4[%add3A_7, %dma_wait3A_40, %dma_wait3A_41] : memref<64x125x80xi32, #tpu.memory_space<hbm>> -> memref<1x125x80xi32, #tpu.memory_space<hbm>>
    %dma_wait3A_43 = tpu.memref_squeeze %dma_wait3A_42 : memref<1x125x80xi32, #tpu.memory_space<hbm>> -> memref<125x80xi32, #tpu.memory_space<hbm>>
    tpu.wait_dma2 semaphore(%arg12 : memref<!tpu.dma_semaphore, #tpu.memory_space<semaphore_mem>>) src(%dma_wait3A_43 : memref<125x80xi32, #tpu.memory_space<hbm>>) dst(%arg7 : memref<125x80xi32, #tpu.memory_space<vmem>>)
    %barrier3A = arith.constant 0 : index
    tpu.barrier barrier_id(%barrier3A)
    %dma_start3A_44 = arith.constant 0 : i32
    %dma_start3A_45 = tpu.memref_slice %arg6[%dma_start3A_44] : memref<10000xi32, #tpu.memory_space<vmem>> -> memref<80xi32, #tpu.memory_space<vmem>>
    %dma_start3A_46 = arith.constant 0 : i32
    %dma_start3A_47 = arith.constant 0 : i32
    %dma_start3A_48 = tpu.memref_slice %arg2[%dma_start3A_46, %dma_start3A_47] : memref<20000x128xf32, #tpu.memory_space<hbm>> -> memref<20000x128xf32, #tpu.memory_space<hbm>>
    tpu.enqueue_indirect_dma source(%dma_start3A_48 : memref<20000x128xf32, #tpu.memory_space<hbm>>) target(%arg8 : memref<80x128xf32, #tpu.memory_space<vmem>>) offsets(%dma_start3A_45 : memref<80xi32, #tpu.memory_space<vmem>>) semaphore(%arg11 : memref<!tpu.dma_semaphore, #tpu.memory_space<semaphore_mem>>)
    %scan3A_49 = arith.constant 0 : i32
    %scan3A_50 = arith.constant 0 : i32
    %scan3A_51 = arith.constant 62 : i32
    %scan3A_52 = arith.addi %scan3A_50, %scan3A_51 : i32
    %scan3A_53 = arith.constant 1 : i32
    scf.for %scan3A_225 = %scan3A_50 to %scan3A_52 step %scan3A_53  : i32 {
      %mul3A_226 = arith.constant 2 : i32
      %mul3A_227 = arith.muli %mul3A_226, %scan3A_225 : i32
      %add3A_228 = arith.constant 1 : i32
      %add3A_229 = arith.addi %mul3A_227, %add3A_228 : i32
      %mul3A_230 = arith.constant 80 : i32
      %mul3A_231 = arith.muli %mul3A_230, %add3A_229 : i32
      %dma_start3A_232 = tpu.memref_slice %arg6[%mul3A_231] : memref<10000xi32, #tpu.memory_space<vmem>> -> memref<80xi32, #tpu.memory_space<vmem>>
      %dma_start3A_233 = arith.constant 0 : i32
      %dma_start3A_234 = arith.constant 0 : i32
      %dma_start3A_235 = tpu.memref_slice %arg2[%dma_start3A_233, %dma_start3A_234] : memref<20000x128xf32, #tpu.memory_space<hbm>> -> memref<20000x128xf32, #tpu.memory_space<hbm>>
      tpu.enqueue_indirect_dma source(%dma_start3A_235 : memref<20000x128xf32, #tpu.memory_space<hbm>>) target(%arg9 : memref<80x128xf32, #tpu.memory_space<vmem>>) offsets(%dma_start3A_232 : memref<80xi32, #tpu.memory_space<vmem>>) semaphore(%arg12 : memref<!tpu.dma_semaphore, #tpu.memory_space<semaphore_mem>>)
      %mul3A_236 = arith.constant 80 : i32
      %mul3A_237 = arith.muli %mul3A_236, %mul3A_227 : i32
      %dma_wait3A_238 = tpu.memref_slice %arg6[%mul3A_237] : memref<10000xi32, #tpu.memory_space<vmem>> -> memref<80xi32, #tpu.memory_space<vmem>>
      %dma_wait3A_239 = arith.constant 0 : i32
      %dma_wait3A_240 = arith.constant 0 : i32
      %dma_wait3A_241 = tpu.memref_slice %arg2[%dma_wait3A_239, %dma_wait3A_240] : memref<20000x128xf32, #tpu.memory_space<hbm>> -> memref<20000x128xf32, #tpu.memory_space<hbm>>
      tpu.wait_indirect_dma semaphore(%arg11 : memref<!tpu.dma_semaphore, #tpu.memory_space<semaphore_mem>>) src(%dma_wait3A_241 : memref<20000x128xf32, #tpu.memory_space<hbm>>) dst(%arg8 : memref<80x128xf32, #tpu.memory_space<vmem>>)
      "tpu.region"() ({
        %run_scoped3A_260 = tpu.sem_alloc : memref<!tpu.dma_semaphore, #tpu.memory_space<semaphore_mem>>
        %dma_start3A_261 = arith.constant 0 : i32
        %dma_start3A_262 = tpu.memref_slice %arg7[%mul3A_227, %dma_start3A_261] : memref<125x80xi32, #tpu.memory_space<vmem>> -> memref<1x80xi32, #tpu.memory_space<vmem>>
        %dma_start3A_263 = tpu.memref_squeeze %dma_start3A_262 : memref<1x80xi32, #tpu.memory_space<vmem>> -> memref<80xi32, #tpu.memory_space<vmem>>
        %dma_start3A_264 = arith.constant 0 : i32
        %dma_start3A_265 = arith.constant 0 : i32
        %dma_start3A_266 = tpu.memref_slice %arg10[%dma_start3A_264, %dma_start3A_265] : memref<10000x128xf32, #tpu.memory_space<vmem_shared>> -> memref<10000x128xf32, #tpu.memory_space<vmem_shared>>
        tpu.enqueue_indirect_dma source(%arg8 : memref<80x128xf32, #tpu.memory_space<vmem>>) target(%dma_start3A_266 : memref<10000x128xf32, #tpu.memory_space<vmem_shared>>) offsets(%dma_start3A_263 : memref<80xi32, #tpu.memory_space<vmem>>) semaphore(%run_scoped3A_260 : memref<!tpu.dma_semaphore, #tpu.memory_space<semaphore_mem>>) {add = true}
        %dma_wait3A_267 = arith.constant 0 : i32
        %dma_wait3A_268 = tpu.memref_slice %arg7[%mul3A_227, %dma_wait3A_267] : memref<125x80xi32, #tpu.memory_space<vmem>> -> memref<1x80xi32, #tpu.memory_space<vmem>>
        %dma_wait3A_269 = tpu.memref_squeeze %dma_wait3A_268 : memref<1x80xi32, #tpu.memory_space<vmem>> -> memref<80xi32, #tpu.memory_space<vmem>>
        %dma_wait3A_270 = arith.constant 0 : i32
        %dma_wait3A_271 = arith.constant 0 : i32
        %dma_wait3A_272 = tpu.memref_slice %arg10[%dma_wait3A_270, %dma_wait3A_271] : memref<10000x128xf32, #tpu.memory_space<vmem_shared>> -> memref<10000x128xf32, #tpu.memory_space<vmem_shared>>
        tpu.wait_indirect_dma semaphore(%run_scoped3A_260 : memref<!tpu.dma_semaphore, #tpu.memory_space<semaphore_mem>>) src(%arg8 : memref<80x128xf32, #tpu.memory_space<vmem>>) dst(%dma_wait3A_272 : memref<10000x128xf32, #tpu.memory_space<vmem_shared>>)
        tpu.yield
      }) : () -> ()
      %add3A_242 = arith.constant 2 : i32
      %add3A_243 = arith.addi %mul3A_227, %add3A_242 : i32
      %mul3A_244 = arith.constant 80 : i32
      %mul3A_245 = arith.muli %mul3A_244, %add3A_243 : i32
      %dma_start3A_246 = tpu.memref_slice %arg6[%mul3A_245] : memref<10000xi32, #tpu.memory_space<vmem>> -> memref<80xi32, #tpu.memory_space<vmem>>
      %dma_start3A_247 = arith.constant 0 : i32
      %dma_start3A_248 = arith.constant 0 : i32
      %dma_start3A_249 = tpu.memref_slice %arg2[%dma_start3A_247, %dma_start3A_248] : memref<20000x128xf32, #tpu.memory_space<hbm>> -> memref<20000x128xf32, #tpu.memory_space<hbm>>
      tpu.enqueue_indirect_dma source(%dma_start3A_249 : memref<20000x128xf32, #tpu.memory_space<hbm>>) target(%arg8 : memref<80x128xf32, #tpu.memory_space<vmem>>) offsets(%dma_start3A_246 : memref<80xi32, #tpu.memory_space<vmem>>) semaphore(%arg11 : memref<!tpu.dma_semaphore, #tpu.memory_space<semaphore_mem>>)
      %add3A_250 = arith.constant 1 : i32
      %add3A_251 = arith.addi %mul3A_227, %add3A_250 : i32
      %mul3A_252 = arith.constant 80 : i32
      %mul3A_253 = arith.muli %mul3A_252, %add3A_251 : i32
      %dma_wait3A_254 = tpu.memref_slice %arg6[%mul3A_253] : memref<10000xi32, #tpu.memory_space<vmem>> -> memref<80xi32, #tpu.memory_space<vmem>>
      %dma_wait3A_255 = arith.constant 0 : i32
      %dma_wait3A_256 = arith.constant 0 : i32
      %dma_wait3A_257 = tpu.memref_slice %arg2[%dma_wait3A_255, %dma_wait3A_256] : memref<20000x128xf32, #tpu.memory_space<hbm>> -> memref<20000x128xf32, #tpu.memory_space<hbm>>
      tpu.wait_indirect_dma semaphore(%arg12 : memref<!tpu.dma_semaphore, #tpu.memory_space<semaphore_mem>>) src(%dma_wait3A_257 : memref<20000x128xf32, #tpu.memory_space<hbm>>) dst(%arg9 : memref<80x128xf32, #tpu.memory_space<vmem>>)
      %add3A_258 = arith.constant 1 : i32
      %add3A_259 = arith.addi %mul3A_227, %add3A_258 : i32
      "tpu.region"() ({
        %run_scoped3A_260 = tpu.sem_alloc : memref<!tpu.dma_semaphore, #tpu.memory_space<semaphore_mem>>
        %dma_start3A_261 = arith.constant 0 : i32
        %dma_start3A_262 = tpu.memref_slice %arg7[%add3A_259, %dma_start3A_261] : memref<125x80xi32, #tpu.memory_space<vmem>> -> memref<1x80xi32, #tpu.memory_space<vmem>>
        %dma_start3A_263 = tpu.memref_squeeze %dma_start3A_262 : memref<1x80xi32, #tpu.memory_space<vmem>> -> memref<80xi32, #tpu.memory_space<vmem>>
        %dma_start3A_264 = arith.constant 0 : i32
        %dma_start3A_265 = arith.constant 0 : i32
        %dma_start3A_266 = tpu.memref_slice %arg10[%dma_start3A_264, %dma_start3A_265] : memref<10000x128xf32, #tpu.memory_space<vmem_shared>> -> memref<10000x128xf32, #tpu.memory_space<vmem_shared>>
        tpu.enqueue_indirect_dma source(%arg9 : memref<80x128xf32, #tpu.memory_space<vmem>>) target(%dma_start3A_266 : memref<10000x128xf32, #tpu.memory_space<vmem_shared>>) offsets(%dma_start3A_263 : memref<80xi32, #tpu.memory_space<vmem>>) semaphore(%run_scoped3A_260 : memref<!tpu.dma_semaphore, #tpu.memory_space<semaphore_mem>>) {add = true}
        %dma_wait3A_267 = arith.constant 0 : i32
        %dma_wait3A_268 = tpu.memref_slice %arg7[%add3A_259, %dma_wait3A_267] : memref<125x80xi32, #tpu.memory_space<vmem>> -> memref<1x80xi32, #tpu.memory_space<vmem>>
        %dma_wait3A_269 = tpu.memref_squeeze %dma_wait3A_268 : memref<1x80xi32, #tpu.memory_space<vmem>> -> memref<80xi32, #tpu.memory_space<vmem>>
        %dma_wait3A_270 = arith.constant 0 : i32
        %dma_wait3A_271 = arith.constant 0 : i32
        %dma_wait3A_272 = tpu.memref_slice %arg10[%dma_wait3A_270, %dma_wait3A_271] : memref<10000x128xf32, #tpu.memory_space<vmem_shared>> -> memref<10000x128xf32, #tpu.memory_space<vmem_shared>>
        tpu.wait_indirect_dma semaphore(%run_scoped3A_260 : memref<!tpu.dma_semaphore, #tpu.memory_space<semaphore_mem>>) src(%arg9 : memref<80x128xf32, #tpu.memory_space<vmem>>) dst(%dma_wait3A_272 : memref<10000x128xf32, #tpu.memory_space<vmem_shared>>)
        tpu.yield
      }) : () -> ()
    }
    %scan3A_54 = arith.constant 62 : i32
    %dma_wait3A_55 = arith.constant 9920 : i32
    %dma_wait3A_56 = tpu.memref_slice %arg6[%dma_wait3A_55] : memref<10000xi32, #tpu.memory_space<vmem>> -> memref<80xi32, #tpu.memory_space<vmem>>
    %dma_wait3A_57 = arith.constant 0 : i32
    %dma_wait3A_58 = arith.constant 0 : i32
    %dma_wait3A_59 = tpu.memref_slice %arg2[%dma_wait3A_57, %dma_wait3A_58] : memref<20000x128xf32, #tpu.memory_space<hbm>> -> memref<20000x128xf32, #tpu.memory_space<hbm>>
    tpu.wait_indirect_dma semaphore(%arg11 : memref<!tpu.dma_semaphore, #tpu.memory_space<semaphore_mem>>) src(%dma_wait3A_59 : memref<20000x128xf32, #tpu.memory_space<hbm>>) dst(%arg8 : memref<80x128xf32, #tpu.memory_space<vmem>>)
    %run_scoped3A = arith.constant 124 : i32
    "tpu.region"() ({
      %run_scoped3A_225 = tpu.sem_alloc : memref<!tpu.dma_semaphore, #tpu.memory_space<semaphore_mem>>
      %dma_start3A_226 = arith.constant 0 : i32
      %dma_start3A_227 = tpu.memref_slice %arg7[%run_scoped3A, %dma_start3A_226] : memref<125x80xi32, #tpu.memory_space<vmem>> -> memref<1x80xi32, #tpu.memory_space<vmem>>
      %dma_start3A_228 = tpu.memref_squeeze %dma_start3A_227 : memref<1x80xi32, #tpu.memory_space<vmem>> -> memref<80xi32, #tpu.memory_space<vmem>>
      %dma_start3A_229 = arith.constant 0 : i32
      %dma_start3A_230 = arith.constant 0 : i32
      %dma_start3A_231 = tpu.memref_slice %arg10[%dma_start3A_229, %dma_start3A_230] : memref<10000x128xf32, #tpu.memory_space<vmem_shared>> -> memref<10000x128xf32, #tpu.memory_space<vmem_shared>>
      tpu.enqueue_indirect_dma source(%arg8 : memref<80x128xf32, #tpu.memory_space<vmem>>) target(%dma_start3A_231 : memref<10000x128xf32, #tpu.memory_space<vmem_shared>>) offsets(%dma_start3A_228 : memref<80xi32, #tpu.memory_space<vmem>>) semaphore(%run_scoped3A_225 : memref<!tpu.dma_semaphore, #tpu.memory_space<semaphore_mem>>) {add = true}
      %dma_wait3A_232 = arith.constant 0 : i32
      %dma_wait3A_233 = tpu.memref_slice %arg7[%run_scoped3A, %dma_wait3A_232] : memref<125x80xi32, #tpu.memory_space<vmem>> -> memref<1x80xi32, #tpu.memory_space<vmem>>
      %dma_wait3A_234 = tpu.memref_squeeze %dma_wait3A_233 : memref<1x80xi32, #tpu.memory_space<vmem>> -> memref<80xi32, #tpu.memory_space<vmem>>
      %dma_wait3A_235 = arith.constant 0 : i32
      %dma_wait3A_236 = arith.constant 0 : i32
      %dma_wait3A_237 = tpu.memref_slice %arg10[%dma_wait3A_235, %dma_wait3A_236] : memref<10000x128xf32, #tpu.memory_space<vmem_shared>> -> memref<10000x128xf32, #tpu.memory_space<vmem_shared>>
      tpu.wait_indirect_dma semaphore(%run_scoped3A_225 : memref<!tpu.dma_semaphore, #tpu.memory_space<semaphore_mem>>) src(%arg8 : memref<80x128xf32, #tpu.memory_space<vmem>>) dst(%dma_wait3A_237 : memref<10000x128xf32, #tpu.memory_space<vmem_shared>>)
      tpu.yield
    }) : () -> ()
    %barrier3A_60 = arith.constant 0 : index
    tpu.barrier barrier_id(%barrier3A_60)
    %add3A_61 = arith.constant 0 : i32
    %add3A_62 = arith.addi %add3A_61, %arg0 : i32
    %mul3A_63 = arith.constant 10000 : i32
    %mul3A_64 = arith.muli %add3A_62, %mul3A_63 : i32
    %gt3A = arith.constant 0 : i32
    %gt3A_65 = arith.cmpi sgt, %add3A_4, %gt3A : i32
    %convert_element_type3A = arith.extui %gt3A_65 : i1 to i32
    %cond3A = arith.constant 0 : i32
    %cond3A_66 = arith.cmpi ne, %convert_element_type3A, %cond3A : i32
    scf.if %cond3A_66 {
      %mul3A_225 = arith.constant 80 : i32
      %mul3A_226 = arith.muli %mul3A_225, %arg1 : i32
      %add3A_227 = arith.constant 0 : i32
      %add3A_228 = arith.addi %mul3A_226, %add3A_227 : i32
      "tpu.region"() ({
        %run_scoped3A_234 = tpu.sem_alloc : memref<!tpu.dma_semaphore, #tpu.memory_space<semaphore_mem>>
        %dma_start3A_235 = arith.constant 0 : i32
        %dma_start3A_236 = tpu.memref_slice %arg10[%add3A_228, %dma_start3A_235] : memref<10000x128xf32, #tpu.memory_space<vmem_shared>> -> memref<80x128xf32, #tpu.memory_space<vmem_shared>>
        %dma_start3A_237 = arith.constant 0 : i32
        %dma_start3A_238 = tpu.memref_slice %arg10[%add3A_228, %dma_start3A_237] : memref<10000x128xf32, #tpu.memory_space<vmem_shared>> -> memref<80x128xf32, #tpu.memory_space<vmem_shared>>
        tpu.enqueue_dma source(%dma_start3A_238 : memref<80x128xf32, #tpu.memory_space<vmem_shared>>) target(%arg8 : memref<80x128xf32, #tpu.memory_space<vmem>>) target_semaphore(%run_scoped3A_234 : memref<!tpu.dma_semaphore, #tpu.memory_space<semaphore_mem>>)
        %dma_wait3A_239 = arith.constant 0 : i32
        %dma_wait3A_240 = tpu.memref_slice %arg10[%add3A_228, %dma_wait3A_239] : memref<10000x128xf32, #tpu.memory_space<vmem_shared>> -> memref<80x128xf32, #tpu.memory_space<vmem_shared>>
        %dma_wait3A_241 = arith.constant 0 : i32
        %dma_wait3A_242 = tpu.memref_slice %arg10[%add3A_228, %dma_wait3A_241] : memref<10000x128xf32, #tpu.memory_space<vmem_shared>> -> memref<80x128xf32, #tpu.memory_space<vmem_shared>>
        tpu.wait_dma2 semaphore(%run_scoped3A_234 : memref<!tpu.dma_semaphore, #tpu.memory_space<semaphore_mem>>) src(%dma_wait3A_242 : memref<80x128xf32, #tpu.memory_space<vmem_shared>>) dst(%arg8 : memref<80x128xf32, #tpu.memory_space<vmem>>)
        tpu.yield
      }) : () -> ()
      %add3A_229 = arith.addi %mul3A_64, %add3A_228 : i32
      %dma_start3A_230 = arith.constant 0 : i32
      %dma_start3A_231 = tpu.memref_slice %arg5[%add3A_229, %dma_start3A_230] : memref<40000x128xf32, #tpu.memory_space<hbm>> -> memref<80x128xf32, #tpu.memory_space<hbm>>
      %dma_start3A_232 = arith.constant 0 : i32
      %dma_start3A_233 = tpu.memref_slice %arg5[%add3A_229, %dma_start3A_232] : memref<40000x128xf32, #tpu.memory_space<hbm>> -> memref<80x128xf32, #tpu.memory_space<hbm>>
      tpu.enqueue_dma source(%arg8 : memref<80x128xf32, #tpu.memory_space<vmem>>) target(%dma_start3A_233 : memref<80x128xf32, #tpu.memory_space<hbm>>) target_semaphore(%arg11 : memref<!tpu.dma_semaphore, #tpu.memory_space<semaphore_mem>>)
    } else {
    }
    %gt3A_67 = arith.constant 1 : i32
    %gt3A_68 = arith.cmpi sgt, %add3A_4, %gt3A_67 : i32
    %convert_element_type3A_69 = arith.extui %gt3A_68 : i1 to i32
    %cond3A_70 = arith.constant 0 : i32
    %cond3A_71 = arith.cmpi ne, %convert_element_type3A_69, %cond3A_70 : i32
    scf.if %cond3A_71 {
      %mul3A_225 = arith.constant 80 : i32
      %mul3A_226 = arith.muli %mul3A_225, %arg1 : i32
      %add3A_227 = arith.constant 1280 : i32
      %add3A_228 = arith.addi %mul3A_226, %add3A_227 : i32
      "tpu.region"() ({
        %run_scoped3A_234 = tpu.sem_alloc : memref<!tpu.dma_semaphore, #tpu.memory_space<semaphore_mem>>
        %dma_start3A_235 = arith.constant 0 : i32
        %dma_start3A_236 = tpu.memref_slice %arg10[%add3A_228, %dma_start3A_235] : memref<10000x128xf32, #tpu.memory_space<vmem_shared>> -> memref<80x128xf32, #tpu.memory_space<vmem_shared>>
        %dma_start3A_237 = arith.constant 0 : i32
        %dma_start3A_238 = tpu.memref_slice %arg10[%add3A_228, %dma_start3A_237] : memref<10000x128xf32, #tpu.memory_space<vmem_shared>> -> memref<80x128xf32, #tpu.memory_space<vmem_shared>>
        tpu.enqueue_dma source(%dma_start3A_238 : memref<80x128xf32, #tpu.memory_space<vmem_shared>>) target(%arg9 : memref<80x128xf32, #tpu.memory_space<vmem>>) target_semaphore(%run_scoped3A_234 : memref<!tpu.dma_semaphore, #tpu.memory_space<semaphore_mem>>)
        %dma_wait3A_239 = arith.constant 0 : i32
        %dma_wait3A_240 = tpu.memref_slice %arg10[%add3A_228, %dma_wait3A_239] : memref<10000x128xf32, #tpu.memory_space<vmem_shared>> -> memref<80x128xf32, #tpu.memory_space<vmem_shared>>
        %dma_wait3A_241 = arith.constant 0 : i32
        %dma_wait3A_242 = tpu.memref_slice %arg10[%add3A_228, %dma_wait3A_241] : memref<10000x128xf32, #tpu.memory_space<vmem_shared>> -> memref<80x128xf32, #tpu.memory_space<vmem_shared>>
        tpu.wait_dma2 semaphore(%run_scoped3A_234 : memref<!tpu.dma_semaphore, #tpu.memory_space<semaphore_mem>>) src(%dma_wait3A_242 : memref<80x128xf32, #tpu.memory_space<vmem_shared>>) dst(%arg9 : memref<80x128xf32, #tpu.memory_space<vmem>>)
        tpu.yield
      }) : () -> ()
      %add3A_229 = arith.addi %mul3A_64, %add3A_228 : i32
      %dma_start3A_230 = arith.constant 0 : i32
      %dma_start3A_231 = tpu.memref_slice %arg5[%add3A_229, %dma_start3A_230] : memref<40000x128xf32, #tpu.memory_space<hbm>> -> memref<80x128xf32, #tpu.memory_space<hbm>>
      %dma_start3A_232 = arith.constant 0 : i32
      %dma_start3A_233 = tpu.memref_slice %arg5[%add3A_229, %dma_start3A_232] : memref<40000x128xf32, #tpu.memory_space<hbm>> -> memref<80x128xf32, #tpu.memory_space<hbm>>
      tpu.enqueue_dma source(%arg9 : memref<80x128xf32, #tpu.memory_space<vmem>>) target(%dma_start3A_233 : memref<80x128xf32, #tpu.memory_space<hbm>>) target_semaphore(%arg12 : memref<!tpu.dma_semaphore, #tpu.memory_space<semaphore_mem>>)
    } else {
    }
    %gt3A_72 = arith.constant 2 : i32
    %gt3A_73 = arith.cmpi sgt, %add3A_4, %gt3A_72 : i32
    %convert_element_type3A_74 = arith.extui %gt3A_73 : i1 to i32
    %cond3A_75 = arith.constant 0 : i32
    %cond3A_76 = arith.cmpi ne, %convert_element_type3A_74, %cond3A_75 : i32
    scf.if %cond3A_76 {
      %mul3A_225 = arith.constant 80 : i32
      %mul3A_226 = arith.muli %mul3A_225, %arg1 : i32
      %add3A_227 = arith.constant 2560 : i32
      %add3A_228 = arith.addi %mul3A_226, %add3A_227 : i32
      %add3A_229 = arith.addi %mul3A_64, %add3A_228 : i32
      %sub3A = arith.constant 2560 : i32
      %sub3A_230 = arith.subi %add3A_229, %sub3A : i32
      %dma_wait3A_231 = arith.constant 0 : i32
      %dma_wait3A_232 = tpu.memref_slice %arg5[%sub3A_230, %dma_wait3A_231] : memref<40000x128xf32, #tpu.memory_space<hbm>> -> memref<80x128xf32, #tpu.memory_space<hbm>>
      %dma_wait3A_233 = arith.constant 0 : i32
      %dma_wait3A_234 = tpu.memref_slice %arg5[%sub3A_230, %dma_wait3A_233] : memref<40000x128xf32, #tpu.memory_space<hbm>> -> memref<80x128xf32, #tpu.memory_space<hbm>>
      tpu.wait_dma2 semaphore(%arg11 : memref<!tpu.dma_semaphore, #tpu.memory_space<semaphore_mem>>) src(%arg8 : memref<80x128xf32, #tpu.memory_space<vmem>>) dst(%dma_wait3A_234 : memref<80x128xf32, #tpu.memory_space<hbm>>)
      "tpu.region"() ({
        %run_scoped3A_240 = tpu.sem_alloc : memref<!tpu.dma_semaphore, #tpu.memory_space<semaphore_mem>>
        %dma_start3A_241 = arith.constant 0 : i32
        %dma_start3A_242 = tpu.memref_slice %arg10[%add3A_228, %dma_start3A_241] : memref<10000x128xf32, #tpu.memory_space<vmem_shared>> -> memref<80x128xf32, #tpu.memory_space<vmem_shared>>
        %dma_start3A_243 = arith.constant 0 : i32
        %dma_start3A_244 = tpu.memref_slice %arg10[%add3A_228, %dma_start3A_243] : memref<10000x128xf32, #tpu.memory_space<vmem_shared>> -> memref<80x128xf32, #tpu.memory_space<vmem_shared>>
        tpu.enqueue_dma source(%dma_start3A_244 : memref<80x128xf32, #tpu.memory_space<vmem_shared>>) target(%arg8 : memref<80x128xf32, #tpu.memory_space<vmem>>) target_semaphore(%run_scoped3A_240 : memref<!tpu.dma_semaphore, #tpu.memory_space<semaphore_mem>>)
        %dma_wait3A_245 = arith.constant 0 : i32
        %dma_wait3A_246 = tpu.memref_slice %arg10[%add3A_228, %dma_wait3A_245] : memref<10000x128xf32, #tpu.memory_space<vmem_shared>> -> memref<80x128xf32, #tpu.memory_space<vmem_shared>>
        %dma_wait3A_247 = arith.constant 0 : i32
        %dma_wait3A_248 = tpu.memref_slice %arg10[%add3A_228, %dma_wait3A_247] : memref<10000x128xf32, #tpu.memory_space<vmem_shared>> -> memref<80x128xf32, #tpu.memory_space<vmem_shared>>
        tpu.wait_dma2 semaphore(%run_scoped3A_240 : memref<!tpu.dma_semaphore, #tpu.memory_space<semaphore_mem>>) src(%dma_wait3A_248 : memref<80x128xf32, #tpu.memory_space<vmem_shared>>) dst(%arg8 : memref<80x128xf32, #tpu.memory_space<vmem>>)
        tpu.yield
      }) : () -> ()
      %add3A_235 = arith.addi %mul3A_64, %add3A_228 : i32
      %dma_start3A_236 = arith.constant 0 : i32
      %dma_start3A_237 = tpu.memref_slice %arg5[%add3A_235, %dma_start3A_236] : memref<40000x128xf32, #tpu.memory_space<hbm>> -> memref<80x128xf32, #tpu.memory_space<hbm>>
      %dma_start3A_238 = arith.constant 0 : i32
      %dma_start3A_239 = tpu.memref_slice %arg5[%add3A_235, %dma_start3A_238] : memref<40000x128xf32, #tpu.memory_space<hbm>> -> memref<80x128xf32, #tpu.memory_space<hbm>>
      tpu.enqueue_dma source(%arg8 : memref<80x128xf32, #tpu.memory_space<vmem>>) target(%dma_start3A_239 : memref<80x128xf32, #tpu.memory_space<hbm>>) target_semaphore(%arg11 : memref<!tpu.dma_semaphore, #tpu.memory_space<semaphore_mem>>)
    } else {
    }
    %gt3A_77 = arith.constant 3 : i32
    %gt3A_78 = arith.cmpi sgt, %add3A_4, %gt3A_77 : i32
    %convert_element_type3A_79 = arith.extui %gt3A_78 : i1 to i32
    %cond3A_80 = arith.constant 0 : i32
    %cond3A_81 = arith.cmpi ne, %convert_element_type3A_79, %cond3A_80 : i32
    scf.if %cond3A_81 {
      %mul3A_225 = arith.constant 80 : i32
      %mul3A_226 = arith.muli %mul3A_225, %arg1 : i32
      %add3A_227 = arith.constant 3840 : i32
      %add3A_228 = arith.addi %mul3A_226, %add3A_227 : i32
      %add3A_229 = arith.addi %mul3A_64, %add3A_228 : i32
      %sub3A = arith.constant 2560 : i32
      %sub3A_230 = arith.subi %add3A_229, %sub3A : i32
      %dma_wait3A_231 = arith.constant 0 : i32
      %dma_wait3A_232 = tpu.memref_slice %arg5[%sub3A_230, %dma_wait3A_231] : memref<40000x128xf32, #tpu.memory_space<hbm>> -> memref<80x128xf32, #tpu.memory_space<hbm>>
      %dma_wait3A_233 = arith.constant 0 : i32
      %dma_wait3A_234 = tpu.memref_slice %arg5[%sub3A_230, %dma_wait3A_233] : memref<40000x128xf32, #tpu.memory_space<hbm>> -> memref<80x128xf32, #tpu.memory_space<hbm>>
      tpu.wait_dma2 semaphore(%arg12 : memref<!tpu.dma_semaphore, #tpu.memory_space<semaphore_mem>>) src(%arg9 : memref<80x128xf32, #tpu.memory_space<vmem>>) dst(%dma_wait3A_234 : memref<80x128xf32, #tpu.memory_space<hbm>>)
      "tpu.region"() ({
        %run_scoped3A_240 = tpu.sem_alloc : memref<!tpu.dma_semaphore, #tpu.memory_space<semaphore_mem>>
        %dma_start3A_241 = arith.constant 0 : i32
        %dma_start3A_242 = tpu.memref_slice %arg10[%add3A_228, %dma_start3A_241] : memref<10000x128xf32, #tpu.memory_space<vmem_shared>> -> memref<80x128xf32, #tpu.memory_space<vmem_shared>>
        %dma_start3A_243 = arith.constant 0 : i32
        %dma_start3A_244 = tpu.memref_slice %arg10[%add3A_228, %dma_start3A_243] : memref<10000x128xf32, #tpu.memory_space<vmem_shared>> -> memref<80x128xf32, #tpu.memory_space<vmem_shared>>
        tpu.enqueue_dma source(%dma_start3A_244 : memref<80x128xf32, #tpu.memory_space<vmem_shared>>) target(%arg9 : memref<80x128xf32, #tpu.memory_space<vmem>>) target_semaphore(%run_scoped3A_240 : memref<!tpu.dma_semaphore, #tpu.memory_space<semaphore_mem>>)
        %dma_wait3A_245 = arith.constant 0 : i32
        %dma_wait3A_246 = tpu.memref_slice %arg10[%add3A_228, %dma_wait3A_245] : memref<10000x128xf32, #tpu.memory_space<vmem_shared>> -> memref<80x128xf32, #tpu.memory_space<vmem_shared>>
        %dma_wait3A_247 = arith.constant 0 : i32
        %dma_wait3A_248 = tpu.memref_slice %arg10[%add3A_228, %dma_wait3A_247] : memref<10000x128xf32, #tpu.memory_space<vmem_shared>> -> memref<80x128xf32, #tpu.memory_space<vmem_shared>>
        tpu.wait_dma2 semaphore(%run_scoped3A_240 : memref<!tpu.dma_semaphore, #tpu.memory_space<semaphore_mem>>) src(%dma_wait3A_248 : memref<80x128xf32, #tpu.memory_space<vmem_shared>>) dst(%arg9 : memref<80x128xf32, #tpu.memory_space<vmem>>)
        tpu.yield
      }) : () -> ()
      %add3A_235 = arith.addi %mul3A_64, %add3A_228 : i32
      %dma_start3A_236 = arith.constant 0 : i32
      %dma_start3A_237 = tpu.memref_slice %arg5[%add3A_235, %dma_start3A_236] : memref<40000x128xf32, #tpu.memory_space<hbm>> -> memref<80x128xf32, #tpu.memory_space<hbm>>
      %dma_start3A_238 = arith.constant 0 : i32
      %dma_start3A_239 = tpu.memref_slice %arg5[%add3A_235, %dma_start3A_238] : memref<40000x128xf32, #tpu.memory_space<hbm>> -> memref<80x128xf32, #tpu.memory_space<hbm>>
      tpu.enqueue_dma source(%arg9 : memref<80x128xf32, #tpu.memory_space<vmem>>) target(%dma_start3A_239 : memref<80x128xf32, #tpu.memory_space<hbm>>) target_semaphore(%arg12 : memref<!tpu.dma_semaphore, #tpu.memory_space<semaphore_mem>>)
    } else {
    }
    %gt3A_82 = arith.constant 4 : i32
    %gt3A_83 = arith.cmpi sgt, %add3A_4, %gt3A_82 : i32
    %convert_element_type3A_84 = arith.extui %gt3A_83 : i1 to i32
    %cond3A_85 = arith.constant 0 : i32
    %cond3A_86 = arith.cmpi ne, %convert_element_type3A_84, %cond3A_85 : i32
    scf.if %cond3A_86 {
      %mul3A_225 = arith.constant 80 : i32
      %mul3A_226 = arith.muli %mul3A_225, %arg1 : i32
      %add3A_227 = arith.constant 5120 : i32
      %add3A_228 = arith.addi %mul3A_226, %add3A_227 : i32
      %add3A_229 = arith.addi %mul3A_64, %add3A_228 : i32
      %sub3A = arith.constant 2560 : i32
      %sub3A_230 = arith.subi %add3A_229, %sub3A : i32
      %dma_wait3A_231 = arith.constant 0 : i32
      %dma_wait3A_232 = tpu.memref_slice %arg5[%sub3A_230, %dma_wait3A_231] : memref<40000x128xf32, #tpu.memory_space<hbm>> -> memref<80x128xf32, #tpu.memory_space<hbm>>
      %dma_wait3A_233 = arith.constant 0 : i32
      %dma_wait3A_234 = tpu.memref_slice %arg5[%sub3A_230, %dma_wait3A_233] : memref<40000x128xf32, #tpu.memory_space<hbm>> -> memref<80x128xf32, #tpu.memory_space<hbm>>
      tpu.wait_dma2 semaphore(%arg11 : memref<!tpu.dma_semaphore, #tpu.memory_space<semaphore_mem>>) src(%arg8 : memref<80x128xf32, #tpu.memory_space<vmem>>) dst(%dma_wait3A_234 : memref<80x128xf32, #tpu.memory_space<hbm>>)
      "tpu.region"() ({
        %run_scoped3A_240 = tpu.sem_alloc : memref<!tpu.dma_semaphore, #tpu.memory_space<semaphore_mem>>
        %dma_start3A_241 = arith.constant 0 : i32
        %dma_start3A_242 = tpu.memref_slice %arg10[%add3A_228, %dma_start3A_241] : memref<10000x128xf32, #tpu.memory_space<vmem_shared>> -> memref<80x128xf32, #tpu.memory_space<vmem_shared>>
        %dma_start3A_243 = arith.constant 0 : i32
        %dma_start3A_244 = tpu.memref_slice %arg10[%add3A_228, %dma_start3A_243] : memref<10000x128xf32, #tpu.memory_space<vmem_shared>> -> memref<80x128xf32, #tpu.memory_space<vmem_shared>>
        tpu.enqueue_dma source(%dma_start3A_244 : memref<80x128xf32, #tpu.memory_space<vmem_shared>>) target(%arg8 : memref<80x128xf32, #tpu.memory_space<vmem>>) target_semaphore(%run_scoped3A_240 : memref<!tpu.dma_semaphore, #tpu.memory_space<semaphore_mem>>)
        %dma_wait3A_245 = arith.constant 0 : i32
        %dma_wait3A_246 = tpu.memref_slice %arg10[%add3A_228, %dma_wait3A_245] : memref<10000x128xf32, #tpu.memory_space<vmem_shared>> -> memref<80x128xf32, #tpu.memory_space<vmem_shared>>
        %dma_wait3A_247 = arith.constant 0 : i32
        %dma_wait3A_248 = tpu.memref_slice %arg10[%add3A_228, %dma_wait3A_247] : memref<10000x128xf32, #tpu.memory_space<vmem_shared>> -> memref<80x128xf32, #tpu.memory_space<vmem_shared>>
        tpu.wait_dma2 semaphore(%run_scoped3A_240 : memref<!tpu.dma_semaphore, #tpu.memory_space<semaphore_mem>>) src(%dma_wait3A_248 : memref<80x128xf32, #tpu.memory_space<vmem_shared>>) dst(%arg8 : memref<80x128xf32, #tpu.memory_space<vmem>>)
        tpu.yield
      }) : () -> ()
      %add3A_235 = arith.addi %mul3A_64, %add3A_228 : i32
      %dma_start3A_236 = arith.constant 0 : i32
      %dma_start3A_237 = tpu.memref_slice %arg5[%add3A_235, %dma_start3A_236] : memref<40000x128xf32, #tpu.memory_space<hbm>> -> memref<80x128xf32, #tpu.memory_space<hbm>>
      %dma_start3A_238 = arith.constant 0 : i32
      %dma_start3A_239 = tpu.memref_slice %arg5[%add3A_235, %dma_start3A_238] : memref<40000x128xf32, #tpu.memory_space<hbm>> -> memref<80x128xf32, #tpu.memory_space<hbm>>
      tpu.enqueue_dma source(%arg8 : memref<80x128xf32, #tpu.memory_space<vmem>>) target(%dma_start3A_239 : memref<80x128xf32, #tpu.memory_space<hbm>>) target_semaphore(%arg11 : memref<!tpu.dma_semaphore, #tpu.memory_space<semaphore_mem>>)
    } else {
    }
    %gt3A_87 = arith.constant 5 : i32
    %gt3A_88 = arith.cmpi sgt, %add3A_4, %gt3A_87 : i32
    %convert_element_type3A_89 = arith.extui %gt3A_88 : i1 to i32
    %cond3A_90 = arith.constant 0 : i32
    %cond3A_91 = arith.cmpi ne, %convert_element_type3A_89, %cond3A_90 : i32
    scf.if %cond3A_91 {
      %mul3A_225 = arith.constant 80 : i32
      %mul3A_226 = arith.muli %mul3A_225, %arg1 : i32
      %add3A_227 = arith.constant 6400 : i32
      %add3A_228 = arith.addi %mul3A_226, %add3A_227 : i32
      %add3A_229 = arith.addi %mul3A_64, %add3A_228 : i32
      %sub3A = arith.constant 2560 : i32
      %sub3A_230 = arith.subi %add3A_229, %sub3A : i32
      %dma_wait3A_231 = arith.constant 0 : i32
      %dma_wait3A_232 = tpu.memref_slice %arg5[%sub3A_230, %dma_wait3A_231] : memref<40000x128xf32, #tpu.memory_space<hbm>> -> memref<80x128xf32, #tpu.memory_space<hbm>>
      %dma_wait3A_233 = arith.constant 0 : i32
      %dma_wait3A_234 = tpu.memref_slice %arg5[%sub3A_230, %dma_wait3A_233] : memref<40000x128xf32, #tpu.memory_space<hbm>> -> memref<80x128xf32, #tpu.memory_space<hbm>>
      tpu.wait_dma2 semaphore(%arg12 : memref<!tpu.dma_semaphore, #tpu.memory_space<semaphore_mem>>) src(%arg9 : memref<80x128xf32, #tpu.memory_space<vmem>>) dst(%dma_wait3A_234 : memref<80x128xf32, #tpu.memory_space<hbm>>)
      "tpu.region"() ({
        %run_scoped3A_240 = tpu.sem_alloc : memref<!tpu.dma_semaphore, #tpu.memory_space<semaphore_mem>>
        %dma_start3A_241 = arith.constant 0 : i32
        %dma_start3A_242 = tpu.memref_slice %arg10[%add3A_228, %dma_start3A_241] : memref<10000x128xf32, #tpu.memory_space<vmem_shared>> -> memref<80x128xf32, #tpu.memory_space<vmem_shared>>
        %dma_start3A_243 = arith.constant 0 : i32
        %dma_start3A_244 = tpu.memref_slice %arg10[%add3A_228, %dma_start3A_243] : memref<10000x128xf32, #tpu.memory_space<vmem_shared>> -> memref<80x128xf32, #tpu.memory_space<vmem_shared>>
        tpu.enqueue_dma source(%dma_start3A_244 : memref<80x128xf32, #tpu.memory_space<vmem_shared>>) target(%arg9 : memref<80x128xf32, #tpu.memory_space<vmem>>) target_semaphore(%run_scoped3A_240 : memref<!tpu.dma_semaphore, #tpu.memory_space<semaphore_mem>>)
        %dma_wait3A_245 = arith.constant 0 : i32
        %dma_wait3A_246 = tpu.memref_slice %arg10[%add3A_228, %dma_wait3A_245] : memref<10000x128xf32, #tpu.memory_space<vmem_shared>> -> memref<80x128xf32, #tpu.memory_space<vmem_shared>>
        %dma_wait3A_247 = arith.constant 0 : i32
        %dma_wait3A_248 = tpu.memref_slice %arg10[%add3A_228, %dma_wait3A_247] : memref<10000x128xf32, #tpu.memory_space<vmem_shared>> -> memref<80x128xf32, #tpu.memory_space<vmem_shared>>
        tpu.wait_dma2 semaphore(%run_scoped3A_240 : memref<!tpu.dma_semaphore, #tpu.memory_space<semaphore_mem>>) src(%dma_wait3A_248 : memref<80x128xf32, #tpu.memory_space<vmem_shared>>) dst(%arg9 : memref<80x128xf32, #tpu.memory_space<vmem>>)
        tpu.yield
      }) : () -> ()
      %add3A_235 = arith.addi %mul3A_64, %add3A_228 : i32
      %dma_start3A_236 = arith.constant 0 : i32
      %dma_start3A_237 = tpu.memref_slice %arg5[%add3A_235, %dma_start3A_236] : memref<40000x128xf32, #tpu.memory_space<hbm>> -> memref<80x128xf32, #tpu.memory_space<hbm>>
      %dma_start3A_238 = arith.constant 0 : i32
      %dma_start3A_239 = tpu.memref_slice %arg5[%add3A_235, %dma_start3A_238] : memref<40000x128xf32, #tpu.memory_space<hbm>> -> memref<80x128xf32, #tpu.memory_space<hbm>>
      tpu.enqueue_dma source(%arg9 : memref<80x128xf32, #tpu.memory_space<vmem>>) target(%dma_start3A_239 : memref<80x128xf32, #tpu.memory_space<hbm>>) target_semaphore(%arg12 : memref<!tpu.dma_semaphore, #tpu.memory_space<semaphore_mem>>)
    } else {
    }
    %gt3A_92 = arith.constant 6 : i32
    %gt3A_93 = arith.cmpi sgt, %add3A_4, %gt3A_92 : i32
    %convert_element_type3A_94 = arith.extui %gt3A_93 : i1 to i32
    %cond3A_95 = arith.constant 0 : i32
    %cond3A_96 = arith.cmpi ne, %convert_element_type3A_94, %cond3A_95 : i32
    scf.if %cond3A_96 {
      %mul3A_225 = arith.constant 80 : i32
      %mul3A_226 = arith.muli %mul3A_225, %arg1 : i32
      %add3A_227 = arith.constant 7680 : i32
      %add3A_228 = arith.addi %mul3A_226, %add3A_227 : i32
      %add3A_229 = arith.addi %mul3A_64, %add3A_228 : i32
      %sub3A = arith.constant 2560 : i32
      %sub3A_230 = arith.subi %add3A_229, %sub3A : i32
      %dma_wait3A_231 = arith.constant 0 : i32
      %dma_wait3A_232 = tpu.memref_slice %arg5[%sub3A_230, %dma_wait3A_231] : memref<40000x128xf32, #tpu.memory_space<hbm>> -> memref<80x128xf32, #tpu.memory_space<hbm>>
      %dma_wait3A_233 = arith.constant 0 : i32
      %dma_wait3A_234 = tpu.memref_slice %arg5[%sub3A_230, %dma_wait3A_233] : memref<40000x128xf32, #tpu.memory_space<hbm>> -> memref<80x128xf32, #tpu.memory_space<hbm>>
      tpu.wait_dma2 semaphore(%arg11 : memref<!tpu.dma_semaphore, #tpu.memory_space<semaphore_mem>>) src(%arg8 : memref<80x128xf32, #tpu.memory_space<vmem>>) dst(%dma_wait3A_234 : memref<80x128xf32, #tpu.memory_space<hbm>>)
      "tpu.region"() ({
        %run_scoped3A_240 = tpu.sem_alloc : memref<!tpu.dma_semaphore, #tpu.memory_space<semaphore_mem>>
        %dma_start3A_241 = arith.constant 0 : i32
        %dma_start3A_242 = tpu.memref_slice %arg10[%add3A_228, %dma_start3A_241] : memref<10000x128xf32, #tpu.memory_space<vmem_shared>> -> memref<80x128xf32, #tpu.memory_space<vmem_shared>>
        %dma_start3A_243 = arith.constant 0 : i32
        %dma_start3A_244 = tpu.memref_slice %arg10[%add3A_228, %dma_start3A_243] : memref<10000x128xf32, #tpu.memory_space<vmem_shared>> -> memref<80x128xf32, #tpu.memory_space<vmem_shared>>
        tpu.enqueue_dma source(%dma_start3A_244 : memref<80x128xf32, #tpu.memory_space<vmem_shared>>) target(%arg8 : memref<80x128xf32, #tpu.memory_space<vmem>>) target_semaphore(%run_scoped3A_240 : memref<!tpu.dma_semaphore, #tpu.memory_space<semaphore_mem>>)
        %dma_wait3A_245 = arith.constant 0 : i32
        %dma_wait3A_246 = tpu.memref_slice %arg10[%add3A_228, %dma_wait3A_245] : memref<10000x128xf32, #tpu.memory_space<vmem_shared>> -> memref<80x128xf32, #tpu.memory_space<vmem_shared>>
        %dma_wait3A_247 = arith.constant 0 : i32
        %dma_wait3A_248 = tpu.memref_slice %arg10[%add3A_228, %dma_wait3A_247] : memref<10000x128xf32, #tpu.memory_space<vmem_shared>> -> memref<80x128xf32, #tpu.memory_space<vmem_shared>>
        tpu.wait_dma2 semaphore(%run_scoped3A_240 : memref<!tpu.dma_semaphore, #tpu.memory_space<semaphore_mem>>) src(%dma_wait3A_248 : memref<80x128xf32, #tpu.memory_space<vmem_shared>>) dst(%arg8 : memref<80x128xf32, #tpu.memory_space<vmem>>)
        tpu.yield
      }) : () -> ()
      %add3A_235 = arith.addi %mul3A_64, %add3A_228 : i32
      %dma_start3A_236 = arith.constant 0 : i32
      %dma_start3A_237 = tpu.memref_slice %arg5[%add3A_235, %dma_start3A_236] : memref<40000x128xf32, #tpu.memory_space<hbm>> -> memref<80x128xf32, #tpu.memory_space<hbm>>
      %dma_start3A_238 = arith.constant 0 : i32
      %dma_start3A_239 = tpu.memref_slice %arg5[%add3A_235, %dma_start3A_238] : memref<40000x128xf32, #tpu.memory_space<hbm>> -> memref<80x128xf32, #tpu.memory_space<hbm>>
      tpu.enqueue_dma source(%arg8 : memref<80x128xf32, #tpu.memory_space<vmem>>) target(%dma_start3A_239 : memref<80x128xf32, #tpu.memory_space<hbm>>) target_semaphore(%arg11 : memref<!tpu.dma_semaphore, #tpu.memory_space<semaphore_mem>>)
    } else {
    }
    %gt3A_97 = arith.constant 7 : i32
    %gt3A_98 = arith.cmpi sgt, %add3A_4, %gt3A_97 : i32
    %convert_element_type3A_99 = arith.extui %gt3A_98 : i1 to i32
    %cond3A_100 = arith.constant 0 : i32
    %cond3A_101 = arith.cmpi ne, %convert_element_type3A_99, %cond3A_100 : i32
    scf.if %cond3A_101 {
      %mul3A_225 = arith.constant 80 : i32
      %mul3A_226 = arith.muli %mul3A_225, %arg1 : i32
      %add3A_227 = arith.constant 8960 : i32
      %add3A_228 = arith.addi %mul3A_226, %add3A_227 : i32
      %add3A_229 = arith.addi %mul3A_64, %add3A_228 : i32
      %sub3A = arith.constant 2560 : i32
      %sub3A_230 = arith.subi %add3A_229, %sub3A : i32
      %dma_wait3A_231 = arith.constant 0 : i32
      %dma_wait3A_232 = tpu.memref_slice %arg5[%sub3A_230, %dma_wait3A_231] : memref<40000x128xf32, #tpu.memory_space<hbm>> -> memref<80x128xf32, #tpu.memory_space<hbm>>
      %dma_wait3A_233 = arith.constant 0 : i32
      %dma_wait3A_234 = tpu.memref_slice %arg5[%sub3A_230, %dma_wait3A_233] : memref<40000x128xf32, #tpu.memory_space<hbm>> -> memref<80x128xf32, #tpu.memory_space<hbm>>
      tpu.wait_dma2 semaphore(%arg12 : memref<!tpu.dma_semaphore, #tpu.memory_space<semaphore_mem>>) src(%arg9 : memref<80x128xf32, #tpu.memory_space<vmem>>) dst(%dma_wait3A_234 : memref<80x128xf32, #tpu.memory_space<hbm>>)
      "tpu.region"() ({
        %run_scoped3A_240 = tpu.sem_alloc : memref<!tpu.dma_semaphore, #tpu.memory_space<semaphore_mem>>
        %dma_start3A_241 = arith.constant 0 : i32
        %dma_start3A_242 = tpu.memref_slice %arg10[%add3A_228, %dma_start3A_241] : memref<10000x128xf32, #tpu.memory_space<vmem_shared>> -> memref<80x128xf32, #tpu.memory_space<vmem_shared>>
        %dma_start3A_243 = arith.constant 0 : i32
        %dma_start3A_244 = tpu.memref_slice %arg10[%add3A_228, %dma_start3A_243] : memref<10000x128xf32, #tpu.memory_space<vmem_shared>> -> memref<80x128xf32, #tpu.memory_space<vmem_shared>>
        tpu.enqueue_dma source(%dma_start3A_244 : memref<80x128xf32, #tpu.memory_space<vmem_shared>>) target(%arg9 : memref<80x128xf32, #tpu.memory_space<vmem>>) target_semaphore(%run_scoped3A_240 : memref<!tpu.dma_semaphore, #tpu.memory_space<semaphore_mem>>)
        %dma_wait3A_245 = arith.constant 0 : i32
        %dma_wait3A_246 = tpu.memref_slice %arg10[%add3A_228, %dma_wait3A_245] : memref<10000x128xf32, #tpu.memory_space<vmem_shared>> -> memref<80x128xf32, #tpu.memory_space<vmem_shared>>
        %dma_wait3A_247 = arith.constant 0 : i32
        %dma_wait3A_248 = tpu.memref_slice %arg10[%add3A_228, %dma_wait3A_247] : memref<10000x128xf32, #tpu.memory_space<vmem_shared>> -> memref<80x128xf32, #tpu.memory_space<vmem_shared>>
        tpu.wait_dma2 semaphore(%run_scoped3A_240 : memref<!tpu.dma_semaphore, #tpu.memory_space<semaphore_mem>>) src(%dma_wait3A_248 : memref<80x128xf32, #tpu.memory_space<vmem_shared>>) dst(%arg9 : memref<80x128xf32, #tpu.memory_space<vmem>>)
        tpu.yield
      }) : () -> ()
      %add3A_235 = arith.addi %mul3A_64, %add3A_228 : i32
      %dma_start3A_236 = arith.constant 0 : i32
      %dma_start3A_237 = tpu.memref_slice %arg5[%add3A_235, %dma_start3A_236] : memref<40000x128xf32, #tpu.memory_space<hbm>> -> memref<80x128xf32, #tpu.memory_space<hbm>>
      %dma_start3A_238 = arith.constant 0 : i32
      %dma_start3A_239 = tpu.memref_slice %arg5[%add3A_235, %dma_start3A_238] : memref<40000x128xf32, #tpu.memory_space<hbm>> -> memref<80x128xf32, #tpu.memory_space<hbm>>
      tpu.enqueue_dma source(%arg9 : memref<80x128xf32, #tpu.memory_space<vmem>>) target(%dma_start3A_239 : memref<80x128xf32, #tpu.memory_space<hbm>>) target_semaphore(%arg12 : memref<!tpu.dma_semaphore, #tpu.memory_space<semaphore_mem>>)
    } else {
    }
    %dma_wait3A_102 = arith.constant 0 : i32
    %dma_wait3A_103 = tpu.memref_slice %arg5[%mul3A_64, %dma_wait3A_102] : memref<40000x128xf32, #tpu.memory_space<hbm>> -> memref<80x128xf32, #tpu.memory_space<hbm>>
    %dma_wait3A_104 = arith.constant 0 : i32
    %dma_wait3A_105 = tpu.memref_slice %arg5[%mul3A_64, %dma_wait3A_104] : memref<40000x128xf32, #tpu.memory_space<hbm>> -> memref<80x128xf32, #tpu.memory_space<hbm>>
    tpu.wait_dma2 semaphore(%arg11 : memref<!tpu.dma_semaphore, #tpu.memory_space<semaphore_mem>>) src(%arg8 : memref<80x128xf32, #tpu.memory_space<vmem>>) dst(%dma_wait3A_105 : memref<80x128xf32, #tpu.memory_space<hbm>>)
    %dma_wait3A_106 = arith.constant 0 : i32
    %dma_wait3A_107 = tpu.memref_slice %arg5[%mul3A_64, %dma_wait3A_106] : memref<40000x128xf32, #tpu.memory_space<hbm>> -> memref<80x128xf32, #tpu.memory_space<hbm>>
    %dma_wait3A_108 = arith.constant 0 : i32
    %dma_wait3A_109 = tpu.memref_slice %arg5[%mul3A_64, %dma_wait3A_108] : memref<40000x128xf32, #tpu.memory_space<hbm>> -> memref<80x128xf32, #tpu.memory_space<hbm>>
    tpu.wait_dma2 semaphore(%arg12 : memref<!tpu.dma_semaphore, #tpu.memory_space<semaphore_mem>>) src(%arg9 : memref<80x128xf32, #tpu.memory_space<vmem>>) dst(%dma_wait3A_109 : memref<80x128xf32, #tpu.memory_space<hbm>>)
    %barrier3A_110 = arith.constant 0 : index
    tpu.barrier barrier_id(%barrier3A_110)
    %add3A_111 = arith.constant 32 : i32
    %add3A_112 = arith.addi %add3A_111, %add3A : i32
    %mul3A_113 = arith.constant 10000 : i32
    %mul3A_114 = arith.muli %add3A_112, %mul3A_113 : i32
    %dma_start3A_115 = tpu.memref_slice %arg3[%mul3A_114] : memref<640000xi32, #tpu.memory_space<hbm>> -> memref<10000xi32, #tpu.memory_space<hbm>>
    %dma_start3A_116 = tpu.memref_slice %arg3[%mul3A_114] : memref<640000xi32, #tpu.memory_space<hbm>> -> memref<10000xi32, #tpu.memory_space<hbm>>
    tpu.enqueue_dma source(%dma_start3A_116 : memref<10000xi32, #tpu.memory_space<hbm>>) target(%arg6 : memref<10000xi32, #tpu.memory_space<vmem>>) target_semaphore(%arg11 : memref<!tpu.dma_semaphore, #tpu.memory_space<semaphore_mem>>)
    %dma_start3A_117 = arith.constant 0 : i32
    %dma_start3A_118 = arith.constant 0 : i32
    %dma_start3A_119 = tpu.memref_slice %arg4[%add3A_112, %dma_start3A_117, %dma_start3A_118] : memref<64x125x80xi32, #tpu.memory_space<hbm>> -> memref<1x125x80xi32, #tpu.memory_space<hbm>>
    %dma_start3A_120 = tpu.memref_squeeze %dma_start3A_119 : memref<1x125x80xi32, #tpu.memory_space<hbm>> -> memref<125x80xi32, #tpu.memory_space<hbm>>
    %dma_start3A_121 = arith.constant 0 : i32
    %dma_start3A_122 = arith.constant 0 : i32
    %dma_start3A_123 = tpu.memref_slice %arg4[%add3A_112, %dma_start3A_121, %dma_start3A_122] : memref<64x125x80xi32, #tpu.memory_space<hbm>> -> memref<1x125x80xi32, #tpu.memory_space<hbm>>
    %dma_start3A_124 = tpu.memref_squeeze %dma_start3A_123 : memref<1x125x80xi32, #tpu.memory_space<hbm>> -> memref<125x80xi32, #tpu.memory_space<hbm>>
    tpu.enqueue_dma source(%dma_start3A_124 : memref<125x80xi32, #tpu.memory_space<hbm>>) target(%arg7 : memref<125x80xi32, #tpu.memory_space<vmem>>) target_semaphore(%arg12 : memref<!tpu.dma_semaphore, #tpu.memory_space<semaphore_mem>>)
    %scan3A_125 = arith.constant 0 : i32
    %scan3A_126 = arith.constant 0 : i32
    %scan3A_127 = arith.constant 640 : i32
    %scan3A_128 = arith.addi %scan3A_126, %scan3A_127 : i32
    %scan3A_129 = arith.constant 1 : i32
    scf.for %scan3A_225 = %scan3A_126 to %scan3A_128 step %scan3A_129  : i32 {
      %div3A = arith.constant 8 : i32
      %div3A_226 = arith.divsi %scan3A_225, %div3A : i32
      %rem3A = arith.constant 8 : i32
      %rem3A_227 = arith.remsi %scan3A_225, %rem3A : i32
      %mul3A_228 = arith.constant 16 : i32
      %mul3A_229 = arith.muli %rem3A_227, %mul3A_228 : i32
      %swap3A = arith.index_cast %div3A_226 : i32 to index
      %swap3A_230 = arith.index_cast %mul3A_229 : i32 to index
      %swap3A_231 = tpu.vector_load %arg8[%swap3A, %swap3A_230] {strides = array<i32>} : memref<80x128xf32, #tpu.memory_space<vmem>>, vector<16xf32>,
      tpu.vector_store %arg8[%swap3A, %swap3A_230], %broadcast_in_dim3A_5 {strides = array<i32>} : memref<80x128xf32, #tpu.memory_space<vmem>>, vector<16xf32>,
    }
    %scan3A_130 = arith.constant 640 : i32
    %while3A_131 = arith.constant 0 : i32
    %while3A_132 = arith.constant 0 : i32
    %while3A_133 = arith.subi %add3A_4, %while3A_132 : i32
    %while3A_134 = arith.addi %while3A_132, %while3A_133 : i32
    %while3A_135 = arith.constant 1 : i32
    %while3A_136 = arith.divsi %while3A_133, %while3A_135 : i32
    %while3A_137 = arith.muli %while3A_136, %while3A_135 : i32
    %while3A_138 = arith.addi %while3A_132, %while3A_137 : i32
    %while3A_139 = arith.constant 1 : i32
    scf.for %while3A_225 = %while3A_132 to %while3A_138 step %while3A_139  : i32 {
      %mul3A_226 = arith.constant 80 : i32
      %mul3A_227 = arith.muli %mul3A_226, %arg1 : i32
      %mul3A_228 = arith.constant 1280 : i32
      %mul3A_229 = arith.muli %mul3A_228, %while3A_225 : i32
      %add3A_230 = arith.addi %mul3A_227, %mul3A_229 : i32
      "tpu.region"() ({
        %run_scoped3A_231 = tpu.sem_alloc : memref<!tpu.dma_semaphore, #tpu.memory_space<semaphore_mem>>
        %dma_start3A_232 = arith.constant 0 : i32
        %dma_start3A_233 = tpu.memref_slice %arg10[%add3A_230, %dma_start3A_232] : memref<10000x128xf32, #tpu.memory_space<vmem_shared>> -> memref<80x128xf32, #tpu.memory_space<vmem_shared>>
        %dma_start3A_234 = arith.constant 0 : i32
        %dma_start3A_235 = tpu.memref_slice %arg10[%add3A_230, %dma_start3A_234] : memref<10000x128xf32, #tpu.memory_space<vmem_shared>> -> memref<80x128xf32, #tpu.memory_space<vmem_shared>>
        tpu.enqueue_dma source(%arg8 : memref<80x128xf32, #tpu.memory_space<vmem>>) target(%dma_start3A_235 : memref<80x128xf32, #tpu.memory_space<vmem_shared>>) target_semaphore(%run_scoped3A_231 : memref<!tpu.dma_semaphore, #tpu.memory_space<semaphore_mem>>)
        %dma_wait3A_236 = arith.constant 0 : i32
        %dma_wait3A_237 = tpu.memref_slice %arg10[%add3A_230, %dma_wait3A_236] : memref<10000x128xf32, #tpu.memory_space<vmem_shared>> -> memref<80x128xf32, #tpu.memory_space<vmem_shared>>
        %dma_wait3A_238 = arith.constant 0 : i32
        %dma_wait3A_239 = tpu.memref_slice %arg10[%add3A_230, %dma_wait3A_238] : memref<10000x128xf32, #tpu.memory_space<vmem_shared>> -> memref<80x128xf32, #tpu.memory_space<vmem_shared>>
        tpu.wait_dma2 semaphore(%run_scoped3A_231 : memref<!tpu.dma_semaphore, #tpu.memory_space<semaphore_mem>>) src(%arg8 : memref<80x128xf32, #tpu.memory_space<vmem>>) dst(%dma_wait3A_239 : memref<80x128xf32, #tpu.memory_space<vmem_shared>>)
        tpu.yield
      }) : () -> ()
    }
    %while3A_140 = arith.constant 1 : i32
    scf.for %while3A_225 = %while3A_138 to %while3A_134 step %while3A_140  : i32 {
      %mul3A_226 = arith.constant 80 : i32
      %mul3A_227 = arith.muli %mul3A_226, %arg1 : i32
      %mul3A_228 = arith.constant 1280 : i32
      %mul3A_229 = arith.muli %mul3A_228, %while3A_225 : i32
      %add3A_230 = arith.addi %mul3A_227, %mul3A_229 : i32
      "tpu.region"() ({
        %run_scoped3A_231 = tpu.sem_alloc : memref<!tpu.dma_semaphore, #tpu.memory_space<semaphore_mem>>
        %dma_start3A_232 = arith.constant 0 : i32
        %dma_start3A_233 = tpu.memref_slice %arg10[%add3A_230, %dma_start3A_232] : memref<10000x128xf32, #tpu.memory_space<vmem_shared>> -> memref<80x128xf32, #tpu.memory_space<vmem_shared>>
        %dma_start3A_234 = arith.constant 0 : i32
        %dma_start3A_235 = tpu.memref_slice %arg10[%add3A_230, %dma_start3A_234] : memref<10000x128xf32, #tpu.memory_space<vmem_shared>> -> memref<80x128xf32, #tpu.memory_space<vmem_shared>>
        tpu.enqueue_dma source(%arg8 : memref<80x128xf32, #tpu.memory_space<vmem>>) target(%dma_start3A_235 : memref<80x128xf32, #tpu.memory_space<vmem_shared>>) target_semaphore(%run_scoped3A_231 : memref<!tpu.dma_semaphore, #tpu.memory_space<semaphore_mem>>)
        %dma_wait3A_236 = arith.constant 0 : i32
        %dma_wait3A_237 = tpu.memref_slice %arg10[%add3A_230, %dma_wait3A_236] : memref<10000x128xf32, #tpu.memory_space<vmem_shared>> -> memref<80x128xf32, #tpu.memory_space<vmem_shared>>
        %dma_wait3A_238 = arith.constant 0 : i32
        %dma_wait3A_239 = tpu.memref_slice %arg10[%add3A_230, %dma_wait3A_238] : memref<10000x128xf32, #tpu.memory_space<vmem_shared>> -> memref<80x128xf32, #tpu.memory_space<vmem_shared>>
        tpu.wait_dma2 semaphore(%run_scoped3A_231 : memref<!tpu.dma_semaphore, #tpu.memory_space<semaphore_mem>>) src(%arg8 : memref<80x128xf32, #tpu.memory_space<vmem>>) dst(%dma_wait3A_239 : memref<80x128xf32, #tpu.memory_space<vmem_shared>>)
        tpu.yield
      }) : () -> ()
    }
    %mul3A_141 = arith.constant 10000 : i32
    %mul3A_142 = arith.muli %add3A_112, %mul3A_141 : i32
    %dma_wait3A_143 = tpu.memref_slice %arg3[%mul3A_142] : memref<640000xi32, #tpu.memory_space<hbm>> -> memref<10000xi32, #tpu.memory_space<hbm>>
    %dma_wait3A_144 = tpu.memref_slice %arg3[%mul3A_142] : memref<640000xi32, #tpu.memory_space<hbm>> -> memref<10000xi32, #tpu.memory_space<hbm>>
    tpu.wait_dma2 semaphore(%arg11 : memref<!tpu.dma_semaphore, #tpu.memory_space<semaphore_mem>>) src(%dma_wait3A_144 : memref<10000xi32, #tpu.memory_space<hbm>>) dst(%arg6 : memref<10000xi32, #tpu.memory_space<vmem>>)
    %dma_wait3A_145 = arith.constant 0 : i32
    %dma_wait3A_146 = arith.constant 0 : i32
    %dma_wait3A_147 = tpu.memref_slice %arg4[%add3A_112, %dma_wait3A_145, %dma_wait3A_146] : memref<64x125x80xi32, #tpu.memory_space<hbm>> -> memref<1x125x80xi32, #tpu.memory_space<hbm>>
    %dma_wait3A_148 = tpu.memref_squeeze %dma_wait3A_147 : memref<1x125x80xi32, #tpu.memory_space<hbm>> -> memref<125x80xi32, #tpu.memory_space<hbm>>
    %dma_wait3A_149 = arith.constant 0 : i32
    %dma_wait3A_150 = arith.constant 0 : i32
    %dma_wait3A_151 = tpu.memref_slice %arg4[%add3A_112, %dma_wait3A_149, %dma_wait3A_150] : memref<64x125x80xi32, #tpu.memory_space<hbm>> -> memref<1x125x80xi32, #tpu.memory_space<hbm>>
    %dma_wait3A_152 = tpu.memref_squeeze %dma_wait3A_151 : memref<1x125x80xi32, #tpu.memory_space<hbm>> -> memref<125x80xi32, #tpu.memory_space<hbm>>
    tpu.wait_dma2 semaphore(%arg12 : memref<!tpu.dma_semaphore, #tpu.memory_space<semaphore_mem>>) src(%dma_wait3A_152 : memref<125x80xi32, #tpu.memory_space<hbm>>) dst(%arg7 : memref<125x80xi32, #tpu.memory_space<vmem>>)
    %barrier3A_153 = arith.constant 0 : index
    tpu.barrier barrier_id(%barrier3A_153)
    %dma_start3A_154 = arith.constant 0 : i32
    %dma_start3A_155 = tpu.memref_slice %arg6[%dma_start3A_154] : memref<10000xi32, #tpu.memory_space<vmem>> -> memref<80xi32, #tpu.memory_space<vmem>>
    %dma_start3A_156 = arith.constant 0 : i32
    %dma_start3A_157 = arith.constant 0 : i32
    %dma_start3A_158 = tpu.memref_slice %arg2[%dma_start3A_156, %dma_start3A_157] : memref<20000x128xf32, #tpu.memory_space<hbm>> -> memref<20000x128xf32, #tpu.memory_space<hbm>>
    tpu.enqueue_indirect_dma source(%dma_start3A_158 : memref<20000x128xf32, #tpu.memory_space<hbm>>) target(%arg8 : memref<80x128xf32, #tpu.memory_space<vmem>>) offsets(%dma_start3A_155 : memref<80xi32, #tpu.memory_space<vmem>>) semaphore(%arg11 : memref<!tpu.dma_semaphore, #tpu.memory_space<semaphore_mem>>)
    %scan3A_159 = arith.constant 0 : i32
    %scan3A_160 = arith.constant 0 : i32
    %scan3A_161 = arith.constant 62 : i32
    %scan3A_162 = arith.addi %scan3A_160, %scan3A_161 : i32
    %scan3A_163 = arith.constant 1 : i32
    scf.for %scan3A_225 = %scan3A_160 to %scan3A_162 step %scan3A_163  : i32 {
      %mul3A_226 = arith.constant 2 : i32
      %mul3A_227 = arith.muli %mul3A_226, %scan3A_225 : i32
      %add3A_228 = arith.constant 1 : i32
      %add3A_229 = arith.addi %mul3A_227, %add3A_228 : i32
      %mul3A_230 = arith.constant 80 : i32
      %mul3A_231 = arith.muli %mul3A_230, %add3A_229 : i32
      %dma_start3A_232 = tpu.memref_slice %arg6[%mul3A_231] : memref<10000xi32, #tpu.memory_space<vmem>> -> memref<80xi32, #tpu.memory_space<vmem>>
      %dma_start3A_233 = arith.constant 0 : i32
      %dma_start3A_234 = arith.constant 0 : i32
      %dma_start3A_235 = tpu.memref_slice %arg2[%dma_start3A_233, %dma_start3A_234] : memref<20000x128xf32, #tpu.memory_space<hbm>> -> memref<20000x128xf32, #tpu.memory_space<hbm>>
      tpu.enqueue_indirect_dma source(%dma_start3A_235 : memref<20000x128xf32, #tpu.memory_space<hbm>>) target(%arg9 : memref<80x128xf32, #tpu.memory_space<vmem>>) offsets(%dma_start3A_232 : memref<80xi32, #tpu.memory_space<vmem>>) semaphore(%arg12 : memref<!tpu.dma_semaphore, #tpu.memory_space<semaphore_mem>>)
      %mul3A_236 = arith.constant 80 : i32
      %mul3A_237 = arith.muli %mul3A_236, %mul3A_227 : i32
      %dma_wait3A_238 = tpu.memref_slice %arg6[%mul3A_237] : memref<10000xi32, #tpu.memory_space<vmem>> -> memref<80xi32, #tpu.memory_space<vmem>>
      %dma_wait3A_239 = arith.constant 0 : i32
      %dma_wait3A_240 = arith.constant 0 : i32
      %dma_wait3A_241 = tpu.memref_slice %arg2[%dma_wait3A_239, %dma_wait3A_240] : memref<20000x128xf32, #tpu.memory_space<hbm>> -> memref<20000x128xf32, #tpu.memory_space<hbm>>
      tpu.wait_indirect_dma semaphore(%arg11 : memref<!tpu.dma_semaphore, #tpu.memory_space<semaphore_mem>>) src(%dma_wait3A_241 : memref<20000x128xf32, #tpu.memory_space<hbm>>) dst(%arg8 : memref<80x128xf32, #tpu.memory_space<vmem>>)
      "tpu.region"() ({
        %run_scoped3A_260 = tpu.sem_alloc : memref<!tpu.dma_semaphore, #tpu.memory_space<semaphore_mem>>
        %dma_start3A_261 = arith.constant 0 : i32
        %dma_start3A_262 = tpu.memref_slice %arg7[%mul3A_227, %dma_start3A_261] : memref<125x80xi32, #tpu.memory_space<vmem>> -> memref<1x80xi32, #tpu.memory_space<vmem>>
        %dma_start3A_263 = tpu.memref_squeeze %dma_start3A_262 : memref<1x80xi32, #tpu.memory_space<vmem>> -> memref<80xi32, #tpu.memory_space<vmem>>
        %dma_start3A_264 = arith.constant 0 : i32
        %dma_start3A_265 = arith.constant 0 : i32
        %dma_start3A_266 = tpu.memref_slice %arg10[%dma_start3A_264, %dma_start3A_265] : memref<10000x128xf32, #tpu.memory_space<vmem_shared>> -> memref<10000x128xf32, #tpu.memory_space<vmem_shared>>
        tpu.enqueue_indirect_dma source(%arg8 : memref<80x128xf32, #tpu.memory_space<vmem>>) target(%dma_start3A_266 : memref<10000x128xf32, #tpu.memory_space<vmem_shared>>) offsets(%dma_start3A_263 : memref<80xi32, #tpu.memory_space<vmem>>) semaphore(%run_scoped3A_260 : memref<!tpu.dma_semaphore, #tpu.memory_space<semaphore_mem>>) {add = true}
        %dma_wait3A_267 = arith.constant 0 : i32
        %dma_wait3A_268 = tpu.memref_slice %arg7[%mul3A_227, %dma_wait3A_267] : memref<125x80xi32, #tpu.memory_space<vmem>> -> memref<1x80xi32, #tpu.memory_space<vmem>>
        %dma_wait3A_269 = tpu.memref_squeeze %dma_wait3A_268 : memref<1x80xi32, #tpu.memory_space<vmem>> -> memref<80xi32, #tpu.memory_space<vmem>>
        %dma_wait3A_270 = arith.constant 0 : i32
        %dma_wait3A_271 = arith.constant 0 : i32
        %dma_wait3A_272 = tpu.memref_slice %arg10[%dma_wait3A_270, %dma_wait3A_271] : memref<10000x128xf32, #tpu.memory_space<vmem_shared>> -> memref<10000x128xf32, #tpu.memory_space<vmem_shared>>
        tpu.wait_indirect_dma semaphore(%run_scoped3A_260 : memref<!tpu.dma_semaphore, #tpu.memory_space<semaphore_mem>>) src(%arg8 : memref<80x128xf32, #tpu.memory_space<vmem>>) dst(%dma_wait3A_272 : memref<10000x128xf32, #tpu.memory_space<vmem_shared>>)
        tpu.yield
      }) : () -> ()
      %add3A_242 = arith.constant 2 : i32
      %add3A_243 = arith.addi %mul3A_227, %add3A_242 : i32
      %mul3A_244 = arith.constant 80 : i32
      %mul3A_245 = arith.muli %mul3A_244, %add3A_243 : i32
      %dma_start3A_246 = tpu.memref_slice %arg6[%mul3A_245] : memref<10000xi32, #tpu.memory_space<vmem>> -> memref<80xi32, #tpu.memory_space<vmem>>
      %dma_start3A_247 = arith.constant 0 : i32
      %dma_start3A_248 = arith.constant 0 : i32
      %dma_start3A_249 = tpu.memref_slice %arg2[%dma_start3A_247, %dma_start3A_248] : memref<20000x128xf32, #tpu.memory_space<hbm>> -> memref<20000x128xf32, #tpu.memory_space<hbm>>
      tpu.enqueue_indirect_dma source(%dma_start3A_249 : memref<20000x128xf32, #tpu.memory_space<hbm>>) target(%arg8 : memref<80x128xf32, #tpu.memory_space<vmem>>) offsets(%dma_start3A_246 : memref<80xi32, #tpu.memory_space<vmem>>) semaphore(%arg11 : memref<!tpu.dma_semaphore, #tpu.memory_space<semaphore_mem>>)
      %add3A_250 = arith.constant 1 : i32
      %add3A_251 = arith.addi %mul3A_227, %add3A_250 : i32
      %mul3A_252 = arith.constant 80 : i32
      %mul3A_253 = arith.muli %mul3A_252, %add3A_251 : i32
      %dma_wait3A_254 = tpu.memref_slice %arg6[%mul3A_253] : memref<10000xi32, #tpu.memory_space<vmem>> -> memref<80xi32, #tpu.memory_space<vmem>>
      %dma_wait3A_255 = arith.constant 0 : i32
      %dma_wait3A_256 = arith.constant 0 : i32
      %dma_wait3A_257 = tpu.memref_slice %arg2[%dma_wait3A_255, %dma_wait3A_256] : memref<20000x128xf32, #tpu.memory_space<hbm>> -> memref<20000x128xf32, #tpu.memory_space<hbm>>
      tpu.wait_indirect_dma semaphore(%arg12 : memref<!tpu.dma_semaphore, #tpu.memory_space<semaphore_mem>>) src(%dma_wait3A_257 : memref<20000x128xf32, #tpu.memory_space<hbm>>) dst(%arg9 : memref<80x128xf32, #tpu.memory_space<vmem>>)
      %add3A_258 = arith.constant 1 : i32
      %add3A_259 = arith.addi %mul3A_227, %add3A_258 : i32
      "tpu.region"() ({
        %run_scoped3A_260 = tpu.sem_alloc : memref<!tpu.dma_semaphore, #tpu.memory_space<semaphore_mem>>
        %dma_start3A_261 = arith.constant 0 : i32
        %dma_start3A_262 = tpu.memref_slice %arg7[%add3A_259, %dma_start3A_261] : memref<125x80xi32, #tpu.memory_space<vmem>> -> memref<1x80xi32, #tpu.memory_space<vmem>>
        %dma_start3A_263 = tpu.memref_squeeze %dma_start3A_262 : memref<1x80xi32, #tpu.memory_space<vmem>> -> memref<80xi32, #tpu.memory_space<vmem>>
        %dma_start3A_264 = arith.constant 0 : i32
        %dma_start3A_265 = arith.constant 0 : i32
        %dma_start3A_266 = tpu.memref_slice %arg10[%dma_start3A_264, %dma_start3A_265] : memref<10000x128xf32, #tpu.memory_space<vmem_shared>> -> memref<10000x128xf32, #tpu.memory_space<vmem_shared>>
        tpu.enqueue_indirect_dma source(%arg9 : memref<80x128xf32, #tpu.memory_space<vmem>>) target(%dma_start3A_266 : memref<10000x128xf32, #tpu.memory_space<vmem_shared>>) offsets(%dma_start3A_263 : memref<80xi32, #tpu.memory_space<vmem>>) semaphore(%run_scoped3A_260 : memref<!tpu.dma_semaphore, #tpu.memory_space<semaphore_mem>>) {add = true}
        %dma_wait3A_267 = arith.constant 0 : i32
        %dma_wait3A_268 = tpu.memref_slice %arg7[%add3A_259, %dma_wait3A_267] : memref<125x80xi32, #tpu.memory_space<vmem>> -> memref<1x80xi32, #tpu.memory_space<vmem>>
        %dma_wait3A_269 = tpu.memref_squeeze %dma_wait3A_268 : memref<1x80xi32, #tpu.memory_space<vmem>> -> memref<80xi32, #tpu.memory_space<vmem>>
        %dma_wait3A_270 = arith.constant 0 : i32
        %dma_wait3A_271 = arith.constant 0 : i32
        %dma_wait3A_272 = tpu.memref_slice %arg10[%dma_wait3A_270, %dma_wait3A_271] : memref<10000x128xf32, #tpu.memory_space<vmem_shared>> -> memref<10000x128xf32, #tpu.memory_space<vmem_shared>>
        tpu.wait_indirect_dma semaphore(%run_scoped3A_260 : memref<!tpu.dma_semaphore, #tpu.memory_space<semaphore_mem>>) src(%arg9 : memref<80x128xf32, #tpu.memory_space<vmem>>) dst(%dma_wait3A_272 : memref<10000x128xf32, #tpu.memory_space<vmem_shared>>)
        tpu.yield
      }) : () -> ()
    }
    %scan3A_164 = arith.constant 62 : i32
    %dma_wait3A_165 = arith.constant 9920 : i32
    %dma_wait3A_166 = tpu.memref_slice %arg6[%dma_wait3A_165] : memref<10000xi32, #tpu.memory_space<vmem>> -> memref<80xi32, #tpu.memory_space<vmem>>
    %dma_wait3A_167 = arith.constant 0 : i32
    %dma_wait3A_168 = arith.constant 0 : i32
    %dma_wait3A_169 = tpu.memref_slice %arg2[%dma_wait3A_167, %dma_wait3A_168] : memref<20000x128xf32, #tpu.memory_space<hbm>> -> memref<20000x128xf32, #tpu.memory_space<hbm>>
    tpu.wait_indirect_dma semaphore(%arg11 : memref<!tpu.dma_semaphore, #tpu.memory_space<semaphore_mem>>) src(%dma_wait3A_169 : memref<20000x128xf32, #tpu.memory_space<hbm>>) dst(%arg8 : memref<80x128xf32, #tpu.memory_space<vmem>>)
    %run_scoped3A_170 = arith.constant 124 : i32
    "tpu.region"() ({
      %run_scoped3A_225 = tpu.sem_alloc : memref<!tpu.dma_semaphore, #tpu.memory_space<semaphore_mem>>
      %dma_start3A_226 = arith.constant 0 : i32
      %dma_start3A_227 = tpu.memref_slice %arg7[%run_scoped3A_170, %dma_start3A_226] : memref<125x80xi32, #tpu.memory_space<vmem>> -> memref<1x80xi32, #tpu.memory_space<vmem>>
      %dma_start3A_228 = tpu.memref_squeeze %dma_start3A_227 : memref<1x80xi32, #tpu.memory_space<vmem>> -> memref<80xi32, #tpu.memory_space<vmem>>
      %dma_start3A_229 = arith.constant 0 : i32
      %dma_start3A_230 = arith.constant 0 : i32
      %dma_start3A_231 = tpu.memref_slice %arg10[%dma_start3A_229, %dma_start3A_230] : memref<10000x128xf32, #tpu.memory_space<vmem_shared>> -> memref<10000x128xf32, #tpu.memory_space<vmem_shared>>
      tpu.enqueue_indirect_dma source(%arg8 : memref<80x128xf32, #tpu.memory_space<vmem>>) target(%dma_start3A_231 : memref<10000x128xf32, #tpu.memory_space<vmem_shared>>) offsets(%dma_start3A_228 : memref<80xi32, #tpu.memory_space<vmem>>) semaphore(%run_scoped3A_225 : memref<!tpu.dma_semaphore, #tpu.memory_space<semaphore_mem>>) {add = true}
      %dma_wait3A_232 = arith.constant 0 : i32
      %dma_wait3A_233 = tpu.memref_slice %arg7[%run_scoped3A_170, %dma_wait3A_232] : memref<125x80xi32, #tpu.memory_space<vmem>> -> memref<1x80xi32, #tpu.memory_space<vmem>>
      %dma_wait3A_234 = tpu.memref_squeeze %dma_wait3A_233 : memref<1x80xi32, #tpu.memory_space<vmem>> -> memref<80xi32, #tpu.memory_space<vmem>>
      %dma_wait3A_235 = arith.constant 0 : i32
      %dma_wait3A_236 = arith.constant 0 : i32
      %dma_wait3A_237 = tpu.memref_slice %arg10[%dma_wait3A_235, %dma_wait3A_236] : memref<10000x128xf32, #tpu.memory_space<vmem_shared>> -> memref<10000x128xf32, #tpu.memory_space<vmem_shared>>
      tpu.wait_indirect_dma semaphore(%run_scoped3A_225 : memref<!tpu.dma_semaphore, #tpu.memory_space<semaphore_mem>>) src(%arg8 : memref<80x128xf32, #tpu.memory_space<vmem>>) dst(%dma_wait3A_237 : memref<10000x128xf32, #tpu.memory_space<vmem_shared>>)
      tpu.yield
    }) : () -> ()
    %barrier3A_171 = arith.constant 0 : index
    tpu.barrier barrier_id(%barrier3A_171)
    %add3A_172 = arith.constant 2 : i32
    %add3A_173 = arith.addi %add3A_172, %arg0 : i32
    %mul3A_174 = arith.constant 10000 : i32
    %mul3A_175 = arith.muli %add3A_173, %mul3A_174 : i32
    %gt3A_176 = arith.constant 0 : i32
    %gt3A_177 = arith.cmpi sgt, %add3A_4, %gt3A_176 : i32
    %convert_element_type3A_178 = arith.extui %gt3A_177 : i1 to i32
    %cond3A_179 = arith.constant 0 : i32
    %cond3A_180 = arith.cmpi ne, %convert_element_type3A_178, %cond3A_179 : i32
    scf.if %cond3A_180 {
      %mul3A_225 = arith.constant 80 : i32
      %mul3A_226 = arith.muli %mul3A_225, %arg1 : i32
      %add3A_227 = arith.constant 0 : i32
      %add3A_228 = arith.addi %mul3A_226, %add3A_227 : i32
      "tpu.region"() ({
        %run_scoped3A_234 = tpu.sem_alloc : memref<!tpu.dma_semaphore, #tpu.memory_space<semaphore_mem>>
        %dma_start3A_235 = arith.constant 0 : i32
        %dma_start3A_236 = tpu.memref_slice %arg10[%add3A_228, %dma_start3A_235] : memref<10000x128xf32, #tpu.memory_space<vmem_shared>> -> memref<80x128xf32, #tpu.memory_space<vmem_shared>>
        %dma_start3A_237 = arith.constant 0 : i32
        %dma_start3A_238 = tpu.memref_slice %arg10[%add3A_228, %dma_start3A_237] : memref<10000x128xf32, #tpu.memory_space<vmem_shared>> -> memref<80x128xf32, #tpu.memory_space<vmem_shared>>
        tpu.enqueue_dma source(%dma_start3A_238 : memref<80x128xf32, #tpu.memory_space<vmem_shared>>) target(%arg8 : memref<80x128xf32, #tpu.memory_space<vmem>>) target_semaphore(%run_scoped3A_234 : memref<!tpu.dma_semaphore, #tpu.memory_space<semaphore_mem>>)
        %dma_wait3A_239 = arith.constant 0 : i32
        %dma_wait3A_240 = tpu.memref_slice %arg10[%add3A_228, %dma_wait3A_239] : memref<10000x128xf32, #tpu.memory_space<vmem_shared>> -> memref<80x128xf32, #tpu.memory_space<vmem_shared>>
        %dma_wait3A_241 = arith.constant 0 : i32
        %dma_wait3A_242 = tpu.memref_slice %arg10[%add3A_228, %dma_wait3A_241] : memref<10000x128xf32, #tpu.memory_space<vmem_shared>> -> memref<80x128xf32, #tpu.memory_space<vmem_shared>>
        tpu.wait_dma2 semaphore(%run_scoped3A_234 : memref<!tpu.dma_semaphore, #tpu.memory_space<semaphore_mem>>) src(%dma_wait3A_242 : memref<80x128xf32, #tpu.memory_space<vmem_shared>>) dst(%arg8 : memref<80x128xf32, #tpu.memory_space<vmem>>)
        tpu.yield
      }) : () -> ()
      %add3A_229 = arith.addi %mul3A_175, %add3A_228 : i32
      %dma_start3A_230 = arith.constant 0 : i32
      %dma_start3A_231 = tpu.memref_slice %arg5[%add3A_229, %dma_start3A_230] : memref<40000x128xf32, #tpu.memory_space<hbm>> -> memref<80x128xf32, #tpu.memory_space<hbm>>
      %dma_start3A_232 = arith.constant 0 : i32
      %dma_start3A_233 = tpu.memref_slice %arg5[%add3A_229, %dma_start3A_232] : memref<40000x128xf32, #tpu.memory_space<hbm>> -> memref<80x128xf32, #tpu.memory_space<hbm>>
      tpu.enqueue_dma source(%arg8 : memref<80x128xf32, #tpu.memory_space<vmem>>) target(%dma_start3A_233 : memref<80x128xf32, #tpu.memory_space<hbm>>) target_semaphore(%arg11 : memref<!tpu.dma_semaphore, #tpu.memory_space<semaphore_mem>>)
    } else {
    }
    %gt3A_181 = arith.constant 1 : i32
    %gt3A_182 = arith.cmpi sgt, %add3A_4, %gt3A_181 : i32
    %convert_element_type3A_183 = arith.extui %gt3A_182 : i1 to i32
    %cond3A_184 = arith.constant 0 : i32
    %cond3A_185 = arith.cmpi ne, %convert_element_type3A_183, %cond3A_184 : i32
    scf.if %cond3A_185 {
      %mul3A_225 = arith.constant 80 : i32
      %mul3A_226 = arith.muli %mul3A_225, %arg1 : i32
      %add3A_227 = arith.constant 1280 : i32
      %add3A_228 = arith.addi %mul3A_226, %add3A_227 : i32
      "tpu.region"() ({
        %run_scoped3A_234 = tpu.sem_alloc : memref<!tpu.dma_semaphore, #tpu.memory_space<semaphore_mem>>
        %dma_start3A_235 = arith.constant 0 : i32
        %dma_start3A_236 = tpu.memref_slice %arg10[%add3A_228, %dma_start3A_235] : memref<10000x128xf32, #tpu.memory_space<vmem_shared>> -> memref<80x128xf32, #tpu.memory_space<vmem_shared>>
        %dma_start3A_237 = arith.constant 0 : i32
        %dma_start3A_238 = tpu.memref_slice %arg10[%add3A_228, %dma_start3A_237] : memref<10000x128xf32, #tpu.memory_space<vmem_shared>> -> memref<80x128xf32, #tpu.memory_space<vmem_shared>>
        tpu.enqueue_dma source(%dma_start3A_238 : memref<80x128xf32, #tpu.memory_space<vmem_shared>>) target(%arg9 : memref<80x128xf32, #tpu.memory_space<vmem>>) target_semaphore(%run_scoped3A_234 : memref<!tpu.dma_semaphore, #tpu.memory_space<semaphore_mem>>)
        %dma_wait3A_239 = arith.constant 0 : i32
        %dma_wait3A_240 = tpu.memref_slice %arg10[%add3A_228, %dma_wait3A_239] : memref<10000x128xf32, #tpu.memory_space<vmem_shared>> -> memref<80x128xf32, #tpu.memory_space<vmem_shared>>
        %dma_wait3A_241 = arith.constant 0 : i32
        %dma_wait3A_242 = tpu.memref_slice %arg10[%add3A_228, %dma_wait3A_241] : memref<10000x128xf32, #tpu.memory_space<vmem_shared>> -> memref<80x128xf32, #tpu.memory_space<vmem_shared>>
        tpu.wait_dma2 semaphore(%run_scoped3A_234 : memref<!tpu.dma_semaphore, #tpu.memory_space<semaphore_mem>>) src(%dma_wait3A_242 : memref<80x128xf32, #tpu.memory_space<vmem_shared>>) dst(%arg9 : memref<80x128xf32, #tpu.memory_space<vmem>>)
        tpu.yield
      }) : () -> ()
      %add3A_229 = arith.addi %mul3A_175, %add3A_228 : i32
      %dma_start3A_230 = arith.constant 0 : i32
      %dma_start3A_231 = tpu.memref_slice %arg5[%add3A_229, %dma_start3A_230] : memref<40000x128xf32, #tpu.memory_space<hbm>> -> memref<80x128xf32, #tpu.memory_space<hbm>>
      %dma_start3A_232 = arith.constant 0 : i32
      %dma_start3A_233 = tpu.memref_slice %arg5[%add3A_229, %dma_start3A_232] : memref<40000x128xf32, #tpu.memory_space<hbm>> -> memref<80x128xf32, #tpu.memory_space<hbm>>
      tpu.enqueue_dma source(%arg9 : memref<80x128xf32, #tpu.memory_space<vmem>>) target(%dma_start3A_233 : memref<80x128xf32, #tpu.memory_space<hbm>>) target_semaphore(%arg12 : memref<!tpu.dma_semaphore, #tpu.memory_space<semaphore_mem>>)
    } else {
    }
    %gt3A_186 = arith.constant 2 : i32
    %gt3A_187 = arith.cmpi sgt, %add3A_4, %gt3A_186 : i32
    %convert_element_type3A_188 = arith.extui %gt3A_187 : i1 to i32
    %cond3A_189 = arith.constant 0 : i32
    %cond3A_190 = arith.cmpi ne, %convert_element_type3A_188, %cond3A_189 : i32
    scf.if %cond3A_190 {
      %mul3A_225 = arith.constant 80 : i32
      %mul3A_226 = arith.muli %mul3A_225, %arg1 : i32
      %add3A_227 = arith.constant 2560 : i32
      %add3A_228 = arith.addi %mul3A_226, %add3A_227 : i32
      %add3A_229 = arith.addi %mul3A_175, %add3A_228 : i32
      %sub3A = arith.constant 2560 : i32
      %sub3A_230 = arith.subi %add3A_229, %sub3A : i32
      %dma_wait3A_231 = arith.constant 0 : i32
      %dma_wait3A_232 = tpu.memref_slice %arg5[%sub3A_230, %dma_wait3A_231] : memref<40000x128xf32, #tpu.memory_space<hbm>> -> memref<80x128xf32, #tpu.memory_space<hbm>>
      %dma_wait3A_233 = arith.constant 0 : i32
      %dma_wait3A_234 = tpu.memref_slice %arg5[%sub3A_230, %dma_wait3A_233] : memref<40000x128xf32, #tpu.memory_space<hbm>> -> memref<80x128xf32, #tpu.memory_space<hbm>>
      tpu.wait_dma2 semaphore(%arg11 : memref<!tpu.dma_semaphore, #tpu.memory_space<semaphore_mem>>) src(%arg8 : memref<80x128xf32, #tpu.memory_space<vmem>>) dst(%dma_wait3A_234 : memref<80x128xf32, #tpu.memory_space<hbm>>)
      "tpu.region"() ({
        %run_scoped3A_240 = tpu.sem_alloc : memref<!tpu.dma_semaphore, #tpu.memory_space<semaphore_mem>>
        %dma_start3A_241 = arith.constant 0 : i32
        %dma_start3A_242 = tpu.memref_slice %arg10[%add3A_228, %dma_start3A_241] : memref<10000x128xf32, #tpu.memory_space<vmem_shared>> -> memref<80x128xf32, #tpu.memory_space<vmem_shared>>
        %dma_start3A_243 = arith.constant 0 : i32
        %dma_start3A_244 = tpu.memref_slice %arg10[%add3A_228, %dma_start3A_243] : memref<10000x128xf32, #tpu.memory_space<vmem_shared>> -> memref<80x128xf32, #tpu.memory_space<vmem_shared>>
        tpu.enqueue_dma source(%dma_start3A_244 : memref<80x128xf32, #tpu.memory_space<vmem_shared>>) target(%arg8 : memref<80x128xf32, #tpu.memory_space<vmem>>) target_semaphore(%run_scoped3A_240 : memref<!tpu.dma_semaphore, #tpu.memory_space<semaphore_mem>>)
        %dma_wait3A_245 = arith.constant 0 : i32
        %dma_wait3A_246 = tpu.memref_slice %arg10[%add3A_228, %dma_wait3A_245] : memref<10000x128xf32, #tpu.memory_space<vmem_shared>> -> memref<80x128xf32, #tpu.memory_space<vmem_shared>>
        %dma_wait3A_247 = arith.constant 0 : i32
        %dma_wait3A_248 = tpu.memref_slice %arg10[%add3A_228, %dma_wait3A_247] : memref<10000x128xf32, #tpu.memory_space<vmem_shared>> -> memref<80x128xf32, #tpu.memory_space<vmem_shared>>
        tpu.wait_dma2 semaphore(%run_scoped3A_240 : memref<!tpu.dma_semaphore, #tpu.memory_space<semaphore_mem>>) src(%dma_wait3A_248 : memref<80x128xf32, #tpu.memory_space<vmem_shared>>) dst(%arg8 : memref<80x128xf32, #tpu.memory_space<vmem>>)
        tpu.yield
      }) : () -> ()
      %add3A_235 = arith.addi %mul3A_175, %add3A_228 : i32
      %dma_start3A_236 = arith.constant 0 : i32
      %dma_start3A_237 = tpu.memref_slice %arg5[%add3A_235, %dma_start3A_236] : memref<40000x128xf32, #tpu.memory_space<hbm>> -> memref<80x128xf32, #tpu.memory_space<hbm>>
      %dma_start3A_238 = arith.constant 0 : i32
      %dma_start3A_239 = tpu.memref_slice %arg5[%add3A_235, %dma_start3A_238] : memref<40000x128xf32, #tpu.memory_space<hbm>> -> memref<80x128xf32, #tpu.memory_space<hbm>>
      tpu.enqueue_dma source(%arg8 : memref<80x128xf32, #tpu.memory_space<vmem>>) target(%dma_start3A_239 : memref<80x128xf32, #tpu.memory_space<hbm>>) target_semaphore(%arg11 : memref<!tpu.dma_semaphore, #tpu.memory_space<semaphore_mem>>)
    } else {
    }
    %gt3A_191 = arith.constant 3 : i32
    %gt3A_192 = arith.cmpi sgt, %add3A_4, %gt3A_191 : i32
    %convert_element_type3A_193 = arith.extui %gt3A_192 : i1 to i32
    %cond3A_194 = arith.constant 0 : i32
    %cond3A_195 = arith.cmpi ne, %convert_element_type3A_193, %cond3A_194 : i32
    scf.if %cond3A_195 {
      %mul3A_225 = arith.constant 80 : i32
      %mul3A_226 = arith.muli %mul3A_225, %arg1 : i32
      %add3A_227 = arith.constant 3840 : i32
      %add3A_228 = arith.addi %mul3A_226, %add3A_227 : i32
      %add3A_229 = arith.addi %mul3A_175, %add3A_228 : i32
      %sub3A = arith.constant 2560 : i32
      %sub3A_230 = arith.subi %add3A_229, %sub3A : i32
      %dma_wait3A_231 = arith.constant 0 : i32
      %dma_wait3A_232 = tpu.memref_slice %arg5[%sub3A_230, %dma_wait3A_231] : memref<40000x128xf32, #tpu.memory_space<hbm>> -> memref<80x128xf32, #tpu.memory_space<hbm>>
      %dma_wait3A_233 = arith.constant 0 : i32
      %dma_wait3A_234 = tpu.memref_slice %arg5[%sub3A_230, %dma_wait3A_233] : memref<40000x128xf32, #tpu.memory_space<hbm>> -> memref<80x128xf32, #tpu.memory_space<hbm>>
      tpu.wait_dma2 semaphore(%arg12 : memref<!tpu.dma_semaphore, #tpu.memory_space<semaphore_mem>>) src(%arg9 : memref<80x128xf32, #tpu.memory_space<vmem>>) dst(%dma_wait3A_234 : memref<80x128xf32, #tpu.memory_space<hbm>>)
      "tpu.region"() ({
        %run_scoped3A_240 = tpu.sem_alloc : memref<!tpu.dma_semaphore, #tpu.memory_space<semaphore_mem>>
        %dma_start3A_241 = arith.constant 0 : i32
        %dma_start3A_242 = tpu.memref_slice %arg10[%add3A_228, %dma_start3A_241] : memref<10000x128xf32, #tpu.memory_space<vmem_shared>> -> memref<80x128xf32, #tpu.memory_space<vmem_shared>>
        %dma_start3A_243 = arith.constant 0 : i32
        %dma_start3A_244 = tpu.memref_slice %arg10[%add3A_228, %dma_start3A_243] : memref<10000x128xf32, #tpu.memory_space<vmem_shared>> -> memref<80x128xf32, #tpu.memory_space<vmem_shared>>
        tpu.enqueue_dma source(%dma_start3A_244 : memref<80x128xf32, #tpu.memory_space<vmem_shared>>) target(%arg9 : memref<80x128xf32, #tpu.memory_space<vmem>>) target_semaphore(%run_scoped3A_240 : memref<!tpu.dma_semaphore, #tpu.memory_space<semaphore_mem>>)
        %dma_wait3A_245 = arith.constant 0 : i32
        %dma_wait3A_246 = tpu.memref_slice %arg10[%add3A_228, %dma_wait3A_245] : memref<10000x128xf32, #tpu.memory_space<vmem_shared>> -> memref<80x128xf32, #tpu.memory_space<vmem_shared>>
        %dma_wait3A_247 = arith.constant 0 : i32
        %dma_wait3A_248 = tpu.memref_slice %arg10[%add3A_228, %dma_wait3A_247] : memref<10000x128xf32, #tpu.memory_space<vmem_shared>> -> memref<80x128xf32, #tpu.memory_space<vmem_shared>>
        tpu.wait_dma2 semaphore(%run_scoped3A_240 : memref<!tpu.dma_semaphore, #tpu.memory_space<semaphore_mem>>) src(%dma_wait3A_248 : memref<80x128xf32, #tpu.memory_space<vmem_shared>>) dst(%arg9 : memref<80x128xf32, #tpu.memory_space<vmem>>)
        tpu.yield
      }) : () -> ()
      %add3A_235 = arith.addi %mul3A_175, %add3A_228 : i32
      %dma_start3A_236 = arith.constant 0 : i32
      %dma_start3A_237 = tpu.memref_slice %arg5[%add3A_235, %dma_start3A_236] : memref<40000x128xf32, #tpu.memory_space<hbm>> -> memref<80x128xf32, #tpu.memory_space<hbm>>
      %dma_start3A_238 = arith.constant 0 : i32
      %dma_start3A_239 = tpu.memref_slice %arg5[%add3A_235, %dma_start3A_238] : memref<40000x128xf32, #tpu.memory_space<hbm>> -> memref<80x128xf32, #tpu.memory_space<hbm>>
      tpu.enqueue_dma source(%arg9 : memref<80x128xf32, #tpu.memory_space<vmem>>) target(%dma_start3A_239 : memref<80x128xf32, #tpu.memory_space<hbm>>) target_semaphore(%arg12 : memref<!tpu.dma_semaphore, #tpu.memory_space<semaphore_mem>>)
    } else {
    }
    %gt3A_196 = arith.constant 4 : i32
    %gt3A_197 = arith.cmpi sgt, %add3A_4, %gt3A_196 : i32
    %convert_element_type3A_198 = arith.extui %gt3A_197 : i1 to i32
    %cond3A_199 = arith.constant 0 : i32
    %cond3A_200 = arith.cmpi ne, %convert_element_type3A_198, %cond3A_199 : i32
    scf.if %cond3A_200 {
      %mul3A_225 = arith.constant 80 : i32
      %mul3A_226 = arith.muli %mul3A_225, %arg1 : i32
      %add3A_227 = arith.constant 5120 : i32
      %add3A_228 = arith.addi %mul3A_226, %add3A_227 : i32
      %add3A_229 = arith.addi %mul3A_175, %add3A_228 : i32
      %sub3A = arith.constant 2560 : i32
      %sub3A_230 = arith.subi %add3A_229, %sub3A : i32
      %dma_wait3A_231 = arith.constant 0 : i32
      %dma_wait3A_232 = tpu.memref_slice %arg5[%sub3A_230, %dma_wait3A_231] : memref<40000x128xf32, #tpu.memory_space<hbm>> -> memref<80x128xf32, #tpu.memory_space<hbm>>
      %dma_wait3A_233 = arith.constant 0 : i32
      %dma_wait3A_234 = tpu.memref_slice %arg5[%sub3A_230, %dma_wait3A_233] : memref<40000x128xf32, #tpu.memory_space<hbm>> -> memref<80x128xf32, #tpu.memory_space<hbm>>
      tpu.wait_dma2 semaphore(%arg11 : memref<!tpu.dma_semaphore, #tpu.memory_space<semaphore_mem>>) src(%arg8 : memref<80x128xf32, #tpu.memory_space<vmem>>) dst(%dma_wait3A_234 : memref<80x128xf32, #tpu.memory_space<hbm>>)
      "tpu.region"() ({
        %run_scoped3A_240 = tpu.sem_alloc : memref<!tpu.dma_semaphore, #tpu.memory_space<semaphore_mem>>
        %dma_start3A_241 = arith.constant 0 : i32
        %dma_start3A_242 = tpu.memref_slice %arg10[%add3A_228, %dma_start3A_241] : memref<10000x128xf32, #tpu.memory_space<vmem_shared>> -> memref<80x128xf32, #tpu.memory_space<vmem_shared>>
        %dma_start3A_243 = arith.constant 0 : i32
        %dma_start3A_244 = tpu.memref_slice %arg10[%add3A_228, %dma_start3A_243] : memref<10000x128xf32, #tpu.memory_space<vmem_shared>> -> memref<80x128xf32, #tpu.memory_space<vmem_shared>>
        tpu.enqueue_dma source(%dma_start3A_244 : memref<80x128xf32, #tpu.memory_space<vmem_shared>>) target(%arg8 : memref<80x128xf32, #tpu.memory_space<vmem>>) target_semaphore(%run_scoped3A_240 : memref<!tpu.dma_semaphore, #tpu.memory_space<semaphore_mem>>)
        %dma_wait3A_245 = arith.constant 0 : i32
        %dma_wait3A_246 = tpu.memref_slice %arg10[%add3A_228, %dma_wait3A_245] : memref<10000x128xf32, #tpu.memory_space<vmem_shared>> -> memref<80x128xf32, #tpu.memory_space<vmem_shared>>
        %dma_wait3A_247 = arith.constant 0 : i32
        %dma_wait3A_248 = tpu.memref_slice %arg10[%add3A_228, %dma_wait3A_247] : memref<10000x128xf32, #tpu.memory_space<vmem_shared>> -> memref<80x128xf32, #tpu.memory_space<vmem_shared>>
        tpu.wait_dma2 semaphore(%run_scoped3A_240 : memref<!tpu.dma_semaphore, #tpu.memory_space<semaphore_mem>>) src(%dma_wait3A_248 : memref<80x128xf32, #tpu.memory_space<vmem_shared>>) dst(%arg8 : memref<80x128xf32, #tpu.memory_space<vmem>>)
        tpu.yield
      }) : () -> ()
      %add3A_235 = arith.addi %mul3A_175, %add3A_228 : i32
      %dma_start3A_236 = arith.constant 0 : i32
      %dma_start3A_237 = tpu.memref_slice %arg5[%add3A_235, %dma_start3A_236] : memref<40000x128xf32, #tpu.memory_space<hbm>> -> memref<80x128xf32, #tpu.memory_space<hbm>>
      %dma_start3A_238 = arith.constant 0 : i32
      %dma_start3A_239 = tpu.memref_slice %arg5[%add3A_235, %dma_start3A_238] : memref<40000x128xf32, #tpu.memory_space<hbm>> -> memref<80x128xf32, #tpu.memory_space<hbm>>
      tpu.enqueue_dma source(%arg8 : memref<80x128xf32, #tpu.memory_space<vmem>>) target(%dma_start3A_239 : memref<80x128xf32, #tpu.memory_space<hbm>>) target_semaphore(%arg11 : memref<!tpu.dma_semaphore, #tpu.memory_space<semaphore_mem>>)
    } else {
    }
    %gt3A_201 = arith.constant 5 : i32
    %gt3A_202 = arith.cmpi sgt, %add3A_4, %gt3A_201 : i32
    %convert_element_type3A_203 = arith.extui %gt3A_202 : i1 to i32
    %cond3A_204 = arith.constant 0 : i32
    %cond3A_205 = arith.cmpi ne, %convert_element_type3A_203, %cond3A_204 : i32
    scf.if %cond3A_205 {
      %mul3A_225 = arith.constant 80 : i32
      %mul3A_226 = arith.muli %mul3A_225, %arg1 : i32
      %add3A_227 = arith.constant 6400 : i32
      %add3A_228 = arith.addi %mul3A_226, %add3A_227 : i32
      %add3A_229 = arith.addi %mul3A_175, %add3A_228 : i32
      %sub3A = arith.constant 2560 : i32
      %sub3A_230 = arith.subi %add3A_229, %sub3A : i32
      %dma_wait3A_231 = arith.constant 0 : i32
      %dma_wait3A_232 = tpu.memref_slice %arg5[%sub3A_230, %dma_wait3A_231] : memref<40000x128xf32, #tpu.memory_space<hbm>> -> memref<80x128xf32, #tpu.memory_space<hbm>>
      %dma_wait3A_233 = arith.constant 0 : i32
      %dma_wait3A_234 = tpu.memref_slice %arg5[%sub3A_230, %dma_wait3A_233] : memref<40000x128xf32, #tpu.memory_space<hbm>> -> memref<80x128xf32, #tpu.memory_space<hbm>>
      tpu.wait_dma2 semaphore(%arg12 : memref<!tpu.dma_semaphore, #tpu.memory_space<semaphore_mem>>) src(%arg9 : memref<80x128xf32, #tpu.memory_space<vmem>>) dst(%dma_wait3A_234 : memref<80x128xf32, #tpu.memory_space<hbm>>)
      "tpu.region"() ({
        %run_scoped3A_240 = tpu.sem_alloc : memref<!tpu.dma_semaphore, #tpu.memory_space<semaphore_mem>>
        %dma_start3A_241 = arith.constant 0 : i32
        %dma_start3A_242 = tpu.memref_slice %arg10[%add3A_228, %dma_start3A_241] : memref<10000x128xf32, #tpu.memory_space<vmem_shared>> -> memref<80x128xf32, #tpu.memory_space<vmem_shared>>
        %dma_start3A_243 = arith.constant 0 : i32
        %dma_start3A_244 = tpu.memref_slice %arg10[%add3A_228, %dma_start3A_243] : memref<10000x128xf32, #tpu.memory_space<vmem_shared>> -> memref<80x128xf32, #tpu.memory_space<vmem_shared>>
        tpu.enqueue_dma source(%dma_start3A_244 : memref<80x128xf32, #tpu.memory_space<vmem_shared>>) target(%arg9 : memref<80x128xf32, #tpu.memory_space<vmem>>) target_semaphore(%run_scoped3A_240 : memref<!tpu.dma_semaphore, #tpu.memory_space<semaphore_mem>>)
        %dma_wait3A_245 = arith.constant 0 : i32
        %dma_wait3A_246 = tpu.memref_slice %arg10[%add3A_228, %dma_wait3A_245] : memref<10000x128xf32, #tpu.memory_space<vmem_shared>> -> memref<80x128xf32, #tpu.memory_space<vmem_shared>>
        %dma_wait3A_247 = arith.constant 0 : i32
        %dma_wait3A_248 = tpu.memref_slice %arg10[%add3A_228, %dma_wait3A_247] : memref<10000x128xf32, #tpu.memory_space<vmem_shared>> -> memref<80x128xf32, #tpu.memory_space<vmem_shared>>
        tpu.wait_dma2 semaphore(%run_scoped3A_240 : memref<!tpu.dma_semaphore, #tpu.memory_space<semaphore_mem>>) src(%dma_wait3A_248 : memref<80x128xf32, #tpu.memory_space<vmem_shared>>) dst(%arg9 : memref<80x128xf32, #tpu.memory_space<vmem>>)
        tpu.yield
      }) : () -> ()
      %add3A_235 = arith.addi %mul3A_175, %add3A_228 : i32
      %dma_start3A_236 = arith.constant 0 : i32
      %dma_start3A_237 = tpu.memref_slice %arg5[%add3A_235, %dma_start3A_236] : memref<40000x128xf32, #tpu.memory_space<hbm>> -> memref<80x128xf32, #tpu.memory_space<hbm>>
      %dma_start3A_238 = arith.constant 0 : i32
      %dma_start3A_239 = tpu.memref_slice %arg5[%add3A_235, %dma_start3A_238] : memref<40000x128xf32, #tpu.memory_space<hbm>> -> memref<80x128xf32, #tpu.memory_space<hbm>>
      tpu.enqueue_dma source(%arg9 : memref<80x128xf32, #tpu.memory_space<vmem>>) target(%dma_start3A_239 : memref<80x128xf32, #tpu.memory_space<hbm>>) target_semaphore(%arg12 : memref<!tpu.dma_semaphore, #tpu.memory_space<semaphore_mem>>)
    } else {
    }
    %gt3A_206 = arith.constant 6 : i32
    %gt3A_207 = arith.cmpi sgt, %add3A_4, %gt3A_206 : i32
    %convert_element_type3A_208 = arith.extui %gt3A_207 : i1 to i32
    %cond3A_209 = arith.constant 0 : i32
    %cond3A_210 = arith.cmpi ne, %convert_element_type3A_208, %cond3A_209 : i32
    scf.if %cond3A_210 {
      %mul3A_225 = arith.constant 80 : i32
      %mul3A_226 = arith.muli %mul3A_225, %arg1 : i32
      %add3A_227 = arith.constant 7680 : i32
      %add3A_228 = arith.addi %mul3A_226, %add3A_227 : i32
      %add3A_229 = arith.addi %mul3A_175, %add3A_228 : i32
      %sub3A = arith.constant 2560 : i32
      %sub3A_230 = arith.subi %add3A_229, %sub3A : i32
      %dma_wait3A_231 = arith.constant 0 : i32
      %dma_wait3A_232 = tpu.memref_slice %arg5[%sub3A_230, %dma_wait3A_231] : memref<40000x128xf32, #tpu.memory_space<hbm>> -> memref<80x128xf32, #tpu.memory_space<hbm>>
      %dma_wait3A_233 = arith.constant 0 : i32
      %dma_wait3A_234 = tpu.memref_slice %arg5[%sub3A_230, %dma_wait3A_233] : memref<40000x128xf32, #tpu.memory_space<hbm>> -> memref<80x128xf32, #tpu.memory_space<hbm>>
      tpu.wait_dma2 semaphore(%arg11 : memref<!tpu.dma_semaphore, #tpu.memory_space<semaphore_mem>>) src(%arg8 : memref<80x128xf32, #tpu.memory_space<vmem>>) dst(%dma_wait3A_234 : memref<80x128xf32, #tpu.memory_space<hbm>>)
      "tpu.region"() ({
        %run_scoped3A_240 = tpu.sem_alloc : memref<!tpu.dma_semaphore, #tpu.memory_space<semaphore_mem>>
        %dma_start3A_241 = arith.constant 0 : i32
        %dma_start3A_242 = tpu.memref_slice %arg10[%add3A_228, %dma_start3A_241] : memref<10000x128xf32, #tpu.memory_space<vmem_shared>> -> memref<80x128xf32, #tpu.memory_space<vmem_shared>>
        %dma_start3A_243 = arith.constant 0 : i32
        %dma_start3A_244 = tpu.memref_slice %arg10[%add3A_228, %dma_start3A_243] : memref<10000x128xf32, #tpu.memory_space<vmem_shared>> -> memref<80x128xf32, #tpu.memory_space<vmem_shared>>
        tpu.enqueue_dma source(%dma_start3A_244 : memref<80x128xf32, #tpu.memory_space<vmem_shared>>) target(%arg8 : memref<80x128xf32, #tpu.memory_space<vmem>>) target_semaphore(%run_scoped3A_240 : memref<!tpu.dma_semaphore, #tpu.memory_space<semaphore_mem>>)
        %dma_wait3A_245 = arith.constant 0 : i32
        %dma_wait3A_246 = tpu.memref_slice %arg10[%add3A_228, %dma_wait3A_245] : memref<10000x128xf32, #tpu.memory_space<vmem_shared>> -> memref<80x128xf32, #tpu.memory_space<vmem_shared>>
        %dma_wait3A_247 = arith.constant 0 : i32
        %dma_wait3A_248 = tpu.memref_slice %arg10[%add3A_228, %dma_wait3A_247] : memref<10000x128xf32, #tpu.memory_space<vmem_shared>> -> memref<80x128xf32, #tpu.memory_space<vmem_shared>>
        tpu.wait_dma2 semaphore(%run_scoped3A_240 : memref<!tpu.dma_semaphore, #tpu.memory_space<semaphore_mem>>) src(%dma_wait3A_248 : memref<80x128xf32, #tpu.memory_space<vmem_shared>>) dst(%arg8 : memref<80x128xf32, #tpu.memory_space<vmem>>)
        tpu.yield
      }) : () -> ()
      %add3A_235 = arith.addi %mul3A_175, %add3A_228 : i32
      %dma_start3A_236 = arith.constant 0 : i32
      %dma_start3A_237 = tpu.memref_slice %arg5[%add3A_235, %dma_start3A_236] : memref<40000x128xf32, #tpu.memory_space<hbm>> -> memref<80x128xf32, #tpu.memory_space<hbm>>
      %dma_start3A_238 = arith.constant 0 : i32
      %dma_start3A_239 = tpu.memref_slice %arg5[%add3A_235, %dma_start3A_238] : memref<40000x128xf32, #tpu.memory_space<hbm>> -> memref<80x128xf32, #tpu.memory_space<hbm>>
      tpu.enqueue_dma source(%arg8 : memref<80x128xf32, #tpu.memory_space<vmem>>) target(%dma_start3A_239 : memref<80x128xf32, #tpu.memory_space<hbm>>) target_semaphore(%arg11 : memref<!tpu.dma_semaphore, #tpu.memory_space<semaphore_mem>>)
    } else {
    }
    %gt3A_211 = arith.constant 7 : i32
    %gt3A_212 = arith.cmpi sgt, %add3A_4, %gt3A_211 : i32
    %convert_element_type3A_213 = arith.extui %gt3A_212 : i1 to i32
    %cond3A_214 = arith.constant 0 : i32
    %cond3A_215 = arith.cmpi ne, %convert_element_type3A_213, %cond3A_214 : i32
    scf.if %cond3A_215 {
      %mul3A_225 = arith.constant 80 : i32
      %mul3A_226 = arith.muli %mul3A_225, %arg1 : i32
      %add3A_227 = arith.constant 8960 : i32
      %add3A_228 = arith.addi %mul3A_226, %add3A_227 : i32
      %add3A_229 = arith.addi %mul3A_175, %add3A_228 : i32
      %sub3A = arith.constant 2560 : i32
      %sub3A_230 = arith.subi %add3A_229, %sub3A : i32
      %dma_wait3A_231 = arith.constant 0 : i32
      %dma_wait3A_232 = tpu.memref_slice %arg5[%sub3A_230, %dma_wait3A_231] : memref<40000x128xf32, #tpu.memory_space<hbm>> -> memref<80x128xf32, #tpu.memory_space<hbm>>
      %dma_wait3A_233 = arith.constant 0 : i32
      %dma_wait3A_234 = tpu.memref_slice %arg5[%sub3A_230, %dma_wait3A_233] : memref<40000x128xf32, #tpu.memory_space<hbm>> -> memref<80x128xf32, #tpu.memory_space<hbm>>
      tpu.wait_dma2 semaphore(%arg12 : memref<!tpu.dma_semaphore, #tpu.memory_space<semaphore_mem>>) src(%arg9 : memref<80x128xf32, #tpu.memory_space<vmem>>) dst(%dma_wait3A_234 : memref<80x128xf32, #tpu.memory_space<hbm>>)
      "tpu.region"() ({
        %run_scoped3A_240 = tpu.sem_alloc : memref<!tpu.dma_semaphore, #tpu.memory_space<semaphore_mem>>
        %dma_start3A_241 = arith.constant 0 : i32
        %dma_start3A_242 = tpu.memref_slice %arg10[%add3A_228, %dma_start3A_241] : memref<10000x128xf32, #tpu.memory_space<vmem_shared>> -> memref<80x128xf32, #tpu.memory_space<vmem_shared>>
        %dma_start3A_243 = arith.constant 0 : i32
        %dma_start3A_244 = tpu.memref_slice %arg10[%add3A_228, %dma_start3A_243] : memref<10000x128xf32, #tpu.memory_space<vmem_shared>> -> memref<80x128xf32, #tpu.memory_space<vmem_shared>>
        tpu.enqueue_dma source(%dma_start3A_244 : memref<80x128xf32, #tpu.memory_space<vmem_shared>>) target(%arg9 : memref<80x128xf32, #tpu.memory_space<vmem>>) target_semaphore(%run_scoped3A_240 : memref<!tpu.dma_semaphore, #tpu.memory_space<semaphore_mem>>)
        %dma_wait3A_245 = arith.constant 0 : i32
        %dma_wait3A_246 = tpu.memref_slice %arg10[%add3A_228, %dma_wait3A_245] : memref<10000x128xf32, #tpu.memory_space<vmem_shared>> -> memref<80x128xf32, #tpu.memory_space<vmem_shared>>
        %dma_wait3A_247 = arith.constant 0 : i32
        %dma_wait3A_248 = tpu.memref_slice %arg10[%add3A_228, %dma_wait3A_247] : memref<10000x128xf32, #tpu.memory_space<vmem_shared>> -> memref<80x128xf32, #tpu.memory_space<vmem_shared>>
        tpu.wait_dma2 semaphore(%run_scoped3A_240 : memref<!tpu.dma_semaphore, #tpu.memory_space<semaphore_mem>>) src(%dma_wait3A_248 : memref<80x128xf32, #tpu.memory_space<vmem_shared>>) dst(%arg9 : memref<80x128xf32, #tpu.memory_space<vmem>>)
        tpu.yield
      }) : () -> ()
      %add3A_235 = arith.addi %mul3A_175, %add3A_228 : i32
      %dma_start3A_236 = arith.constant 0 : i32
      %dma_start3A_237 = tpu.memref_slice %arg5[%add3A_235, %dma_start3A_236] : memref<40000x128xf32, #tpu.memory_space<hbm>> -> memref<80x128xf32, #tpu.memory_space<hbm>>
      %dma_start3A_238 = arith.constant 0 : i32
      %dma_start3A_239 = tpu.memref_slice %arg5[%add3A_235, %dma_start3A_238] : memref<40000x128xf32, #tpu.memory_space<hbm>> -> memref<80x128xf32, #tpu.memory_space<hbm>>
      tpu.enqueue_dma source(%arg9 : memref<80x128xf32, #tpu.memory_space<vmem>>) target(%dma_start3A_239 : memref<80x128xf32, #tpu.memory_space<hbm>>) target_semaphore(%arg12 : memref<!tpu.dma_semaphore, #tpu.memory_space<semaphore_mem>>)
    } else {
    }
    %dma_wait3A_216 = arith.constant 0 : i32
    %dma_wait3A_217 = tpu.memref_slice %arg5[%mul3A_175, %dma_wait3A_216] : memref<40000x128xf32, #tpu.memory_space<hbm>> -> memref<80x128xf32, #tpu.memory_space<hbm>>
    %dma_wait3A_218 = arith.constant 0 : i32
    %dma_wait3A_219 = tpu.memref_slice %arg5[%mul3A_175, %dma_wait3A_218] : memref<40000x128xf32, #tpu.memory_space<hbm>> -> memref<80x128xf32, #tpu.memory_space<hbm>>
    tpu.wait_dma2 semaphore(%arg11 : memref<!tpu.dma_semaphore, #tpu.memory_space<semaphore_mem>>) src(%arg8 : memref<80x128xf32, #tpu.memory_space<vmem>>) dst(%dma_wait3A_219 : memref<80x128xf32, #tpu.memory_space<hbm>>)
    %dma_wait3A_220 = arith.constant 0 : i32
    %dma_wait3A_221 = tpu.memref_slice %arg5[%mul3A_175, %dma_wait3A_220] : memref<40000x128xf32, #tpu.memory_space<hbm>> -> memref<80x128xf32, #tpu.memory_space<hbm>>
    %dma_wait3A_222 = arith.constant 0 : i32
    %dma_wait3A_223 = tpu.memref_slice %arg5[%mul3A_175, %dma_wait3A_222] : memref<40000x128xf32, #tpu.memory_space<hbm>> -> memref<80x128xf32, #tpu.memory_space<hbm>>
    tpu.wait_dma2 semaphore(%arg12 : memref<!tpu.dma_semaphore, #tpu.memory_space<semaphore_mem>>) src(%arg9 : memref<80x128xf32, #tpu.memory_space<vmem>>) dst(%dma_wait3A_223 : memref<80x128xf32, #tpu.memory_space<hbm>>)
    %barrier3A_224 = arith.constant 0 : index
    tpu.barrier barrier_id(%barrier3A_224)
    return
  }
}

#map = affine_map<(d0, d1) -> (0, 0)>
#map1 = affine_map<(d0, d1) -> (0)>
#map2 = affine_map<(d0, d1) -> (0, 0, 0)>
module attributes {stable_mosaic.version = 14 : i64} {
  func.func @_edge_body(%arg0: i32, %arg1: i32, %arg2: memref<20000x128xf32, #tpu.memory_space<hbm>>, %arg3: memref<640000xi32, #tpu.memory_space<hbm>>, %arg4: memref<64x125x80xi32, #tpu.memory_space<hbm>>, %arg5: memref<40000x128xf32, #tpu.memory_space<hbm>>, %arg6: memref<10000xi32, #tpu.memory_space<vmem>>, %arg7: memref<125x80xi32, #tpu.memory_space<vmem>>, %arg8: memref<80x128xf32, #tpu.memory_space<vmem>>, %arg9: memref<80x128xf32, #tpu.memory_space<vmem>>, %arg10: memref<10000x128xf32, #tpu.memory_space<vmem_shared>>, %arg11: memref<!tpu.dma_semaphore, #tpu.memory_space<semaphore_mem>>, %arg12: memref<!tpu.dma_semaphore, #tpu.memory_space<semaphore_mem>>) attributes {dimension_semantics = [#tpu.dimension_semantics<core_parallel>, #tpu.dimension_semantics<subcore_parallel>], iteration_bounds = array<i64: 2, 16>, scalar_prefetch = 0 : i64, scratch_operands = 7 : i64, tpu.core_type = #tpu.core_type<sc_vector_subcore>, window_params = [{transform_indices = #map}, {transform_indices = #map1}, {transform_indices = #map2}, {transform_indices = #map}]} {
    %mul3A = arith.constant 2 : i32
    %mul3A_0 = arith.muli %arg1, %mul3A : i32
    %add3A = arith.addi %mul3A_0, %arg0 : i32
    %lt3A = arith.constant 13 : i32
    %lt3A_1 = arith.cmpi slt, %arg1, %lt3A : i32
    %jit3A = arith.constant 1 : i32
    %jit3A_2 = arith.constant 0 : i32
    %select_n3A = arith.select %lt3A_1, %jit3A, %jit3A_2 : i32
    %add3A_3 = arith.constant 7 : i32
    %add3A_4 = arith.addi %add3A_3, %select_n3A : i32
    %broadcast_in_dim3A = arith.constant 0.000000e+00 : f32
    %broadcast_in_dim3A_5 = vector.broadcast %broadcast_in_dim3A : f32 to vector<16xf32>
    %add3A_6 = arith.constant 0 : i32
    %add3A_7 = arith.addi %add3A_6, %add3A : i32
    %mul3A_8 = arith.constant 10000 : i32
    %mul3A_9 = arith.muli %add3A_7, %mul3A_8 : i32
    %dma_start3A = tpu.memref_slice %arg3[%mul3A_9] : memref<640000xi32, #tpu.memory_space<hbm>> -> memref<10000xi32, #tpu.memory_space<hbm>>
    %dma_start3A_10 = tpu.memref_slice %arg3[%mul3A_9] : memref<640000xi32, #tpu.memory_space<hbm>> -> memref<10000xi32, #tpu.memory_space<hbm>>
    tpu.enqueue_dma source(%dma_start3A_10 : memref<10000xi32, #tpu.memory_space<hbm>>) target(%arg6 : memref<10000xi32, #tpu.memory_space<vmem>>) target_semaphore(%arg11 : memref<!tpu.dma_semaphore, #tpu.memory_space<semaphore_mem>>)
    %dma_start3A_11 = arith.constant 0 : i32
    %dma_start3A_12 = arith.constant 0 : i32
    %dma_start3A_13 = tpu.memref_slice %arg4[%add3A_7, %dma_start3A_11, %dma_start3A_12] : memref<64x125x80xi32, #tpu.memory_space<hbm>> -> memref<1x125x80xi32, #tpu.memory_space<hbm>>
    %dma_start3A_14 = tpu.memref_squeeze %dma_start3A_13 : memref<1x125x80xi32, #tpu.memory_space<hbm>> -> memref<125x80xi32, #tpu.memory_space<hbm>>
    %dma_start3A_15 = arith.constant 0 : i32
    %dma_start3A_16 = arith.constant 0 : i32
    %dma_start3A_17 = tpu.memref_slice %arg4[%add3A_7, %dma_start3A_15, %dma_start3A_16] : memref<64x125x80xi32, #tpu.memory_space<hbm>> -> memref<1x125x80xi32, #tpu.memory_space<hbm>>
    %dma_start3A_18 = tpu.memref_squeeze %dma_start3A_17 : memref<1x125x80xi32, #tpu.memory_space<hbm>> -> memref<125x80xi32, #tpu.memory_space<hbm>>
    tpu.enqueue_dma source(%dma_start3A_18 : memref<125x80xi32, #tpu.memory_space<hbm>>) target(%arg7 : memref<125x80xi32, #tpu.memory_space<vmem>>) target_semaphore(%arg12 : memref<!tpu.dma_semaphore, #tpu.memory_space<semaphore_mem>>)
    %scan3A = arith.constant 0 : i32
    %scan3A_19 = arith.constant 0 : i32
    %scan3A_20 = arith.constant 640 : i32
    %scan3A_21 = arith.addi %scan3A_19, %scan3A_20 : i32
    %scan3A_22 = arith.constant 1 : i32
    scf.for %scan3A_225 = %scan3A_19 to %scan3A_21 step %scan3A_22  : i32 {
      %div3A = arith.constant 8 : i32
      %div3A_226 = arith.divsi %scan3A_225, %div3A : i32
      %rem3A = arith.constant 8 : i32
      %rem3A_227 = arith.remsi %scan3A_225, %rem3A : i32
      %mul3A_228 = arith.constant 16 : i32
      %mul3A_229 = arith.muli %rem3A_227, %mul3A_228 : i32
      %swap3A = arith.index_cast %div3A_226 : i32 to index
      %swap3A_230 = arith.index_cast %mul3A_229 : i32 to index
      %swap3A_231 = tpu.vector_load %arg8[%swap3A, %swap3A_230] {strides = array<i32>} : memref<80x128xf32, #tpu.memory_space<vmem>>, vector<16xf32>,
      tpu.vector_store %arg8[%swap3A, %swap3A_230], %broadcast_in_dim3A_5 {strides = array<i32>} : memref<80x128xf32, #tpu.memory_space<vmem>>, vector<16xf32>,
    }
    %scan3A_23 = arith.constant 640 : i32
    %while3A = arith.constant 0 : i32
    %while3A_24 = arith.constant 0 : i32
    %while3A_25 = arith.subi %add3A_4, %while3A_24 : i32
    %while3A_26 = arith.addi %while3A_24, %while3A_25 : i32
    %while3A_27 = arith.constant 1 : i32
    %while3A_28 = arith.divsi %while3A_25, %while3A_27 : i32
    %while3A_29 = arith.muli %while3A_28, %while3A_27 : i32
    %while3A_30 = arith.addi %while3A_24, %while3A_29 : i32
    %while3A_31 = arith.constant 1 : i32
    scf.for %while3A_225 = %while3A_24 to %while3A_30 step %while3A_31  : i32 {
      %mul3A_226 = arith.constant 80 : i32
      %mul3A_227 = arith.muli %mul3A_226, %arg1 : i32
      %mul3A_228 = arith.constant 1280 : i32
      %mul3A_229 = arith.muli %mul3A_228, %while3A_225 : i32
      %add3A_230 = arith.addi %mul3A_227, %mul3A_229 : i32
      "tpu.region"() ({
        %run_scoped3A_231 = tpu.sem_alloc : memref<!tpu.dma_semaphore, #tpu.memory_space<semaphore_mem>>
        %dma_start3A_232 = arith.constant 0 : i32
        %dma_start3A_233 = tpu.memref_slice %arg10[%add3A_230, %dma_start3A_232] : memref<10000x128xf32, #tpu.memory_space<vmem_shared>> -> memref<80x128xf32, #tpu.memory_space<vmem_shared>>
        %dma_start3A_234 = arith.constant 0 : i32
        %dma_start3A_235 = tpu.memref_slice %arg10[%add3A_230, %dma_start3A_234] : memref<10000x128xf32, #tpu.memory_space<vmem_shared>> -> memref<80x128xf32, #tpu.memory_space<vmem_shared>>
        tpu.enqueue_dma source(%arg8 : memref<80x128xf32, #tpu.memory_space<vmem>>) target(%dma_start3A_235 : memref<80x128xf32, #tpu.memory_space<vmem_shared>>) target_semaphore(%run_scoped3A_231 : memref<!tpu.dma_semaphore, #tpu.memory_space<semaphore_mem>>)
        %dma_wait3A_236 = arith.constant 0 : i32
        %dma_wait3A_237 = tpu.memref_slice %arg10[%add3A_230, %dma_wait3A_236] : memref<10000x128xf32, #tpu.memory_space<vmem_shared>> -> memref<80x128xf32, #tpu.memory_space<vmem_shared>>
        %dma_wait3A_238 = arith.constant 0 : i32
        %dma_wait3A_239 = tpu.memref_slice %arg10[%add3A_230, %dma_wait3A_238] : memref<10000x128xf32, #tpu.memory_space<vmem_shared>> -> memref<80x128xf32, #tpu.memory_space<vmem_shared>>
        tpu.wait_dma2 semaphore(%run_scoped3A_231 : memref<!tpu.dma_semaphore, #tpu.memory_space<semaphore_mem>>) src(%arg8 : memref<80x128xf32, #tpu.memory_space<vmem>>) dst(%dma_wait3A_239 : memref<80x128xf32, #tpu.memory_space<vmem_shared>>)
        tpu.yield
      }) : () -> ()
    }
    %while3A_32 = arith.constant 1 : i32
    scf.for %while3A_225 = %while3A_30 to %while3A_26 step %while3A_32  : i32 {
      %mul3A_226 = arith.constant 80 : i32
      %mul3A_227 = arith.muli %mul3A_226, %arg1 : i32
      %mul3A_228 = arith.constant 1280 : i32
      %mul3A_229 = arith.muli %mul3A_228, %while3A_225 : i32
      %add3A_230 = arith.addi %mul3A_227, %mul3A_229 : i32
      "tpu.region"() ({
        %run_scoped3A_231 = tpu.sem_alloc : memref<!tpu.dma_semaphore, #tpu.memory_space<semaphore_mem>>
        %dma_start3A_232 = arith.constant 0 : i32
        %dma_start3A_233 = tpu.memref_slice %arg10[%add3A_230, %dma_start3A_232] : memref<10000x128xf32, #tpu.memory_space<vmem_shared>> -> memref<80x128xf32, #tpu.memory_space<vmem_shared>>
        %dma_start3A_234 = arith.constant 0 : i32
        %dma_start3A_235 = tpu.memref_slice %arg10[%add3A_230, %dma_start3A_234] : memref<10000x128xf32, #tpu.memory_space<vmem_shared>> -> memref<80x128xf32, #tpu.memory_space<vmem_shared>>
        tpu.enqueue_dma source(%arg8 : memref<80x128xf32, #tpu.memory_space<vmem>>) target(%dma_start3A_235 : memref<80x128xf32, #tpu.memory_space<vmem_shared>>) target_semaphore(%run_scoped3A_231 : memref<!tpu.dma_semaphore, #tpu.memory_space<semaphore_mem>>)
        %dma_wait3A_236 = arith.constant 0 : i32
        %dma_wait3A_237 = tpu.memref_slice %arg10[%add3A_230, %dma_wait3A_236] : memref<10000x128xf32, #tpu.memory_space<vmem_shared>> -> memref<80x128xf32, #tpu.memory_space<vmem_shared>>
        %dma_wait3A_238 = arith.constant 0 : i32
        %dma_wait3A_239 = tpu.memref_slice %arg10[%add3A_230, %dma_wait3A_238] : memref<10000x128xf32, #tpu.memory_space<vmem_shared>> -> memref<80x128xf32, #tpu.memory_space<vmem_shared>>
        tpu.wait_dma2 semaphore(%run_scoped3A_231 : memref<!tpu.dma_semaphore, #tpu.memory_space<semaphore_mem>>) src(%arg8 : memref<80x128xf32, #tpu.memory_space<vmem>>) dst(%dma_wait3A_239 : memref<80x128xf32, #tpu.memory_space<vmem_shared>>)
        tpu.yield
      }) : () -> ()
    }
    %mul3A_33 = arith.constant 10000 : i32
    %mul3A_34 = arith.muli %add3A_7, %mul3A_33 : i32
    %dma_wait3A = tpu.memref_slice %arg3[%mul3A_34] : memref<640000xi32, #tpu.memory_space<hbm>> -> memref<10000xi32, #tpu.memory_space<hbm>>
    %dma_wait3A_35 = tpu.memref_slice %arg3[%mul3A_34] : memref<640000xi32, #tpu.memory_space<hbm>> -> memref<10000xi32, #tpu.memory_space<hbm>>
    tpu.wait_dma2 semaphore(%arg11 : memref<!tpu.dma_semaphore, #tpu.memory_space<semaphore_mem>>) src(%dma_wait3A_35 : memref<10000xi32, #tpu.memory_space<hbm>>) dst(%arg6 : memref<10000xi32, #tpu.memory_space<vmem>>)
    %dma_wait3A_36 = arith.constant 0 : i32
    %dma_wait3A_37 = arith.constant 0 : i32
    %dma_wait3A_38 = tpu.memref_slice %arg4[%add3A_7, %dma_wait3A_36, %dma_wait3A_37] : memref<64x125x80xi32, #tpu.memory_space<hbm>> -> memref<1x125x80xi32, #tpu.memory_space<hbm>>
    %dma_wait3A_39 = tpu.memref_squeeze %dma_wait3A_38 : memref<1x125x80xi32, #tpu.memory_space<hbm>> -> memref<125x80xi32, #tpu.memory_space<hbm>>
    %dma_wait3A_40 = arith.constant 0 : i32
    %dma_wait3A_41 = arith.constant 0 : i32
    %dma_wait3A_42 = tpu.memref_slice %arg4[%add3A_7, %dma_wait3A_40, %dma_wait3A_41] : memref<64x125x80xi32, #tpu.memory_space<hbm>> -> memref<1x125x80xi32, #tpu.memory_space<hbm>>
    %dma_wait3A_43 = tpu.memref_squeeze %dma_wait3A_42 : memref<1x125x80xi32, #tpu.memory_space<hbm>> -> memref<125x80xi32, #tpu.memory_space<hbm>>
    tpu.wait_dma2 semaphore(%arg12 : memref<!tpu.dma_semaphore, #tpu.memory_space<semaphore_mem>>) src(%dma_wait3A_43 : memref<125x80xi32, #tpu.memory_space<hbm>>) dst(%arg7 : memref<125x80xi32, #tpu.memory_space<vmem>>)
    %barrier3A = arith.constant 0 : index
    tpu.barrier barrier_id(%barrier3A)
    %dma_start3A_44 = arith.constant 0 : i32
    %dma_start3A_45 = tpu.memref_slice %arg6[%dma_start3A_44] : memref<10000xi32, #tpu.memory_space<vmem>> -> memref<80xi32, #tpu.memory_space<vmem>>
    %dma_start3A_46 = arith.constant 0 : i32
    %dma_start3A_47 = arith.constant 0 : i32
    %dma_start3A_48 = tpu.memref_slice %arg2[%dma_start3A_46, %dma_start3A_47] : memref<20000x128xf32, #tpu.memory_space<hbm>> -> memref<20000x128xf32, #tpu.memory_space<hbm>>
    tpu.enqueue_indirect_dma source(%dma_start3A_48 : memref<20000x128xf32, #tpu.memory_space<hbm>>) target(%arg8 : memref<80x128xf32, #tpu.memory_space<vmem>>) offsets(%dma_start3A_45 : memref<80xi32, #tpu.memory_space<vmem>>) semaphore(%arg11 : memref<!tpu.dma_semaphore, #tpu.memory_space<semaphore_mem>>)
    %scan3A_49 = arith.constant 0 : i32
    %scan3A_50 = arith.constant 0 : i32
    %scan3A_51 = arith.constant 62 : i32
    %scan3A_52 = arith.addi %scan3A_50, %scan3A_51 : i32
    %scan3A_53 = arith.constant 1 : i32
    scf.for %scan3A_225 = %scan3A_50 to %scan3A_52 step %scan3A_53  : i32 {
      %mul3A_226 = arith.constant 2 : i32
      %mul3A_227 = arith.muli %mul3A_226, %scan3A_225 : i32
      %add3A_228 = arith.constant 1 : i32
      %add3A_229 = arith.addi %mul3A_227, %add3A_228 : i32
      %mul3A_230 = arith.constant 80 : i32
      %mul3A_231 = arith.muli %mul3A_230, %add3A_229 : i32
      %dma_start3A_232 = tpu.memref_slice %arg6[%mul3A_231] : memref<10000xi32, #tpu.memory_space<vmem>> -> memref<80xi32, #tpu.memory_space<vmem>>
      %dma_start3A_233 = arith.constant 0 : i32
      %dma_start3A_234 = arith.constant 0 : i32
      %dma_start3A_235 = tpu.memref_slice %arg2[%dma_start3A_233, %dma_start3A_234] : memref<20000x128xf32, #tpu.memory_space<hbm>> -> memref<20000x128xf32, #tpu.memory_space<hbm>>
      tpu.enqueue_indirect_dma source(%dma_start3A_235 : memref<20000x128xf32, #tpu.memory_space<hbm>>) target(%arg9 : memref<80x128xf32, #tpu.memory_space<vmem>>) offsets(%dma_start3A_232 : memref<80xi32, #tpu.memory_space<vmem>>) semaphore(%arg12 : memref<!tpu.dma_semaphore, #tpu.memory_space<semaphore_mem>>)
      %mul3A_236 = arith.constant 80 : i32
      %mul3A_237 = arith.muli %mul3A_236, %mul3A_227 : i32
      %dma_wait3A_238 = tpu.memref_slice %arg6[%mul3A_237] : memref<10000xi32, #tpu.memory_space<vmem>> -> memref<80xi32, #tpu.memory_space<vmem>>
      %dma_wait3A_239 = arith.constant 0 : i32
      %dma_wait3A_240 = arith.constant 0 : i32
      %dma_wait3A_241 = tpu.memref_slice %arg2[%dma_wait3A_239, %dma_wait3A_240] : memref<20000x128xf32, #tpu.memory_space<hbm>> -> memref<20000x128xf32, #tpu.memory_space<hbm>>
      tpu.wait_indirect_dma semaphore(%arg11 : memref<!tpu.dma_semaphore, #tpu.memory_space<semaphore_mem>>) src(%dma_wait3A_241 : memref<20000x128xf32, #tpu.memory_space<hbm>>) dst(%arg8 : memref<80x128xf32, #tpu.memory_space<vmem>>)
      "tpu.region"() ({
        %run_scoped3A_260 = tpu.sem_alloc : memref<!tpu.dma_semaphore, #tpu.memory_space<semaphore_mem>>
        %dma_start3A_261 = arith.constant 0 : i32
        %dma_start3A_262 = tpu.memref_slice %arg7[%mul3A_227, %dma_start3A_261] : memref<125x80xi32, #tpu.memory_space<vmem>> -> memref<1x80xi32, #tpu.memory_space<vmem>>
        %dma_start3A_263 = tpu.memref_squeeze %dma_start3A_262 : memref<1x80xi32, #tpu.memory_space<vmem>> -> memref<80xi32, #tpu.memory_space<vmem>>
        %dma_start3A_264 = arith.constant 0 : i32
        %dma_start3A_265 = arith.constant 0 : i32
        %dma_start3A_266 = tpu.memref_slice %arg10[%dma_start3A_264, %dma_start3A_265] : memref<10000x128xf32, #tpu.memory_space<vmem_shared>> -> memref<10000x128xf32, #tpu.memory_space<vmem_shared>>
        tpu.enqueue_indirect_dma source(%arg8 : memref<80x128xf32, #tpu.memory_space<vmem>>) target(%dma_start3A_266 : memref<10000x128xf32, #tpu.memory_space<vmem_shared>>) offsets(%dma_start3A_263 : memref<80xi32, #tpu.memory_space<vmem>>) semaphore(%run_scoped3A_260 : memref<!tpu.dma_semaphore, #tpu.memory_space<semaphore_mem>>) {add = true}
        %dma_wait3A_267 = arith.constant 0 : i32
        %dma_wait3A_268 = tpu.memref_slice %arg7[%mul3A_227, %dma_wait3A_267] : memref<125x80xi32, #tpu.memory_space<vmem>> -> memref<1x80xi32, #tpu.memory_space<vmem>>
        %dma_wait3A_269 = tpu.memref_squeeze %dma_wait3A_268 : memref<1x80xi32, #tpu.memory_space<vmem>> -> memref<80xi32, #tpu.memory_space<vmem>>
        %dma_wait3A_270 = arith.constant 0 : i32
        %dma_wait3A_271 = arith.constant 0 : i32
        %dma_wait3A_272 = tpu.memref_slice %arg10[%dma_wait3A_270, %dma_wait3A_271] : memref<10000x128xf32, #tpu.memory_space<vmem_shared>> -> memref<10000x128xf32, #tpu.memory_space<vmem_shared>>
        tpu.wait_indirect_dma semaphore(%run_scoped3A_260 : memref<!tpu.dma_semaphore, #tpu.memory_space<semaphore_mem>>) src(%arg8 : memref<80x128xf32, #tpu.memory_space<vmem>>) dst(%dma_wait3A_272 : memref<10000x128xf32, #tpu.memory_space<vmem_shared>>)
        tpu.yield
      }) : () -> ()
      %add3A_242 = arith.constant 2 : i32
      %add3A_243 = arith.addi %mul3A_227, %add3A_242 : i32
      %mul3A_244 = arith.constant 80 : i32
      %mul3A_245 = arith.muli %mul3A_244, %add3A_243 : i32
      %dma_start3A_246 = tpu.memref_slice %arg6[%mul3A_245] : memref<10000xi32, #tpu.memory_space<vmem>> -> memref<80xi32, #tpu.memory_space<vmem>>
      %dma_start3A_247 = arith.constant 0 : i32
      %dma_start3A_248 = arith.constant 0 : i32
      %dma_start3A_249 = tpu.memref_slice %arg2[%dma_start3A_247, %dma_start3A_248] : memref<20000x128xf32, #tpu.memory_space<hbm>> -> memref<20000x128xf32, #tpu.memory_space<hbm>>
      tpu.enqueue_indirect_dma source(%dma_start3A_249 : memref<20000x128xf32, #tpu.memory_space<hbm>>) target(%arg8 : memref<80x128xf32, #tpu.memory_space<vmem>>) offsets(%dma_start3A_246 : memref<80xi32, #tpu.memory_space<vmem>>) semaphore(%arg11 : memref<!tpu.dma_semaphore, #tpu.memory_space<semaphore_mem>>)
      %add3A_250 = arith.constant 1 : i32
      %add3A_251 = arith.addi %mul3A_227, %add3A_250 : i32
      %mul3A_252 = arith.constant 80 : i32
      %mul3A_253 = arith.muli %mul3A_252, %add3A_251 : i32
      %dma_wait3A_254 = tpu.memref_slice %arg6[%mul3A_253] : memref<10000xi32, #tpu.memory_space<vmem>> -> memref<80xi32, #tpu.memory_space<vmem>>
      %dma_wait3A_255 = arith.constant 0 : i32
      %dma_wait3A_256 = arith.constant 0 : i32
      %dma_wait3A_257 = tpu.memref_slice %arg2[%dma_wait3A_255, %dma_wait3A_256] : memref<20000x128xf32, #tpu.memory_space<hbm>> -> memref<20000x128xf32, #tpu.memory_space<hbm>>
      tpu.wait_indirect_dma semaphore(%arg12 : memref<!tpu.dma_semaphore, #tpu.memory_space<semaphore_mem>>) src(%dma_wait3A_257 : memref<20000x128xf32, #tpu.memory_space<hbm>>) dst(%arg9 : memref<80x128xf32, #tpu.memory_space<vmem>>)
      %add3A_258 = arith.constant 1 : i32
      %add3A_259 = arith.addi %mul3A_227, %add3A_258 : i32
      "tpu.region"() ({
        %run_scoped3A_260 = tpu.sem_alloc : memref<!tpu.dma_semaphore, #tpu.memory_space<semaphore_mem>>
        %dma_start3A_261 = arith.constant 0 : i32
        %dma_start3A_262 = tpu.memref_slice %arg7[%add3A_259, %dma_start3A_261] : memref<125x80xi32, #tpu.memory_space<vmem>> -> memref<1x80xi32, #tpu.memory_space<vmem>>
        %dma_start3A_263 = tpu.memref_squeeze %dma_start3A_262 : memref<1x80xi32, #tpu.memory_space<vmem>> -> memref<80xi32, #tpu.memory_space<vmem>>
        %dma_start3A_264 = arith.constant 0 : i32
        %dma_start3A_265 = arith.constant 0 : i32
        %dma_start3A_266 = tpu.memref_slice %arg10[%dma_start3A_264, %dma_start3A_265] : memref<10000x128xf32, #tpu.memory_space<vmem_shared>> -> memref<10000x128xf32, #tpu.memory_space<vmem_shared>>
        tpu.enqueue_indirect_dma source(%arg9 : memref<80x128xf32, #tpu.memory_space<vmem>>) target(%dma_start3A_266 : memref<10000x128xf32, #tpu.memory_space<vmem_shared>>) offsets(%dma_start3A_263 : memref<80xi32, #tpu.memory_space<vmem>>) semaphore(%run_scoped3A_260 : memref<!tpu.dma_semaphore, #tpu.memory_space<semaphore_mem>>) {add = true}
        %dma_wait3A_267 = arith.constant 0 : i32
        %dma_wait3A_268 = tpu.memref_slice %arg7[%add3A_259, %dma_wait3A_267] : memref<125x80xi32, #tpu.memory_space<vmem>> -> memref<1x80xi32, #tpu.memory_space<vmem>>
        %dma_wait3A_269 = tpu.memref_squeeze %dma_wait3A_268 : memref<1x80xi32, #tpu.memory_space<vmem>> -> memref<80xi32, #tpu.memory_space<vmem>>
        %dma_wait3A_270 = arith.constant 0 : i32
        %dma_wait3A_271 = arith.constant 0 : i32
        %dma_wait3A_272 = tpu.memref_slice %arg10[%dma_wait3A_270, %dma_wait3A_271] : memref<10000x128xf32, #tpu.memory_space<vmem_shared>> -> memref<10000x128xf32, #tpu.memory_space<vmem_shared>>
        tpu.wait_indirect_dma semaphore(%run_scoped3A_260 : memref<!tpu.dma_semaphore, #tpu.memory_space<semaphore_mem>>) src(%arg9 : memref<80x128xf32, #tpu.memory_space<vmem>>) dst(%dma_wait3A_272 : memref<10000x128xf32, #tpu.memory_space<vmem_shared>>)
        tpu.yield
      }) : () -> ()
    }
    %scan3A_54 = arith.constant 62 : i32
    %dma_wait3A_55 = arith.constant 9920 : i32
    %dma_wait3A_56 = tpu.memref_slice %arg6[%dma_wait3A_55] : memref<10000xi32, #tpu.memory_space<vmem>> -> memref<80xi32, #tpu.memory_space<vmem>>
    %dma_wait3A_57 = arith.constant 0 : i32
    %dma_wait3A_58 = arith.constant 0 : i32
    %dma_wait3A_59 = tpu.memref_slice %arg2[%dma_wait3A_57, %dma_wait3A_58] : memref<20000x128xf32, #tpu.memory_space<hbm>> -> memref<20000x128xf32, #tpu.memory_space<hbm>>
    tpu.wait_indirect_dma semaphore(%arg11 : memref<!tpu.dma_semaphore, #tpu.memory_space<semaphore_mem>>) src(%dma_wait3A_59 : memref<20000x128xf32, #tpu.memory_space<hbm>>) dst(%arg8 : memref<80x128xf32, #tpu.memory_space<vmem>>)
    %run_scoped3A = arith.constant 124 : i32
    "tpu.region"() ({
      %run_scoped3A_225 = tpu.sem_alloc : memref<!tpu.dma_semaphore, #tpu.memory_space<semaphore_mem>>
      %dma_start3A_226 = arith.constant 0 : i32
      %dma_start3A_227 = tpu.memref_slice %arg7[%run_scoped3A, %dma_start3A_226] : memref<125x80xi32, #tpu.memory_space<vmem>> -> memref<1x80xi32, #tpu.memory_space<vmem>>
      %dma_start3A_228 = tpu.memref_squeeze %dma_start3A_227 : memref<1x80xi32, #tpu.memory_space<vmem>> -> memref<80xi32, #tpu.memory_space<vmem>>
      %dma_start3A_229 = arith.constant 0 : i32
      %dma_start3A_230 = arith.constant 0 : i32
      %dma_start3A_231 = tpu.memref_slice %arg10[%dma_start3A_229, %dma_start3A_230] : memref<10000x128xf32, #tpu.memory_space<vmem_shared>> -> memref<10000x128xf32, #tpu.memory_space<vmem_shared>>
      tpu.enqueue_indirect_dma source(%arg8 : memref<80x128xf32, #tpu.memory_space<vmem>>) target(%dma_start3A_231 : memref<10000x128xf32, #tpu.memory_space<vmem_shared>>) offsets(%dma_start3A_228 : memref<80xi32, #tpu.memory_space<vmem>>) semaphore(%run_scoped3A_225 : memref<!tpu.dma_semaphore, #tpu.memory_space<semaphore_mem>>) {add = true}
      %dma_wait3A_232 = arith.constant 0 : i32
      %dma_wait3A_233 = tpu.memref_slice %arg7[%run_scoped3A, %dma_wait3A_232] : memref<125x80xi32, #tpu.memory_space<vmem>> -> memref<1x80xi32, #tpu.memory_space<vmem>>
      %dma_wait3A_234 = tpu.memref_squeeze %dma_wait3A_233 : memref<1x80xi32, #tpu.memory_space<vmem>> -> memref<80xi32, #tpu.memory_space<vmem>>
      %dma_wait3A_235 = arith.constant 0 : i32
      %dma_wait3A_236 = arith.constant 0 : i32
      %dma_wait3A_237 = tpu.memref_slice %arg10[%dma_wait3A_235, %dma_wait3A_236] : memref<10000x128xf32, #tpu.memory_space<vmem_shared>> -> memref<10000x128xf32, #tpu.memory_space<vmem_shared>>
      tpu.wait_indirect_dma semaphore(%run_scoped3A_225 : memref<!tpu.dma_semaphore, #tpu.memory_space<semaphore_mem>>) src(%arg8 : memref<80x128xf32, #tpu.memory_space<vmem>>) dst(%dma_wait3A_237 : memref<10000x128xf32, #tpu.memory_space<vmem_shared>>)
      tpu.yield
    }) : () -> ()
    %barrier3A_60 = arith.constant 0 : index
    tpu.barrier barrier_id(%barrier3A_60)
    %add3A_61 = arith.constant 0 : i32
    %add3A_62 = arith.addi %add3A_61, %arg0 : i32
    %mul3A_63 = arith.constant 10000 : i32
    %mul3A_64 = arith.muli %add3A_62, %mul3A_63 : i32
    %gt3A = arith.constant 0 : i32
    %gt3A_65 = arith.cmpi sgt, %add3A_4, %gt3A : i32
    %convert_element_type3A = arith.extui %gt3A_65 : i1 to i32
    %cond3A = arith.constant 0 : i32
    %cond3A_66 = arith.cmpi ne, %convert_element_type3A, %cond3A : i32
    scf.if %cond3A_66 {
      %mul3A_225 = arith.constant 80 : i32
      %mul3A_226 = arith.muli %mul3A_225, %arg1 : i32
      %add3A_227 = arith.constant 0 : i32
      %add3A_228 = arith.addi %mul3A_226, %add3A_227 : i32
      "tpu.region"() ({
        %run_scoped3A_234 = tpu.sem_alloc : memref<!tpu.dma_semaphore, #tpu.memory_space<semaphore_mem>>
        %dma_start3A_235 = arith.constant 0 : i32
        %dma_start3A_236 = tpu.memref_slice %arg10[%add3A_228, %dma_start3A_235] : memref<10000x128xf32, #tpu.memory_space<vmem_shared>> -> memref<80x128xf32, #tpu.memory_space<vmem_shared>>
        %dma_start3A_237 = arith.constant 0 : i32
        %dma_start3A_238 = tpu.memref_slice %arg10[%add3A_228, %dma_start3A_237] : memref<10000x128xf32, #tpu.memory_space<vmem_shared>> -> memref<80x128xf32, #tpu.memory_space<vmem_shared>>
        tpu.enqueue_dma source(%dma_start3A_238 : memref<80x128xf32, #tpu.memory_space<vmem_shared>>) target(%arg8 : memref<80x128xf32, #tpu.memory_space<vmem>>) target_semaphore(%run_scoped3A_234 : memref<!tpu.dma_semaphore, #tpu.memory_space<semaphore_mem>>)
        %dma_wait3A_239 = arith.constant 0 : i32
        %dma_wait3A_240 = tpu.memref_slice %arg10[%add3A_228, %dma_wait3A_239] : memref<10000x128xf32, #tpu.memory_space<vmem_shared>> -> memref<80x128xf32, #tpu.memory_space<vmem_shared>>
        %dma_wait3A_241 = arith.constant 0 : i32
        %dma_wait3A_242 = tpu.memref_slice %arg10[%add3A_228, %dma_wait3A_241] : memref<10000x128xf32, #tpu.memory_space<vmem_shared>> -> memref<80x128xf32, #tpu.memory_space<vmem_shared>>
        tpu.wait_dma2 semaphore(%run_scoped3A_234 : memref<!tpu.dma_semaphore, #tpu.memory_space<semaphore_mem>>) src(%dma_wait3A_242 : memref<80x128xf32, #tpu.memory_space<vmem_shared>>) dst(%arg8 : memref<80x128xf32, #tpu.memory_space<vmem>>)
        tpu.yield
      }) : () -> ()
      %add3A_229 = arith.addi %mul3A_64, %add3A_228 : i32
      %dma_start3A_230 = arith.constant 0 : i32
      %dma_start3A_231 = tpu.memref_slice %arg5[%add3A_229, %dma_start3A_230] : memref<40000x128xf32, #tpu.memory_space<hbm>> -> memref<80x128xf32, #tpu.memory_space<hbm>>
      %dma_start3A_232 = arith.constant 0 : i32
      %dma_start3A_233 = tpu.memref_slice %arg5[%add3A_229, %dma_start3A_232] : memref<40000x128xf32, #tpu.memory_space<hbm>> -> memref<80x128xf32, #tpu.memory_space<hbm>>
      tpu.enqueue_dma source(%arg8 : memref<80x128xf32, #tpu.memory_space<vmem>>) target(%dma_start3A_233 : memref<80x128xf32, #tpu.memory_space<hbm>>) target_semaphore(%arg11 : memref<!tpu.dma_semaphore, #tpu.memory_space<semaphore_mem>>)
    } else {
    }
    %gt3A_67 = arith.constant 1 : i32
    %gt3A_68 = arith.cmpi sgt, %add3A_4, %gt3A_67 : i32
    %convert_element_type3A_69 = arith.extui %gt3A_68 : i1 to i32
    %cond3A_70 = arith.constant 0 : i32
    %cond3A_71 = arith.cmpi ne, %convert_element_type3A_69, %cond3A_70 : i32
    scf.if %cond3A_71 {
      %mul3A_225 = arith.constant 80 : i32
      %mul3A_226 = arith.muli %mul3A_225, %arg1 : i32
      %add3A_227 = arith.constant 1280 : i32
      %add3A_228 = arith.addi %mul3A_226, %add3A_227 : i32
      "tpu.region"() ({
        %run_scoped3A_234 = tpu.sem_alloc : memref<!tpu.dma_semaphore, #tpu.memory_space<semaphore_mem>>
        %dma_start3A_235 = arith.constant 0 : i32
        %dma_start3A_236 = tpu.memref_slice %arg10[%add3A_228, %dma_start3A_235] : memref<10000x128xf32, #tpu.memory_space<vmem_shared>> -> memref<80x128xf32, #tpu.memory_space<vmem_shared>>
        %dma_start3A_237 = arith.constant 0 : i32
        %dma_start3A_238 = tpu.memref_slice %arg10[%add3A_228, %dma_start3A_237] : memref<10000x128xf32, #tpu.memory_space<vmem_shared>> -> memref<80x128xf32, #tpu.memory_space<vmem_shared>>
        tpu.enqueue_dma source(%dma_start3A_238 : memref<80x128xf32, #tpu.memory_space<vmem_shared>>) target(%arg9 : memref<80x128xf32, #tpu.memory_space<vmem>>) target_semaphore(%run_scoped3A_234 : memref<!tpu.dma_semaphore, #tpu.memory_space<semaphore_mem>>)
        %dma_wait3A_239 = arith.constant 0 : i32
        %dma_wait3A_240 = tpu.memref_slice %arg10[%add3A_228, %dma_wait3A_239] : memref<10000x128xf32, #tpu.memory_space<vmem_shared>> -> memref<80x128xf32, #tpu.memory_space<vmem_shared>>
        %dma_wait3A_241 = arith.constant 0 : i32
        %dma_wait3A_242 = tpu.memref_slice %arg10[%add3A_228, %dma_wait3A_241] : memref<10000x128xf32, #tpu.memory_space<vmem_shared>> -> memref<80x128xf32, #tpu.memory_space<vmem_shared>>
        tpu.wait_dma2 semaphore(%run_scoped3A_234 : memref<!tpu.dma_semaphore, #tpu.memory_space<semaphore_mem>>) src(%dma_wait3A_242 : memref<80x128xf32, #tpu.memory_space<vmem_shared>>) dst(%arg9 : memref<80x128xf32, #tpu.memory_space<vmem>>)
        tpu.yield
      }) : () -> ()
      %add3A_229 = arith.addi %mul3A_64, %add3A_228 : i32
      %dma_start3A_230 = arith.constant 0 : i32
      %dma_start3A_231 = tpu.memref_slice %arg5[%add3A_229, %dma_start3A_230] : memref<40000x128xf32, #tpu.memory_space<hbm>> -> memref<80x128xf32, #tpu.memory_space<hbm>>
      %dma_start3A_232 = arith.constant 0 : i32
      %dma_start3A_233 = tpu.memref_slice %arg5[%add3A_229, %dma_start3A_232] : memref<40000x128xf32, #tpu.memory_space<hbm>> -> memref<80x128xf32, #tpu.memory_space<hbm>>
      tpu.enqueue_dma source(%arg9 : memref<80x128xf32, #tpu.memory_space<vmem>>) target(%dma_start3A_233 : memref<80x128xf32, #tpu.memory_space<hbm>>) target_semaphore(%arg12 : memref<!tpu.dma_semaphore, #tpu.memory_space<semaphore_mem>>)
    } else {
    }
    %gt3A_72 = arith.constant 2 : i32
    %gt3A_73 = arith.cmpi sgt, %add3A_4, %gt3A_72 : i32
    %convert_element_type3A_74 = arith.extui %gt3A_73 : i1 to i32
    %cond3A_75 = arith.constant 0 : i32
    %cond3A_76 = arith.cmpi ne, %convert_element_type3A_74, %cond3A_75 : i32
    scf.if %cond3A_76 {
      %mul3A_225 = arith.constant 80 : i32
      %mul3A_226 = arith.muli %mul3A_225, %arg1 : i32
      %add3A_227 = arith.constant 2560 : i32
      %add3A_228 = arith.addi %mul3A_226, %add3A_227 : i32
      %add3A_229 = arith.addi %mul3A_64, %add3A_228 : i32
      %sub3A = arith.constant 2560 : i32
      %sub3A_230 = arith.subi %add3A_229, %sub3A : i32
      %dma_wait3A_231 = arith.constant 0 : i32
      %dma_wait3A_232 = tpu.memref_slice %arg5[%sub3A_230, %dma_wait3A_231] : memref<40000x128xf32, #tpu.memory_space<hbm>> -> memref<80x128xf32, #tpu.memory_space<hbm>>
      %dma_wait3A_233 = arith.constant 0 : i32
      %dma_wait3A_234 = tpu.memref_slice %arg5[%sub3A_230, %dma_wait3A_233] : memref<40000x128xf32, #tpu.memory_space<hbm>> -> memref<80x128xf32, #tpu.memory_space<hbm>>
      tpu.wait_dma2 semaphore(%arg11 : memref<!tpu.dma_semaphore, #tpu.memory_space<semaphore_mem>>) src(%arg8 : memref<80x128xf32, #tpu.memory_space<vmem>>) dst(%dma_wait3A_234 : memref<80x128xf32, #tpu.memory_space<hbm>>)
      "tpu.region"() ({
        %run_scoped3A_240 = tpu.sem_alloc : memref<!tpu.dma_semaphore, #tpu.memory_space<semaphore_mem>>
        %dma_start3A_241 = arith.constant 0 : i32
        %dma_start3A_242 = tpu.memref_slice %arg10[%add3A_228, %dma_start3A_241] : memref<10000x128xf32, #tpu.memory_space<vmem_shared>> -> memref<80x128xf32, #tpu.memory_space<vmem_shared>>
        %dma_start3A_243 = arith.constant 0 : i32
        %dma_start3A_244 = tpu.memref_slice %arg10[%add3A_228, %dma_start3A_243] : memref<10000x128xf32, #tpu.memory_space<vmem_shared>> -> memref<80x128xf32, #tpu.memory_space<vmem_shared>>
        tpu.enqueue_dma source(%dma_start3A_244 : memref<80x128xf32, #tpu.memory_space<vmem_shared>>) target(%arg8 : memref<80x128xf32, #tpu.memory_space<vmem>>) target_semaphore(%run_scoped3A_240 : memref<!tpu.dma_semaphore, #tpu.memory_space<semaphore_mem>>)
        %dma_wait3A_245 = arith.constant 0 : i32
        %dma_wait3A_246 = tpu.memref_slice %arg10[%add3A_228, %dma_wait3A_245] : memref<10000x128xf32, #tpu.memory_space<vmem_shared>> -> memref<80x128xf32, #tpu.memory_space<vmem_shared>>
        %dma_wait3A_247 = arith.constant 0 : i32
        %dma_wait3A_248 = tpu.memref_slice %arg10[%add3A_228, %dma_wait3A_247] : memref<10000x128xf32, #tpu.memory_space<vmem_shared>> -> memref<80x128xf32, #tpu.memory_space<vmem_shared>>
        tpu.wait_dma2 semaphore(%run_scoped3A_240 : memref<!tpu.dma_semaphore, #tpu.memory_space<semaphore_mem>>) src(%dma_wait3A_248 : memref<80x128xf32, #tpu.memory_space<vmem_shared>>) dst(%arg8 : memref<80x128xf32, #tpu.memory_space<vmem>>)
        tpu.yield
      }) : () -> ()
      %add3A_235 = arith.addi %mul3A_64, %add3A_228 : i32
      %dma_start3A_236 = arith.constant 0 : i32
      %dma_start3A_237 = tpu.memref_slice %arg5[%add3A_235, %dma_start3A_236] : memref<40000x128xf32, #tpu.memory_space<hbm>> -> memref<80x128xf32, #tpu.memory_space<hbm>>
      %dma_start3A_238 = arith.constant 0 : i32
      %dma_start3A_239 = tpu.memref_slice %arg5[%add3A_235, %dma_start3A_238] : memref<40000x128xf32, #tpu.memory_space<hbm>> -> memref<80x128xf32, #tpu.memory_space<hbm>>
      tpu.enqueue_dma source(%arg8 : memref<80x128xf32, #tpu.memory_space<vmem>>) target(%dma_start3A_239 : memref<80x128xf32, #tpu.memory_space<hbm>>) target_semaphore(%arg11 : memref<!tpu.dma_semaphore, #tpu.memory_space<semaphore_mem>>)
    } else {
    }
    %gt3A_77 = arith.constant 3 : i32
    %gt3A_78 = arith.cmpi sgt, %add3A_4, %gt3A_77 : i32
    %convert_element_type3A_79 = arith.extui %gt3A_78 : i1 to i32
    %cond3A_80 = arith.constant 0 : i32
    %cond3A_81 = arith.cmpi ne, %convert_element_type3A_79, %cond3A_80 : i32
    scf.if %cond3A_81 {
      %mul3A_225 = arith.constant 80 : i32
      %mul3A_226 = arith.muli %mul3A_225, %arg1 : i32
      %add3A_227 = arith.constant 3840 : i32
      %add3A_228 = arith.addi %mul3A_226, %add3A_227 : i32
      %add3A_229 = arith.addi %mul3A_64, %add3A_228 : i32
      %sub3A = arith.constant 2560 : i32
      %sub3A_230 = arith.subi %add3A_229, %sub3A : i32
      %dma_wait3A_231 = arith.constant 0 : i32
      %dma_wait3A_232 = tpu.memref_slice %arg5[%sub3A_230, %dma_wait3A_231] : memref<40000x128xf32, #tpu.memory_space<hbm>> -> memref<80x128xf32, #tpu.memory_space<hbm>>
      %dma_wait3A_233 = arith.constant 0 : i32
      %dma_wait3A_234 = tpu.memref_slice %arg5[%sub3A_230, %dma_wait3A_233] : memref<40000x128xf32, #tpu.memory_space<hbm>> -> memref<80x128xf32, #tpu.memory_space<hbm>>
      tpu.wait_dma2 semaphore(%arg12 : memref<!tpu.dma_semaphore, #tpu.memory_space<semaphore_mem>>) src(%arg9 : memref<80x128xf32, #tpu.memory_space<vmem>>) dst(%dma_wait3A_234 : memref<80x128xf32, #tpu.memory_space<hbm>>)
      "tpu.region"() ({
        %run_scoped3A_240 = tpu.sem_alloc : memref<!tpu.dma_semaphore, #tpu.memory_space<semaphore_mem>>
        %dma_start3A_241 = arith.constant 0 : i32
        %dma_start3A_242 = tpu.memref_slice %arg10[%add3A_228, %dma_start3A_241] : memref<10000x128xf32, #tpu.memory_space<vmem_shared>> -> memref<80x128xf32, #tpu.memory_space<vmem_shared>>
        %dma_start3A_243 = arith.constant 0 : i32
        %dma_start3A_244 = tpu.memref_slice %arg10[%add3A_228, %dma_start3A_243] : memref<10000x128xf32, #tpu.memory_space<vmem_shared>> -> memref<80x128xf32, #tpu.memory_space<vmem_shared>>
        tpu.enqueue_dma source(%dma_start3A_244 : memref<80x128xf32, #tpu.memory_space<vmem_shared>>) target(%arg9 : memref<80x128xf32, #tpu.memory_space<vmem>>) target_semaphore(%run_scoped3A_240 : memref<!tpu.dma_semaphore, #tpu.memory_space<semaphore_mem>>)
        %dma_wait3A_245 = arith.constant 0 : i32
        %dma_wait3A_246 = tpu.memref_slice %arg10[%add3A_228, %dma_wait3A_245] : memref<10000x128xf32, #tpu.memory_space<vmem_shared>> -> memref<80x128xf32, #tpu.memory_space<vmem_shared>>
        %dma_wait3A_247 = arith.constant 0 : i32
        %dma_wait3A_248 = tpu.memref_slice %arg10[%add3A_228, %dma_wait3A_247] : memref<10000x128xf32, #tpu.memory_space<vmem_shared>> -> memref<80x128xf32, #tpu.memory_space<vmem_shared>>
        tpu.wait_dma2 semaphore(%run_scoped3A_240 : memref<!tpu.dma_semaphore, #tpu.memory_space<semaphore_mem>>) src(%dma_wait3A_248 : memref<80x128xf32, #tpu.memory_space<vmem_shared>>) dst(%arg9 : memref<80x128xf32, #tpu.memory_space<vmem>>)
        tpu.yield
      }) : () -> ()
      %add3A_235 = arith.addi %mul3A_64, %add3A_228 : i32
      %dma_start3A_236 = arith.constant 0 : i32
      %dma_start3A_237 = tpu.memref_slice %arg5[%add3A_235, %dma_start3A_236] : memref<40000x128xf32, #tpu.memory_space<hbm>> -> memref<80x128xf32, #tpu.memory_space<hbm>>
      %dma_start3A_238 = arith.constant 0 : i32
      %dma_start3A_239 = tpu.memref_slice %arg5[%add3A_235, %dma_start3A_238] : memref<40000x128xf32, #tpu.memory_space<hbm>> -> memref<80x128xf32, #tpu.memory_space<hbm>>
      tpu.enqueue_dma source(%arg9 : memref<80x128xf32, #tpu.memory_space<vmem>>) target(%dma_start3A_239 : memref<80x128xf32, #tpu.memory_space<hbm>>) target_semaphore(%arg12 : memref<!tpu.dma_semaphore, #tpu.memory_space<semaphore_mem>>)
    } else {
    }
    %gt3A_82 = arith.constant 4 : i32
    %gt3A_83 = arith.cmpi sgt, %add3A_4, %gt3A_82 : i32
    %convert_element_type3A_84 = arith.extui %gt3A_83 : i1 to i32
    %cond3A_85 = arith.constant 0 : i32
    %cond3A_86 = arith.cmpi ne, %convert_element_type3A_84, %cond3A_85 : i32
    scf.if %cond3A_86 {
      %mul3A_225 = arith.constant 80 : i32
      %mul3A_226 = arith.muli %mul3A_225, %arg1 : i32
      %add3A_227 = arith.constant 5120 : i32
      %add3A_228 = arith.addi %mul3A_226, %add3A_227 : i32
      %add3A_229 = arith.addi %mul3A_64, %add3A_228 : i32
      %sub3A = arith.constant 2560 : i32
      %sub3A_230 = arith.subi %add3A_229, %sub3A : i32
      %dma_wait3A_231 = arith.constant 0 : i32
      %dma_wait3A_232 = tpu.memref_slice %arg5[%sub3A_230, %dma_wait3A_231] : memref<40000x128xf32, #tpu.memory_space<hbm>> -> memref<80x128xf32, #tpu.memory_space<hbm>>
      %dma_wait3A_233 = arith.constant 0 : i32
      %dma_wait3A_234 = tpu.memref_slice %arg5[%sub3A_230, %dma_wait3A_233] : memref<40000x128xf32, #tpu.memory_space<hbm>> -> memref<80x128xf32, #tpu.memory_space<hbm>>
      tpu.wait_dma2 semaphore(%arg11 : memref<!tpu.dma_semaphore, #tpu.memory_space<semaphore_mem>>) src(%arg8 : memref<80x128xf32, #tpu.memory_space<vmem>>) dst(%dma_wait3A_234 : memref<80x128xf32, #tpu.memory_space<hbm>>)
      "tpu.region"() ({
        %run_scoped3A_240 = tpu.sem_alloc : memref<!tpu.dma_semaphore, #tpu.memory_space<semaphore_mem>>
        %dma_start3A_241 = arith.constant 0 : i32
        %dma_start3A_242 = tpu.memref_slice %arg10[%add3A_228, %dma_start3A_241] : memref<10000x128xf32, #tpu.memory_space<vmem_shared>> -> memref<80x128xf32, #tpu.memory_space<vmem_shared>>
        %dma_start3A_243 = arith.constant 0 : i32
        %dma_start3A_244 = tpu.memref_slice %arg10[%add3A_228, %dma_start3A_243] : memref<10000x128xf32, #tpu.memory_space<vmem_shared>> -> memref<80x128xf32, #tpu.memory_space<vmem_shared>>
        tpu.enqueue_dma source(%dma_start3A_244 : memref<80x128xf32, #tpu.memory_space<vmem_shared>>) target(%arg8 : memref<80x128xf32, #tpu.memory_space<vmem>>) target_semaphore(%run_scoped3A_240 : memref<!tpu.dma_semaphore, #tpu.memory_space<semaphore_mem>>)
        %dma_wait3A_245 = arith.constant 0 : i32
        %dma_wait3A_246 = tpu.memref_slice %arg10[%add3A_228, %dma_wait3A_245] : memref<10000x128xf32, #tpu.memory_space<vmem_shared>> -> memref<80x128xf32, #tpu.memory_space<vmem_shared>>
        %dma_wait3A_247 = arith.constant 0 : i32
        %dma_wait3A_248 = tpu.memref_slice %arg10[%add3A_228, %dma_wait3A_247] : memref<10000x128xf32, #tpu.memory_space<vmem_shared>> -> memref<80x128xf32, #tpu.memory_space<vmem_shared>>
        tpu.wait_dma2 semaphore(%run_scoped3A_240 : memref<!tpu.dma_semaphore, #tpu.memory_space<semaphore_mem>>) src(%dma_wait3A_248 : memref<80x128xf32, #tpu.memory_space<vmem_shared>>) dst(%arg8 : memref<80x128xf32, #tpu.memory_space<vmem>>)
        tpu.yield
      }) : () -> ()
      %add3A_235 = arith.addi %mul3A_64, %add3A_228 : i32
      %dma_start3A_236 = arith.constant 0 : i32
      %dma_start3A_237 = tpu.memref_slice %arg5[%add3A_235, %dma_start3A_236] : memref<40000x128xf32, #tpu.memory_space<hbm>> -> memref<80x128xf32, #tpu.memory_space<hbm>>
      %dma_start3A_238 = arith.constant 0 : i32
      %dma_start3A_239 = tpu.memref_slice %arg5[%add3A_235, %dma_start3A_238] : memref<40000x128xf32, #tpu.memory_space<hbm>> -> memref<80x128xf32, #tpu.memory_space<hbm>>
      tpu.enqueue_dma source(%arg8 : memref<80x128xf32, #tpu.memory_space<vmem>>) target(%dma_start3A_239 : memref<80x128xf32, #tpu.memory_space<hbm>>) target_semaphore(%arg11 : memref<!tpu.dma_semaphore, #tpu.memory_space<semaphore_mem>>)
    } else {
    }
    %gt3A_87 = arith.constant 5 : i32
    %gt3A_88 = arith.cmpi sgt, %add3A_4, %gt3A_87 : i32
    %convert_element_type3A_89 = arith.extui %gt3A_88 : i1 to i32
    %cond3A_90 = arith.constant 0 : i32
    %cond3A_91 = arith.cmpi ne, %convert_element_type3A_89, %cond3A_90 : i32
    scf.if %cond3A_91 {
      %mul3A_225 = arith.constant 80 : i32
      %mul3A_226 = arith.muli %mul3A_225, %arg1 : i32
      %add3A_227 = arith.constant 6400 : i32
      %add3A_228 = arith.addi %mul3A_226, %add3A_227 : i32
      %add3A_229 = arith.addi %mul3A_64, %add3A_228 : i32
      %sub3A = arith.constant 2560 : i32
      %sub3A_230 = arith.subi %add3A_229, %sub3A : i32
      %dma_wait3A_231 = arith.constant 0 : i32
      %dma_wait3A_232 = tpu.memref_slice %arg5[%sub3A_230, %dma_wait3A_231] : memref<40000x128xf32, #tpu.memory_space<hbm>> -> memref<80x128xf32, #tpu.memory_space<hbm>>
      %dma_wait3A_233 = arith.constant 0 : i32
      %dma_wait3A_234 = tpu.memref_slice %arg5[%sub3A_230, %dma_wait3A_233] : memref<40000x128xf32, #tpu.memory_space<hbm>> -> memref<80x128xf32, #tpu.memory_space<hbm>>
      tpu.wait_dma2 semaphore(%arg12 : memref<!tpu.dma_semaphore, #tpu.memory_space<semaphore_mem>>) src(%arg9 : memref<80x128xf32, #tpu.memory_space<vmem>>) dst(%dma_wait3A_234 : memref<80x128xf32, #tpu.memory_space<hbm>>)
      "tpu.region"() ({
        %run_scoped3A_240 = tpu.sem_alloc : memref<!tpu.dma_semaphore, #tpu.memory_space<semaphore_mem>>
        %dma_start3A_241 = arith.constant 0 : i32
        %dma_start3A_242 = tpu.memref_slice %arg10[%add3A_228, %dma_start3A_241] : memref<10000x128xf32, #tpu.memory_space<vmem_shared>> -> memref<80x128xf32, #tpu.memory_space<vmem_shared>>
        %dma_start3A_243 = arith.constant 0 : i32
        %dma_start3A_244 = tpu.memref_slice %arg10[%add3A_228, %dma_start3A_243] : memref<10000x128xf32, #tpu.memory_space<vmem_shared>> -> memref<80x128xf32, #tpu.memory_space<vmem_shared>>
        tpu.enqueue_dma source(%dma_start3A_244 : memref<80x128xf32, #tpu.memory_space<vmem_shared>>) target(%arg9 : memref<80x128xf32, #tpu.memory_space<vmem>>) target_semaphore(%run_scoped3A_240 : memref<!tpu.dma_semaphore, #tpu.memory_space<semaphore_mem>>)
        %dma_wait3A_245 = arith.constant 0 : i32
        %dma_wait3A_246 = tpu.memref_slice %arg10[%add3A_228, %dma_wait3A_245] : memref<10000x128xf32, #tpu.memory_space<vmem_shared>> -> memref<80x128xf32, #tpu.memory_space<vmem_shared>>
        %dma_wait3A_247 = arith.constant 0 : i32
        %dma_wait3A_248 = tpu.memref_slice %arg10[%add3A_228, %dma_wait3A_247] : memref<10000x128xf32, #tpu.memory_space<vmem_shared>> -> memref<80x128xf32, #tpu.memory_space<vmem_shared>>
        tpu.wait_dma2 semaphore(%run_scoped3A_240 : memref<!tpu.dma_semaphore, #tpu.memory_space<semaphore_mem>>) src(%dma_wait3A_248 : memref<80x128xf32, #tpu.memory_space<vmem_shared>>) dst(%arg9 : memref<80x128xf32, #tpu.memory_space<vmem>>)
        tpu.yield
      }) : () -> ()
      %add3A_235 = arith.addi %mul3A_64, %add3A_228 : i32
      %dma_start3A_236 = arith.constant 0 : i32
      %dma_start3A_237 = tpu.memref_slice %arg5[%add3A_235, %dma_start3A_236] : memref<40000x128xf32, #tpu.memory_space<hbm>> -> memref<80x128xf32, #tpu.memory_space<hbm>>
      %dma_start3A_238 = arith.constant 0 : i32
      %dma_start3A_239 = tpu.memref_slice %arg5[%add3A_235, %dma_start3A_238] : memref<40000x128xf32, #tpu.memory_space<hbm>> -> memref<80x128xf32, #tpu.memory_space<hbm>>
      tpu.enqueue_dma source(%arg9 : memref<80x128xf32, #tpu.memory_space<vmem>>) target(%dma_start3A_239 : memref<80x128xf32, #tpu.memory_space<hbm>>) target_semaphore(%arg12 : memref<!tpu.dma_semaphore, #tpu.memory_space<semaphore_mem>>)
    } else {
    }
    %gt3A_92 = arith.constant 6 : i32
    %gt3A_93 = arith.cmpi sgt, %add3A_4, %gt3A_92 : i32
    %convert_element_type3A_94 = arith.extui %gt3A_93 : i1 to i32
    %cond3A_95 = arith.constant 0 : i32
    %cond3A_96 = arith.cmpi ne, %convert_element_type3A_94, %cond3A_95 : i32
    scf.if %cond3A_96 {
      %mul3A_225 = arith.constant 80 : i32
      %mul3A_226 = arith.muli %mul3A_225, %arg1 : i32
      %add3A_227 = arith.constant 7680 : i32
      %add3A_228 = arith.addi %mul3A_226, %add3A_227 : i32
      %add3A_229 = arith.addi %mul3A_64, %add3A_228 : i32
      %sub3A = arith.constant 2560 : i32
      %sub3A_230 = arith.subi %add3A_229, %sub3A : i32
      %dma_wait3A_231 = arith.constant 0 : i32
      %dma_wait3A_232 = tpu.memref_slice %arg5[%sub3A_230, %dma_wait3A_231] : memref<40000x128xf32, #tpu.memory_space<hbm>> -> memref<80x128xf32, #tpu.memory_space<hbm>>
      %dma_wait3A_233 = arith.constant 0 : i32
      %dma_wait3A_234 = tpu.memref_slice %arg5[%sub3A_230, %dma_wait3A_233] : memref<40000x128xf32, #tpu.memory_space<hbm>> -> memref<80x128xf32, #tpu.memory_space<hbm>>
      tpu.wait_dma2 semaphore(%arg11 : memref<!tpu.dma_semaphore, #tpu.memory_space<semaphore_mem>>) src(%arg8 : memref<80x128xf32, #tpu.memory_space<vmem>>) dst(%dma_wait3A_234 : memref<80x128xf32, #tpu.memory_space<hbm>>)
      "tpu.region"() ({
        %run_scoped3A_240 = tpu.sem_alloc : memref<!tpu.dma_semaphore, #tpu.memory_space<semaphore_mem>>
        %dma_start3A_241 = arith.constant 0 : i32
        %dma_start3A_242 = tpu.memref_slice %arg10[%add3A_228, %dma_start3A_241] : memref<10000x128xf32, #tpu.memory_space<vmem_shared>> -> memref<80x128xf32, #tpu.memory_space<vmem_shared>>
        %dma_start3A_243 = arith.constant 0 : i32
        %dma_start3A_244 = tpu.memref_slice %arg10[%add3A_228, %dma_start3A_243] : memref<10000x128xf32, #tpu.memory_space<vmem_shared>> -> memref<80x128xf32, #tpu.memory_space<vmem_shared>>
        tpu.enqueue_dma source(%dma_start3A_244 : memref<80x128xf32, #tpu.memory_space<vmem_shared>>) target(%arg8 : memref<80x128xf32, #tpu.memory_space<vmem>>) target_semaphore(%run_scoped3A_240 : memref<!tpu.dma_semaphore, #tpu.memory_space<semaphore_mem>>)
        %dma_wait3A_245 = arith.constant 0 : i32
        %dma_wait3A_246 = tpu.memref_slice %arg10[%add3A_228, %dma_wait3A_245] : memref<10000x128xf32, #tpu.memory_space<vmem_shared>> -> memref<80x128xf32, #tpu.memory_space<vmem_shared>>
        %dma_wait3A_247 = arith.constant 0 : i32
        %dma_wait3A_248 = tpu.memref_slice %arg10[%add3A_228, %dma_wait3A_247] : memref<10000x128xf32, #tpu.memory_space<vmem_shared>> -> memref<80x128xf32, #tpu.memory_space<vmem_shared>>
        tpu.wait_dma2 semaphore(%run_scoped3A_240 : memref<!tpu.dma_semaphore, #tpu.memory_space<semaphore_mem>>) src(%dma_wait3A_248 : memref<80x128xf32, #tpu.memory_space<vmem_shared>>) dst(%arg8 : memref<80x128xf32, #tpu.memory_space<vmem>>)
        tpu.yield
      }) : () -> ()
      %add3A_235 = arith.addi %mul3A_64, %add3A_228 : i32
      %dma_start3A_236 = arith.constant 0 : i32
      %dma_start3A_237 = tpu.memref_slice %arg5[%add3A_235, %dma_start3A_236] : memref<40000x128xf32, #tpu.memory_space<hbm>> -> memref<80x128xf32, #tpu.memory_space<hbm>>
      %dma_start3A_238 = arith.constant 0 : i32
      %dma_start3A_239 = tpu.memref_slice %arg5[%add3A_235, %dma_start3A_238] : memref<40000x128xf32, #tpu.memory_space<hbm>> -> memref<80x128xf32, #tpu.memory_space<hbm>>
      tpu.enqueue_dma source(%arg8 : memref<80x128xf32, #tpu.memory_space<vmem>>) target(%dma_start3A_239 : memref<80x128xf32, #tpu.memory_space<hbm>>) target_semaphore(%arg11 : memref<!tpu.dma_semaphore, #tpu.memory_space<semaphore_mem>>)
    } else {
    }
    %gt3A_97 = arith.constant 7 : i32
    %gt3A_98 = arith.cmpi sgt, %add3A_4, %gt3A_97 : i32
    %convert_element_type3A_99 = arith.extui %gt3A_98 : i1 to i32
    %cond3A_100 = arith.constant 0 : i32
    %cond3A_101 = arith.cmpi ne, %convert_element_type3A_99, %cond3A_100 : i32
    scf.if %cond3A_101 {
      %mul3A_225 = arith.constant 80 : i32
      %mul3A_226 = arith.muli %mul3A_225, %arg1 : i32
      %add3A_227 = arith.constant 8960 : i32
      %add3A_228 = arith.addi %mul3A_226, %add3A_227 : i32
      %add3A_229 = arith.addi %mul3A_64, %add3A_228 : i32
      %sub3A = arith.constant 2560 : i32
      %sub3A_230 = arith.subi %add3A_229, %sub3A : i32
      %dma_wait3A_231 = arith.constant 0 : i32
      %dma_wait3A_232 = tpu.memref_slice %arg5[%sub3A_230, %dma_wait3A_231] : memref<40000x128xf32, #tpu.memory_space<hbm>> -> memref<80x128xf32, #tpu.memory_space<hbm>>
      %dma_wait3A_233 = arith.constant 0 : i32
      %dma_wait3A_234 = tpu.memref_slice %arg5[%sub3A_230, %dma_wait3A_233] : memref<40000x128xf32, #tpu.memory_space<hbm>> -> memref<80x128xf32, #tpu.memory_space<hbm>>
      tpu.wait_dma2 semaphore(%arg12 : memref<!tpu.dma_semaphore, #tpu.memory_space<semaphore_mem>>) src(%arg9 : memref<80x128xf32, #tpu.memory_space<vmem>>) dst(%dma_wait3A_234 : memref<80x128xf32, #tpu.memory_space<hbm>>)
      "tpu.region"() ({
        %run_scoped3A_240 = tpu.sem_alloc : memref<!tpu.dma_semaphore, #tpu.memory_space<semaphore_mem>>
        %dma_start3A_241 = arith.constant 0 : i32
        %dma_start3A_242 = tpu.memref_slice %arg10[%add3A_228, %dma_start3A_241] : memref<10000x128xf32, #tpu.memory_space<vmem_shared>> -> memref<80x128xf32, #tpu.memory_space<vmem_shared>>
        %dma_start3A_243 = arith.constant 0 : i32
        %dma_start3A_244 = tpu.memref_slice %arg10[%add3A_228, %dma_start3A_243] : memref<10000x128xf32, #tpu.memory_space<vmem_shared>> -> memref<80x128xf32, #tpu.memory_space<vmem_shared>>
        tpu.enqueue_dma source(%dma_start3A_244 : memref<80x128xf32, #tpu.memory_space<vmem_shared>>) target(%arg9 : memref<80x128xf32, #tpu.memory_space<vmem>>) target_semaphore(%run_scoped3A_240 : memref<!tpu.dma_semaphore, #tpu.memory_space<semaphore_mem>>)
        %dma_wait3A_245 = arith.constant 0 : i32
        %dma_wait3A_246 = tpu.memref_slice %arg10[%add3A_228, %dma_wait3A_245] : memref<10000x128xf32, #tpu.memory_space<vmem_shared>> -> memref<80x128xf32, #tpu.memory_space<vmem_shared>>
        %dma_wait3A_247 = arith.constant 0 : i32
        %dma_wait3A_248 = tpu.memref_slice %arg10[%add3A_228, %dma_wait3A_247] : memref<10000x128xf32, #tpu.memory_space<vmem_shared>> -> memref<80x128xf32, #tpu.memory_space<vmem_shared>>
        tpu.wait_dma2 semaphore(%run_scoped3A_240 : memref<!tpu.dma_semaphore, #tpu.memory_space<semaphore_mem>>) src(%dma_wait3A_248 : memref<80x128xf32, #tpu.memory_space<vmem_shared>>) dst(%arg9 : memref<80x128xf32, #tpu.memory_space<vmem>>)
        tpu.yield
      }) : () -> ()
      %add3A_235 = arith.addi %mul3A_64, %add3A_228 : i32
      %dma_start3A_236 = arith.constant 0 : i32
      %dma_start3A_237 = tpu.memref_slice %arg5[%add3A_235, %dma_start3A_236] : memref<40000x128xf32, #tpu.memory_space<hbm>> -> memref<80x128xf32, #tpu.memory_space<hbm>>
      %dma_start3A_238 = arith.constant 0 : i32
      %dma_start3A_239 = tpu.memref_slice %arg5[%add3A_235, %dma_start3A_238] : memref<40000x128xf32, #tpu.memory_space<hbm>> -> memref<80x128xf32, #tpu.memory_space<hbm>>
      tpu.enqueue_dma source(%arg9 : memref<80x128xf32, #tpu.memory_space<vmem>>) target(%dma_start3A_239 : memref<80x128xf32, #tpu.memory_space<hbm>>) target_semaphore(%arg12 : memref<!tpu.dma_semaphore, #tpu.memory_space<semaphore_mem>>)
    } else {
    }
    %dma_wait3A_102 = arith.constant 0 : i32
    %dma_wait3A_103 = tpu.memref_slice %arg5[%mul3A_64, %dma_wait3A_102] : memref<40000x128xf32, #tpu.memory_space<hbm>> -> memref<80x128xf32, #tpu.memory_space<hbm>>
    %dma_wait3A_104 = arith.constant 0 : i32
    %dma_wait3A_105 = tpu.memref_slice %arg5[%mul3A_64, %dma_wait3A_104] : memref<40000x128xf32, #tpu.memory_space<hbm>> -> memref<80x128xf32, #tpu.memory_space<hbm>>
    tpu.wait_dma2 semaphore(%arg11 : memref<!tpu.dma_semaphore, #tpu.memory_space<semaphore_mem>>) src(%arg8 : memref<80x128xf32, #tpu.memory_space<vmem>>) dst(%dma_wait3A_105 : memref<80x128xf32, #tpu.memory_space<hbm>>)
    %dma_wait3A_106 = arith.constant 0 : i32
    %dma_wait3A_107 = tpu.memref_slice %arg5[%mul3A_64, %dma_wait3A_106] : memref<40000x128xf32, #tpu.memory_space<hbm>> -> memref<80x128xf32, #tpu.memory_space<hbm>>
    %dma_wait3A_108 = arith.constant 0 : i32
    %dma_wait3A_109 = tpu.memref_slice %arg5[%mul3A_64, %dma_wait3A_108] : memref<40000x128xf32, #tpu.memory_space<hbm>> -> memref<80x128xf32, #tpu.memory_space<hbm>>
    tpu.wait_dma2 semaphore(%arg12 : memref<!tpu.dma_semaphore, #tpu.memory_space<semaphore_mem>>) src(%arg9 : memref<80x128xf32, #tpu.memory_space<vmem>>) dst(%dma_wait3A_109 : memref<80x128xf32, #tpu.memory_space<hbm>>)
    %barrier3A_110 = arith.constant 0 : index
    tpu.barrier barrier_id(%barrier3A_110)
    %add3A_111 = arith.constant 32 : i32
    %add3A_112 = arith.addi %add3A_111, %add3A : i32
    %mul3A_113 = arith.constant 10000 : i32
    %mul3A_114 = arith.muli %add3A_112, %mul3A_113 : i32
    %dma_start3A_115 = tpu.memref_slice %arg3[%mul3A_114] : memref<640000xi32, #tpu.memory_space<hbm>> -> memref<10000xi32, #tpu.memory_space<hbm>>
    %dma_start3A_116 = tpu.memref_slice %arg3[%mul3A_114] : memref<640000xi32, #tpu.memory_space<hbm>> -> memref<10000xi32, #tpu.memory_space<hbm>>
    tpu.enqueue_dma source(%dma_start3A_116 : memref<10000xi32, #tpu.memory_space<hbm>>) target(%arg6 : memref<10000xi32, #tpu.memory_space<vmem>>) target_semaphore(%arg11 : memref<!tpu.dma_semaphore, #tpu.memory_space<semaphore_mem>>)
    %dma_start3A_117 = arith.constant 0 : i32
    %dma_start3A_118 = arith.constant 0 : i32
    %dma_start3A_119 = tpu.memref_slice %arg4[%add3A_112, %dma_start3A_117, %dma_start3A_118] : memref<64x125x80xi32, #tpu.memory_space<hbm>> -> memref<1x125x80xi32, #tpu.memory_space<hbm>>
    %dma_start3A_120 = tpu.memref_squeeze %dma_start3A_119 : memref<1x125x80xi32, #tpu.memory_space<hbm>> -> memref<125x80xi32, #tpu.memory_space<hbm>>
    %dma_start3A_121 = arith.constant 0 : i32
    %dma_start3A_122 = arith.constant 0 : i32
    %dma_start3A_123 = tpu.memref_slice %arg4[%add3A_112, %dma_start3A_121, %dma_start3A_122] : memref<64x125x80xi32, #tpu.memory_space<hbm>> -> memref<1x125x80xi32, #tpu.memory_space<hbm>>
    %dma_start3A_124 = tpu.memref_squeeze %dma_start3A_123 : memref<1x125x80xi32, #tpu.memory_space<hbm>> -> memref<125x80xi32, #tpu.memory_space<hbm>>
    tpu.enqueue_dma source(%dma_start3A_124 : memref<125x80xi32, #tpu.memory_space<hbm>>) target(%arg7 : memref<125x80xi32, #tpu.memory_space<vmem>>) target_semaphore(%arg12 : memref<!tpu.dma_semaphore, #tpu.memory_space<semaphore_mem>>)
    %scan3A_125 = arith.constant 0 : i32
    %scan3A_126 = arith.constant 0 : i32
    %scan3A_127 = arith.constant 640 : i32
    %scan3A_128 = arith.addi %scan3A_126, %scan3A_127 : i32
    %scan3A_129 = arith.constant 1 : i32
    scf.for %scan3A_225 = %scan3A_126 to %scan3A_128 step %scan3A_129  : i32 {
      %div3A = arith.constant 8 : i32
      %div3A_226 = arith.divsi %scan3A_225, %div3A : i32
      %rem3A = arith.constant 8 : i32
      %rem3A_227 = arith.remsi %scan3A_225, %rem3A : i32
      %mul3A_228 = arith.constant 16 : i32
      %mul3A_229 = arith.muli %rem3A_227, %mul3A_228 : i32
      %swap3A = arith.index_cast %div3A_226 : i32 to index
      %swap3A_230 = arith.index_cast %mul3A_229 : i32 to index
      %swap3A_231 = tpu.vector_load %arg8[%swap3A, %swap3A_230] {strides = array<i32>} : memref<80x128xf32, #tpu.memory_space<vmem>>, vector<16xf32>,
      tpu.vector_store %arg8[%swap3A, %swap3A_230], %broadcast_in_dim3A_5 {strides = array<i32>} : memref<80x128xf32, #tpu.memory_space<vmem>>, vector<16xf32>,
    }
    %scan3A_130 = arith.constant 640 : i32
    %while3A_131 = arith.constant 0 : i32
    %while3A_132 = arith.constant 0 : i32
    %while3A_133 = arith.subi %add3A_4, %while3A_132 : i32
    %while3A_134 = arith.addi %while3A_132, %while3A_133 : i32
    %while3A_135 = arith.constant 1 : i32
    %while3A_136 = arith.divsi %while3A_133, %while3A_135 : i32
    %while3A_137 = arith.muli %while3A_136, %while3A_135 : i32
    %while3A_138 = arith.addi %while3A_132, %while3A_137 : i32
    %while3A_139 = arith.constant 1 : i32
    scf.for %while3A_225 = %while3A_132 to %while3A_138 step %while3A_139  : i32 {
      %mul3A_226 = arith.constant 80 : i32
      %mul3A_227 = arith.muli %mul3A_226, %arg1 : i32
      %mul3A_228 = arith.constant 1280 : i32
      %mul3A_229 = arith.muli %mul3A_228, %while3A_225 : i32
      %add3A_230 = arith.addi %mul3A_227, %mul3A_229 : i32
      "tpu.region"() ({
        %run_scoped3A_231 = tpu.sem_alloc : memref<!tpu.dma_semaphore, #tpu.memory_space<semaphore_mem>>
        %dma_start3A_232 = arith.constant 0 : i32
        %dma_start3A_233 = tpu.memref_slice %arg10[%add3A_230, %dma_start3A_232] : memref<10000x128xf32, #tpu.memory_space<vmem_shared>> -> memref<80x128xf32, #tpu.memory_space<vmem_shared>>
        %dma_start3A_234 = arith.constant 0 : i32
        %dma_start3A_235 = tpu.memref_slice %arg10[%add3A_230, %dma_start3A_234] : memref<10000x128xf32, #tpu.memory_space<vmem_shared>> -> memref<80x128xf32, #tpu.memory_space<vmem_shared>>
        tpu.enqueue_dma source(%arg8 : memref<80x128xf32, #tpu.memory_space<vmem>>) target(%dma_start3A_235 : memref<80x128xf32, #tpu.memory_space<vmem_shared>>) target_semaphore(%run_scoped3A_231 : memref<!tpu.dma_semaphore, #tpu.memory_space<semaphore_mem>>)
        %dma_wait3A_236 = arith.constant 0 : i32
        %dma_wait3A_237 = tpu.memref_slice %arg10[%add3A_230, %dma_wait3A_236] : memref<10000x128xf32, #tpu.memory_space<vmem_shared>> -> memref<80x128xf32, #tpu.memory_space<vmem_shared>>
        %dma_wait3A_238 = arith.constant 0 : i32
        %dma_wait3A_239 = tpu.memref_slice %arg10[%add3A_230, %dma_wait3A_238] : memref<10000x128xf32, #tpu.memory_space<vmem_shared>> -> memref<80x128xf32, #tpu.memory_space<vmem_shared>>
        tpu.wait_dma2 semaphore(%run_scoped3A_231 : memref<!tpu.dma_semaphore, #tpu.memory_space<semaphore_mem>>) src(%arg8 : memref<80x128xf32, #tpu.memory_space<vmem>>) dst(%dma_wait3A_239 : memref<80x128xf32, #tpu.memory_space<vmem_shared>>)
        tpu.yield
      }) : () -> ()
    }
    %while3A_140 = arith.constant 1 : i32
    scf.for %while3A_225 = %while3A_138 to %while3A_134 step %while3A_140  : i32 {
      %mul3A_226 = arith.constant 80 : i32
      %mul3A_227 = arith.muli %mul3A_226, %arg1 : i32
      %mul3A_228 = arith.constant 1280 : i32
      %mul3A_229 = arith.muli %mul3A_228, %while3A_225 : i32
      %add3A_230 = arith.addi %mul3A_227, %mul3A_229 : i32
      "tpu.region"() ({
        %run_scoped3A_231 = tpu.sem_alloc : memref<!tpu.dma_semaphore, #tpu.memory_space<semaphore_mem>>
        %dma_start3A_232 = arith.constant 0 : i32
        %dma_start3A_233 = tpu.memref_slice %arg10[%add3A_230, %dma_start3A_232] : memref<10000x128xf32, #tpu.memory_space<vmem_shared>> -> memref<80x128xf32, #tpu.memory_space<vmem_shared>>
        %dma_start3A_234 = arith.constant 0 : i32
        %dma_start3A_235 = tpu.memref_slice %arg10[%add3A_230, %dma_start3A_234] : memref<10000x128xf32, #tpu.memory_space<vmem_shared>> -> memref<80x128xf32, #tpu.memory_space<vmem_shared>>
        tpu.enqueue_dma source(%arg8 : memref<80x128xf32, #tpu.memory_space<vmem>>) target(%dma_start3A_235 : memref<80x128xf32, #tpu.memory_space<vmem_shared>>) target_semaphore(%run_scoped3A_231 : memref<!tpu.dma_semaphore, #tpu.memory_space<semaphore_mem>>)
        %dma_wait3A_236 = arith.constant 0 : i32
        %dma_wait3A_237 = tpu.memref_slice %arg10[%add3A_230, %dma_wait3A_236] : memref<10000x128xf32, #tpu.memory_space<vmem_shared>> -> memref<80x128xf32, #tpu.memory_space<vmem_shared>>
        %dma_wait3A_238 = arith.constant 0 : i32
        %dma_wait3A_239 = tpu.memref_slice %arg10[%add3A_230, %dma_wait3A_238] : memref<10000x128xf32, #tpu.memory_space<vmem_shared>> -> memref<80x128xf32, #tpu.memory_space<vmem_shared>>
        tpu.wait_dma2 semaphore(%run_scoped3A_231 : memref<!tpu.dma_semaphore, #tpu.memory_space<semaphore_mem>>) src(%arg8 : memref<80x128xf32, #tpu.memory_space<vmem>>) dst(%dma_wait3A_239 : memref<80x128xf32, #tpu.memory_space<vmem_shared>>)
        tpu.yield
      }) : () -> ()
    }
    %mul3A_141 = arith.constant 10000 : i32
    %mul3A_142 = arith.muli %add3A_112, %mul3A_141 : i32
    %dma_wait3A_143 = tpu.memref_slice %arg3[%mul3A_142] : memref<640000xi32, #tpu.memory_space<hbm>> -> memref<10000xi32, #tpu.memory_space<hbm>>
    %dma_wait3A_144 = tpu.memref_slice %arg3[%mul3A_142] : memref<640000xi32, #tpu.memory_space<hbm>> -> memref<10000xi32, #tpu.memory_space<hbm>>
    tpu.wait_dma2 semaphore(%arg11 : memref<!tpu.dma_semaphore, #tpu.memory_space<semaphore_mem>>) src(%dma_wait3A_144 : memref<10000xi32, #tpu.memory_space<hbm>>) dst(%arg6 : memref<10000xi32, #tpu.memory_space<vmem>>)
    %dma_wait3A_145 = arith.constant 0 : i32
    %dma_wait3A_146 = arith.constant 0 : i32
    %dma_wait3A_147 = tpu.memref_slice %arg4[%add3A_112, %dma_wait3A_145, %dma_wait3A_146] : memref<64x125x80xi32, #tpu.memory_space<hbm>> -> memref<1x125x80xi32, #tpu.memory_space<hbm>>
    %dma_wait3A_148 = tpu.memref_squeeze %dma_wait3A_147 : memref<1x125x80xi32, #tpu.memory_space<hbm>> -> memref<125x80xi32, #tpu.memory_space<hbm>>
    %dma_wait3A_149 = arith.constant 0 : i32
    %dma_wait3A_150 = arith.constant 0 : i32
    %dma_wait3A_151 = tpu.memref_slice %arg4[%add3A_112, %dma_wait3A_149, %dma_wait3A_150] : memref<64x125x80xi32, #tpu.memory_space<hbm>> -> memref<1x125x80xi32, #tpu.memory_space<hbm>>
    %dma_wait3A_152 = tpu.memref_squeeze %dma_wait3A_151 : memref<1x125x80xi32, #tpu.memory_space<hbm>> -> memref<125x80xi32, #tpu.memory_space<hbm>>
    tpu.wait_dma2 semaphore(%arg12 : memref<!tpu.dma_semaphore, #tpu.memory_space<semaphore_mem>>) src(%dma_wait3A_152 : memref<125x80xi32, #tpu.memory_space<hbm>>) dst(%arg7 : memref<125x80xi32, #tpu.memory_space<vmem>>)
    %barrier3A_153 = arith.constant 0 : index
    tpu.barrier barrier_id(%barrier3A_153)
    %dma_start3A_154 = arith.constant 0 : i32
    %dma_start3A_155 = tpu.memref_slice %arg6[%dma_start3A_154] : memref<10000xi32, #tpu.memory_space<vmem>> -> memref<80xi32, #tpu.memory_space<vmem>>
    %dma_start3A_156 = arith.constant 0 : i32
    %dma_start3A_157 = arith.constant 0 : i32
    %dma_start3A_158 = tpu.memref_slice %arg2[%dma_start3A_156, %dma_start3A_157] : memref<20000x128xf32, #tpu.memory_space<hbm>> -> memref<20000x128xf32, #tpu.memory_space<hbm>>
    tpu.enqueue_indirect_dma source(%dma_start3A_158 : memref<20000x128xf32, #tpu.memory_space<hbm>>) target(%arg8 : memref<80x128xf32, #tpu.memory_space<vmem>>) offsets(%dma_start3A_155 : memref<80xi32, #tpu.memory_space<vmem>>) semaphore(%arg11 : memref<!tpu.dma_semaphore, #tpu.memory_space<semaphore_mem>>)
    %scan3A_159 = arith.constant 0 : i32
    %scan3A_160 = arith.constant 0 : i32
    %scan3A_161 = arith.constant 62 : i32
    %scan3A_162 = arith.addi %scan3A_160, %scan3A_161 : i32
    %scan3A_163 = arith.constant 1 : i32
    scf.for %scan3A_225 = %scan3A_160 to %scan3A_162 step %scan3A_163  : i32 {
      %mul3A_226 = arith.constant 2 : i32
      %mul3A_227 = arith.muli %mul3A_226, %scan3A_225 : i32
      %add3A_228 = arith.constant 1 : i32
      %add3A_229 = arith.addi %mul3A_227, %add3A_228 : i32
      %mul3A_230 = arith.constant 80 : i32
      %mul3A_231 = arith.muli %mul3A_230, %add3A_229 : i32
      %dma_start3A_232 = tpu.memref_slice %arg6[%mul3A_231] : memref<10000xi32, #tpu.memory_space<vmem>> -> memref<80xi32, #tpu.memory_space<vmem>>
      %dma_start3A_233 = arith.constant 0 : i32
      %dma_start3A_234 = arith.constant 0 : i32
      %dma_start3A_235 = tpu.memref_slice %arg2[%dma_start3A_233, %dma_start3A_234] : memref<20000x128xf32, #tpu.memory_space<hbm>> -> memref<20000x128xf32, #tpu.memory_space<hbm>>
      tpu.enqueue_indirect_dma source(%dma_start3A_235 : memref<20000x128xf32, #tpu.memory_space<hbm>>) target(%arg9 : memref<80x128xf32, #tpu.memory_space<vmem>>) offsets(%dma_start3A_232 : memref<80xi32, #tpu.memory_space<vmem>>) semaphore(%arg12 : memref<!tpu.dma_semaphore, #tpu.memory_space<semaphore_mem>>)
      %mul3A_236 = arith.constant 80 : i32
      %mul3A_237 = arith.muli %mul3A_236, %mul3A_227 : i32
      %dma_wait3A_238 = tpu.memref_slice %arg6[%mul3A_237] : memref<10000xi32, #tpu.memory_space<vmem>> -> memref<80xi32, #tpu.memory_space<vmem>>
      %dma_wait3A_239 = arith.constant 0 : i32
      %dma_wait3A_240 = arith.constant 0 : i32
      %dma_wait3A_241 = tpu.memref_slice %arg2[%dma_wait3A_239, %dma_wait3A_240] : memref<20000x128xf32, #tpu.memory_space<hbm>> -> memref<20000x128xf32, #tpu.memory_space<hbm>>
      tpu.wait_indirect_dma semaphore(%arg11 : memref<!tpu.dma_semaphore, #tpu.memory_space<semaphore_mem>>) src(%dma_wait3A_241 : memref<20000x128xf32, #tpu.memory_space<hbm>>) dst(%arg8 : memref<80x128xf32, #tpu.memory_space<vmem>>)
      "tpu.region"() ({
        %run_scoped3A_260 = tpu.sem_alloc : memref<!tpu.dma_semaphore, #tpu.memory_space<semaphore_mem>>
        %dma_start3A_261 = arith.constant 0 : i32
        %dma_start3A_262 = tpu.memref_slice %arg7[%mul3A_227, %dma_start3A_261] : memref<125x80xi32, #tpu.memory_space<vmem>> -> memref<1x80xi32, #tpu.memory_space<vmem>>
        %dma_start3A_263 = tpu.memref_squeeze %dma_start3A_262 : memref<1x80xi32, #tpu.memory_space<vmem>> -> memref<80xi32, #tpu.memory_space<vmem>>
        %dma_start3A_264 = arith.constant 0 : i32
        %dma_start3A_265 = arith.constant 0 : i32
        %dma_start3A_266 = tpu.memref_slice %arg10[%dma_start3A_264, %dma_start3A_265] : memref<10000x128xf32, #tpu.memory_space<vmem_shared>> -> memref<10000x128xf32, #tpu.memory_space<vmem_shared>>
        tpu.enqueue_indirect_dma source(%arg8 : memref<80x128xf32, #tpu.memory_space<vmem>>) target(%dma_start3A_266 : memref<10000x128xf32, #tpu.memory_space<vmem_shared>>) offsets(%dma_start3A_263 : memref<80xi32, #tpu.memory_space<vmem>>) semaphore(%run_scoped3A_260 : memref<!tpu.dma_semaphore, #tpu.memory_space<semaphore_mem>>) {add = true}
        %dma_wait3A_267 = arith.constant 0 : i32
        %dma_wait3A_268 = tpu.memref_slice %arg7[%mul3A_227, %dma_wait3A_267] : memref<125x80xi32, #tpu.memory_space<vmem>> -> memref<1x80xi32, #tpu.memory_space<vmem>>
        %dma_wait3A_269 = tpu.memref_squeeze %dma_wait3A_268 : memref<1x80xi32, #tpu.memory_space<vmem>> -> memref<80xi32, #tpu.memory_space<vmem>>
        %dma_wait3A_270 = arith.constant 0 : i32
        %dma_wait3A_271 = arith.constant 0 : i32
        %dma_wait3A_272 = tpu.memref_slice %arg10[%dma_wait3A_270, %dma_wait3A_271] : memref<10000x128xf32, #tpu.memory_space<vmem_shared>> -> memref<10000x128xf32, #tpu.memory_space<vmem_shared>>
        tpu.wait_indirect_dma semaphore(%run_scoped3A_260 : memref<!tpu.dma_semaphore, #tpu.memory_space<semaphore_mem>>) src(%arg8 : memref<80x128xf32, #tpu.memory_space<vmem>>) dst(%dma_wait3A_272 : memref<10000x128xf32, #tpu.memory_space<vmem_shared>>)
        tpu.yield
      }) : () -> ()
      %add3A_242 = arith.constant 2 : i32
      %add3A_243 = arith.addi %mul3A_227, %add3A_242 : i32
      %mul3A_244 = arith.constant 80 : i32
      %mul3A_245 = arith.muli %mul3A_244, %add3A_243 : i32
      %dma_start3A_246 = tpu.memref_slice %arg6[%mul3A_245] : memref<10000xi32, #tpu.memory_space<vmem>> -> memref<80xi32, #tpu.memory_space<vmem>>
      %dma_start3A_247 = arith.constant 0 : i32
      %dma_start3A_248 = arith.constant 0 : i32
      %dma_start3A_249 = tpu.memref_slice %arg2[%dma_start3A_247, %dma_start3A_248] : memref<20000x128xf32, #tpu.memory_space<hbm>> -> memref<20000x128xf32, #tpu.memory_space<hbm>>
      tpu.enqueue_indirect_dma source(%dma_start3A_249 : memref<20000x128xf32, #tpu.memory_space<hbm>>) target(%arg8 : memref<80x128xf32, #tpu.memory_space<vmem>>) offsets(%dma_start3A_246 : memref<80xi32, #tpu.memory_space<vmem>>) semaphore(%arg11 : memref<!tpu.dma_semaphore, #tpu.memory_space<semaphore_mem>>)
      %add3A_250 = arith.constant 1 : i32
      %add3A_251 = arith.addi %mul3A_227, %add3A_250 : i32
      %mul3A_252 = arith.constant 80 : i32
      %mul3A_253 = arith.muli %mul3A_252, %add3A_251 : i32
      %dma_wait3A_254 = tpu.memref_slice %arg6[%mul3A_253] : memref<10000xi32, #tpu.memory_space<vmem>> -> memref<80xi32, #tpu.memory_space<vmem>>
      %dma_wait3A_255 = arith.constant 0 : i32
      %dma_wait3A_256 = arith.constant 0 : i32
      %dma_wait3A_257 = tpu.memref_slice %arg2[%dma_wait3A_255, %dma_wait3A_256] : memref<20000x128xf32, #tpu.memory_space<hbm>> -> memref<20000x128xf32, #tpu.memory_space<hbm>>
      tpu.wait_indirect_dma semaphore(%arg12 : memref<!tpu.dma_semaphore, #tpu.memory_space<semaphore_mem>>) src(%dma_wait3A_257 : memref<20000x128xf32, #tpu.memory_space<hbm>>) dst(%arg9 : memref<80x128xf32, #tpu.memory_space<vmem>>)
      %add3A_258 = arith.constant 1 : i32
      %add3A_259 = arith.addi %mul3A_227, %add3A_258 : i32
      "tpu.region"() ({
        %run_scoped3A_260 = tpu.sem_alloc : memref<!tpu.dma_semaphore, #tpu.memory_space<semaphore_mem>>
        %dma_start3A_261 = arith.constant 0 : i32
        %dma_start3A_262 = tpu.memref_slice %arg7[%add3A_259, %dma_start3A_261] : memref<125x80xi32, #tpu.memory_space<vmem>> -> memref<1x80xi32, #tpu.memory_space<vmem>>
        %dma_start3A_263 = tpu.memref_squeeze %dma_start3A_262 : memref<1x80xi32, #tpu.memory_space<vmem>> -> memref<80xi32, #tpu.memory_space<vmem>>
        %dma_start3A_264 = arith.constant 0 : i32
        %dma_start3A_265 = arith.constant 0 : i32
        %dma_start3A_266 = tpu.memref_slice %arg10[%dma_start3A_264, %dma_start3A_265] : memref<10000x128xf32, #tpu.memory_space<vmem_shared>> -> memref<10000x128xf32, #tpu.memory_space<vmem_shared>>
        tpu.enqueue_indirect_dma source(%arg9 : memref<80x128xf32, #tpu.memory_space<vmem>>) target(%dma_start3A_266 : memref<10000x128xf32, #tpu.memory_space<vmem_shared>>) offsets(%dma_start3A_263 : memref<80xi32, #tpu.memory_space<vmem>>) semaphore(%run_scoped3A_260 : memref<!tpu.dma_semaphore, #tpu.memory_space<semaphore_mem>>) {add = true}
        %dma_wait3A_267 = arith.constant 0 : i32
        %dma_wait3A_268 = tpu.memref_slice %arg7[%add3A_259, %dma_wait3A_267] : memref<125x80xi32, #tpu.memory_space<vmem>> -> memref<1x80xi32, #tpu.memory_space<vmem>>
        %dma_wait3A_269 = tpu.memref_squeeze %dma_wait3A_268 : memref<1x80xi32, #tpu.memory_space<vmem>> -> memref<80xi32, #tpu.memory_space<vmem>>
        %dma_wait3A_270 = arith.constant 0 : i32
        %dma_wait3A_271 = arith.constant 0 : i32
        %dma_wait3A_272 = tpu.memref_slice %arg10[%dma_wait3A_270, %dma_wait3A_271] : memref<10000x128xf32, #tpu.memory_space<vmem_shared>> -> memref<10000x128xf32, #tpu.memory_space<vmem_shared>>
        tpu.wait_indirect_dma semaphore(%run_scoped3A_260 : memref<!tpu.dma_semaphore, #tpu.memory_space<semaphore_mem>>) src(%arg9 : memref<80x128xf32, #tpu.memory_space<vmem>>) dst(%dma_wait3A_272 : memref<10000x128xf32, #tpu.memory_space<vmem_shared>>)
        tpu.yield
      }) : () -> ()
    }
    %scan3A_164 = arith.constant 62 : i32
    %dma_wait3A_165 = arith.constant 9920 : i32
    %dma_wait3A_166 = tpu.memref_slice %arg6[%dma_wait3A_165] : memref<10000xi32, #tpu.memory_space<vmem>> -> memref<80xi32, #tpu.memory_space<vmem>>
    %dma_wait3A_167 = arith.constant 0 : i32
    %dma_wait3A_168 = arith.constant 0 : i32
    %dma_wait3A_169 = tpu.memref_slice %arg2[%dma_wait3A_167, %dma_wait3A_168] : memref<20000x128xf32, #tpu.memory_space<hbm>> -> memref<20000x128xf32, #tpu.memory_space<hbm>>
    tpu.wait_indirect_dma semaphore(%arg11 : memref<!tpu.dma_semaphore, #tpu.memory_space<semaphore_mem>>) src(%dma_wait3A_169 : memref<20000x128xf32, #tpu.memory_space<hbm>>) dst(%arg8 : memref<80x128xf32, #tpu.memory_space<vmem>>)
    %run_scoped3A_170 = arith.constant 124 : i32
    "tpu.region"() ({
      %run_scoped3A_225 = tpu.sem_alloc : memref<!tpu.dma_semaphore, #tpu.memory_space<semaphore_mem>>
      %dma_start3A_226 = arith.constant 0 : i32
      %dma_start3A_227 = tpu.memref_slice %arg7[%run_scoped3A_170, %dma_start3A_226] : memref<125x80xi32, #tpu.memory_space<vmem>> -> memref<1x80xi32, #tpu.memory_space<vmem>>
      %dma_start3A_228 = tpu.memref_squeeze %dma_start3A_227 : memref<1x80xi32, #tpu.memory_space<vmem>> -> memref<80xi32, #tpu.memory_space<vmem>>
      %dma_start3A_229 = arith.constant 0 : i32
      %dma_start3A_230 = arith.constant 0 : i32
      %dma_start3A_231 = tpu.memref_slice %arg10[%dma_start3A_229, %dma_start3A_230] : memref<10000x128xf32, #tpu.memory_space<vmem_shared>> -> memref<10000x128xf32, #tpu.memory_space<vmem_shared>>
      tpu.enqueue_indirect_dma source(%arg8 : memref<80x128xf32, #tpu.memory_space<vmem>>) target(%dma_start3A_231 : memref<10000x128xf32, #tpu.memory_space<vmem_shared>>) offsets(%dma_start3A_228 : memref<80xi32, #tpu.memory_space<vmem>>) semaphore(%run_scoped3A_225 : memref<!tpu.dma_semaphore, #tpu.memory_space<semaphore_mem>>) {add = true}
      %dma_wait3A_232 = arith.constant 0 : i32
      %dma_wait3A_233 = tpu.memref_slice %arg7[%run_scoped3A_170, %dma_wait3A_232] : memref<125x80xi32, #tpu.memory_space<vmem>> -> memref<1x80xi32, #tpu.memory_space<vmem>>
      %dma_wait3A_234 = tpu.memref_squeeze %dma_wait3A_233 : memref<1x80xi32, #tpu.memory_space<vmem>> -> memref<80xi32, #tpu.memory_space<vmem>>
      %dma_wait3A_235 = arith.constant 0 : i32
      %dma_wait3A_236 = arith.constant 0 : i32
      %dma_wait3A_237 = tpu.memref_slice %arg10[%dma_wait3A_235, %dma_wait3A_236] : memref<10000x128xf32, #tpu.memory_space<vmem_shared>> -> memref<10000x128xf32, #tpu.memory_space<vmem_shared>>
      tpu.wait_indirect_dma semaphore(%run_scoped3A_225 : memref<!tpu.dma_semaphore, #tpu.memory_space<semaphore_mem>>) src(%arg8 : memref<80x128xf32, #tpu.memory_space<vmem>>) dst(%dma_wait3A_237 : memref<10000x128xf32, #tpu.memory_space<vmem_shared>>)
      tpu.yield
    }) : () -> ()
    %barrier3A_171 = arith.constant 0 : index
    tpu.barrier barrier_id(%barrier3A_171)
    %add3A_172 = arith.constant 2 : i32
    %add3A_173 = arith.addi %add3A_172, %arg0 : i32
    %mul3A_174 = arith.constant 10000 : i32
    %mul3A_175 = arith.muli %add3A_173, %mul3A_174 : i32
    %gt3A_176 = arith.constant 0 : i32
    %gt3A_177 = arith.cmpi sgt, %add3A_4, %gt3A_176 : i32
    %convert_element_type3A_178 = arith.extui %gt3A_177 : i1 to i32
    %cond3A_179 = arith.constant 0 : i32
    %cond3A_180 = arith.cmpi ne, %convert_element_type3A_178, %cond3A_179 : i32
    scf.if %cond3A_180 {
      %mul3A_225 = arith.constant 80 : i32
      %mul3A_226 = arith.muli %mul3A_225, %arg1 : i32
      %add3A_227 = arith.constant 0 : i32
      %add3A_228 = arith.addi %mul3A_226, %add3A_227 : i32
      "tpu.region"() ({
        %run_scoped3A_234 = tpu.sem_alloc : memref<!tpu.dma_semaphore, #tpu.memory_space<semaphore_mem>>
        %dma_start3A_235 = arith.constant 0 : i32
        %dma_start3A_236 = tpu.memref_slice %arg10[%add3A_228, %dma_start3A_235] : memref<10000x128xf32, #tpu.memory_space<vmem_shared>> -> memref<80x128xf32, #tpu.memory_space<vmem_shared>>
        %dma_start3A_237 = arith.constant 0 : i32
        %dma_start3A_238 = tpu.memref_slice %arg10[%add3A_228, %dma_start3A_237] : memref<10000x128xf32, #tpu.memory_space<vmem_shared>> -> memref<80x128xf32, #tpu.memory_space<vmem_shared>>
        tpu.enqueue_dma source(%dma_start3A_238 : memref<80x128xf32, #tpu.memory_space<vmem_shared>>) target(%arg8 : memref<80x128xf32, #tpu.memory_space<vmem>>) target_semaphore(%run_scoped3A_234 : memref<!tpu.dma_semaphore, #tpu.memory_space<semaphore_mem>>)
        %dma_wait3A_239 = arith.constant 0 : i32
        %dma_wait3A_240 = tpu.memref_slice %arg10[%add3A_228, %dma_wait3A_239] : memref<10000x128xf32, #tpu.memory_space<vmem_shared>> -> memref<80x128xf32, #tpu.memory_space<vmem_shared>>
        %dma_wait3A_241 = arith.constant 0 : i32
        %dma_wait3A_242 = tpu.memref_slice %arg10[%add3A_228, %dma_wait3A_241] : memref<10000x128xf32, #tpu.memory_space<vmem_shared>> -> memref<80x128xf32, #tpu.memory_space<vmem_shared>>
        tpu.wait_dma2 semaphore(%run_scoped3A_234 : memref<!tpu.dma_semaphore, #tpu.memory_space<semaphore_mem>>) src(%dma_wait3A_242 : memref<80x128xf32, #tpu.memory_space<vmem_shared>>) dst(%arg8 : memref<80x128xf32, #tpu.memory_space<vmem>>)
        tpu.yield
      }) : () -> ()
      %add3A_229 = arith.addi %mul3A_175, %add3A_228 : i32
      %dma_start3A_230 = arith.constant 0 : i32
      %dma_start3A_231 = tpu.memref_slice %arg5[%add3A_229, %dma_start3A_230] : memref<40000x128xf32, #tpu.memory_space<hbm>> -> memref<80x128xf32, #tpu.memory_space<hbm>>
      %dma_start3A_232 = arith.constant 0 : i32
      %dma_start3A_233 = tpu.memref_slice %arg5[%add3A_229, %dma_start3A_232] : memref<40000x128xf32, #tpu.memory_space<hbm>> -> memref<80x128xf32, #tpu.memory_space<hbm>>
      tpu.enqueue_dma source(%arg8 : memref<80x128xf32, #tpu.memory_space<vmem>>) target(%dma_start3A_233 : memref<80x128xf32, #tpu.memory_space<hbm>>) target_semaphore(%arg11 : memref<!tpu.dma_semaphore, #tpu.memory_space<semaphore_mem>>)
    } else {
    }
    %gt3A_181 = arith.constant 1 : i32
    %gt3A_182 = arith.cmpi sgt, %add3A_4, %gt3A_181 : i32
    %convert_element_type3A_183 = arith.extui %gt3A_182 : i1 to i32
    %cond3A_184 = arith.constant 0 : i32
    %cond3A_185 = arith.cmpi ne, %convert_element_type3A_183, %cond3A_184 : i32
    scf.if %cond3A_185 {
      %mul3A_225 = arith.constant 80 : i32
      %mul3A_226 = arith.muli %mul3A_225, %arg1 : i32
      %add3A_227 = arith.constant 1280 : i32
      %add3A_228 = arith.addi %mul3A_226, %add3A_227 : i32
      "tpu.region"() ({
        %run_scoped3A_234 = tpu.sem_alloc : memref<!tpu.dma_semaphore, #tpu.memory_space<semaphore_mem>>
        %dma_start3A_235 = arith.constant 0 : i32
        %dma_start3A_236 = tpu.memref_slice %arg10[%add3A_228, %dma_start3A_235] : memref<10000x128xf32, #tpu.memory_space<vmem_shared>> -> memref<80x128xf32, #tpu.memory_space<vmem_shared>>
        %dma_start3A_237 = arith.constant 0 : i32
        %dma_start3A_238 = tpu.memref_slice %arg10[%add3A_228, %dma_start3A_237] : memref<10000x128xf32, #tpu.memory_space<vmem_shared>> -> memref<80x128xf32, #tpu.memory_space<vmem_shared>>
        tpu.enqueue_dma source(%dma_start3A_238 : memref<80x128xf32, #tpu.memory_space<vmem_shared>>) target(%arg9 : memref<80x128xf32, #tpu.memory_space<vmem>>) target_semaphore(%run_scoped3A_234 : memref<!tpu.dma_semaphore, #tpu.memory_space<semaphore_mem>>)
        %dma_wait3A_239 = arith.constant 0 : i32
        %dma_wait3A_240 = tpu.memref_slice %arg10[%add3A_228, %dma_wait3A_239] : memref<10000x128xf32, #tpu.memory_space<vmem_shared>> -> memref<80x128xf32, #tpu.memory_space<vmem_shared>>
        %dma_wait3A_241 = arith.constant 0 : i32
        %dma_wait3A_242 = tpu.memref_slice %arg10[%add3A_228, %dma_wait3A_241] : memref<10000x128xf32, #tpu.memory_space<vmem_shared>> -> memref<80x128xf32, #tpu.memory_space<vmem_shared>>
        tpu.wait_dma2 semaphore(%run_scoped3A_234 : memref<!tpu.dma_semaphore, #tpu.memory_space<semaphore_mem>>) src(%dma_wait3A_242 : memref<80x128xf32, #tpu.memory_space<vmem_shared>>) dst(%arg9 : memref<80x128xf32, #tpu.memory_space<vmem>>)
        tpu.yield
      }) : () -> ()
      %add3A_229 = arith.addi %mul3A_175, %add3A_228 : i32
      %dma_start3A_230 = arith.constant 0 : i32
      %dma_start3A_231 = tpu.memref_slice %arg5[%add3A_229, %dma_start3A_230] : memref<40000x128xf32, #tpu.memory_space<hbm>> -> memref<80x128xf32, #tpu.memory_space<hbm>>
      %dma_start3A_232 = arith.constant 0 : i32
      %dma_start3A_233 = tpu.memref_slice %arg5[%add3A_229, %dma_start3A_232] : memref<40000x128xf32, #tpu.memory_space<hbm>> -> memref<80x128xf32, #tpu.memory_space<hbm>>
      tpu.enqueue_dma source(%arg9 : memref<80x128xf32, #tpu.memory_space<vmem>>) target(%dma_start3A_233 : memref<80x128xf32, #tpu.memory_space<hbm>>) target_semaphore(%arg12 : memref<!tpu.dma_semaphore, #tpu.memory_space<semaphore_mem>>)
    } else {
    }
    %gt3A_186 = arith.constant 2 : i32
    %gt3A_187 = arith.cmpi sgt, %add3A_4, %gt3A_186 : i32
    %convert_element_type3A_188 = arith.extui %gt3A_187 : i1 to i32
    %cond3A_189 = arith.constant 0 : i32
    %cond3A_190 = arith.cmpi ne, %convert_element_type3A_188, %cond3A_189 : i32
    scf.if %cond3A_190 {
      %mul3A_225 = arith.constant 80 : i32
      %mul3A_226 = arith.muli %mul3A_225, %arg1 : i32
      %add3A_227 = arith.constant 2560 : i32
      %add3A_228 = arith.addi %mul3A_226, %add3A_227 : i32
      %add3A_229 = arith.addi %mul3A_175, %add3A_228 : i32
      %sub3A = arith.constant 2560 : i32
      %sub3A_230 = arith.subi %add3A_229, %sub3A : i32
      %dma_wait3A_231 = arith.constant 0 : i32
      %dma_wait3A_232 = tpu.memref_slice %arg5[%sub3A_230, %dma_wait3A_231] : memref<40000x128xf32, #tpu.memory_space<hbm>> -> memref<80x128xf32, #tpu.memory_space<hbm>>
      %dma_wait3A_233 = arith.constant 0 : i32
      %dma_wait3A_234 = tpu.memref_slice %arg5[%sub3A_230, %dma_wait3A_233] : memref<40000x128xf32, #tpu.memory_space<hbm>> -> memref<80x128xf32, #tpu.memory_space<hbm>>
      tpu.wait_dma2 semaphore(%arg11 : memref<!tpu.dma_semaphore, #tpu.memory_space<semaphore_mem>>) src(%arg8 : memref<80x128xf32, #tpu.memory_space<vmem>>) dst(%dma_wait3A_234 : memref<80x128xf32, #tpu.memory_space<hbm>>)
      "tpu.region"() ({
        %run_scoped3A_240 = tpu.sem_alloc : memref<!tpu.dma_semaphore, #tpu.memory_space<semaphore_mem>>
        %dma_start3A_241 = arith.constant 0 : i32
        %dma_start3A_242 = tpu.memref_slice %arg10[%add3A_228, %dma_start3A_241] : memref<10000x128xf32, #tpu.memory_space<vmem_shared>> -> memref<80x128xf32, #tpu.memory_space<vmem_shared>>
        %dma_start3A_243 = arith.constant 0 : i32
        %dma_start3A_244 = tpu.memref_slice %arg10[%add3A_228, %dma_start3A_243] : memref<10000x128xf32, #tpu.memory_space<vmem_shared>> -> memref<80x128xf32, #tpu.memory_space<vmem_shared>>
        tpu.enqueue_dma source(%dma_start3A_244 : memref<80x128xf32, #tpu.memory_space<vmem_shared>>) target(%arg8 : memref<80x128xf32, #tpu.memory_space<vmem>>) target_semaphore(%run_scoped3A_240 : memref<!tpu.dma_semaphore, #tpu.memory_space<semaphore_mem>>)
        %dma_wait3A_245 = arith.constant 0 : i32
        %dma_wait3A_246 = tpu.memref_slice %arg10[%add3A_228, %dma_wait3A_245] : memref<10000x128xf32, #tpu.memory_space<vmem_shared>> -> memref<80x128xf32, #tpu.memory_space<vmem_shared>>
        %dma_wait3A_247 = arith.constant 0 : i32
        %dma_wait3A_248 = tpu.memref_slice %arg10[%add3A_228, %dma_wait3A_247] : memref<10000x128xf32, #tpu.memory_space<vmem_shared>> -> memref<80x128xf32, #tpu.memory_space<vmem_shared>>
        tpu.wait_dma2 semaphore(%run_scoped3A_240 : memref<!tpu.dma_semaphore, #tpu.memory_space<semaphore_mem>>) src(%dma_wait3A_248 : memref<80x128xf32, #tpu.memory_space<vmem_shared>>) dst(%arg8 : memref<80x128xf32, #tpu.memory_space<vmem>>)
        tpu.yield
      }) : () -> ()
      %add3A_235 = arith.addi %mul3A_175, %add3A_228 : i32
      %dma_start3A_236 = arith.constant 0 : i32
      %dma_start3A_237 = tpu.memref_slice %arg5[%add3A_235, %dma_start3A_236] : memref<40000x128xf32, #tpu.memory_space<hbm>> -> memref<80x128xf32, #tpu.memory_space<hbm>>
      %dma_start3A_238 = arith.constant 0 : i32
      %dma_start3A_239 = tpu.memref_slice %arg5[%add3A_235, %dma_start3A_238] : memref<40000x128xf32, #tpu.memory_space<hbm>> -> memref<80x128xf32, #tpu.memory_space<hbm>>
      tpu.enqueue_dma source(%arg8 : memref<80x128xf32, #tpu.memory_space<vmem>>) target(%dma_start3A_239 : memref<80x128xf32, #tpu.memory_space<hbm>>) target_semaphore(%arg11 : memref<!tpu.dma_semaphore, #tpu.memory_space<semaphore_mem>>)
    } else {
    }
    %gt3A_191 = arith.constant 3 : i32
    %gt3A_192 = arith.cmpi sgt, %add3A_4, %gt3A_191 : i32
    %convert_element_type3A_193 = arith.extui %gt3A_192 : i1 to i32
    %cond3A_194 = arith.constant 0 : i32
    %cond3A_195 = arith.cmpi ne, %convert_element_type3A_193, %cond3A_194 : i32
    scf.if %cond3A_195 {
      %mul3A_225 = arith.constant 80 : i32
      %mul3A_226 = arith.muli %mul3A_225, %arg1 : i32
      %add3A_227 = arith.constant 3840 : i32
      %add3A_228 = arith.addi %mul3A_226, %add3A_227 : i32
      %add3A_229 = arith.addi %mul3A_175, %add3A_228 : i32
      %sub3A = arith.constant 2560 : i32
      %sub3A_230 = arith.subi %add3A_229, %sub3A : i32
      %dma_wait3A_231 = arith.constant 0 : i32
      %dma_wait3A_232 = tpu.memref_slice %arg5[%sub3A_230, %dma_wait3A_231] : memref<40000x128xf32, #tpu.memory_space<hbm>> -> memref<80x128xf32, #tpu.memory_space<hbm>>
      %dma_wait3A_233 = arith.constant 0 : i32
      %dma_wait3A_234 = tpu.memref_slice %arg5[%sub3A_230, %dma_wait3A_233] : memref<40000x128xf32, #tpu.memory_space<hbm>> -> memref<80x128xf32, #tpu.memory_space<hbm>>
      tpu.wait_dma2 semaphore(%arg12 : memref<!tpu.dma_semaphore, #tpu.memory_space<semaphore_mem>>) src(%arg9 : memref<80x128xf32, #tpu.memory_space<vmem>>) dst(%dma_wait3A_234 : memref<80x128xf32, #tpu.memory_space<hbm>>)
      "tpu.region"() ({
        %run_scoped3A_240 = tpu.sem_alloc : memref<!tpu.dma_semaphore, #tpu.memory_space<semaphore_mem>>
        %dma_start3A_241 = arith.constant 0 : i32
        %dma_start3A_242 = tpu.memref_slice %arg10[%add3A_228, %dma_start3A_241] : memref<10000x128xf32, #tpu.memory_space<vmem_shared>> -> memref<80x128xf32, #tpu.memory_space<vmem_shared>>
        %dma_start3A_243 = arith.constant 0 : i32
        %dma_start3A_244 = tpu.memref_slice %arg10[%add3A_228, %dma_start3A_243] : memref<10000x128xf32, #tpu.memory_space<vmem_shared>> -> memref<80x128xf32, #tpu.memory_space<vmem_shared>>
        tpu.enqueue_dma source(%dma_start3A_244 : memref<80x128xf32, #tpu.memory_space<vmem_shared>>) target(%arg9 : memref<80x128xf32, #tpu.memory_space<vmem>>) target_semaphore(%run_scoped3A_240 : memref<!tpu.dma_semaphore, #tpu.memory_space<semaphore_mem>>)
        %dma_wait3A_245 = arith.constant 0 : i32
        %dma_wait3A_246 = tpu.memref_slice %arg10[%add3A_228, %dma_wait3A_245] : memref<10000x128xf32, #tpu.memory_space<vmem_shared>> -> memref<80x128xf32, #tpu.memory_space<vmem_shared>>
        %dma_wait3A_247 = arith.constant 0 : i32
        %dma_wait3A_248 = tpu.memref_slice %arg10[%add3A_228, %dma_wait3A_247] : memref<10000x128xf32, #tpu.memory_space<vmem_shared>> -> memref<80x128xf32, #tpu.memory_space<vmem_shared>>
        tpu.wait_dma2 semaphore(%run_scoped3A_240 : memref<!tpu.dma_semaphore, #tpu.memory_space<semaphore_mem>>) src(%dma_wait3A_248 : memref<80x128xf32, #tpu.memory_space<vmem_shared>>) dst(%arg9 : memref<80x128xf32, #tpu.memory_space<vmem>>)
        tpu.yield
      }) : () -> ()
      %add3A_235 = arith.addi %mul3A_175, %add3A_228 : i32
      %dma_start3A_236 = arith.constant 0 : i32
      %dma_start3A_237 = tpu.memref_slice %arg5[%add3A_235, %dma_start3A_236] : memref<40000x128xf32, #tpu.memory_space<hbm>> -> memref<80x128xf32, #tpu.memory_space<hbm>>
      %dma_start3A_238 = arith.constant 0 : i32
      %dma_start3A_239 = tpu.memref_slice %arg5[%add3A_235, %dma_start3A_238] : memref<40000x128xf32, #tpu.memory_space<hbm>> -> memref<80x128xf32, #tpu.memory_space<hbm>>
      tpu.enqueue_dma source(%arg9 : memref<80x128xf32, #tpu.memory_space<vmem>>) target(%dma_start3A_239 : memref<80x128xf32, #tpu.memory_space<hbm>>) target_semaphore(%arg12 : memref<!tpu.dma_semaphore, #tpu.memory_space<semaphore_mem>>)
    } else {
    }
    %gt3A_196 = arith.constant 4 : i32
    %gt3A_197 = arith.cmpi sgt, %add3A_4, %gt3A_196 : i32
    %convert_element_type3A_198 = arith.extui %gt3A_197 : i1 to i32
    %cond3A_199 = arith.constant 0 : i32
    %cond3A_200 = arith.cmpi ne, %convert_element_type3A_198, %cond3A_199 : i32
    scf.if %cond3A_200 {
      %mul3A_225 = arith.constant 80 : i32
      %mul3A_226 = arith.muli %mul3A_225, %arg1 : i32
      %add3A_227 = arith.constant 5120 : i32
      %add3A_228 = arith.addi %mul3A_226, %add3A_227 : i32
      %add3A_229 = arith.addi %mul3A_175, %add3A_228 : i32
      %sub3A = arith.constant 2560 : i32
      %sub3A_230 = arith.subi %add3A_229, %sub3A : i32
      %dma_wait3A_231 = arith.constant 0 : i32
      %dma_wait3A_232 = tpu.memref_slice %arg5[%sub3A_230, %dma_wait3A_231] : memref<40000x128xf32, #tpu.memory_space<hbm>> -> memref<80x128xf32, #tpu.memory_space<hbm>>
      %dma_wait3A_233 = arith.constant 0 : i32
      %dma_wait3A_234 = tpu.memref_slice %arg5[%sub3A_230, %dma_wait3A_233] : memref<40000x128xf32, #tpu.memory_space<hbm>> -> memref<80x128xf32, #tpu.memory_space<hbm>>
      tpu.wait_dma2 semaphore(%arg11 : memref<!tpu.dma_semaphore, #tpu.memory_space<semaphore_mem>>) src(%arg8 : memref<80x128xf32, #tpu.memory_space<vmem>>) dst(%dma_wait3A_234 : memref<80x128xf32, #tpu.memory_space<hbm>>)
      "tpu.region"() ({
        %run_scoped3A_240 = tpu.sem_alloc : memref<!tpu.dma_semaphore, #tpu.memory_space<semaphore_mem>>
        %dma_start3A_241 = arith.constant 0 : i32
        %dma_start3A_242 = tpu.memref_slice %arg10[%add3A_228, %dma_start3A_241] : memref<10000x128xf32, #tpu.memory_space<vmem_shared>> -> memref<80x128xf32, #tpu.memory_space<vmem_shared>>
        %dma_start3A_243 = arith.constant 0 : i32
        %dma_start3A_244 = tpu.memref_slice %arg10[%add3A_228, %dma_start3A_243] : memref<10000x128xf32, #tpu.memory_space<vmem_shared>> -> memref<80x128xf32, #tpu.memory_space<vmem_shared>>
        tpu.enqueue_dma source(%dma_start3A_244 : memref<80x128xf32, #tpu.memory_space<vmem_shared>>) target(%arg8 : memref<80x128xf32, #tpu.memory_space<vmem>>) target_semaphore(%run_scoped3A_240 : memref<!tpu.dma_semaphore, #tpu.memory_space<semaphore_mem>>)
        %dma_wait3A_245 = arith.constant 0 : i32
        %dma_wait3A_246 = tpu.memref_slice %arg10[%add3A_228, %dma_wait3A_245] : memref<10000x128xf32, #tpu.memory_space<vmem_shared>> -> memref<80x128xf32, #tpu.memory_space<vmem_shared>>
        %dma_wait3A_247 = arith.constant 0 : i32
        %dma_wait3A_248 = tpu.memref_slice %arg10[%add3A_228, %dma_wait3A_247] : memref<10000x128xf32, #tpu.memory_space<vmem_shared>> -> memref<80x128xf32, #tpu.memory_space<vmem_shared>>
        tpu.wait_dma2 semaphore(%run_scoped3A_240 : memref<!tpu.dma_semaphore, #tpu.memory_space<semaphore_mem>>) src(%dma_wait3A_248 : memref<80x128xf32, #tpu.memory_space<vmem_shared>>) dst(%arg8 : memref<80x128xf32, #tpu.memory_space<vmem>>)
        tpu.yield
      }) : () -> ()
      %add3A_235 = arith.addi %mul3A_175, %add3A_228 : i32
      %dma_start3A_236 = arith.constant 0 : i32
      %dma_start3A_237 = tpu.memref_slice %arg5[%add3A_235, %dma_start3A_236] : memref<40000x128xf32, #tpu.memory_space<hbm>> -> memref<80x128xf32, #tpu.memory_space<hbm>>
      %dma_start3A_238 = arith.constant 0 : i32
      %dma_start3A_239 = tpu.memref_slice %arg5[%add3A_235, %dma_start3A_238] : memref<40000x128xf32, #tpu.memory_space<hbm>> -> memref<80x128xf32, #tpu.memory_space<hbm>>
      tpu.enqueue_dma source(%arg8 : memref<80x128xf32, #tpu.memory_space<vmem>>) target(%dma_start3A_239 : memref<80x128xf32, #tpu.memory_space<hbm>>) target_semaphore(%arg11 : memref<!tpu.dma_semaphore, #tpu.memory_space<semaphore_mem>>)
    } else {
    }
    %gt3A_201 = arith.constant 5 : i32
    %gt3A_202 = arith.cmpi sgt, %add3A_4, %gt3A_201 : i32
    %convert_element_type3A_203 = arith.extui %gt3A_202 : i1 to i32
    %cond3A_204 = arith.constant 0 : i32
    %cond3A_205 = arith.cmpi ne, %convert_element_type3A_203, %cond3A_204 : i32
    scf.if %cond3A_205 {
      %mul3A_225 = arith.constant 80 : i32
      %mul3A_226 = arith.muli %mul3A_225, %arg1 : i32
      %add3A_227 = arith.constant 6400 : i32
      %add3A_228 = arith.addi %mul3A_226, %add3A_227 : i32
      %add3A_229 = arith.addi %mul3A_175, %add3A_228 : i32
      %sub3A = arith.constant 2560 : i32
      %sub3A_230 = arith.subi %add3A_229, %sub3A : i32
      %dma_wait3A_231 = arith.constant 0 : i32
      %dma_wait3A_232 = tpu.memref_slice %arg5[%sub3A_230, %dma_wait3A_231] : memref<40000x128xf32, #tpu.memory_space<hbm>> -> memref<80x128xf32, #tpu.memory_space<hbm>>
      %dma_wait3A_233 = arith.constant 0 : i32
      %dma_wait3A_234 = tpu.memref_slice %arg5[%sub3A_230, %dma_wait3A_233] : memref<40000x128xf32, #tpu.memory_space<hbm>> -> memref<80x128xf32, #tpu.memory_space<hbm>>
      tpu.wait_dma2 semaphore(%arg12 : memref<!tpu.dma_semaphore, #tpu.memory_space<semaphore_mem>>) src(%arg9 : memref<80x128xf32, #tpu.memory_space<vmem>>) dst(%dma_wait3A_234 : memref<80x128xf32, #tpu.memory_space<hbm>>)
      "tpu.region"() ({
        %run_scoped3A_240 = tpu.sem_alloc : memref<!tpu.dma_semaphore, #tpu.memory_space<semaphore_mem>>
        %dma_start3A_241 = arith.constant 0 : i32
        %dma_start3A_242 = tpu.memref_slice %arg10[%add3A_228, %dma_start3A_241] : memref<10000x128xf32, #tpu.memory_space<vmem_shared>> -> memref<80x128xf32, #tpu.memory_space<vmem_shared>>
        %dma_start3A_243 = arith.constant 0 : i32
        %dma_start3A_244 = tpu.memref_slice %arg10[%add3A_228, %dma_start3A_243] : memref<10000x128xf32, #tpu.memory_space<vmem_shared>> -> memref<80x128xf32, #tpu.memory_space<vmem_shared>>
        tpu.enqueue_dma source(%dma_start3A_244 : memref<80x128xf32, #tpu.memory_space<vmem_shared>>) target(%arg9 : memref<80x128xf32, #tpu.memory_space<vmem>>) target_semaphore(%run_scoped3A_240 : memref<!tpu.dma_semaphore, #tpu.memory_space<semaphore_mem>>)
        %dma_wait3A_245 = arith.constant 0 : i32
        %dma_wait3A_246 = tpu.memref_slice %arg10[%add3A_228, %dma_wait3A_245] : memref<10000x128xf32, #tpu.memory_space<vmem_shared>> -> memref<80x128xf32, #tpu.memory_space<vmem_shared>>
        %dma_wait3A_247 = arith.constant 0 : i32
        %dma_wait3A_248 = tpu.memref_slice %arg10[%add3A_228, %dma_wait3A_247] : memref<10000x128xf32, #tpu.memory_space<vmem_shared>> -> memref<80x128xf32, #tpu.memory_space<vmem_shared>>
        tpu.wait_dma2 semaphore(%run_scoped3A_240 : memref<!tpu.dma_semaphore, #tpu.memory_space<semaphore_mem>>) src(%dma_wait3A_248 : memref<80x128xf32, #tpu.memory_space<vmem_shared>>) dst(%arg9 : memref<80x128xf32, #tpu.memory_space<vmem>>)
        tpu.yield
      }) : () -> ()
      %add3A_235 = arith.addi %mul3A_175, %add3A_228 : i32
      %dma_start3A_236 = arith.constant 0 : i32
      %dma_start3A_237 = tpu.memref_slice %arg5[%add3A_235, %dma_start3A_236] : memref<40000x128xf32, #tpu.memory_space<hbm>> -> memref<80x128xf32, #tpu.memory_space<hbm>>
      %dma_start3A_238 = arith.constant 0 : i32
      %dma_start3A_239 = tpu.memref_slice %arg5[%add3A_235, %dma_start3A_238] : memref<40000x128xf32, #tpu.memory_space<hbm>> -> memref<80x128xf32, #tpu.memory_space<hbm>>
      tpu.enqueue_dma source(%arg9 : memref<80x128xf32, #tpu.memory_space<vmem>>) target(%dma_start3A_239 : memref<80x128xf32, #tpu.memory_space<hbm>>) target_semaphore(%arg12 : memref<!tpu.dma_semaphore, #tpu.memory_space<semaphore_mem>>)
    } else {
    }
    %gt3A_206 = arith.constant 6 : i32
    %gt3A_207 = arith.cmpi sgt, %add3A_4, %gt3A_206 : i32
    %convert_element_type3A_208 = arith.extui %gt3A_207 : i1 to i32
    %cond3A_209 = arith.constant 0 : i32
    %cond3A_210 = arith.cmpi ne, %convert_element_type3A_208, %cond3A_209 : i32
    scf.if %cond3A_210 {
      %mul3A_225 = arith.constant 80 : i32
      %mul3A_226 = arith.muli %mul3A_225, %arg1 : i32
      %add3A_227 = arith.constant 7680 : i32
      %add3A_228 = arith.addi %mul3A_226, %add3A_227 : i32
      %add3A_229 = arith.addi %mul3A_175, %add3A_228 : i32
      %sub3A = arith.constant 2560 : i32
      %sub3A_230 = arith.subi %add3A_229, %sub3A : i32
      %dma_wait3A_231 = arith.constant 0 : i32
      %dma_wait3A_232 = tpu.memref_slice %arg5[%sub3A_230, %dma_wait3A_231] : memref<40000x128xf32, #tpu.memory_space<hbm>> -> memref<80x128xf32, #tpu.memory_space<hbm>>
      %dma_wait3A_233 = arith.constant 0 : i32
      %dma_wait3A_234 = tpu.memref_slice %arg5[%sub3A_230, %dma_wait3A_233] : memref<40000x128xf32, #tpu.memory_space<hbm>> -> memref<80x128xf32, #tpu.memory_space<hbm>>
      tpu.wait_dma2 semaphore(%arg11 : memref<!tpu.dma_semaphore, #tpu.memory_space<semaphore_mem>>) src(%arg8 : memref<80x128xf32, #tpu.memory_space<vmem>>) dst(%dma_wait3A_234 : memref<80x128xf32, #tpu.memory_space<hbm>>)
      "tpu.region"() ({
        %run_scoped3A_240 = tpu.sem_alloc : memref<!tpu.dma_semaphore, #tpu.memory_space<semaphore_mem>>
        %dma_start3A_241 = arith.constant 0 : i32
        %dma_start3A_242 = tpu.memref_slice %arg10[%add3A_228, %dma_start3A_241] : memref<10000x128xf32, #tpu.memory_space<vmem_shared>> -> memref<80x128xf32, #tpu.memory_space<vmem_shared>>
        %dma_start3A_243 = arith.constant 0 : i32
        %dma_start3A_244 = tpu.memref_slice %arg10[%add3A_228, %dma_start3A_243] : memref<10000x128xf32, #tpu.memory_space<vmem_shared>> -> memref<80x128xf32, #tpu.memory_space<vmem_shared>>
        tpu.enqueue_dma source(%dma_start3A_244 : memref<80x128xf32, #tpu.memory_space<vmem_shared>>) target(%arg8 : memref<80x128xf32, #tpu.memory_space<vmem>>) target_semaphore(%run_scoped3A_240 : memref<!tpu.dma_semaphore, #tpu.memory_space<semaphore_mem>>)
        %dma_wait3A_245 = arith.constant 0 : i32
        %dma_wait3A_246 = tpu.memref_slice %arg10[%add3A_228, %dma_wait3A_245] : memref<10000x128xf32, #tpu.memory_space<vmem_shared>> -> memref<80x128xf32, #tpu.memory_space<vmem_shared>>
        %dma_wait3A_247 = arith.constant 0 : i32
        %dma_wait3A_248 = tpu.memref_slice %arg10[%add3A_228, %dma_wait3A_247] : memref<10000x128xf32, #tpu.memory_space<vmem_shared>> -> memref<80x128xf32, #tpu.memory_space<vmem_shared>>
        tpu.wait_dma2 semaphore(%run_scoped3A_240 : memref<!tpu.dma_semaphore, #tpu.memory_space<semaphore_mem>>) src(%dma_wait3A_248 : memref<80x128xf32, #tpu.memory_space<vmem_shared>>) dst(%arg8 : memref<80x128xf32, #tpu.memory_space<vmem>>)
        tpu.yield
      }) : () -> ()
      %add3A_235 = arith.addi %mul3A_175, %add3A_228 : i32
      %dma_start3A_236 = arith.constant 0 : i32
      %dma_start3A_237 = tpu.memref_slice %arg5[%add3A_235, %dma_start3A_236] : memref<40000x128xf32, #tpu.memory_space<hbm>> -> memref<80x128xf32, #tpu.memory_space<hbm>>
      %dma_start3A_238 = arith.constant 0 : i32
      %dma_start3A_239 = tpu.memref_slice %arg5[%add3A_235, %dma_start3A_238] : memref<40000x128xf32, #tpu.memory_space<hbm>> -> memref<80x128xf32, #tpu.memory_space<hbm>>
      tpu.enqueue_dma source(%arg8 : memref<80x128xf32, #tpu.memory_space<vmem>>) target(%dma_start3A_239 : memref<80x128xf32, #tpu.memory_space<hbm>>) target_semaphore(%arg11 : memref<!tpu.dma_semaphore, #tpu.memory_space<semaphore_mem>>)
    } else {
    }
    %gt3A_211 = arith.constant 7 : i32
    %gt3A_212 = arith.cmpi sgt, %add3A_4, %gt3A_211 : i32
    %convert_element_type3A_213 = arith.extui %gt3A_212 : i1 to i32
    %cond3A_214 = arith.constant 0 : i32
    %cond3A_215 = arith.cmpi ne, %convert_element_type3A_213, %cond3A_214 : i32
    scf.if %cond3A_215 {
      %mul3A_225 = arith.constant 80 : i32
      %mul3A_226 = arith.muli %mul3A_225, %arg1 : i32
      %add3A_227 = arith.constant 8960 : i32
      %add3A_228 = arith.addi %mul3A_226, %add3A_227 : i32
      %add3A_229 = arith.addi %mul3A_175, %add3A_228 : i32
      %sub3A = arith.constant 2560 : i32
      %sub3A_230 = arith.subi %add3A_229, %sub3A : i32
      %dma_wait3A_231 = arith.constant 0 : i32
      %dma_wait3A_232 = tpu.memref_slice %arg5[%sub3A_230, %dma_wait3A_231] : memref<40000x128xf32, #tpu.memory_space<hbm>> -> memref<80x128xf32, #tpu.memory_space<hbm>>
      %dma_wait3A_233 = arith.constant 0 : i32
      %dma_wait3A_234 = tpu.memref_slice %arg5[%sub3A_230, %dma_wait3A_233] : memref<40000x128xf32, #tpu.memory_space<hbm>> -> memref<80x128xf32, #tpu.memory_space<hbm>>
      tpu.wait_dma2 semaphore(%arg12 : memref<!tpu.dma_semaphore, #tpu.memory_space<semaphore_mem>>) src(%arg9 : memref<80x128xf32, #tpu.memory_space<vmem>>) dst(%dma_wait3A_234 : memref<80x128xf32, #tpu.memory_space<hbm>>)
      "tpu.region"() ({
        %run_scoped3A_240 = tpu.sem_alloc : memref<!tpu.dma_semaphore, #tpu.memory_space<semaphore_mem>>
        %dma_start3A_241 = arith.constant 0 : i32
        %dma_start3A_242 = tpu.memref_slice %arg10[%add3A_228, %dma_start3A_241] : memref<10000x128xf32, #tpu.memory_space<vmem_shared>> -> memref<80x128xf32, #tpu.memory_space<vmem_shared>>
        %dma_start3A_243 = arith.constant 0 : i32
        %dma_start3A_244 = tpu.memref_slice %arg10[%add3A_228, %dma_start3A_243] : memref<10000x128xf32, #tpu.memory_space<vmem_shared>> -> memref<80x128xf32, #tpu.memory_space<vmem_shared>>
        tpu.enqueue_dma source(%dma_start3A_244 : memref<80x128xf32, #tpu.memory_space<vmem_shared>>) target(%arg9 : memref<80x128xf32, #tpu.memory_space<vmem>>) target_semaphore(%run_scoped3A_240 : memref<!tpu.dma_semaphore, #tpu.memory_space<semaphore_mem>>)
        %dma_wait3A_245 = arith.constant 0 : i32
        %dma_wait3A_246 = tpu.memref_slice %arg10[%add3A_228, %dma_wait3A_245] : memref<10000x128xf32, #tpu.memory_space<vmem_shared>> -> memref<80x128xf32, #tpu.memory_space<vmem_shared>>
        %dma_wait3A_247 = arith.constant 0 : i32
        %dma_wait3A_248 = tpu.memref_slice %arg10[%add3A_228, %dma_wait3A_247] : memref<10000x128xf32, #tpu.memory_space<vmem_shared>> -> memref<80x128xf32, #tpu.memory_space<vmem_shared>>
        tpu.wait_dma2 semaphore(%run_scoped3A_240 : memref<!tpu.dma_semaphore, #tpu.memory_space<semaphore_mem>>) src(%dma_wait3A_248 : memref<80x128xf32, #tpu.memory_space<vmem_shared>>) dst(%arg9 : memref<80x128xf32, #tpu.memory_space<vmem>>)
        tpu.yield
      }) : () -> ()
      %add3A_235 = arith.addi %mul3A_175, %add3A_228 : i32
      %dma_start3A_236 = arith.constant 0 : i32
      %dma_start3A_237 = tpu.memref_slice %arg5[%add3A_235, %dma_start3A_236] : memref<40000x128xf32, #tpu.memory_space<hbm>> -> memref<80x128xf32, #tpu.memory_space<hbm>>
      %dma_start3A_238 = arith.constant 0 : i32
      %dma_start3A_239 = tpu.memref_slice %arg5[%add3A_235, %dma_start3A_238] : memref<40000x128xf32, #tpu.memory_space<hbm>> -> memref<80x128xf32, #tpu.memory_space<hbm>>
      tpu.enqueue_dma source(%arg9 : memref<80x128xf32, #tpu.memory_space<vmem>>) target(%dma_start3A_239 : memref<80x128xf32, #tpu.memory_space<hbm>>) target_semaphore(%arg12 : memref<!tpu.dma_semaphore, #tpu.memory_space<semaphore_mem>>)
    } else {
    }
    %dma_wait3A_216 = arith.constant 0 : i32
    %dma_wait3A_217 = tpu.memref_slice %arg5[%mul3A_175, %dma_wait3A_216] : memref<40000x128xf32, #tpu.memory_space<hbm>> -> memref<80x128xf32, #tpu.memory_space<hbm>>
    %dma_wait3A_218 = arith.constant 0 : i32
    %dma_wait3A_219 = tpu.memref_slice %arg5[%mul3A_175, %dma_wait3A_218] : memref<40000x128xf32, #tpu.memory_space<hbm>> -> memref<80x128xf32, #tpu.memory_space<hbm>>
    tpu.wait_dma2 semaphore(%arg11 : memref<!tpu.dma_semaphore, #tpu.memory_space<semaphore_mem>>) src(%arg8 : memref<80x128xf32, #tpu.memory_space<vmem>>) dst(%dma_wait3A_219 : memref<80x128xf32, #tpu.memory_space<hbm>>)
    %dma_wait3A_220 = arith.constant 0 : i32
    %dma_wait3A_221 = tpu.memref_slice %arg5[%mul3A_175, %dma_wait3A_220] : memref<40000x128xf32, #tpu.memory_space<hbm>> -> memref<80x128xf32, #tpu.memory_space<hbm>>
    %dma_wait3A_222 = arith.constant 0 : i32
    %dma_wait3A_223 = tpu.memref_slice %arg5[%mul3A_175, %dma_wait3A_222] : memref<40000x128xf32, #tpu.memory_space<hbm>> -> memref<80x128xf32, #tpu.memory_space<hbm>>
    tpu.wait_dma2 semaphore(%arg12 : memref<!tpu.dma_semaphore, #tpu.memory_space<semaphore_mem>>) src(%arg9 : memref<80x128xf32, #tpu.memory_space<vmem>>) dst(%dma_wait3A_223 : memref<80x128xf32, #tpu.memory_space<hbm>>)
    %barrier3A_224 = arith.constant 0 : index
    tpu.barrier barrier_id(%barrier3A_224)
    return
  }
}

module attributes {stable_mosaic.version = 14 : i64} {
  func.func @_k1_body(%arg0: i32, %arg1: i32, %arg2: memref<1x2000x128xf32, #tpu.memory_space<vmem>>, %arg3: memref<128x128xf32, #tpu.memory_space<vmem>>, %arg4: memref<1x2000x32xf32, #tpu.memory_space<vmem>>, %arg5: memref<1x2000x128xf32, #tpu.memory_space<vmem>>, %arg6: memref<1x2000x1xf32, #tpu.memory_space<vmem>>) attributes {dimension_semantics = [#tpu.dimension_semantics<arbitrary>, #tpu.dimension_semantics<arbitrary>], iteration_bounds = array<i64: 2, 5>, scalar_prefetch = 0 : i64, scratch_operands = 0 : i64, tpu.core_type = #tpu.core_type<tc>, window_params = [{transform_indices = @transform_0, window_bounds = array<i64: 1, 2000, 128>}, {pipeline_mode = #tpu.pipeline_mode<synchronous>, transform_indices = @transform_1, window_bounds = array<i64: 128, 128>}, {transform_indices = @transform_2, window_bounds = array<i64: 1, 2000, 32>}, {transform_indices = @transform_3, window_bounds = array<i64: 1, 2000, 128>}, {transform_indices = @transform_4, window_bounds = array<i64: 1, 2000, 1>}]} {
    %get3A = arith.constant 0 : index
    %get3A_0 = arith.constant 0 : index
    %get3A_1 = arith.constant 0 : index
    %get3A_2 = vector.load %arg4[%get3A, %get3A_0, %get3A_1] : memref<1x2000x32xf32, #tpu.memory_space<vmem>>, vector<1x2000x32xf32>
    %get3A_3 = vector.shape_cast %get3A_2 : vector<1x2000x32xf32> to vector<2000x32xf32>
    %reduce_sum3A = arith.constant dense<0.000000e+00> : vector<2000xf32>
    %reduce_sum3A_4 = vector.multi_reduction <add>, %get3A_3, %reduce_sum3A [1] : vector<2000x32xf32> to vector<2000xf32>
    %add3A = arith.constant 1.000000e+00 : f32
    %add3A_5 = vector.broadcast %add3A : f32 to vector<2000xf32>
    %add3A_6 = arith.addf %reduce_sum3A_4, %add3A_5 : vector<2000xf32>
    %rsqrt3A = math.rsqrt %add3A_6 : vector<2000xf32>
    %broadcast_in_dim3A = vector.shape_cast %rsqrt3A : vector<2000xf32> to vector<2000x1xf32>
    %get3A_7 = arith.constant 0 : index
    %get3A_8 = arith.constant 0 : index
    %get3A_9 = arith.constant 0 : index
    %get3A_10 = vector.load %arg2[%get3A_7, %get3A_8, %get3A_9] : memref<1x2000x128xf32, #tpu.memory_space<vmem>>, vector<1x2000x128xf32>
    %get3A_11 = vector.shape_cast %get3A_10 : vector<1x2000x128xf32> to vector<2000x128xf32>
    %get3A_12 = arith.constant 0 : index
    %get3A_13 = arith.constant 0 : index
    %get3A_14 = vector.load %arg3[%get3A_12, %get3A_13] : memref<128x128xf32, #tpu.memory_space<vmem>>, vector<128x128xf32>
    %dot_general3A = arith.constant dense<0.000000e+00> : vector<2000x128xf32>
    %dot_general3A_15 = tpu.matmul %get3A_11, %get3A_14, %dot_general3A {dimension_numbers = #tpu.dot_dimension_numbers<[1], [0], [0], [1], [0, 0, 1, 1], [], []>, transpose_lhs_hint = false} : vector<2000x128xf32>, vector<128x128xf32>, vector<2000x128xf32> -> vector<2000x128xf32>
    %mul3A = vector.broadcast %broadcast_in_dim3A : vector<2000x1xf32> to vector<2000x128xf32>
    %mul3A_16 = arith.mulf %dot_general3A_15, %mul3A : vector<2000x128xf32>
    %swap3A = arith.constant 0 : index
    %swap3A_17 = arith.constant 0 : index
    %swap3A_18 = arith.constant 0 : index
    %swap3A_19 = vector.load %arg5[%swap3A, %swap3A_17, %swap3A_18] : memref<1x2000x128xf32, #tpu.memory_space<vmem>>, vector<1x2000x128xf32>
    %swap3A_20 = vector.shape_cast %swap3A_19 : vector<1x2000x128xf32> to vector<2000x128xf32>
    %swap3A_21 = vector.shape_cast %mul3A_16 : vector<2000x128xf32> to vector<1x2000x128xf32>
    tpu.vector_store %arg5[%swap3A, %swap3A_17, %swap3A_18], %swap3A_21 {strides = array<i32>} : memref<1x2000x128xf32, #tpu.memory_space<vmem>>, vector<1x2000x128xf32>,
    %swap3A_22 = arith.constant 0 : index
    %swap3A_23 = arith.constant 0 : index
    %swap3A_24 = arith.constant 0 : index
    %swap3A_25 = vector.load %arg6[%swap3A_22, %swap3A_23, %swap3A_24] : memref<1x2000x1xf32, #tpu.memory_space<vmem>>, vector<1x2000x1xf32>
    %swap3A_26 = vector.shape_cast %swap3A_25 : vector<1x2000x1xf32> to vector<2000x1xf32>
    %swap3A_27 = vector.shape_cast %broadcast_in_dim3A : vector<2000x1xf32> to vector<1x2000x1xf32>
    tpu.vector_store %arg6[%swap3A_22, %swap3A_23, %swap3A_24], %swap3A_27 {strides = array<i32>} : memref<1x2000x1xf32, #tpu.memory_space<vmem>>, vector<1x2000x1xf32>,
    return
  }
  func.func @transform_0(%arg0: i32, %arg1: i32) -> (i32, i32, i32) {
    %c0_i32 = arith.constant 0 : i32
    %c0_i32_0 = arith.constant 0 : i32
    return %arg0, %arg1, %c0_i32 : i32, i32, i32
  }
  func.func @transform_1(%arg0: i32, %arg1: i32) -> (i32, i32) {
    %c0_i32 = arith.constant 0 : i32
    %c0_i32_0 = arith.constant 0 : i32
    %c0_i32_1 = arith.constant 0 : i32
    return %c0_i32, %c0_i32_0 : i32, i32
  }
  func.func @transform_2(%arg0: i32, %arg1: i32) -> (i32, i32, i32) {
    %c0_i32 = arith.constant 0 : i32
    %c0_i32_0 = arith.constant 0 : i32
    return %arg0, %arg1, %c0_i32 : i32, i32, i32
  }
  func.func @transform_3(%arg0: i32, %arg1: i32) -> (i32, i32, i32) {
    %c0_i32 = arith.constant 0 : i32
    %c0_i32_0 = arith.constant 0 : i32
    return %arg0, %arg1, %c0_i32 : i32, i32, i32
  }
  func.func @transform_4(%arg0: i32, %arg1: i32) -> (i32, i32, i32) {
    %c0_i32 = arith.constant 0 : i32
    %c0_i32_0 = arith.constant 0 : i32
    return %arg0, %arg1, %c0_i32 : i32, i32, i32
  }
}

module attributes {stable_mosaic.version = 14 : i64} {
  func.func @_k2_body(%arg0: i32, %arg1: i32, %arg2: memref<1x2x2000x128xf32, #tpu.memory_space<vmem>>, %arg3: memref<1x2000x128xf32, #tpu.memory_space<vmem>>, %arg4: memref<1x2000x1xf32, #tpu.memory_space<vmem>>, %arg5: memref<1x128xf32, #tpu.memory_space<vmem>>, %arg6: memref<128x128xf32, #tpu.memory_space<vmem>>, %arg7: memref<1x2000x128xf32, #tpu.memory_space<vmem>>) attributes {dimension_semantics = [#tpu.dimension_semantics<arbitrary>, #tpu.dimension_semantics<arbitrary>], iteration_bounds = array<i64: 2, 5>, scalar_prefetch = 0 : i64, scratch_operands = 0 : i64, tpu.core_type = #tpu.core_type<tc>, window_params = [{transform_indices = @transform_0, window_bounds = array<i64: 1, 2, 2000, 128>}, {transform_indices = @transform_1, window_bounds = array<i64: 1, 2000, 128>}, {transform_indices = @transform_2, window_bounds = array<i64: 1, 2000, 1>}, {pipeline_mode = #tpu.pipeline_mode<synchronous>, transform_indices = @transform_3, window_bounds = array<i64: 1, 128>}, {pipeline_mode = #tpu.pipeline_mode<synchronous>, transform_indices = @transform_4, window_bounds = array<i64: 128, 128>}, {transform_indices = @transform_5, window_bounds = array<i64: 1, 2000, 128>}]} {
    %get3A = arith.constant 0 : index
    %get3A_0 = arith.constant 0 : index
    %get3A_1 = arith.constant 0 : index
    %get3A_2 = vector.load %arg4[%get3A, %get3A_0, %get3A_1] : memref<1x2000x1xf32, #tpu.memory_space<vmem>>, vector<1x2000x1xf32>
    %get3A_3 = vector.shape_cast %get3A_2 : vector<1x2000x1xf32> to vector<2000x1xf32>
    %get3A_4 = arith.constant 0 : index
    %get3A_5 = arith.constant 0 : index
    %get3A_6 = arith.constant 0 : index
    %get3A_7 = arith.constant 0 : index
    %get3A_8 = vector.load %arg2[%get3A_4, %get3A_5, %get3A_6, %get3A_7] : memref<1x2x2000x128xf32, #tpu.memory_space<vmem>>, vector<1x1x2000x128xf32>
    %get3A_9 = vector.shape_cast %get3A_8 : vector<1x1x2000x128xf32> to vector<2000x128xf32>
    %get3A_10 = arith.constant 0 : index
    %get3A_11 = arith.constant 1 : index
    %get3A_12 = arith.constant 0 : index
    %get3A_13 = arith.constant 0 : index
    %get3A_14 = vector.load %arg2[%get3A_10, %get3A_11, %get3A_12, %get3A_13] : memref<1x2x2000x128xf32, #tpu.memory_space<vmem>>, vector<1x1x2000x128xf32>
    %get3A_15 = vector.shape_cast %get3A_14 : vector<1x1x2000x128xf32> to vector<2000x128xf32>
    %add3A = arith.addf %get3A_9, %get3A_15 : vector<2000x128xf32>
    %get3A_16 = arith.constant 0 : index
    %get3A_17 = arith.constant 0 : index
    %get3A_18 = arith.constant 0 : index
    %get3A_19 = vector.load %arg3[%get3A_16, %get3A_17, %get3A_18] : memref<1x2000x128xf32, #tpu.memory_space<vmem>>, vector<1x2000x128xf32>
    %get3A_20 = vector.shape_cast %get3A_19 : vector<1x2000x128xf32> to vector<2000x128xf32>
    %add3A_21 = arith.addf %add3A, %get3A_20 : vector<2000x128xf32>
    %mul3A = vector.broadcast %get3A_3 : vector<2000x1xf32> to vector<2000x128xf32>
    %mul3A_22 = arith.mulf %mul3A, %add3A_21 : vector<2000x128xf32>
    %get3A_23 = arith.constant 0 : index
    %get3A_24 = arith.constant 0 : index
    %get3A_25 = vector.load %arg5[%get3A_23, %get3A_24] : memref<1x128xf32, #tpu.memory_space<vmem>>, vector<1x128xf32>
    %get3A_26 = vector.shape_cast %get3A_25 : vector<1x128xf32> to vector<128xf32>
    %broadcast_in_dim3A = vector.shape_cast %get3A_26 : vector<128xf32> to vector<1x128xf32>
    %add3A_27 = vector.broadcast %broadcast_in_dim3A : vector<1x128xf32> to vector<2000x128xf32>
    %add3A_28 = arith.addf %mul3A_22, %add3A_27 : vector<2000x128xf32>
    %gt3A = arith.constant 0.000000e+00 : f32
    %gt3A_29 = vector.broadcast %gt3A : f32 to vector<2000x128xf32>
    %gt3A_30 = arith.cmpf ogt, %add3A_28, %gt3A_29 : vector<2000x128xf32>
    %min3A = arith.constant 0.000000e+00 : f32
    %min3A_31 = vector.broadcast %min3A : f32 to vector<2000x128xf32>
    %min3A_32 = arith.minimumf %add3A_28, %min3A_31 : vector<2000x128xf32>
    %exp3A = math.exp %min3A_32 : vector<2000x128xf32>
    %sub3A = arith.constant 1.000000e+00 : f32
    %sub3A_33 = vector.broadcast %sub3A : f32 to vector<2000x128xf32>
    %sub3A_34 = arith.subf %exp3A, %sub3A_33 : vector<2000x128xf32>
    %select_n3A = arith.select %gt3A_30, %add3A_28, %sub3A_34 : vector<2000x128xi1>, vector<2000x128xf32>
    %get3A_35 = arith.constant 0 : index
    %get3A_36 = arith.constant 0 : index
    %get3A_37 = vector.load %arg6[%get3A_35, %get3A_36] : memref<128x128xf32, #tpu.memory_space<vmem>>, vector<128x128xf32>
    %dot_general3A = arith.constant dense<0.000000e+00> : vector<2000x128xf32>
    %dot_general3A_38 = tpu.matmul %select_n3A, %get3A_37, %dot_general3A {dimension_numbers = #tpu.dot_dimension_numbers<[1], [0], [0], [1], [0, 0, 1, 1], [], []>, transpose_lhs_hint = false} : vector<2000x128xf32>, vector<128x128xf32>, vector<2000x128xf32> -> vector<2000x128xf32>
    %mul3A_39 = vector.broadcast %get3A_3 : vector<2000x1xf32> to vector<2000x128xf32>
    %mul3A_40 = arith.mulf %dot_general3A_38, %mul3A_39 : vector<2000x128xf32>
    %swap3A = arith.constant 0 : index
    %swap3A_41 = arith.constant 0 : index
    %swap3A_42 = arith.constant 0 : index
    %swap3A_43 = vector.load %arg7[%swap3A, %swap3A_41, %swap3A_42] : memref<1x2000x128xf32, #tpu.memory_space<vmem>>, vector<1x2000x128xf32>
    %swap3A_44 = vector.shape_cast %swap3A_43 : vector<1x2000x128xf32> to vector<2000x128xf32>
    %swap3A_45 = vector.shape_cast %mul3A_40 : vector<2000x128xf32> to vector<1x2000x128xf32>
    tpu.vector_store %arg7[%swap3A, %swap3A_41, %swap3A_42], %swap3A_45 {strides = array<i32>} : memref<1x2000x128xf32, #tpu.memory_space<vmem>>, vector<1x2000x128xf32>,
    return
  }
  func.func @transform_0(%arg0: i32, %arg1: i32) -> (i32, i32, i32, i32) {
    %c0_i32 = arith.constant 0 : i32
    %c0_i32_0 = arith.constant 0 : i32
    %c0_i32_1 = arith.constant 0 : i32
    return %arg0, %c0_i32, %arg1, %c0_i32_0 : i32, i32, i32, i32
  }
  func.func @transform_1(%arg0: i32, %arg1: i32) -> (i32, i32, i32) {
    %c0_i32 = arith.constant 0 : i32
    %c0_i32_0 = arith.constant 0 : i32
    return %arg0, %arg1, %c0_i32 : i32, i32, i32
  }
  func.func @transform_2(%arg0: i32, %arg1: i32) -> (i32, i32, i32) {
    %c0_i32 = arith.constant 0 : i32
    %c0_i32_0 = arith.constant 0 : i32
    return %arg0, %arg1, %c0_i32 : i32, i32, i32
  }
  func.func @transform_3(%arg0: i32, %arg1: i32) -> (i32, i32) {
    %c0_i32 = arith.constant 0 : i32
    %c0_i32_0 = arith.constant 0 : i32
    %c0_i32_1 = arith.constant 0 : i32
    return %c0_i32, %c0_i32_0 : i32, i32
  }
  func.func @transform_4(%arg0: i32, %arg1: i32) -> (i32, i32) {
    %c0_i32 = arith.constant 0 : i32
    %c0_i32_0 = arith.constant 0 : i32
    %c0_i32_1 = arith.constant 0 : i32
    return %c0_i32, %c0_i32_0 : i32, i32
  }
  func.func @transform_5(%arg0: i32, %arg1: i32) -> (i32, i32, i32) {
    %c0_i32 = arith.constant 0 : i32
    %c0_i32_0 = arith.constant 0 : i32
    return %arg0, %arg1, %c0_i32 : i32, i32, i32
  }
}

module attributes {stable_mosaic.version = 14 : i64} {
  func.func @_k3_body(%arg0: i32, %arg1: i32, %arg2: memref<1x2x2000x128xf32, #tpu.memory_space<vmem>>, %arg3: memref<1x2000x128xf32, #tpu.memory_space<vmem>>, %arg4: memref<1x2000x1xf32, #tpu.memory_space<vmem>>, %arg5: memref<1x128xf32, #tpu.memory_space<vmem>>, %arg6: memref<1x2000x128xf32, #tpu.memory_space<vmem>>) attributes {dimension_semantics = [#tpu.dimension_semantics<arbitrary>, #tpu.dimension_semantics<arbitrary>], iteration_bounds = array<i64: 2, 5>, scalar_prefetch = 0 : i64, scratch_operands = 0 : i64, tpu.core_type = #tpu.core_type<tc>, window_params = [{transform_indices = @transform_0, window_bounds = array<i64: 1, 2, 2000, 128>}, {transform_indices = @transform_1, window_bounds = array<i64: 1, 2000, 128>}, {transform_indices = @transform_2, window_bounds = array<i64: 1, 2000, 1>}, {pipeline_mode = #tpu.pipeline_mode<synchronous>, transform_indices = @transform_3, window_bounds = array<i64: 1, 128>}, {transform_indices = @transform_4, window_bounds = array<i64: 1, 2000, 128>}]} {
    %get3A = arith.constant 0 : index
    %get3A_0 = arith.constant 0 : index
    %get3A_1 = arith.constant 0 : index
    %get3A_2 = vector.load %arg4[%get3A, %get3A_0, %get3A_1] : memref<1x2000x1xf32, #tpu.memory_space<vmem>>, vector<1x2000x1xf32>
    %get3A_3 = vector.shape_cast %get3A_2 : vector<1x2000x1xf32> to vector<2000x1xf32>
    %get3A_4 = arith.constant 0 : index
    %get3A_5 = arith.constant 0 : index
    %get3A_6 = arith.constant 0 : index
    %get3A_7 = arith.constant 0 : index
    %get3A_8 = vector.load %arg2[%get3A_4, %get3A_5, %get3A_6, %get3A_7] : memref<1x2x2000x128xf32, #tpu.memory_space<vmem>>, vector<1x1x2000x128xf32>
    %get3A_9 = vector.shape_cast %get3A_8 : vector<1x1x2000x128xf32> to vector<2000x128xf32>
    %get3A_10 = arith.constant 0 : index
    %get3A_11 = arith.constant 1 : index
    %get3A_12 = arith.constant 0 : index
    %get3A_13 = arith.constant 0 : index
    %get3A_14 = vector.load %arg2[%get3A_10, %get3A_11, %get3A_12, %get3A_13] : memref<1x2x2000x128xf32, #tpu.memory_space<vmem>>, vector<1x1x2000x128xf32>
    %get3A_15 = vector.shape_cast %get3A_14 : vector<1x1x2000x128xf32> to vector<2000x128xf32>
    %add3A = arith.addf %get3A_9, %get3A_15 : vector<2000x128xf32>
    %get3A_16 = arith.constant 0 : index
    %get3A_17 = arith.constant 0 : index
    %get3A_18 = arith.constant 0 : index
    %get3A_19 = vector.load %arg3[%get3A_16, %get3A_17, %get3A_18] : memref<1x2000x128xf32, #tpu.memory_space<vmem>>, vector<1x2000x128xf32>
    %get3A_20 = vector.shape_cast %get3A_19 : vector<1x2000x128xf32> to vector<2000x128xf32>
    %add3A_21 = arith.addf %add3A, %get3A_20 : vector<2000x128xf32>
    %mul3A = vector.broadcast %get3A_3 : vector<2000x1xf32> to vector<2000x128xf32>
    %mul3A_22 = arith.mulf %mul3A, %add3A_21 : vector<2000x128xf32>
    %get3A_23 = arith.constant 0 : index
    %get3A_24 = arith.constant 0 : index
    %get3A_25 = vector.load %arg5[%get3A_23, %get3A_24] : memref<1x128xf32, #tpu.memory_space<vmem>>, vector<1x128xf32>
    %get3A_26 = vector.shape_cast %get3A_25 : vector<1x128xf32> to vector<128xf32>
    %broadcast_in_dim3A = vector.shape_cast %get3A_26 : vector<128xf32> to vector<1x128xf32>
    %add3A_27 = vector.broadcast %broadcast_in_dim3A : vector<1x128xf32> to vector<2000x128xf32>
    %add3A_28 = arith.addf %mul3A_22, %add3A_27 : vector<2000x128xf32>
    %swap3A = arith.constant 0 : index
    %swap3A_29 = arith.constant 0 : index
    %swap3A_30 = arith.constant 0 : index
    %swap3A_31 = vector.load %arg6[%swap3A, %swap3A_29, %swap3A_30] : memref<1x2000x128xf32, #tpu.memory_space<vmem>>, vector<1x2000x128xf32>
    %swap3A_32 = vector.shape_cast %swap3A_31 : vector<1x2000x128xf32> to vector<2000x128xf32>
    %swap3A_33 = vector.shape_cast %add3A_28 : vector<2000x128xf32> to vector<1x2000x128xf32>
    tpu.vector_store %arg6[%swap3A, %swap3A_29, %swap3A_30], %swap3A_33 {strides = array<i32>} : memref<1x2000x128xf32, #tpu.memory_space<vmem>>, vector<1x2000x128xf32>,
    return
  }
  func.func @transform_0(%arg0: i32, %arg1: i32) -> (i32, i32, i32, i32) {
    %c0_i32 = arith.constant 0 : i32
    %c0_i32_0 = arith.constant 0 : i32
    %c0_i32_1 = arith.constant 0 : i32
    return %arg0, %c0_i32, %arg1, %c0_i32_0 : i32, i32, i32, i32
  }
  func.func @transform_1(%arg0: i32, %arg1: i32) -> (i32, i32, i32) {
    %c0_i32 = arith.constant 0 : i32
    %c0_i32_0 = arith.constant 0 : i32
    return %arg0, %arg1, %c0_i32 : i32, i32, i32
  }
  func.func @transform_2(%arg0: i32, %arg1: i32) -> (i32, i32, i32) {
    %c0_i32 = arith.constant 0 : i32
    %c0_i32_0 = arith.constant 0 : i32
    return %arg0, %arg1, %c0_i32 : i32, i32, i32
  }
  func.func @transform_3(%arg0: i32, %arg1: i32) -> (i32, i32) {
    %c0_i32 = arith.constant 0 : i32
    %c0_i32_0 = arith.constant 0 : i32
    %c0_i32_1 = arith.constant 0 : i32
    return %c0_i32, %c0_i32_0 : i32, i32
  }
  func.func @transform_4(%arg0: i32, %arg1: i32) -> (i32, i32, i32) {
    %c0_i32 = arith.constant 0 : i32
    %c0_i32_0 = arith.constant 0 : i32
    return %arg0, %arg1, %c0_i32 : i32, i32, i32
  }
}

</mosaic_0001>

<sc_bundles>
// kernel: kernel.11.cloned.1.call-start
scs
__scs_entry_jumppad:
0x0: {  	(pc) =	sbr.rel $0x88, $3  }
0x1: {  	(tag) =	ssettag $0x0;
	lr =	simm.s32 $0x1  }
0x2: {  	[smem:$0x3F9B] =	sst lr;
	_ =	strace $0xD0000000  }
0x3: {  	_ = 	snop  }
0x4: {  	_ = 	snop  }
0x5: {  	_ = 	snop  }
0x6: {  	_ = 	snop  }
0x7: {  	_ = 	snop  }
__scs_overlays_trampoline_lowered:
0x8: {  	[smem:$0x3FAA] =	sst s0  }
0x9: {  	[smem:$0x3FAB] =	sst s1  }
0xa: {  	[smem:$0x3FAC] =	sst s2  }
0xb: {  	[smem:$0x3FAD] =	sst s3  }
0xc: {  	[smem:$0x3FAE] =	sst s4  }
0xd: {  	[smem:$0x3FAF] =	sst s5  }
0xe: {  	[smem:$0x3FB0] =	sst s6  }
0xf: {  	[smem:$0x3FB1] =	sst s7  }
0x10: {  	[smem:$0x3FB2] =	sst s8  }
0x11: {  	[smem:$0x3FB3] =	sst s9;
	s0 =	simm.s32 @!p0 $0x0  }
0x12: {  	s1 =	sld [smem:$0x3F99];
	s0 =	simm.s32 @p0 $0x1  }
0x13: {  	[smem:$0x3FB4] =	sst s0;
	s0 =	simm.s32 @!p1 $0x0  }
0x14: {  	s2 =	sld [smem:$0x3F98];
	s0 =	simm.s32 @p1 $0x1  }
0x15: {  	[smem:$0x3FB5] =	sst s0;
	s0 =	simm.s32 @!p2 $0x0  }
0x16: {  	s3 =	sld [smem:$0x3FDB];
	s0 =	simm.s32 @p2 $0x1  }
0x17: {  	s4 =	simm.s32 $0x1BF5;
	[smem:$0x3FB7] =	sst s0  }
0x18: {  	s0 =	sld [smem:$0x3F9A];
	_ =	swait.ge [sflag:s4], $0x0  }
0x19: {  	s7 =	sld [smem:$0x3F9B]  }
0x1a: {  	s8 =	sadd.s32 $0xFFFFE003, lr  }
0x1b: {  	s9 =	sadd.s32 $0xFFFFFEF7, lr;
	s5 =	simm.s32 $0xFFFFFFFF;
	p2 =	slt.u32 s8, $0xFFFFF086  }
0x1c: {  	p1 =	slt.u32 s9, $0xF7A;
	s5 =	simm.s32 @!p2 $0x0  }
0x1d: {  	s5 =	simm.s32 @p1 $0x1;
	p0 =	seq.s32 s7, s2  }
0x1e: {  	s7 =	smul.u32 @!p0 $0xF7A, s2;
	p2 =	seq.s32 @!p0 s5, $0x0  }
0x1f: {  	s9 =	smul.u32 $0xF7A, s1;
	s8 =	simm.s32 @!p0 $0x1BF5;
	p2 =	por !p2, p0  }
0x20: {  	[sflag:s8] =	ssyncset.s32 @!p0 $0xFFFFF086;
	s6 =	sadd.s32 @!p0 s3, s7;
	s7 =	simm.s32 @!p0 $0x108  }
0x21: {  	s3 =	sadd.s32 s3, s9;
	s6 =	sadd.s32 @!p0 $0x88, s6;
	s7 =	simm.s32 @p2 $0x1082  }
0x22: {  	[simem:s7], [sflag:s8] =	dma.local @!p0 [hbm:s6], $0xF7A  }
0x23: {  	s9 =	sor.u32 $0xD0000000, s2;
	s6 =	simm.s32 $0x108;
	_ =	swait.ge @!p0 [sflag:s8], $0x0  }
0x24: {  	s3 =	sadd.s32 $0x88, s3;
	s6 =	simm.s32 @!p1 $0x1082;
	[sflag:s4] =	ssyncset.s32 $0xFFFFF086  }
0x25: {  	[simem:s6], [sflag:s4] =	dma.local [hbm:s3], $0xF7A  }
0x26: {  	[smem:$0x3F9B] =	sst s1;
	(tag) =	ssettag s2;
	_ =	strace s9  }
0x27: {  	s1 =	sld [smem:$0x3FAB]  }
0x28: {  	s2 =	sld [smem:$0x3FAC]  }
0x29: {  	s4 =	sld [smem:$0x3FAE]  }
0x2a: {  	p0 =	seq.s32 s5, $0x0;
	s5 =	sld [smem:$0x3FAF]  }
0x2b: {  	s6 =	sld [smem:$0x3FB0]  }
0x2c: {  	s7 =	sld [smem:$0x3FB1]  }
0x2d: {  	s3 =	simm.s32 $0x108;
	s8 =	sld [smem:$0x3FB2]  }
0x2e: {  	s3 =	simm.s32 @!p0 $0x1082;
	s9 =	sld [smem:$0x3FB3]  }
0x2f: {  	lr =	sadd.s32 s0, s3;
	s0 =	sld [smem:$0x3FAA]  }
0x30: {  	s3 =	sld [smem:$0x3FAD]  }
0x31: {  	[smem:$0x3FB6] =	sst s10  }
0x32: {  	s10 =	sld [smem:$0x3FB4];
	_ =	sdelay $0x3  }
0x33: {  	p0 =	seq.s32 s10, $0x1;
	s10 =	sld [smem:$0x3FB6];
	_ =	sdelay $0x3  }
0x34: {  	[smem:$0x3FB6] =	sst s10  }
0x35: {  	s10 =	sld [smem:$0x3FB5];
	_ =	sdelay $0x3  }
0x36: {  	p1 =	seq.s32 s10, $0x1;
	s10 =	sld [smem:$0x3FB6];
	_ =	sdelay $0x3  }
0x37: {  	[smem:$0x3FB6] =	sst s10  }
0x38: {  	s10 =	sld [smem:$0x3FB7]  }
0x39: {  	_ = 	snop;
	(pc) =	sbr.ind lr, $3  }
0x3a: {  	_ = 	snop  }
0x3b: {  	_ = 	snop  }
0x3c: {  	p2 =	seq.s32 s10, $0x1;
	s10 =	sld [smem:$0x3FB6]  }
0x3d: {  	_ =	shalt  }
0x3e: {  	_ =	shalt  }
0x3f: {  	_ =	shalt  }
0x40: {  	_ =	shalt  }
0x41: {  	_ =	shalt  }
0x42: {  	_ =	shalt  }
0x43: {  	_ =	shalt  }
0x44: {  	_ =	shalt  }
0x45: {  	_ =	shalt  }
0x46: {  	_ =	shalt  }
0x47: {  	_ =	shalt  }
0x48: {  	_ =	shalt  }
0x49: {  	_ =	shalt  }
0x4a: {  	_ =	shalt  }
0x4b: {  	_ =	shalt  }
0x4c: {  	_ =	shalt  }
0x4d: {  	_ =	shalt  }
0x4e: {  	_ =	shalt  }
0x4f: {  	_ =	shalt  }
0x50: {  	_ =	shalt  }
0x51: {  	_ =	shalt  }
0x52: {  	_ =	shalt  }
0x53: {  	_ =	shalt  }
0x54: {  	_ =	shalt  }
0x55: {  	_ =	shalt  }
0x56: {  	_ =	shalt  }
0x57: {  	_ =	shalt  }
0x58: {  	_ =	shalt  }
0x59: {  	_ =	shalt  }
0x5a: {  	_ =	shalt  }
0x5b: {  	_ =	shalt  }
0x5c: {  	_ =	shalt  }
0x5d: {  	_ =	shalt  }
0x5e: {  	_ =	shalt  }
0x5f: {  	_ =	shalt  }
0x60: {  	_ =	shalt  }
0x61: {  	_ =	shalt  }
0x62: {  	_ =	shalt  }
0x63: {  	_ =	shalt  }
0x64: {  	_ =	shalt  }
0x65: {  	_ =	shalt  }
0x66: {  	_ =	shalt  }
0x67: {  	_ =	shalt  }
0x68: {  	_ =	shalt  }
0x69: {  	_ =	shalt  }
0x6a: {  	_ =	shalt  }
0x6b: {  	_ =	shalt  }
0x6c: {  	_ =	shalt  }
0x6d: {  	_ =	shalt  }
0x6e: {  	_ =	shalt  }
0x6f: {  	_ =	shalt  }
0x70: {  	_ =	shalt  }
0x71: {  	_ =	shalt  }
0x72: {  	_ =	shalt  }
0x73: {  	_ =	shalt  }
0x74: {  	_ =	shalt  }
0x75: {  	_ =	shalt  }
0x76: {  	_ =	shalt  }
0x77: {  	_ =	shalt  }
0x78: {  	_ =	shalt  }
0x79: {  	_ =	shalt  }
0x7a: {  	_ =	shalt  }
0x7b: {  	_ =	shalt  }
0x7c: {  	_ =	shalt  }
0x7d: {  	_ =	shalt  }
0x7e: {  	_ =	shalt  }
0x7f: {  	_ =	shalt  }
0x80: {  	_ =	shalt  }
0x81: {  	_ =	shalt  }
0x82: {  	_ =	shalt  }
0x83: {  	_ =	shalt  }
0x84: {  	_ =	shalt  }
0x85: {  	_ =	shalt  }
0x86: {  	_ =	shalt  }
0x87: {  	_ =	shalt  }
.Lfunc_end0:
.L_simem_size_0:
called_computation.1_lowered:
.L_overlay_start_0:
0x88: {  	s2 =	sld [smem:$0x3FD9]  }
0x89: {  	s3 =	sld [smem:$0x3FFE];
	_ =	sdelay $0x1  }
0x8a: {  	s1 =	srdreg.scid  }
0x8b: {  	s0 =	sand.u32 $0x1, s1  }
0x8c: {  	s17 =	sshll.u32 s0, $0xA;
	s2 =	sadd.s32 s3, s2  }
0x8d: {  	s2 =	sadd.s32 s2, s17  }
0x8e: {  	[smem:$0x3FC2] =	sst s2  }
0x8f: {  	_ = 	snop  }
0x90: {  	s2 =	sld [smem:$0x3FD0];
	(tm) =	ssettm $0x1  }
0x91: {  	s18 =	sld [smem:$0x3FFB];
	_ =	sdelay $0x3  }
0x92: {  	_ =	strace s18  }
0x93: {  	s3 =	sld [smem:$0x3FFC];
	_ =	sdelay $0x3  }
0x94: {  	_ =	strace s3  }
0x95: {  	s3 =	sld [smem:$0x3FFD];
	_ =	sdelay $0x3  }
0x96: {  	_ =	strace s3  }
0x97: {  	_ =	strace $0x8FFFFFFF  }
0x98: {  	s19 =	sld [smem:$0x3FDB];
	_ =	sdelay $0x1  }
0x99: {  	s4 =	simm.s32 $_scs_section_size  }
0x9a: {  	s5 =	simm.s32 $_size__tile_overlayer_lowered;
	s6 =	simm.s32 $_tile_overlayer_lowered  }
0x9b: {  	s22 =	simm.s32 $0x1BFF;
	s21 =	sshll.u32 s6, $0x1;
	s3 =	sadd.s32 s4, s19  }
0x9c: {  	s7 =	simm.s32 $0x0;
	s20 =	sshll.u32 s5, $0x1;
	s5 =	sadd.s32 s21, s3  }
0x9d: {  	[timem:s7], [sflag:s22] =	dma.local [hbm:s5], s20  }
0x9e: {  	_ =	swait.ge [sflag:s22], s20  }
0x9f: {  	s4 =	ssub.s32 $0x0, s20;
	[sflag:s22] =	ssyncset.done $0x0  }
0xa0: {  	[sflag:s22] =	ssyncadd.s32 s4;
	_ =	sdelay $0x1  }
0xa1: {  	s23 =	simm.s32 $0x1B8B  }
0xa2: {  	_ =	swait.ge [sflag:s23], $0x1  }
0xa3: {  	[sflag:s23] =	ssyncset.done $0x0  }
0xa4: {  	s25 =	simm.s32 $0x1B8E;
	s24 =	sld [smem:$0x3FFE];
	[sflag:s23] =	ssyncadd.s32 $0xFFFFFFFF  }
0xa5: {  	s26 =	simm.s32 $execute0_lowered;
	[smem:$0x3FD2] =	sst s25  }
0xa6: {  	s5 =	sshll.u32 s26, $0x1;
	_ =	strace $0x80000049;
	[dreg:$0x1] =	wrdreg $0xFFFFFFFF  }
0xa7: {  	s28 =	simm.s32 $_size_execute0_lowered;
	s3 =	sadd.s32 s3, s5;
	[dreg:$0x0] =	wrdreg $0x0  }
0xa8: {  	s5 =	sshll.u32 s28, $0x1;
	[dreg:$0x2] =	wrdreg s3  }
0xa9: {  	[dreg:$0x3] =	wrdreg s5  }
0xaa: {  	[dreg:$0x4] =	wrdreg $0xC0  }
0xab: {  	_ =	task [dreg:s7], $0x5FFFF  }
0xac: {  	[dreg:$0x1] =	wrdreg $0xFFFFFFFF  }
0xad: {  	[dreg:$0x0] =	wrdreg $0x60  }
0xae: {  	[dreg:$0x2] =	wrdreg s2  }
0xaf: {  	[dreg:$0x3] =	wrdreg s24  }
0xb0: {  	[dreg:$0x4] =	wrdreg $0xB7800  }
0xb1: {  	[dreg:$0x5] =	wrdreg $0x9  }
0xb2: {  	_ =	task.clear_ibuf [dreg:s7], $0x6FFFF;
	_ =	strace $0x90000049  }
0xb3: {  	s29 =	simm.s32 $0x9;
	_ =	strace $0x8000004B  }
0xb4: {  	_ =	swait.ge [sflag:s29], $0x1  }
0xb5: {  	[sflag:s29] =	ssyncadd.s32 $0xFFFFFFFF  }
0xb6: {  	_ =	strace $0x9000004B  }
0xb7: {  	_ =	sfence  }
0xb8: {  	s30 =	sld [smem:$0x0];
	_ =	sdelay $0x2  }
0xb9: {  	s31 =	sshll.u32 s1, $0xD;
	s1 =	sshrl.u32 s1, $0x2  }
0xba: {  	s3 =	sand.u32 $0x4000, s31;
	s1 =	sadd.s32 s1, s30  }
0xbb: {  	s0 =	sor.u32 s3, s0;
	s1 =	sshll.u32 s1, $0x11  }
0xbc: {  	s0 =	sor.u32 s1, s0  }
0xbd: {  	s0 =	sadd.s32 $0x8F2B, s0  }
0xbe: {  	[sflag:s0] =	ssyncadd.remote.s32 $0x1  }
0xbf: {  	_ =	sfence.sel $0xFFFF  }
0xc0: {  	[dreg:$0x0] =	wrdreg $0xFFFFFFFF;
	(pc) =	sbr.abs _section_cstart, $3  }
0xc1: {  	[dreg:$0x1] =	wrdreg $0xFFFFFFFF  }
0xc2: {  	_ =	task.clear_ibuf [dreg:s7], $0x2FFFF;
	_ =	strace $0x9FFFFFFF  }
0xc3: {  	(tm) =	ssettm $0x7FFFFFFF  }
tec
execute0_lowered:
.L_overlay_start_1:
0x0: {  	(tag) =	ssettag $0x1  }
0x1: {  	s0 =	srdreg.scid  }
0x2: {  	s17 =	stileid.u32;
	s2 =	rddreg [dreg:$0x1];
	s0 =	sand.u32 $0x1, s0  }
0x3: {  	s1 =	sshll.u32 s17, $0x1;
	s8 =	smul.u32 $0x50, s17;
	s9 =	sadd.s32 $0x37E00, s2  }
0x4: {  	s11 =	sadd.s32 $0x17E00, s2;
	s2 =	sadd.s32 $0x99A00, s2;
	p0 =	slt.u32 s17, $0xD  }
0x5: {  	s7 =	sor.u32 s0, s1;
	s1 =	simm.s32 $0x0;
	s10 =	smul.u32 $0x2710, s0  }
0x6: {  	s3 =	ssub.s32 $0x2, s0;
	s4 =	smul.u32 $0x4E2, s7;
	[smem:$0x7FF] =	sst s1  }
0x7: {  	s5 =	sshrl.u32 s3, $0x1;
	s0 =	sadd.s32 $0x500, s8;
	s14 =	sshll.u32 s7, $0xB  }
0x8: {  	s7 =	sor.u32 $0x20, s7;
	s6 =	ssub.s32 s3, s5;
	s13 =	sadd.s32 s8, s10  }
0x9: {  	s15 =	sadd.s32 s11, s14;
	s5 =	sadd.s32 $0xF00, s8;
	s3 =	sadd.s32 $0x2300, s8  }
0xa: {  	[dreg:$0x14] =	wrdreg s6;
	s12 =	sadd.s32 s9, s4;
	s4 =	sshll.u32 s13, $0x4  }
0xb: {  	s6 =	sadd.s32 s10, s0;
	[dreg:$0x5] =	wrdreg s15;
	s13 =	sadd.s32 s10, s5  }
0xc: {  	s15 =	smul.u32 $0x4E2, s7;
	s25 =	sadd.s32 s10, s3;
	s7 =	sshll.u32 s7, $0xB  }
0xd: {  	[dreg:$0x4] =	wrdreg s12;
	s16 =	sadd.s32 s2, s4;
	s18 =	sshll.u32 s6, $0x4  }
0xe: {  	s4 =	sadd.s32 $0xA00, s8;
	s6 =	sadd.s32 $0x1400, s8;
	s13 =	sshll.u32 s13, $0x4  }
0xf: {  	s7 =	sadd.s32 s11, s7;
	[dreg:$0x6] =	wrdreg s16;
	s19 =	sadd.s32 s2, s18  }
0x10: {  	s12 =	sadd.s32 s10, s4;
	s14 =	sadd.s32 s10, s6;
	[dreg:$0xf] =	wrdreg s7  }
0x11: {  	s21 =	sadd.s32 s2, s13;
	s9 =	sadd.s32 s9, s15;
	[dreg:$0x7] =	wrdreg s19  }
0x12: {  	s12 =	sshll.u32 s12, $0x4;
	[dreg:$0x9] =	wrdreg s21;
	s22 =	sshll.u32 s14, $0x4  }
0x13: {  	s14 =	sadd.s32 $0x1E00, s8;
	[dreg:$0xb] =	wrdreg s9;
	s9 =	sshll.u32 s25, $0x4  }
0x14: {  	s20 =	sadd.s32 s2, s12;
	s23 =	sadd.s32 s2, s22;
	s12 =	sadd.s32 $0x1900, s8  }
0x15: {  	s16 =	sadd.s32 s10, s14;
	s9 =	sadd.s32 s2, s9;
	[dreg:$0x8] =	wrdreg s20  }
0x16: {  	[dreg:$0xa] =	wrdreg s23;
	s24 =	sadd.s32 s10, s12;
	s16 =	sshll.u32 s16, $0x4  }
0x17: {  	[dreg:$0xe] =	wrdreg s9;
	s13 =	sshll.u32 s24, $0x4;
	s26 =	sadd.s32 s2, s16  }
0x18: {  	s11 =	sshll.u32 s6, $0x7;
	s13 =	sadd.s32 s2, s13;
	[dreg:$0xd] =	wrdreg s26  }
0x19: {  	s9 =	sshll.u32 s4, $0x7;
	[dreg:$0xc] =	wrdreg s13;
	s13 =	sadd.s32 $0x4E20, s10  }
0x1a: {  	s26 =	smul.u32 $0xA000, s17;
	s15 =	sadd.s32 s8, s13;
	s16 =	sadd.s32 s0, s13  }
0x1b: {  	s10 =	sadd.s32 s4, s13;
	s20 =	sadd.s32 s5, s13;
	s21 =	sadd.s32 s6, s13  }
0x1c: {  	s22 =	sadd.s32 s12, s13;
	s24 =	sadd.s32 s14, s13;
	s25 =	sadd.s32 s3, s13  }
0x1d: {  	s0 =	sshll.u32 s0, $0x7;
	s13 =	sshll.u32 s12, $0x7;
	s14 =	sshll.u32 s14, $0x7  }
0x1e: {  	s4 =	simm.s32 $0x2780;
	s6 =	simm.s32 $0x3;
	s12 =	simm.s32 $0x0  }
0x1f: {  	s7 =	sshll.u32 s15, $0x4;
	s8 =	sshll.u32 s16, $0x4;
	s19 =	sshll.u32 s10, $0x4  }
0x20: {  	s23 =	sshll.u32 s22, $0x4;
	s22 =	rddreg [dreg:$0x2];
	s10 =	sshll.u32 s5, $0x7  }
0x21: {  	s15 =	sshll.u32 s3, $0x7;
	s5 =	simm.s32 $0x6780;
	s7 =	sadd.s32 s2, s7  }
0x22: {  	s18 =	sadd.s32 s2, s8;
	s8 =	sshll.u32 s21, $0x4;
	s21 =	rddreg [dreg:$0x0]  }
0x23: {  	s28 =	sadd.s32 s0, s22;
	s29 =	sadd.s32 s9, s22;
	s30 =	sadd.s32 s10, s22  }
0x24: {  	s31 =	sadd.s32 s11, s22;
	s0 =	sadd.s32 s14, s22;
	s9 =	simm.s32 $0x50  }
0x25: {  	s10 =	simm.s32 $0x8F80;
	s11 =	simm.s32 $0x6580;
	[dreg:$0x10] =	wrdreg s7  }
0x26: {  	[dreg:$0x11] =	wrdreg s18;
	s7 =	sadd.s32 s2, s19;
	s18 =	sadd.s32 s2, s8  }
0x27: {  	s19 =	sadd.s32 s2, s23;
	s8 =	sshll.u32 s25, $0x4;
	s25 =	simm.s32 $0x8  }
0x28: {  	[dreg:$0x12] =	wrdreg s7;
	s7 =	sshll.u32 s20, $0x4;
	s25 =	simm.s32 @!p0 $0x7  }
0x29: {  	s20 =	sadd.s32 s13, s22;
	p0 =	sgt.u32 s17, $0xC;
	s7 =	sadd.s32 s2, s7  }
0x2a: {  	[dreg:$0x13] =	wrdreg s7;
	s7 =	sshll.u32 s24, $0x4;
	s24 =	sadd.s32 s2, s8  }
0x2b: {  	s8 =	sshrl.u32 s26, $0x2;
	s23 =	sadd.s32 s2, s7;
	_ =	strace $0x8000004A  }
0x2c: {  	s26 =	sadd.s32 s8, s22;
	s2 =	sadd.s32 s15, s22;
	s16 =	rddreg [dreg:$0x14]  }
0x2d: {  	v0 =	vimm.f32 $0.0e+00;
	s7 =	simm.s32 $0x1;
	s8 =	simm.s32 $0x2;
	s3 =	smax.u32 s16, $0x1  }
.LBB2_1:
0x2e: {  	s13 =	rddreg [dreg:$0x4];
	s17 =	sand.u32 $0xFE00, s1  }
0x2f: {  	[tilespmem:s1], [sflag:$0x1] =	stream.linear.gather [hbm4b:s13+s1], $0x2710, $0x38;
	[tilespmem:$0x1F000] =	vst v63  }
0x30: {  	s16 =	rddreg [dreg:$0x5];
	s14 =	sand.u32 $0x70, s1;
	s15 =	sshrl.u32 s17, $0x2  }
0x31: {  	s13 =	simm.s32 $0x40;
	s15 =	sor.u32 s14, s15;
	s14 =	simm.s32 $0x0  }
0x32: {  	[tilespmem:s4], [sflag:$0x2] =	stream.linear.gather [hbm4b:s16+s1], $0x3E80, $0x38;
	[tilespmem:$0x1F000] =	vst v63  }
.LBB2_2:
0x33: {  	p1 =	sne.s32 s13, $0x9FC0  }
0x34: {  	[tilespmem:s15+$0x6780] =	vst v0;
	s14 =	sadd.s32 $0x10, s14;
	s15 =	smov.u32 s13;
	s13 =	sadd.s32 $0x40, s13  }
.Ltmp0:
0x35: {  	(pc) =	sbr.rel @p1 .LBB2_2-.Ltmp0, $4  }
0x36: {  	_ = 	snop  }
0x37: {  	s15 =	sand.u32 $0xFE00, s15  }
0x38: {  	s16 =	sand.u32 $0x70, s14;
	s15 =	sshrl.u32 s15, $0x2  }
0x39: {  	s15 =	sor.u32 s16, s15  }
0x3a: {  	p1 =	sne.s32 s25, $0x1  }
.Ltmp1:
0x3b: {  	_ = 	snop;
	(pc) =	sbr.rel @!p1 .LBB2_5-.Ltmp1, $4  }
0x3c: {  	[tilespmem:s15+$0x6780] =	vst v0  }
0x3d: {  	[spmem:s26] =	stream.linear.scatter [tilespmem:s5], [sflag:$0x3], $0x2800, $0x38;
	[tilespmem:$0x1F000] =	vst v63  }
0x3e: {  	_ =	swait.ge [sflag:s6], $0x2800  }
0x3f: {  	s13 =	sadd.s32 $0xFFFFFFFF, s25;
	s14 =	smov.u32 s26;
	[sflag:s6] =	ssyncset.done $0x0  }
.LBB2_4:
0x40: {  	p2 =	sne.s32 s13, $0x1;
	[sflag:s6] =	ssyncadd.s32 $0xFFFFD800;
	s14 =	sadd.s32 $0x28000, s14  }
.Ltmp2:
0x41: {  	s13 =	sadd.s32 $0xFFFFFFFF, s13;
	(pc) =	sbr.rel @p2 .LBB2_4-.Ltmp2, $4  }
0x42: {  	_ = 	snop  }
0x43: {  	[spmem:s14] =	stream.linear.scatter [tilespmem:s5], [sflag:$0x3], $0x2800, $0x38;
	[tilespmem:$0x1F000] =	vst v63  }
0x44: {  	_ =	swait.ge [sflag:s6], $0x2800  }
0x45: {  	[sflag:s6] =	ssyncset.done $0x0  }
.LBB2_5:
0x46: {  	[sflag:s6] =	ssyncadd.s32 $0xFFFFD800  }
0x47: {  	_ =	swait.ge [sflag:s7], $0x2710  }
0x48: {  	[sflag:s7] =	ssyncset.done $0x0  }
0x49: {  	[sflag:s7] =	ssyncadd.s32 $0xFFFFD8F0  }
0x4a: {  	_ =	swait.ge [sflag:s8], $0x3E80  }
0x4b: {  	[sflag:s8] =	ssyncset.done $0x0  }
0x4c: {  	[sflag:s8] =	ssyncadd.s32 $0xFFFFC180  }
0x4d: {  	s13 =	simm.s32 $0x0;
	[bflag:$0x0] =	sbarrier.arrive $0xFFFF  }
0x4e: {  	[tilespmem:s5], [sflag:$0x1] =	stream.indirect.gather [hbm4b:s21+s9], $0x80, s13, s9, $0xb8;
	[tilespmem:$0x1F000] =	vst v63  }
0x4f: {  	s14 =	simm.s32 $0x50  }
0x50: {  	[tilespmem:s10], [sflag:$0x2] =	stream.indirect.gather [hbm4b:s21+s9], $0x80, s14, s9, $0xb8;
	[tilespmem:$0x1F000] =	vst v63  }
0x51: {  	_ =	swait.ge [sflag:s7], $0x2800  }
0x52: {  	[sflag:s7] =	ssyncset.done $0x0  }
0x53: {  	s15 =	simm.s32 $0x2780;
	[sflag:s7] =	ssyncadd.s32 $0xFFFFD800  }
0x54: {  	[spmem:s22] =	stream.indirect.scatter.add.f32 [tilespmem:s5], [sflag:$0x3], $0x80, s15, s9, $0xb8;
	[tilespmem:$0x1F000] =	vst v63  }
0x55: {  	_ =	swait.ge [sflag:s6], $0x2800  }
0x56: {  	[sflag:s6] =	ssyncset.done $0x0  }
0x57: {  	s16 =	simm.s32 $0xA0;
	[sflag:s6] =	ssyncadd.s32 $0xFFFFD800  }
0x58: {  	[tilespmem:s5], [sflag:$0x1] =	stream.indirect.gather [hbm4b:s21+s9], $0x80, s16, s9, $0xb8;
	[tilespmem:$0x1F000] =	vst v63  }
0x59: {  	_ =	swait.ge [sflag:s8], $0x2800  }
0x5a: {  	[sflag:s8] =	ssyncset.done $0x0  }
0x5b: {  	s17 =	simm.s32 $0x2800;
	[sflag:s8] =	ssyncadd.s32 $0xFFFFD800  }
0x5c: {  	[spmem:s22] =	stream.indirect.scatter.add.f32 [tilespmem:s10], [sflag:$0x3], $0x80, s17, s9, $0xb8;
	[tilespmem:$0x1F000] =	vst v63  }
0x5d: {  	s13 =	simm.s32 $0x140;
	_ =	swait.ge [sflag:s6], $0x2800  }
0x5e: {  	s14 =	simm.s32 $0x400;
	s15 =	simm.s32 $0x800;
	[sflag:s6] =	ssyncset.done $0x0  }
.LBB2_6:
0x5f: {  	p2 =	sne.s32 s15, $0xF400;
	s16 =	sadd.s32 $0xFFFFFFB0, s13;
	[sflag:s6] =	ssyncadd.s32 $0xFFFFD800  }
0x60: {  	[tilespmem:s10], [sflag:$0x2] =	stream.indirect.gather [hbm4b:s21+s9], $0x80, s16, s9, $0xb8;
	[tilespmem:$0x1F000] =	vst v63  }
0x61: {  	s16 =	smov.u32 s15;
	s15 =	sadd.s32 $0x400, s15;
	_ =	swait.ge [sflag:s7], $0x2800  }
0x62: {  	s17 =	sshra.s32 s14, $0x2;
	s14 =	smov.u32 s16;
	[sflag:s7] =	ssyncset.done $0x0  }
0x63: {  	s16 =	sadd.s32 $0x2780, s17;
	[sflag:s7] =	ssyncadd.s32 $0xFFFFD800  }
0x64: {  	[spmem:s22] =	stream.indirect.scatter.add.f32 [tilespmem:s5], [sflag:$0x3], $0x80, s16, s9, $0xb8;
	[tilespmem:$0x1F000] =	vst v63  }
0x65: {  	_ =	swait.ge [sflag:s6], $0x2800  }
0x66: {  	[sflag:s6] =	ssyncset.done $0x0  }
0x67: {  	[sflag:s6] =	ssyncadd.s32 $0xFFFFD800  }
0x68: {  	[tilespmem:s5], [sflag:$0x1] =	stream.indirect.gather [hbm4b:s21+s9], $0x80, s13, s9, $0xb8;
	[tilespmem:$0x1F000] =	vst v63  }
0x69: {  	_ =	swait.ge [sflag:s8], $0x2800  }
.Ltmp3:
0x6a: {  	[sflag:s8] =	ssyncset.done $0x0;
	(pc) =	sbr.rel @p2 .LBB2_6-.Ltmp3, $4  }
0x6b: {  	s16 =	sadd.s32 $0x2800, s17;
	[sflag:s8] =	ssyncadd.s32 $0xFFFFD800  }
0x6c: {  	[spmem:s22] =	stream.indirect.scatter.add.f32 [tilespmem:s10], [sflag:$0x3], $0x80, s16, s9, $0xb8;
	[tilespmem:$0x1F000] =	vst v63  }
0x6d: {  	_ =	swait.ge [sflag:s6], $0x2800  }
0x6e: {  	s13 =	sadd.s32 $0xA0, s13;
	[sflag:s6] =	ssyncset.done $0x0  }
0x6f: {  	s15 =	sadd.s32 $0xFFFFFFB0, s13;
	[sflag:s6] =	ssyncadd.s32 $0xFFFFD800  }
0x70: {  	[tilespmem:s10], [sflag:$0x2] =	stream.indirect.gather [hbm4b:s21+s9], $0x80, s15, s9, $0xb8;
	[tilespmem:$0x1F000] =	vst v63  }
0x71: {  	_ =	swait.ge [sflag:s7], $0x2800  }
0x72: {  	s14 =	sshra.s32 s14, $0x2;
	[sflag:s7] =	ssyncset.done $0x0  }
0x73: {  	s16 =	sadd.s32 $0x2780, s14;
	[sflag:s7] =	ssyncadd.s32 $0xFFFFD800  }
0x74: {  	[spmem:s22] =	stream.indirect.scatter.add.f32 [tilespmem:s5], [sflag:$0x3], $0x80, s16, s9, $0xb8;
	[tilespmem:$0x1F000] =	vst v63  }
0x75: {  	_ =	swait.ge [sflag:s6], $0x2800  }
0x76: {  	[sflag:s6] =	ssyncset.done $0x0  }
0x77: {  	[sflag:s6] =	ssyncadd.s32 $0xFFFFD800  }
0x78: {  	[tilespmem:s5], [sflag:$0x1] =	stream.indirect.gather [hbm4b:s21+s9], $0x80, s13, s9, $0xb8;
	[tilespmem:$0x1F000] =	vst v63  }
0x79: {  	_ =	swait.ge [sflag:s8], $0x2800  }
0x7a: {  	[sflag:s8] =	ssyncset.done $0x0  }
0x7b: {  	s17 =	sadd.s32 $0x2800, s14;
	[sflag:s8] =	ssyncadd.s32 $0xFFFFD800  }
0x7c: {  	[spmem:s22] =	stream.indirect.scatter.add.f32 [tilespmem:s10], [sflag:$0x3], $0x80, s17, s9, $0xb8;
	[tilespmem:$0x1F000] =	vst v63  }
0x7d: {  	_ =	swait.ge [sflag:s6], $0x2800  }
0x7e: {  	[sflag:s6] =	ssyncset.done $0x0  }
0x7f: {  	[sflag:s6] =	ssyncadd.s32 $0xFFFFD800  }
0x80: {  	_ =	swait.ge [sflag:s7], $0x2800  }
0x81: {  	[sflag:s7] =	ssyncset.done $0x0  }
0x82: {  	[sflag:s7] =	ssyncadd.s32 $0xFFFFD800  }
0x83: {  	[spmem:s22] =	stream.indirect.scatter.add.f32 [tilespmem:s5], [sflag:$0x3], $0x80, s11, s9, $0xb8;
	[tilespmem:$0x1F000] =	vst v63  }
0x84: {  	_ =	swait.ge [sflag:s6], $0x2800  }
0x85: {  	[sflag:s6] =	ssyncset.done $0x0  }
0x86: {  	[sflag:s6] =	ssyncadd.s32 $0xFFFFD800  }
0x87: {  	[bflag:$0x0] =	sbarrier.arrive $0xFFFF  }
0x88: {  	[tilespmem:s5], [sflag:$0x3] =	stream.linear.gather [spmem:s26], $0x2800, $0x38;
	[tilespmem:$0x1F000] =	vst v63  }
0x89: {  	_ =	swait.ge [sflag:s6], $0x2800  }
0x8a: {  	[sflag:s6] =	ssyncset.done $0x0  }
0x8b: {  	s14 =	rddreg [dreg:$0x6];
	[sflag:s6] =	ssyncadd.s32 $0xFFFFD800  }
0x8c: {  	[hbm4b:s14+s1] =	stream.linear.scatter [tilespmem:s5], [sflag:$0x1], $0x2800, $0x38;
	[tilespmem:$0x1F000] =	vst v63  }
0x8d: {  	_ = 	snop  }
0x8e: {  	[tilespmem:s10], [sflag:$0x3] =	stream.linear.gather [spmem:s28], $0x2800, $0x38;
	[tilespmem:$0x1F000] =	vst v63  }
0x8f: {  	_ =	swait.ge [sflag:s6], $0x2800  }
0x90: {  	[sflag:s6] =	ssyncset.done $0x0  }
0x91: {  	s15 =	rddreg [dreg:$0x7];
	[sflag:s6] =	ssyncadd.s32 $0xFFFFD800  }
0x92: {  	[hbm4b:s15+s1] =	stream.linear.scatter [tilespmem:s10], [sflag:$0x2], $0x2800, $0x38;
	[tilespmem:$0x1F000] =	vst v63  }
0x93: {  	_ =	swait.ge [sflag:s7], $0x2800  }
0x94: {  	[sflag:s7] =	ssyncset.done $0x0  }
0x95: {  	[sflag:s7] =	ssyncadd.s32 $0xFFFFD800  }
0x96: {  	[tilespmem:s5], [sflag:$0x3] =	stream.linear.gather [spmem:s29], $0x2800, $0x38;
	[tilespmem:$0x1F000] =	vst v63  }
0x97: {  	_ =	swait.ge [sflag:s6], $0x2800  }
0x98: {  	[sflag:s6] =	ssyncset.done $0x0  }
0x99: {  	s16 =	rddreg [dreg:$0x8];
	[sflag:s6] =	ssyncadd.s32 $0xFFFFD800  }
0x9a: {  	[hbm4b:s16+s1] =	stream.linear.scatter [tilespmem:s5], [sflag:$0x1], $0x2800, $0x38;
	[tilespmem:$0x1F000] =	vst v63  }
0x9b: {  	_ =	swait.ge [sflag:s8], $0x2800  }
0x9c: {  	[sflag:s8] =	ssyncset.done $0x0  }
0x9d: {  	[sflag:s8] =	ssyncadd.s32 $0xFFFFD800  }
0x9e: {  	[tilespmem:s10], [sflag:$0x3] =	stream.linear.gather [spmem:s30], $0x2800, $0x38;
	[tilespmem:$0x1F000] =	vst v63  }
0x9f: {  	_ =	swait.ge [sflag:s6], $0x2800  }
0xa0: {  	[sflag:s6] =	ssyncset.done $0x0  }
0xa1: {  	s17 =	rddreg [dreg:$0x9];
	[sflag:s6] =	ssyncadd.s32 $0xFFFFD800  }
0xa2: {  	[hbm4b:s17+s1] =	stream.linear.scatter [tilespmem:s10], [sflag:$0x2], $0x2800, $0x38;
	[tilespmem:$0x1F000] =	vst v63  }
0xa3: {  	_ =	swait.ge [sflag:s7], $0x2800  }
0xa4: {  	[sflag:s7] =	ssyncset.done $0x0  }
0xa5: {  	[sflag:s7] =	ssyncadd.s32 $0xFFFFD800  }
0xa6: {  	[tilespmem:s5], [sflag:$0x3] =	stream.linear.gather [spmem:s31], $0x2800, $0x38;
	[tilespmem:$0x1F000] =	vst v63  }
0xa7: {  	_ =	swait.ge [sflag:s6], $0x2800  }
0xa8: {  	[sflag:s6] =	ssyncset.done $0x0  }
0xa9: {  	s14 =	rddreg [dreg:$0xa];
	[sflag:s6] =	ssyncadd.s32 $0xFFFFD800  }
0xaa: {  	[hbm4b:s14+s1] =	stream.linear.scatter [tilespmem:s5], [sflag:$0x1], $0x2800, $0x38;
	[tilespmem:$0x1F000] =	vst v63  }
0xab: {  	_ =	swait.ge [sflag:s8], $0x2800  }
0xac: {  	[sflag:s8] =	ssyncset.done $0x0  }
0xad: {  	[sflag:s8] =	ssyncadd.s32 $0xFFFFD800  }
0xae: {  	[tilespmem:s10], [sflag:$0x3] =	stream.linear.gather [spmem:s20], $0x2800, $0x38;
	[tilespmem:$0x1F000] =	vst v63  }
0xaf: {  	_ =	swait.ge [sflag:s6], $0x2800  }
0xb0: {  	[sflag:s6] =	ssyncset.done $0x0  }
0xb1: {  	s15 =	rddreg [dreg:$0xc];
	[sflag:s6] =	ssyncadd.s32 $0xFFFFD800  }
0xb2: {  	[hbm4b:s15+s1] =	stream.linear.scatter [tilespmem:s10], [sflag:$0x2], $0x2800, $0x38;
	[tilespmem:$0x1F000] =	vst v63  }
0xb3: {  	_ =	swait.ge [sflag:s7], $0x2800  }
0xb4: {  	[sflag:s7] =	ssyncset.done $0x0  }
0xb5: {  	[sflag:s7] =	ssyncadd.s32 $0xFFFFD800  }
0xb6: {  	[tilespmem:s5], [sflag:$0x3] =	stream.linear.gather [spmem:s0], $0x2800, $0x38;
	[tilespmem:$0x1F000] =	vst v63  }
0xb7: {  	_ =	swait.ge [sflag:s6], $0x2800  }
0xb8: {  	[sflag:s6] =	ssyncset.done $0x0  }
0xb9: {  	s13 =	simm.s32 @!p0 $0x2;
	s16 =	rddreg [dreg:$0xd];
	[sflag:s6] =	ssyncadd.s32 $0xFFFFD800  }
0xba: {  	[hbm4b:s16+s1] =	stream.linear.scatter [tilespmem:s5], [sflag:$0x1], $0x2800, $0x38;
	[tilespmem:$0x1F000] =	vst v63  }
0xbb: {  	_ =	swait.ge @!p0 [sflag:s13], $0x2800  }
0xbc: {  	[sflag:s13] =	ssyncset.done @!p0 $0x0  }
0xbd: {  	s14 =	simm.s32 @!p0 $0x3;
	[sflag:s13] =	ssyncadd.s32 @!p0 $0xFFFFD800;
	s13 =	simm.s32 @!p0 $0x8F80  }
0xbe: {  	[tilespmem:s13], [sflag:$0x3] =	stream.linear.gather @!p0 [spmem:s2], $0x2800, $0x38;
	[tilespmem:$0x1F000] =	vst v63  }
0xbf: {  	_ =	swait.ge @!p0 [sflag:s14], $0x2800  }
0xc0: {  	[sflag:s14] =	ssyncset.done @!p0 $0x0  }
0xc1: {  	s15 =	rddreg [dreg:$0xe];
	[sflag:s14] =	ssyncadd.s32 @!p0 $0xFFFFD800;
	s14 =	simm.s32 @!p0 $0x0  }
0xc2: {  	[hbm4b:s15+s14] =	stream.linear.scatter @!p0 [tilespmem:s13], [sflag:$0x2], $0x2800, $0x38;
	[tilespmem:$0x1F000] =	vst v63  }
0xc3: {  	_ =	swait.ge [sflag:s7], $0x2800  }
0xc4: {  	[sflag:s7] =	ssyncset.done $0x0  }
0xc5: {  	[sflag:s7] =	ssyncadd.s32 $0xFFFFD800  }
0xc6: {  	_ =	swait.ge [sflag:s8], $0x2800  }
0xc7: {  	[sflag:s8] =	ssyncset.done $0x0  }
0xc8: {  	[sflag:s8] =	ssyncadd.s32 $0xFFFFD800  }
0xc9: {  	s13 =	simm.s32 $0x0;
	[bflag:$0x0] =	sbarrier.arrive $0xFFFF  }
0xca: {  	s16 =	sand.u32 $0xFE00, s13;
	s17 =	rddreg [dreg:$0xb]  }
0xcb: {  	[tilespmem:s13], [sflag:$0x1] =	stream.linear.gather [hbm4b:s17+s13], $0x2710, $0x38;
	[tilespmem:$0x1F000] =	vst v63  }
0xcc: {  	s14 =	sshrl.u32 s16, $0x2;
	s15 =	rddreg [dreg:$0xf];
	s17 =	sand.u32 $0x70, s13  }
0xcd: {  	[tilespmem:s4], [sflag:$0x2] =	stream.linear.gather [hbm4b:s15+s13], $0x3E80, $0x38;
	[tilespmem:$0x1F000] =	vst v63  }
0xce: {  	s15 =	sor.u32 s17, s14;
	s14 =	simm.s32 $0x40  }
.LBB2_8:
0xcf: {  	p2 =	sne.s32 s14, $0x9FC0  }
0xd0: {  	[tilespmem:s15+$0x6780] =	vst v0;
	s13 =	sadd.s32 $0x10, s13;
	s15 =	smov.u32 s14;
	s14 =	sadd.s32 $0x40, s14  }
.Ltmp4:
0xd1: {  	(pc) =	sbr.rel @p2 .LBB2_8-.Ltmp4, $4  }
0xd2: {  	_ = 	snop  }
0xd3: {  	s15 =	sand.u32 $0xFE00, s15  }
0xd4: {  	s16 =	sand.u32 $0x70, s13;
	s15 =	sshrl.u32 s15, $0x2  }
0xd5: {  	s15 =	sor.u32 s16, s15  }
.Ltmp5:
0xd6: {  	(pc) =	sbr.rel @!p1 .LBB2_11-.Ltmp5, $4  }
0xd7: {  	[tilespmem:s15+$0x6780] =	vst v0  }
0xd8: {  	[spmem:s26] =	stream.linear.scatter [tilespmem:s5], [sflag:$0x3], $0x2800, $0x38;
	[tilespmem:$0x1F000] =	vst v63  }
0xd9: {  	_ =	swait.ge [sflag:s6], $0x2800  }
0xda: {  	s13 =	sadd.s32 $0xFFFFFFFF, s25;
	s14 =	smov.u32 s26;
	[sflag:s6] =	ssyncset.done $0x0  }
.LBB2_10:
0xdb: {  	p1 =	sne.s32 s13, $0x1;
	[sflag:s6] =	ssyncadd.s32 $0xFFFFD800;
	s14 =	sadd.s32 $0x28000, s14  }
.Ltmp6:
0xdc: {  	s13 =	sadd.s32 $0xFFFFFFFF, s13;
	(pc) =	sbr.rel @p1 .LBB2_10-.Ltmp6, $4  }
0xdd: {  	_ = 	snop  }
0xde: {  	[spmem:s14] =	stream.linear.scatter [tilespmem:s5], [sflag:$0x3], $0x2800, $0x38;
	[tilespmem:$0x1F000] =	vst v63  }
0xdf: {  	_ =	swait.ge [sflag:s6], $0x2800  }
0xe0: {  	[sflag:s6] =	ssyncset.done $0x0  }
.LBB2_11:
0xe1: {  	[sflag:s6] =	ssyncadd.s32 $0xFFFFD800  }
0xe2: {  	_ =	swait.ge [sflag:s7], $0x2710  }
0xe3: {  	[sflag:s7] =	ssyncset.done $0x0  }
0xe4: {  	[sflag:s7] =	ssyncadd.s32 $0xFFFFD8F0  }
0xe5: {  	_ =	swait.ge [sflag:s8], $0x3E80  }
0xe6: {  	[sflag:s8] =	ssyncset.done $0x0  }
0xe7: {  	[sflag:s8] =	ssyncadd.s32 $0xFFFFC180  }
0xe8: {  	s13 =	simm.s32 $0x0;
	[bflag:$0x0] =	sbarrier.arrive $0xFFFF  }
0xe9: {  	[tilespmem:s5], [sflag:$0x1] =	stream.indirect.gather [hbm4b:s21+s9], $0x80, s13, s9, $0xb8;
	[tilespmem:$0x1F000] =	vst v63  }
0xea: {  	s14 =	simm.s32 $0x50  }
0xeb: {  	[tilespmem:s10], [sflag:$0x2] =	stream.indirect.gather [hbm4b:s21+s9], $0x80, s14, s9, $0xb8;
	[tilespmem:$0x1F000] =	vst v63  }
0xec: {  	_ =	swait.ge [sflag:s7], $0x2800  }
0xed: {  	[sflag:s7] =	ssyncset.done $0x0  }
0xee: {  	s15 =	simm.s32 $0x2780;
	[sflag:s7] =	ssyncadd.s32 $0xFFFFD800  }
0xef: {  	[spmem:s22] =	stream.indirect.scatter.add.f32 [tilespmem:s5], [sflag:$0x3], $0x80, s15, s9, $0xb8;
	[tilespmem:$0x1F000] =	vst v63  }
0xf0: {  	_ =	swait.ge [sflag:s6], $0x2800  }
0xf1: {  	[sflag:s6] =	ssyncset.done $0x0  }
0xf2: {  	s16 =	simm.s32 $0xA0;
	[sflag:s6] =	ssyncadd.s32 $0xFFFFD800  }
0xf3: {  	[tilespmem:s5], [sflag:$0x1] =	stream.indirect.gather [hbm4b:s21+s9], $0x80, s16, s9, $0xb8;
	[tilespmem:$0x1F000] =	vst v63  }
0xf4: {  	_ =	swait.ge [sflag:s8], $0x2800  }
0xf5: {  	[sflag:s8] =	ssyncset.done $0x0  }
0xf6: {  	s17 =	simm.s32 $0x2800;
	[sflag:s8] =	ssyncadd.s32 $0xFFFFD800  }
0xf7: {  	[spmem:s22] =	stream.indirect.scatter.add.f32 [tilespmem:s10], [sflag:$0x3], $0x80, s17, s9, $0xb8;
	[tilespmem:$0x1F000] =	vst v63  }
0xf8: {  	s13 =	simm.s32 $0x140;
	_ =	swait.ge [sflag:s6], $0x2800  }
0xf9: {  	s14 =	simm.s32 $0x400;
	s15 =	simm.s32 $0x800;
	[sflag:s6] =	ssyncset.done $0x0  }
.LBB2_12:
0xfa: {  	p1 =	sne.s32 s15, $0xF400;
	s16 =	sadd.s32 $0xFFFFFFB0, s13;
	[sflag:s6] =	ssyncadd.s32 $0xFFFFD800  }
0xfb: {  	[tilespmem:s10], [sflag:$0x2] =	stream.indirect.gather [hbm4b:s21+s9], $0x80, s16, s9, $0xb8;
	[tilespmem:$0x1F000] =	vst v63  }
0xfc: {  	s16 =	smov.u32 s15;
	s15 =	sadd.s32 $0x400, s15;
	_ =	swait.ge [sflag:s7], $0x2800  }
0xfd: {  	s17 =	sshra.s32 s14, $0x2;
	s14 =	smov.u32 s16;
	[sflag:s7] =	ssyncset.done $0x0  }
0xfe: {  	s16 =	sadd.s32 $0x2780, s17;
	[sflag:s7] =	ssyncadd.s32 $0xFFFFD800  }
0xff: {  	[spmem:s22] =	stream.indirect.scatter.add.f32 [tilespmem:s5], [sflag:$0x3], $0x80, s16, s9, $0xb8;
	[tilespmem:$0x1F000] =	vst v63  }
0x100: {  	_ =	swait.ge [sflag:s6], $0x2800  }
0x101: {  	[sflag:s6] =	ssyncset.done $0x0  }
0x102: {  	[sflag:s6] =	ssyncadd.s32 $0xFFFFD800  }
0x103: {  	[tilespmem:s5], [sflag:$0x1] =	stream.indirect.gather [hbm4b:s21+s9], $0x80, s13, s9, $0xb8;
	[tilespmem:$0x1F000] =	vst v63  }
0x104: {  	_ =	swait.ge [sflag:s8], $0x2800  }
.Ltmp7:
0x105: {  	[sflag:s8] =	ssyncset.done $0x0;
	(pc) =	sbr.rel @p1 .LBB2_12-.Ltmp7, $4  }
0x106: {  	s16 =	sadd.s32 $0x2800, s17;
	[sflag:s8] =	ssyncadd.s32 $0xFFFFD800  }
0x107: {  	[spmem:s22] =	stream.indirect.scatter.add.f32 [tilespmem:s10], [sflag:$0x3], $0x80, s16, s9, $0xb8;
	[tilespmem:$0x1F000] =	vst v63  }
0x108: {  	_ =	swait.ge [sflag:s6], $0x2800  }
0x109: {  	s13 =	sadd.s32 $0xA0, s13;
	[sflag:s6] =	ssyncset.done $0x0  }
0x10a: {  	s15 =	sadd.s32 $0xFFFFFFB0, s13;
	[sflag:s6] =	ssyncadd.s32 $0xFFFFD800  }
0x10b: {  	[tilespmem:s10], [sflag:$0x2] =	stream.indirect.gather [hbm4b:s21+s9], $0x80, s15, s9, $0xb8;
	[tilespmem:$0x1F000] =	vst v63  }
0x10c: {  	_ =	swait.ge [sflag:s7], $0x2800  }
0x10d: {  	s14 =	sshra.s32 s14, $0x2;
	[sflag:s7] =	ssyncset.done $0x0  }
0x10e: {  	s16 =	sadd.s32 $0x2780, s14;
	[sflag:s7] =	ssyncadd.s32 $0xFFFFD800  }
0x10f: {  	[spmem:s22] =	stream.indirect.scatter.add.f32 [tilespmem:s5], [sflag:$0x3], $0x80, s16, s9, $0xb8;
	[tilespmem:$0x1F000] =	vst v63  }
0x110: {  	_ =	swait.ge [sflag:s6], $0x2800  }
0x111: {  	[sflag:s6] =	ssyncset.done $0x0  }
0x112: {  	[sflag:s6] =	ssyncadd.s32 $0xFFFFD800  }
0x113: {  	[tilespmem:s5], [sflag:$0x1] =	stream.indirect.gather [hbm4b:s21+s9], $0x80, s13, s9, $0xb8;
	[tilespmem:$0x1F000] =	vst v63  }
0x114: {  	_ =	swait.ge [sflag:s8], $0x2800  }
0x115: {  	[sflag:s8] =	ssyncset.done $0x0  }
0x116: {  	s17 =	sadd.s32 $0x2800, s14;
	[sflag:s8] =	ssyncadd.s32 $0xFFFFD800  }
0x117: {  	[spmem:s22] =	stream.indirect.scatter.add.f32 [tilespmem:s10], [sflag:$0x3], $0x80, s17, s9, $0xb8;
	[tilespmem:$0x1F000] =	vst v63  }
0x118: {  	_ =	swait.ge [sflag:s6], $0x2800  }
0x119: {  	[sflag:s6] =	ssyncset.done $0x0  }
0x11a: {  	[sflag:s6] =	ssyncadd.s32 $0xFFFFD800  }
0x11b: {  	_ =	swait.ge [sflag:s7], $0x2800  }
0x11c: {  	[sflag:s7] =	ssyncset.done $0x0  }
0x11d: {  	[sflag:s7] =	ssyncadd.s32 $0xFFFFD800  }
0x11e: {  	[spmem:s22] =	stream.indirect.scatter.add.f32 [tilespmem:s5], [sflag:$0x3], $0x80, s11, s9, $0xb8;
	[tilespmem:$0x1F000] =	vst v63  }
0x11f: {  	_ =	swait.ge [sflag:s6], $0x2800  }
0x120: {  	[sflag:s6] =	ssyncset.done $0x0  }
0x121: {  	[sflag:s6] =	ssyncadd.s32 $0xFFFFD800  }
0x122: {  	[bflag:$0x0] =	sbarrier.arrive $0xFFFF  }
0x123: {  	[tilespmem:s5], [sflag:$0x3] =	stream.linear.gather [spmem:s26], $0x2800, $0x38;
	[tilespmem:$0x1F000] =	vst v63  }
0x124: {  	_ =	swait.ge [sflag:s6], $0x2800  }
0x125: {  	[sflag:s6] =	ssyncset.done $0x0  }
0x126: {  	s14 =	rddreg [dreg:$0x10];
	[sflag:s6] =	ssyncadd.s32 $0xFFFFD800  }
0x127: {  	[hbm4b:s14+s1] =	stream.linear.scatter [tilespmem:s5], [sflag:$0x1], $0x2800, $0x38;
	[tilespmem:$0x1F000] =	vst v63  }
0x128: {  	_ = 	snop  }
0x129: {  	[tilespmem:s10], [sflag:$0x3] =	stream.linear.gather [spmem:s28], $0x2800, $0x38;
	[tilespmem:$0x1F000] =	vst v63  }
0x12a: {  	_ =	swait.ge [sflag:s6], $0x2800  }
0x12b: {  	[sflag:s6] =	ssyncset.done $0x0  }
0x12c: {  	s15 =	rddreg [dreg:$0x11];
	[sflag:s6] =	ssyncadd.s32 $0xFFFFD800  }
0x12d: {  	[hbm4b:s15+s1] =	stream.linear.scatter [tilespmem:s10], [sflag:$0x2], $0x2800, $0x38;
	[tilespmem:$0x1F000] =	vst v63  }
0x12e: {  	_ =	swait.ge [sflag:s7], $0x2800  }
0x12f: {  	[sflag:s7] =	ssyncset.done $0x0  }
0x130: {  	[sflag:s7] =	ssyncadd.s32 $0xFFFFD800  }
0x131: {  	[tilespmem:s5], [sflag:$0x3] =	stream.linear.gather [spmem:s29], $0x2800, $0x38;
	[tilespmem:$0x1F000] =	vst v63  }
0x132: {  	_ =	swait.ge [sflag:s6], $0x2800  }
0x133: {  	[sflag:s6] =	ssyncset.done $0x0  }
0x134: {  	s16 =	rddreg [dreg:$0x12];
	[sflag:s6] =	ssyncadd.s32 $0xFFFFD800  }
0x135: {  	[hbm4b:s16+s1] =	stream.linear.scatter [tilespmem:s5], [sflag:$0x1], $0x2800, $0x38;
	[tilespmem:$0x1F000] =	vst v63  }
0x136: {  	_ =	swait.ge [sflag:s8], $0x2800  }
0x137: {  	[sflag:s8] =	ssyncset.done $0x0  }
0x138: {  	[sflag:s8] =	ssyncadd.s32 $0xFFFFD800  }
0x139: {  	[tilespmem:s10], [sflag:$0x3] =	stream.linear.gather [spmem:s30], $0x2800, $0x38;
	[tilespmem:$0x1F000] =	vst v63  }
0x13a: {  	_ =	swait.ge [sflag:s6], $0x2800  }
0x13b: {  	[sflag:s6] =	ssyncset.done $0x0  }
0x13c: {  	s17 =	rddreg [dreg:$0x13];
	[sflag:s6] =	ssyncadd.s32 $0xFFFFD800  }
0x13d: {  	[hbm4b:s17+s1] =	stream.linear.scatter [tilespmem:s10], [sflag:$0x2], $0x2800, $0x38;
	[tilespmem:$0x1F000] =	vst v63  }
0x13e: {  	_ =	swait.ge [sflag:s7], $0x2800  }
0x13f: {  	[sflag:s7] =	ssyncset.done $0x0  }
0x140: {  	[sflag:s7] =	ssyncadd.s32 $0xFFFFD800  }
0x141: {  	[tilespmem:s5], [sflag:$0x3] =	stream.linear.gather [spmem:s31], $0x2800, $0x38;
	[tilespmem:$0x1F000] =	vst v63  }
0x142: {  	_ =	swait.ge [sflag:s6], $0x2800  }
0x143: {  	[sflag:s6] =	ssyncset.done $0x0  }
0x144: {  	[sflag:s6] =	ssyncadd.s32 $0xFFFFD800  }
0x145: {  	[hbm4b:s18+s1] =	stream.linear.scatter [tilespmem:s5], [sflag:$0x1], $0x2800, $0x38;
	[tilespmem:$0x1F000] =	vst v63  }
0x146: {  	_ =	swait.ge [sflag:s8], $0x2800  }
0x147: {  	[sflag:s8] =	ssyncset.done $0x0  }
0x148: {  	[sflag:s8] =	ssyncadd.s32 $0xFFFFD800  }
0x149: {  	[tilespmem:s10], [sflag:$0x3] =	stream.linear.gather [spmem:s20], $0x2800, $0x38;
	[tilespmem:$0x1F000] =	vst v63  }
0x14a: {  	_ =	swait.ge [sflag:s6], $0x2800  }
0x14b: {  	[sflag:s6] =	ssyncset.done $0x0  }
0x14c: {  	[sflag:s6] =	ssyncadd.s32 $0xFFFFD800  }
0x14d: {  	[hbm4b:s19+s1] =	stream.linear.scatter [tilespmem:s10], [sflag:$0x2], $0x2800, $0x38;
	[tilespmem:$0x1F000] =	vst v63  }
0x14e: {  	_ =	swait.ge [sflag:s7], $0x2800  }
0x14f: {  	[sflag:s7] =	ssyncset.done $0x0  }
0x150: {  	[sflag:s7] =	ssyncadd.s32 $0xFFFFD800  }
0x151: {  	[tilespmem:s5], [sflag:$0x3] =	stream.linear.gather [spmem:s0], $0x2800, $0x38;
	[tilespmem:$0x1F000] =	vst v63  }
0x152: {  	_ =	swait.ge [sflag:s6], $0x2800  }
0x153: {  	[sflag:s6] =	ssyncset.done $0x0  }
0x154: {  	s13 =	simm.s32 @!p0 $0x2;
	[sflag:s6] =	ssyncadd.s32 $0xFFFFD800  }
0x155: {  	[hbm4b:s23+s1] =	stream.linear.scatter [tilespmem:s5], [sflag:$0x1], $0x2800, $0x38;
	[tilespmem:$0x1F000] =	vst v63  }
0x156: {  	_ =	swait.ge @!p0 [sflag:s13], $0x2800  }
0x157: {  	[sflag:s13] =	ssyncset.done @!p0 $0x0  }
0x158: {  	s14 =	simm.s32 @!p0 $0x3;
	[sflag:s13] =	ssyncadd.s32 @!p0 $0xFFFFD800;
	s13 =	simm.s32 @!p0 $0x8F80  }
0x159: {  	[tilespmem:s13], [sflag:$0x3] =	stream.linear.gather @!p0 [spmem:s2], $0x2800, $0x38;
	[tilespmem:$0x1F000] =	vst v63  }
0x15a: {  	_ =	swait.ge @!p0 [sflag:s14], $0x2800  }
0x15b: {  	[sflag:s14] =	ssyncset.done @!p0 $0x0  }
0x15c: {  	[sflag:s14] =	ssyncadd.s32 @!p0 $0xFFFFD800;
	s14 =	simm.s32 @!p0 $0x0  }
0x15d: {  	[hbm4b:s24+s14] =	stream.linear.scatter @!p0 [tilespmem:s13], [sflag:$0x2], $0x2800, $0x38;
	[tilespmem:$0x1F000] =	vst v63  }
0x15e: {  	_ =	swait.ge [sflag:s7], $0x2800  }
0x15f: {  	s12 =	sadd.s32 $0x1, s12;
	[sflag:s7] =	ssyncset.done $0x0  }
0x160: {  	p1 =	sne.s32 s12, s3;
	[sflag:s7] =	ssyncadd.s32 $0xFFFFD800  }
.Ltmp8:
0x161: {  	_ =	swait.ge [sflag:s8], $0x2800;
	(pc) =	sbr.rel @p1 .LBB2_1-.Ltmp8, $3  }
0x162: {  	[sflag:s8] =	ssyncset.done $0x0  }
0x163: {  	[sflag:s8] =	ssyncadd.s32 $0xFFFFD800  }
0x164: {  	[bflag:$0x0] =	sbarrier.arrive $0xFFFF;
	_ =	sdelay $0x1  }
0x165: {  	_ =	sfence.sel $0x180000  }
0x166: {  	[bflag:$0x0] =	sbarrier.arrive $0xFFFF  }
0x167: {  	_ =	strace $0x9000004A  }
0x168: {  	s0 =	stileid.u32;
	[bflag:$0x2] =	sbarrier.arrive $0xFFFF  }
0x169: {  	p0 =	sne.s32 s0, $0x0;
	s0 =	rddreg [dreg:$0x3]  }
0x16a: {  	s0 =	sadd.s32 @!p0 $0x100000, s0  }
0x16b: {  	[sflag:s0] =	ssyncadd.tile.s32 @!p0 $0x1;
	_ =	shalt  }
.Lfunc_end2:
_tile_overlayer_lowered:
.L_overlay_start_2:
0x16c: {  	(tag) =	ssettag $0x2  }
0x16d: {  	s0 =	rddreg [dreg:$0x0];
	s2 =	stileid.u32  }
0x16e: {  	s1 =	rddreg [dreg:$0x1];
	p0 =	sne.s32 s2, $0x0  }
0x16f: {  	s3 =	rddreg [dreg:$0x2];
	[bflag:$0x3] =	sbarrier.arrive $0xFFFF;
	s2 =	simm.s32 @!p0 $0x1C03  }
0x170: {  	[timem:s3], [sflag:s2] =	dma.local @!p0 [hbm:s0], s1  }
0x171: {  	s0 =	simm.s32 @!p0 $0x3  }
0x172: {  	_ =	swait.ge @!p0 [sflag:s0], s1  }
0x173: {  	s1 =	ssub.s32 @!p0 $0x0, s1;
	[sflag:s0] =	ssyncset.done @!p0 $0x0  }
0x174: {  	[sflag:s0] =	ssyncadd.s32 @!p0 s1  }
0x175: {  	[bflag:$0x3] =	sbarrier.arrive $0xFFFF  }
0x176: {  	_ =	shalt  }

// kernel: kernel.14.cloned.1.call-start
scs
__scs_entry_jumppad:
0x0: {  	(pc) =	sbr.rel $0x88, $3  }
0x1: {  	(tag) =	ssettag $0x0;
	lr =	simm.s32 $0x1  }
0x2: {  	[smem:$0x3F9B] =	sst lr;
	_ =	strace $0xD0000000  }
0x3: {  	_ = 	snop  }
0x4: {  	_ = 	snop  }
0x5: {  	_ = 	snop  }
0x6: {  	_ = 	snop  }
0x7: {  	_ = 	snop  }
__scs_overlays_trampoline_lowered:
0x8: {  	[smem:$0x3FAA] =	sst s0  }
0x9: {  	[smem:$0x3FAB] =	sst s1  }
0xa: {  	[smem:$0x3FAC] =	sst s2  }
0xb: {  	[smem:$0x3FAD] =	sst s3  }
0xc: {  	[smem:$0x3FAE] =	sst s4  }
0xd: {  	[smem:$0x3FAF] =	sst s5  }
0xe: {  	[smem:$0x3FB0] =	sst s6  }
0xf: {  	[smem:$0x3FB1] =	sst s7  }
0x10: {  	[smem:$0x3FB2] =	sst s8  }
0x11: {  	[smem:$0x3FB3] =	sst s9;
	s0 =	simm.s32 @!p0 $0x0  }
0x12: {  	s1 =	sld [smem:$0x3F99];
	s0 =	simm.s32 @p0 $0x1  }
0x13: {  	[smem:$0x3FB4] =	sst s0;
	s0 =	simm.s32 @!p1 $0x0  }
0x14: {  	s2 =	sld [smem:$0x3F98];
	s0 =	simm.s32 @p1 $0x1  }
0x15: {  	[smem:$0x3FB5] =	sst s0;
	s0 =	simm.s32 @!p2 $0x0  }
0x16: {  	s3 =	sld [smem:$0x3FDB];
	s0 =	simm.s32 @p2 $0x1  }
0x17: {  	s4 =	simm.s32 $0x1BF5;
	[smem:$0x3FB7] =	sst s0  }
0x18: {  	s0 =	sld [smem:$0x3F9A];
	_ =	swait.ge [sflag:s4], $0x0  }
0x19: {  	s7 =	sld [smem:$0x3F9B]  }
0x1a: {  	s8 =	sadd.s32 $0xFFFFE003, lr  }
0x1b: {  	s9 =	sadd.s32 $0xFFFFFEF7, lr;
	s5 =	simm.s32 $0xFFFFFFFF;
	p2 =	slt.u32 s8, $0xFFFFF086  }
0x1c: {  	p1 =	slt.u32 s9, $0xF7A;
	s5 =	simm.s32 @!p2 $0x0  }
0x1d: {  	s5 =	simm.s32 @p1 $0x1;
	p0 =	seq.s32 s7, s2  }
0x1e: {  	s7 =	smul.u32 @!p0 $0xF7A, s2;
	p2 =	seq.s32 @!p0 s5, $0x0  }
0x1f: {  	s9 =	smul.u32 $0xF7A, s1;
	s8 =	simm.s32 @!p0 $0x1BF5;
	p2 =	por !p2, p0  }
0x20: {  	[sflag:s8] =	ssyncset.s32 @!p0 $0xFFFFF086;
	s6 =	sadd.s32 @!p0 s3, s7;
	s7 =	simm.s32 @!p0 $0x108  }
0x21: {  	s3 =	sadd.s32 s3, s9;
	s6 =	sadd.s32 @!p0 $0x88, s6;
	s7 =	simm.s32 @p2 $0x1082  }
0x22: {  	[simem:s7], [sflag:s8] =	dma.local @!p0 [hbm:s6], $0xF7A  }
0x23: {  	s9 =	sor.u32 $0xD0000000, s2;
	s6 =	simm.s32 $0x108;
	_ =	swait.ge @!p0 [sflag:s8], $0x0  }
0x24: {  	s3 =	sadd.s32 $0x88, s3;
	s6 =	simm.s32 @!p1 $0x1082;
	[sflag:s4] =	ssyncset.s32 $0xFFFFF086  }
0x25: {  	[simem:s6], [sflag:s4] =	dma.local [hbm:s3], $0xF7A  }
0x26: {  	[smem:$0x3F9B] =	sst s1;
	(tag) =	ssettag s2;
	_ =	strace s9  }
0x27: {  	s1 =	sld [smem:$0x3FAB]  }
0x28: {  	s2 =	sld [smem:$0x3FAC]  }
0x29: {  	s4 =	sld [smem:$0x3FAE]  }
0x2a: {  	p0 =	seq.s32 s5, $0x0;
	s5 =	sld [smem:$0x3FAF]  }
0x2b: {  	s6 =	sld [smem:$0x3FB0]  }
0x2c: {  	s7 =	sld [smem:$0x3FB1]  }
0x2d: {  	s3 =	simm.s32 $0x108;
	s8 =	sld [smem:$0x3FB2]  }
0x2e: {  	s3 =	simm.s32 @!p0 $0x1082;
	s9 =	sld [smem:$0x3FB3]  }
0x2f: {  	lr =	sadd.s32 s0, s3;
	s0 =	sld [smem:$0x3FAA]  }
0x30: {  	s3 =	sld [smem:$0x3FAD]  }
0x31: {  	[smem:$0x3FB6] =	sst s10  }
0x32: {  	s10 =	sld [smem:$0x3FB4];
	_ =	sdelay $0x3  }
0x33: {  	p0 =	seq.s32 s10, $0x1;
	s10 =	sld [smem:$0x3FB6];
	_ =	sdelay $0x3  }
0x34: {  	[smem:$0x3FB6] =	sst s10  }
0x35: {  	s10 =	sld [smem:$0x3FB5];
	_ =	sdelay $0x3  }
0x36: {  	p1 =	seq.s32 s10, $0x1;
	s10 =	sld [smem:$0x3FB6];
	_ =	sdelay $0x3  }
0x37: {  	[smem:$0x3FB6] =	sst s10  }
0x38: {  	s10 =	sld [smem:$0x3FB7]  }
0x39: {  	_ = 	snop;
	(pc) =	sbr.ind lr, $3  }
0x3a: {  	_ = 	snop  }
0x3b: {  	_ = 	snop  }
0x3c: {  	p2 =	seq.s32 s10, $0x1;
	s10 =	sld [smem:$0x3FB6]  }
0x3d: {  	_ =	shalt  }
0x3e: {  	_ =	shalt  }
0x3f: {  	_ =	shalt  }
0x40: {  	_ =	shalt  }
0x41: {  	_ =	shalt  }
0x42: {  	_ =	shalt  }
0x43: {  	_ =	shalt  }
0x44: {  	_ =	shalt  }
0x45: {  	_ =	shalt  }
0x46: {  	_ =	shalt  }
0x47: {  	_ =	shalt  }
0x48: {  	_ =	shalt  }
0x49: {  	_ =	shalt  }
0x4a: {  	_ =	shalt  }
0x4b: {  	_ =	shalt  }
0x4c: {  	_ =	shalt  }
0x4d: {  	_ =	shalt  }
0x4e: {  	_ =	shalt  }
0x4f: {  	_ =	shalt  }
0x50: {  	_ =	shalt  }
0x51: {  	_ =	shalt  }
0x52: {  	_ =	shalt  }
0x53: {  	_ =	shalt  }
0x54: {  	_ =	shalt  }
0x55: {  	_ =	shalt  }
0x56: {  	_ =	shalt  }
0x57: {  	_ =	shalt  }
0x58: {  	_ =	shalt  }
0x59: {  	_ =	shalt  }
0x5a: {  	_ =	shalt  }
0x5b: {  	_ =	shalt  }
0x5c: {  	_ =	shalt  }
0x5d: {  	_ =	shalt  }
0x5e: {  	_ =	shalt  }
0x5f: {  	_ =	shalt  }
0x60: {  	_ =	shalt  }
0x61: {  	_ =	shalt  }
0x62: {  	_ =	shalt  }
0x63: {  	_ =	shalt  }
0x64: {  	_ =	shalt  }
0x65: {  	_ =	shalt  }
0x66: {  	_ =	shalt  }
0x67: {  	_ =	shalt  }
0x68: {  	_ =	shalt  }
0x69: {  	_ =	shalt  }
0x6a: {  	_ =	shalt  }
0x6b: {  	_ =	shalt  }
0x6c: {  	_ =	shalt  }
0x6d: {  	_ =	shalt  }
0x6e: {  	_ =	shalt  }
0x6f: {  	_ =	shalt  }
0x70: {  	_ =	shalt  }
0x71: {  	_ =	shalt  }
0x72: {  	_ =	shalt  }
0x73: {  	_ =	shalt  }
0x74: {  	_ =	shalt  }
0x75: {  	_ =	shalt  }
0x76: {  	_ =	shalt  }
0x77: {  	_ =	shalt  }
0x78: {  	_ =	shalt  }
0x79: {  	_ =	shalt  }
0x7a: {  	_ =	shalt  }
0x7b: {  	_ =	shalt  }
0x7c: {  	_ =	shalt  }
0x7d: {  	_ =	shalt  }
0x7e: {  	_ =	shalt  }
0x7f: {  	_ =	shalt  }
0x80: {  	_ =	shalt  }
0x81: {  	_ =	shalt  }
0x82: {  	_ =	shalt  }
0x83: {  	_ =	shalt  }
0x84: {  	_ =	shalt  }
0x85: {  	_ =	shalt  }
0x86: {  	_ =	shalt  }
0x87: {  	_ =	shalt  }
.Lfunc_end0:
.L_simem_size_0:
called_computation.2_lowered:
.L_overlay_start_0:
0x88: {  	s2 =	sld [smem:$0x3FD9]  }
0x89: {  	s3 =	sld [smem:$0x3FFE];
	_ =	sdelay $0x1  }
0x8a: {  	s1 =	srdreg.scid  }
0x8b: {  	s0 =	sand.u32 $0x1, s1  }
0x8c: {  	s17 =	sshll.u32 s0, $0xA;
	s2 =	sadd.s32 s3, s2  }
0x8d: {  	s2 =	sadd.s32 s2, s17  }
0x8e: {  	[smem:$0x3FC2] =	sst s2  }
0x8f: {  	_ = 	snop  }
0x90: {  	s2 =	sld [smem:$0x3FD0];
	(tm) =	ssettm $0x1  }
0x91: {  	s18 =	sld [smem:$0x3FFB];
	_ =	sdelay $0x3  }
0x92: {  	_ =	strace s18  }
0x93: {  	s3 =	sld [smem:$0x3FFC];
	_ =	sdelay $0x3  }
0x94: {  	_ =	strace s3  }
0x95: {  	s3 =	sld [smem:$0x3FFD];
	_ =	sdelay $0x3  }
0x96: {  	_ =	strace s3  }
0x97: {  	_ =	strace $0x8FFFFFFF  }
0x98: {  	s19 =	sld [smem:$0x3FDB];
	_ =	sdelay $0x1  }
0x99: {  	s4 =	simm.s32 $_scs_section_size  }
0x9a: {  	s5 =	simm.s32 $_size__tile_overlayer_lowered;
	s6 =	simm.s32 $_tile_overlayer_lowered  }
0x9b: {  	s22 =	simm.s32 $0x1BFF;
	s21 =	sshll.u32 s6, $0x1;
	s3 =	sadd.s32 s4, s19  }
0x9c: {  	s7 =	simm.s32 $0x0;
	s20 =	sshll.u32 s5, $0x1;
	s5 =	sadd.s32 s21, s3  }
0x9d: {  	[timem:s7], [sflag:s22] =	dma.local [hbm:s5], s20  }
0x9e: {  	_ =	swait.ge [sflag:s22], s20  }
0x9f: {  	s4 =	ssub.s32 $0x0, s20;
	[sflag:s22] =	ssyncset.done $0x0  }
0xa0: {  	[sflag:s22] =	ssyncadd.s32 s4;
	_ =	sdelay $0x1  }
0xa1: {  	s23 =	simm.s32 $0x1B8B  }
0xa2: {  	_ =	swait.ge [sflag:s23], $0x1  }
0xa3: {  	[sflag:s23] =	ssyncset.done $0x0  }
0xa4: {  	s25 =	simm.s32 $0x1B8E;
	s24 =	sld [smem:$0x3FFE];
	[sflag:s23] =	ssyncadd.s32 $0xFFFFFFFF  }
0xa5: {  	s26 =	simm.s32 $execute0_lowered;
	[smem:$0x3FD2] =	sst s25  }
0xa6: {  	s5 =	sshll.u32 s26, $0x1;
	_ =	strace $0x8000004C;
	[dreg:$0x1] =	wrdreg $0xFFFFFFFF  }
0xa7: {  	s28 =	simm.s32 $_size_execute0_lowered;
	s3 =	sadd.s32 s3, s5;
	[dreg:$0x0] =	wrdreg $0x0  }
0xa8: {  	s5 =	sshll.u32 s28, $0x1;
	[dreg:$0x2] =	wrdreg s3  }
0xa9: {  	[dreg:$0x3] =	wrdreg s5  }
0xaa: {  	[dreg:$0x4] =	wrdreg $0xC0  }
0xab: {  	_ =	task [dreg:s7], $0x5FFFF  }
0xac: {  	[dreg:$0x1] =	wrdreg $0xFFFFFFFF  }
0xad: {  	[dreg:$0x0] =	wrdreg $0x60  }
0xae: {  	[dreg:$0x2] =	wrdreg s2  }
0xaf: {  	[dreg:$0x3] =	wrdreg s24  }
0xb0: {  	[dreg:$0x4] =	wrdreg $0xB7800  }
0xb1: {  	[dreg:$0x5] =	wrdreg $0x9  }
0xb2: {  	_ =	task.clear_ibuf [dreg:s7], $0x6FFFF;
	_ =	strace $0x9000004C  }
0xb3: {  	s29 =	simm.s32 $0x9;
	_ =	strace $0x8000004E  }
0xb4: {  	_ =	swait.ge [sflag:s29], $0x1  }
0xb5: {  	[sflag:s29] =	ssyncadd.s32 $0xFFFFFFFF  }
0xb6: {  	_ =	strace $0x9000004E  }
0xb7: {  	_ =	sfence  }
0xb8: {  	s30 =	sld [smem:$0x0];
	_ =	sdelay $0x2  }
0xb9: {  	s31 =	sshll.u32 s1, $0xD;
	s1 =	sshrl.u32 s1, $0x2  }
0xba: {  	s3 =	sand.u32 $0x4000, s31;
	s1 =	sadd.s32 s1, s30  }
0xbb: {  	s0 =	sor.u32 s3, s0;
	s1 =	sshll.u32 s1, $0x11  }
0xbc: {  	s0 =	sor.u32 s1, s0  }
0xbd: {  	s0 =	sadd.s32 $0x8F2B, s0  }
0xbe: {  	[sflag:s0] =	ssyncadd.remote.s32 $0x1  }
0xbf: {  	_ =	sfence.sel $0xFFFF  }
0xc0: {  	[dreg:$0x0] =	wrdreg $0xFFFFFFFF;
	(pc) =	sbr.abs _section_cstart, $3  }
0xc1: {  	[dreg:$0x1] =	wrdreg $0xFFFFFFFF  }
0xc2: {  	_ =	task.clear_ibuf [dreg:s7], $0x2FFFF;
	_ =	strace $0x9FFFFFFF  }
0xc3: {  	(tm) =	ssettm $0x7FFFFFFF  }
tec
execute0_lowered:
.L_overlay_start_1:
0x0: {  	(tag) =	ssettag $0x1  }
0x1: {  	s0 =	srdreg.scid  }
0x2: {  	s17 =	stileid.u32;
	s2 =	rddreg [dreg:$0x1];
	s0 =	sand.u32 $0x1, s0  }
0x3: {  	s1 =	sshll.u32 s17, $0x1;
	s8 =	smul.u32 $0x50, s17;
	s9 =	sadd.s32 $0x37E00, s2  }
0x4: {  	s11 =	sadd.s32 $0x17E00, s2;
	s2 =	sadd.s32 $0x99A00, s2;
	p0 =	slt.u32 s17, $0xD  }
0x5: {  	s7 =	sor.u32 s0, s1;
	s1 =	simm.s32 $0x0;
	s10 =	smul.u32 $0x2710, s0  }
0x6: {  	s3 =	ssub.s32 $0x2, s0;
	s4 =	smul.u32 $0x4E2, s7;
	[smem:$0x7FF] =	sst s1  }
0x7: {  	s5 =	sshrl.u32 s3, $0x1;
	s0 =	sadd.s32 $0x500, s8;
	s14 =	sshll.u32 s7, $0xB  }
0x8: {  	s7 =	sor.u32 $0x20, s7;
	s6 =	ssub.s32 s3, s5;
	s13 =	sadd.s32 s8, s10  }
0x9: {  	s15 =	sadd.s32 s11, s14;
	s5 =	sadd.s32 $0xF00, s8;
	s3 =	sadd.s32 $0x2300, s8  }
0xa: {  	[dreg:$0x14] =	wrdreg s6;
	s12 =	sadd.s32 s9, s4;
	s4 =	sshll.u32 s13, $0x4  }
0xb: {  	s6 =	sadd.s32 s10, s0;
	[dreg:$0x5] =	wrdreg s15;
	s13 =	sadd.s32 s10, s5  }
0xc: {  	s15 =	smul.u32 $0x4E2, s7;
	s25 =	sadd.s32 s10, s3;
	s7 =	sshll.u32 s7, $0xB  }
0xd: {  	[dreg:$0x4] =	wrdreg s12;
	s16 =	sadd.s32 s2, s4;
	s18 =	sshll.u32 s6, $0x4  }
0xe: {  	s4 =	sadd.s32 $0xA00, s8;
	s6 =	sadd.s32 $0x1400, s8;
	s13 =	sshll.u32 s13, $0x4  }
0xf: {  	s7 =	sadd.s32 s11, s7;
	[dreg:$0x6] =	wrdreg s16;
	s19 =	sadd.s32 s2, s18  }
0x10: {  	s12 =	sadd.s32 s10, s4;
	s14 =	sadd.s32 s10, s6;
	[dreg:$0xf] =	wrdreg s7  }
0x11: {  	s21 =	sadd.s32 s2, s13;
	s9 =	sadd.s32 s9, s15;
	[dreg:$0x7] =	wrdreg s19  }
0x12: {  	s12 =	sshll.u32 s12, $0x4;
	[dreg:$0x9] =	wrdreg s21;
	s22 =	sshll.u32 s14, $0x4  }
0x13: {  	s14 =	sadd.s32 $0x1E00, s8;
	[dreg:$0xb] =	wrdreg s9;
	s9 =	sshll.u32 s25, $0x4  }
0x14: {  	s20 =	sadd.s32 s2, s12;
	s23 =	sadd.s32 s2, s22;
	s12 =	sadd.s32 $0x1900, s8  }
0x15: {  	s16 =	sadd.s32 s10, s14;
	s9 =	sadd.s32 s2, s9;
	[dreg:$0x8] =	wrdreg s20  }
0x16: {  	[dreg:$0xa] =	wrdreg s23;
	s24 =	sadd.s32 s10, s12;
	s16 =	sshll.u32 s16, $0x4  }
0x17: {  	[dreg:$0xe] =	wrdreg s9;
	s13 =	sshll.u32 s24, $0x4;
	s26 =	sadd.s32 s2, s16  }
0x18: {  	s11 =	sshll.u32 s6, $0x7;
	s13 =	sadd.s32 s2, s13;
	[dreg:$0xd] =	wrdreg s26  }
0x19: {  	s9 =	sshll.u32 s4, $0x7;
	[dreg:$0xc] =	wrdreg s13;
	s13 =	sadd.s32 $0x4E20, s10  }
0x1a: {  	s26 =	smul.u32 $0xA000, s17;
	s15 =	sadd.s32 s8, s13;
	s16 =	sadd.s32 s0, s13  }
0x1b: {  	s10 =	sadd.s32 s4, s13;
	s20 =	sadd.s32 s5, s13;
	s21 =	sadd.s32 s6, s13  }
0x1c: {  	s22 =	sadd.s32 s12, s13;
	s24 =	sadd.s32 s14, s13;
	s25 =	sadd.s32 s3, s13  }
0x1d: {  	s0 =	sshll.u32 s0, $0x7;
	s13 =	sshll.u32 s12, $0x7;
	s14 =	sshll.u32 s14, $0x7  }
0x1e: {  	s4 =	simm.s32 $0x2780;
	s6 =	simm.s32 $0x3;
	s12 =	simm.s32 $0x0  }
0x1f: {  	s7 =	sshll.u32 s15, $0x4;
	s8 =	sshll.u32 s16, $0x4;
	s19 =	sshll.u32 s10, $0x4  }
0x20: {  	s23 =	sshll.u32 s22, $0x4;
	s22 =	rddreg [dreg:$0x2];
	s10 =	sshll.u32 s5, $0x7  }
0x21: {  	s15 =	sshll.u32 s3, $0x7;
	s5 =	simm.s32 $0x6780;
	s7 =	sadd.s32 s2, s7  }
0x22: {  	s18 =	sadd.s32 s2, s8;
	s8 =	sshll.u32 s21, $0x4;
	s21 =	rddreg [dreg:$0x0]  }
0x23: {  	s28 =	sadd.s32 s0, s22;
	s29 =	sadd.s32 s9, s22;
	s30 =	sadd.s32 s10, s22  }
0x24: {  	s31 =	sadd.s32 s11, s22;
	s0 =	sadd.s32 s14, s22;
	s9 =	simm.s32 $0x50  }
0x25: {  	s10 =	simm.s32 $0x8F80;
	s11 =	simm.s32 $0x6580;
	[dreg:$0x10] =	wrdreg s7  }
0x26: {  	[dreg:$0x11] =	wrdreg s18;
	s7 =	sadd.s32 s2, s19;
	s18 =	sadd.s32 s2, s8  }
0x27: {  	s19 =	sadd.s32 s2, s23;
	s8 =	sshll.u32 s25, $0x4;
	s25 =	simm.s32 $0x8  }
0x28: {  	[dreg:$0x12] =	wrdreg s7;
	s7 =	sshll.u32 s20, $0x4;
	s25 =	simm.s32 @!p0 $0x7  }
0x29: {  	s20 =	sadd.s32 s13, s22;
	p0 =	sgt.u32 s17, $0xC;
	s7 =	sadd.s32 s2, s7  }
0x2a: {  	[dreg:$0x13] =	wrdreg s7;
	s7 =	sshll.u32 s24, $0x4;
	s24 =	sadd.s32 s2, s8  }
0x2b: {  	s8 =	sshrl.u32 s26, $0x2;
	s23 =	sadd.s32 s2, s7;
	_ =	strace $0x8000004D  }
0x2c: {  	s26 =	sadd.s32 s8, s22;
	s2 =	sadd.s32 s15, s22;
	s16 =	rddreg [dreg:$0x14]  }
0x2d: {  	v0 =	vimm.f32 $0.0e+00;
	s7 =	simm.s32 $0x1;
	s8 =	simm.s32 $0x2;
	s3 =	smax.u32 s16, $0x1  }
.LBB2_1:
0x2e: {  	s13 =	rddreg [dreg:$0x4];
	s17 =	sand.u32 $0xFE00, s1  }
0x2f: {  	[tilespmem:s1], [sflag:$0x1] =	stream.linear.gather [hbm4b:s13+s1], $0x2710, $0x38;
	[tilespmem:$0x1F000] =	vst v63  }
0x30: {  	s16 =	rddreg [dreg:$0x5];
	s14 =	sand.u32 $0x70, s1;
	s15 =	sshrl.u32 s17, $0x2  }
0x31: {  	s13 =	simm.s32 $0x40;
	s15 =	sor.u32 s14, s15;
	s14 =	simm.s32 $0x0  }
0x32: {  	[tilespmem:s4], [sflag:$0x2] =	stream.linear.gather [hbm4b:s16+s1], $0x3E80, $0x38;
	[tilespmem:$0x1F000] =	vst v63  }
.LBB2_2:
0x33: {  	p1 =	sne.s32 s13, $0x9FC0  }
0x34: {  	[tilespmem:s15+$0x6780] =	vst v0;
	s14 =	sadd.s32 $0x10, s14;
	s15 =	smov.u32 s13;
	s13 =	sadd.s32 $0x40, s13  }
.Ltmp0:
0x35: {  	(pc) =	sbr.rel @p1 .LBB2_2-.Ltmp0, $4  }
0x36: {  	_ = 	snop  }
0x37: {  	s15 =	sand.u32 $0xFE00, s15  }
0x38: {  	s16 =	sand.u32 $0x70, s14;
	s15 =	sshrl.u32 s15, $0x2  }
0x39: {  	s15 =	sor.u32 s16, s15  }
0x3a: {  	p1 =	sne.s32 s25, $0x1  }
.Ltmp1:
0x3b: {  	_ = 	snop;
	(pc) =	sbr.rel @!p1 .LBB2_5-.Ltmp1, $4  }
0x3c: {  	[tilespmem:s15+$0x6780] =	vst v0  }
0x3d: {  	[spmem:s26] =	stream.linear.scatter [tilespmem:s5], [sflag:$0x3], $0x2800, $0x38;
	[tilespmem:$0x1F000] =	vst v63  }
0x3e: {  	_ =	swait.ge [sflag:s6], $0x2800  }
0x3f: {  	s13 =	sadd.s32 $0xFFFFFFFF, s25;
	s14 =	smov.u32 s26;
	[sflag:s6] =	ssyncset.done $0x0  }
.LBB2_4:
0x40: {  	p2 =	sne.s32 s13, $0x1;
	[sflag:s6] =	ssyncadd.s32 $0xFFFFD800;
	s14 =	sadd.s32 $0x28000, s14  }
.Ltmp2:
0x41: {  	s13 =	sadd.s32 $0xFFFFFFFF, s13;
	(pc) =	sbr.rel @p2 .LBB2_4-.Ltmp2, $4  }
0x42: {  	_ = 	snop  }
0x43: {  	[spmem:s14] =	stream.linear.scatter [tilespmem:s5], [sflag:$0x3], $0x2800, $0x38;
	[tilespmem:$0x1F000] =	vst v63  }
0x44: {  	_ =	swait.ge [sflag:s6], $0x2800  }
0x45: {  	[sflag:s6] =	ssyncset.done $0x0  }
.LBB2_5:
0x46: {  	[sflag:s6] =	ssyncadd.s32 $0xFFFFD800  }
0x47: {  	_ =	swait.ge [sflag:s7], $0x2710  }
0x48: {  	[sflag:s7] =	ssyncset.done $0x0  }
0x49: {  	[sflag:s7] =	ssyncadd.s32 $0xFFFFD8F0  }
0x4a: {  	_ =	swait.ge [sflag:s8], $0x3E80  }
0x4b: {  	[sflag:s8] =	ssyncset.done $0x0  }
0x4c: {  	[sflag:s8] =	ssyncadd.s32 $0xFFFFC180  }
0x4d: {  	s13 =	simm.s32 $0x0;
	[bflag:$0x0] =	sbarrier.arrive $0xFFFF  }
0x4e: {  	[tilespmem:s5], [sflag:$0x1] =	stream.indirect.gather [hbm4b:s21+s9], $0x80, s13, s9, $0xb8;
	[tilespmem:$0x1F000] =	vst v63  }
0x4f: {  	s14 =	simm.s32 $0x50  }
0x50: {  	[tilespmem:s10], [sflag:$0x2] =	stream.indirect.gather [hbm4b:s21+s9], $0x80, s14, s9, $0xb8;
	[tilespmem:$0x1F000] =	vst v63  }
0x51: {  	_ =	swait.ge [sflag:s7], $0x2800  }
0x52: {  	[sflag:s7] =	ssyncset.done $0x0  }
0x53: {  	s15 =	simm.s32 $0x2780;
	[sflag:s7] =	ssyncadd.s32 $0xFFFFD800  }
0x54: {  	[spmem:s22] =	stream.indirect.scatter.add.f32 [tilespmem:s5], [sflag:$0x3], $0x80, s15, s9, $0xb8;
	[tilespmem:$0x1F000] =	vst v63  }
0x55: {  	_ =	swait.ge [sflag:s6], $0x2800  }
0x56: {  	[sflag:s6] =	ssyncset.done $0x0  }
0x57: {  	s16 =	simm.s32 $0xA0;
	[sflag:s6] =	ssyncadd.s32 $0xFFFFD800  }
0x58: {  	[tilespmem:s5], [sflag:$0x1] =	stream.indirect.gather [hbm4b:s21+s9], $0x80, s16, s9, $0xb8;
	[tilespmem:$0x1F000] =	vst v63  }
0x59: {  	_ =	swait.ge [sflag:s8], $0x2800  }
0x5a: {  	[sflag:s8] =	ssyncset.done $0x0  }
0x5b: {  	s17 =	simm.s32 $0x2800;
	[sflag:s8] =	ssyncadd.s32 $0xFFFFD800  }
0x5c: {  	[spmem:s22] =	stream.indirect.scatter.add.f32 [tilespmem:s10], [sflag:$0x3], $0x80, s17, s9, $0xb8;
	[tilespmem:$0x1F000] =	vst v63  }
0x5d: {  	s13 =	simm.s32 $0x140;
	_ =	swait.ge [sflag:s6], $0x2800  }
0x5e: {  	s14 =	simm.s32 $0x400;
	s15 =	simm.s32 $0x800;
	[sflag:s6] =	ssyncset.done $0x0  }
.LBB2_6:
0x5f: {  	p2 =	sne.s32 s15, $0xF400;
	s16 =	sadd.s32 $0xFFFFFFB0, s13;
	[sflag:s6] =	ssyncadd.s32 $0xFFFFD800  }
0x60: {  	[tilespmem:s10], [sflag:$0x2] =	stream.indirect.gather [hbm4b:s21+s9], $0x80, s16, s9, $0xb8;
	[tilespmem:$0x1F000] =	vst v63  }
0x61: {  	s16 =	smov.u32 s15;
	s15 =	sadd.s32 $0x400, s15;
	_ =	swait.ge [sflag:s7], $0x2800  }
0x62: {  	s17 =	sshra.s32 s14, $0x2;
	s14 =	smov.u32 s16;
	[sflag:s7] =	ssyncset.done $0x0  }
0x63: {  	s16 =	sadd.s32 $0x2780, s17;
	[sflag:s7] =	ssyncadd.s32 $0xFFFFD800  }
0x64: {  	[spmem:s22] =	stream.indirect.scatter.add.f32 [tilespmem:s5], [sflag:$0x3], $0x80, s16, s9, $0xb8;
	[tilespmem:$0x1F000] =	vst v63  }
0x65: {  	_ =	swait.ge [sflag:s6], $0x2800  }
0x66: {  	[sflag:s6] =	ssyncset.done $0x0  }
0x67: {  	[sflag:s6] =	ssyncadd.s32 $0xFFFFD800  }
0x68: {  	[tilespmem:s5], [sflag:$0x1] =	stream.indirect.gather [hbm4b:s21+s9], $0x80, s13, s9, $0xb8;
	[tilespmem:$0x1F000] =	vst v63  }
0x69: {  	_ =	swait.ge [sflag:s8], $0x2800  }
.Ltmp3:
0x6a: {  	[sflag:s8] =	ssyncset.done $0x0;
	(pc) =	sbr.rel @p2 .LBB2_6-.Ltmp3, $4  }
0x6b: {  	s16 =	sadd.s32 $0x2800, s17;
	[sflag:s8] =	ssyncadd.s32 $0xFFFFD800  }
0x6c: {  	[spmem:s22] =	stream.indirect.scatter.add.f32 [tilespmem:s10], [sflag:$0x3], $0x80, s16, s9, $0xb8;
	[tilespmem:$0x1F000] =	vst v63  }
0x6d: {  	_ =	swait.ge [sflag:s6], $0x2800  }
0x6e: {  	s13 =	sadd.s32 $0xA0, s13;
	[sflag:s6] =	ssyncset.done $0x0  }
0x6f: {  	s15 =	sadd.s32 $0xFFFFFFB0, s13;
	[sflag:s6] =	ssyncadd.s32 $0xFFFFD800  }
0x70: {  	[tilespmem:s10], [sflag:$0x2] =	stream.indirect.gather [hbm4b:s21+s9], $0x80, s15, s9, $0xb8;
	[tilespmem:$0x1F000] =	vst v63  }
0x71: {  	_ =	swait.ge [sflag:s7], $0x2800  }
0x72: {  	s14 =	sshra.s32 s14, $0x2;
	[sflag:s7] =	ssyncset.done $0x0  }
0x73: {  	s16 =	sadd.s32 $0x2780, s14;
	[sflag:s7] =	ssyncadd.s32 $0xFFFFD800  }
0x74: {  	[spmem:s22] =	stream.indirect.scatter.add.f32 [tilespmem:s5], [sflag:$0x3], $0x80, s16, s9, $0xb8;
	[tilespmem:$0x1F000] =	vst v63  }
0x75: {  	_ =	swait.ge [sflag:s6], $0x2800  }
0x76: {  	[sflag:s6] =	ssyncset.done $0x0  }
0x77: {  	[sflag:s6] =	ssyncadd.s32 $0xFFFFD800  }
0x78: {  	[tilespmem:s5], [sflag:$0x1] =	stream.indirect.gather [hbm4b:s21+s9], $0x80, s13, s9, $0xb8;
	[tilespmem:$0x1F000] =	vst v63  }
0x79: {  	_ =	swait.ge [sflag:s8], $0x2800  }
0x7a: {  	[sflag:s8] =	ssyncset.done $0x0  }
0x7b: {  	s17 =	sadd.s32 $0x2800, s14;
	[sflag:s8] =	ssyncadd.s32 $0xFFFFD800  }
0x7c: {  	[spmem:s22] =	stream.indirect.scatter.add.f32 [tilespmem:s10], [sflag:$0x3], $0x80, s17, s9, $0xb8;
	[tilespmem:$0x1F000] =	vst v63  }
0x7d: {  	_ =	swait.ge [sflag:s6], $0x2800  }
0x7e: {  	[sflag:s6] =	ssyncset.done $0x0  }
0x7f: {  	[sflag:s6] =	ssyncadd.s32 $0xFFFFD800  }
0x80: {  	_ =	swait.ge [sflag:s7], $0x2800  }
0x81: {  	[sflag:s7] =	ssyncset.done $0x0  }
0x82: {  	[sflag:s7] =	ssyncadd.s32 $0xFFFFD800  }
0x83: {  	[spmem:s22] =	stream.indirect.scatter.add.f32 [tilespmem:s5], [sflag:$0x3], $0x80, s11, s9, $0xb8;
	[tilespmem:$0x1F000] =	vst v63  }
0x84: {  	_ =	swait.ge [sflag:s6], $0x2800  }
0x85: {  	[sflag:s6] =	ssyncset.done $0x0  }
0x86: {  	[sflag:s6] =	ssyncadd.s32 $0xFFFFD800  }
0x87: {  	[bflag:$0x0] =	sbarrier.arrive $0xFFFF  }
0x88: {  	[tilespmem:s5], [sflag:$0x3] =	stream.linear.gather [spmem:s26], $0x2800, $0x38;
	[tilespmem:$0x1F000] =	vst v63  }
0x89: {  	_ =	swait.ge [sflag:s6], $0x2800  }
0x8a: {  	[sflag:s6] =	ssyncset.done $0x0  }
0x8b: {  	s14 =	rddreg [dreg:$0x6];
	[sflag:s6] =	ssyncadd.s32 $0xFFFFD800  }
0x8c: {  	[hbm4b:s14+s1] =	stream.linear.scatter [tilespmem:s5], [sflag:$0x1], $0x2800, $0x38;
	[tilespmem:$0x1F000] =	vst v63  }
0x8d: {  	_ = 	snop  }
0x8e: {  	[tilespmem:s10], [sflag:$0x3] =	stream.linear.gather [spmem:s28], $0x2800, $0x38;
	[tilespmem:$0x1F000] =	vst v63  }
0x8f: {  	_ =	swait.ge [sflag:s6], $0x2800  }
0x90: {  	[sflag:s6] =	ssyncset.done $0x0  }
0x91: {  	s15 =	rddreg [dreg:$0x7];
	[sflag:s6] =	ssyncadd.s32 $0xFFFFD800  }
0x92: {  	[hbm4b:s15+s1] =	stream.linear.scatter [tilespmem:s10], [sflag:$0x2], $0x2800, $0x38;
	[tilespmem:$0x1F000] =	vst v63  }
0x93: {  	_ =	swait.ge [sflag:s7], $0x2800  }
0x94: {  	[sflag:s7] =	ssyncset.done $0x0  }
0x95: {  	[sflag:s7] =	ssyncadd.s32 $0xFFFFD800  }
0x96: {  	[tilespmem:s5], [sflag:$0x3] =	stream.linear.gather [spmem:s29], $0x2800, $0x38;
	[tilespmem:$0x1F000] =	vst v63  }
0x97: {  	_ =	swait.ge [sflag:s6], $0x2800  }
0x98: {  	[sflag:s6] =	ssyncset.done $0x0  }
0x99: {  	s16 =	rddreg [dreg:$0x8];
	[sflag:s6] =	ssyncadd.s32 $0xFFFFD800  }
0x9a: {  	[hbm4b:s16+s1] =	stream.linear.scatter [tilespmem:s5], [sflag:$0x1], $0x2800, $0x38;
	[tilespmem:$0x1F000] =	vst v63  }
0x9b: {  	_ =	swait.ge [sflag:s8], $0x2800  }
0x9c: {  	[sflag:s8] =	ssyncset.done $0x0  }
0x9d: {  	[sflag:s8] =	ssyncadd.s32 $0xFFFFD800  }
0x9e: {  	[tilespmem:s10], [sflag:$0x3] =	stream.linear.gather [spmem:s30], $0x2800, $0x38;
	[tilespmem:$0x1F000] =	vst v63  }
0x9f: {  	_ =	swait.ge [sflag:s6], $0x2800  }
0xa0: {  	[sflag:s6] =	ssyncset.done $0x0  }
0xa1: {  	s17 =	rddreg [dreg:$0x9];
	[sflag:s6] =	ssyncadd.s32 $0xFFFFD800  }
0xa2: {  	[hbm4b:s17+s1] =	stream.linear.scatter [tilespmem:s10], [sflag:$0x2], $0x2800, $0x38;
	[tilespmem:$0x1F000] =	vst v63  }
0xa3: {  	_ =	swait.ge [sflag:s7], $0x2800  }
0xa4: {  	[sflag:s7] =	ssyncset.done $0x0  }
0xa5: {  	[sflag:s7] =	ssyncadd.s32 $0xFFFFD800  }
0xa6: {  	[tilespmem:s5], [sflag:$0x3] =	stream.linear.gather [spmem:s31], $0x2800, $0x38;
	[tilespmem:$0x1F000] =	vst v63  }
0xa7: {  	_ =	swait.ge [sflag:s6], $0x2800  }
0xa8: {  	[sflag:s6] =	ssyncset.done $0x0  }
0xa9: {  	s14 =	rddreg [dreg:$0xa];
	[sflag:s6] =	ssyncadd.s32 $0xFFFFD800  }
0xaa: {  	[hbm4b:s14+s1] =	stream.linear.scatter [tilespmem:s5], [sflag:$0x1], $0x2800, $0x38;
	[tilespmem:$0x1F000] =	vst v63  }
0xab: {  	_ =	swait.ge [sflag:s8], $0x2800  }
0xac: {  	[sflag:s8] =	ssyncset.done $0x0  }
0xad: {  	[sflag:s8] =	ssyncadd.s32 $0xFFFFD800  }
0xae: {  	[tilespmem:s10], [sflag:$0x3] =	stream.linear.gather [spmem:s20], $0x2800, $0x38;
	[tilespmem:$0x1F000] =	vst v63  }
0xaf: {  	_ =	swait.ge [sflag:s6], $0x2800  }
0xb0: {  	[sflag:s6] =	ssyncset.done $0x0  }
0xb1: {  	s15 =	rddreg [dreg:$0xc];
	[sflag:s6] =	ssyncadd.s32 $0xFFFFD800  }
0xb2: {  	[hbm4b:s15+s1] =	stream.linear.scatter [tilespmem:s10], [sflag:$0x2], $0x2800, $0x38;
	[tilespmem:$0x1F000] =	vst v63  }
0xb3: {  	_ =	swait.ge [sflag:s7], $0x2800  }
0xb4: {  	[sflag:s7] =	ssyncset.done $0x0  }
0xb5: {  	[sflag:s7] =	ssyncadd.s32 $0xFFFFD800  }
0xb6: {  	[tilespmem:s5], [sflag:$0x3] =	stream.linear.gather [spmem:s0], $0x2800, $0x38;
	[tilespmem:$0x1F000] =	vst v63  }
0xb7: {  	_ =	swait.ge [sflag:s6], $0x2800  }
0xb8: {  	[sflag:s6] =	ssyncset.done $0x0  }
0xb9: {  	s13 =	simm.s32 @!p0 $0x2;
	s16 =	rddreg [dreg:$0xd];
	[sflag:s6] =	ssyncadd.s32 $0xFFFFD800  }
0xba: {  	[hbm4b:s16+s1] =	stream.linear.scatter [tilespmem:s5], [sflag:$0x1], $0x2800, $0x38;
	[tilespmem:$0x1F000] =	vst v63  }
0xbb: {  	_ =	swait.ge @!p0 [sflag:s13], $0x2800  }
0xbc: {  	[sflag:s13] =	ssyncset.done @!p0 $0x0  }
0xbd: {  	s14 =	simm.s32 @!p0 $0x3;
	[sflag:s13] =	ssyncadd.s32 @!p0 $0xFFFFD800;
	s13 =	simm.s32 @!p0 $0x8F80  }
0xbe: {  	[tilespmem:s13], [sflag:$0x3] =	stream.linear.gather @!p0 [spmem:s2], $0x2800, $0x38;
	[tilespmem:$0x1F000] =	vst v63  }
0xbf: {  	_ =	swait.ge @!p0 [sflag:s14], $0x2800  }
0xc0: {  	[sflag:s14] =	ssyncset.done @!p0 $0x0  }
0xc1: {  	s15 =	rddreg [dreg:$0xe];
	[sflag:s14] =	ssyncadd.s32 @!p0 $0xFFFFD800;
	s14 =	simm.s32 @!p0 $0x0  }
0xc2: {  	[hbm4b:s15+s14] =	stream.linear.scatter @!p0 [tilespmem:s13], [sflag:$0x2], $0x2800, $0x38;
	[tilespmem:$0x1F000] =	vst v63  }
0xc3: {  	_ =	swait.ge [sflag:s7], $0x2800  }
0xc4: {  	[sflag:s7] =	ssyncset.done $0x0  }
0xc5: {  	[sflag:s7] =	ssyncadd.s32 $0xFFFFD800  }
0xc6: {  	_ =	swait.ge [sflag:s8], $0x2800  }
0xc7: {  	[sflag:s8] =	ssyncset.done $0x0  }
0xc8: {  	[sflag:s8] =	ssyncadd.s32 $0xFFFFD800  }
0xc9: {  	s13 =	simm.s32 $0x0;
	[bflag:$0x0] =	sbarrier.arrive $0xFFFF  }
0xca: {  	s16 =	sand.u32 $0xFE00, s13;
	s17 =	rddreg [dreg:$0xb]  }
0xcb: {  	[tilespmem:s13], [sflag:$0x1] =	stream.linear.gather [hbm4b:s17+s13], $0x2710, $0x38;
	[tilespmem:$0x1F000] =	vst v63  }
0xcc: {  	s14 =	sshrl.u32 s16, $0x2;
	s15 =	rddreg [dreg:$0xf];
	s17 =	sand.u32 $0x70, s13  }
0xcd: {  	[tilespmem:s4], [sflag:$0x2] =	stream.linear.gather [hbm4b:s15+s13], $0x3E80, $0x38;
	[tilespmem:$0x1F000] =	vst v63  }
0xce: {  	s15 =	sor.u32 s17, s14;
	s14 =	simm.s32 $0x40  }
.LBB2_8:
0xcf: {  	p2 =	sne.s32 s14, $0x9FC0  }
0xd0: {  	[tilespmem:s15+$0x6780] =	vst v0;
	s13 =	sadd.s32 $0x10, s13;
	s15 =	smov.u32 s14;
	s14 =	sadd.s32 $0x40, s14  }
.Ltmp4:
0xd1: {  	(pc) =	sbr.rel @p2 .LBB2_8-.Ltmp4, $4  }
0xd2: {  	_ = 	snop  }
0xd3: {  	s15 =	sand.u32 $0xFE00, s15  }
0xd4: {  	s16 =	sand.u32 $0x70, s13;
	s15 =	sshrl.u32 s15, $0x2  }
0xd5: {  	s15 =	sor.u32 s16, s15  }
.Ltmp5:
0xd6: {  	(pc) =	sbr.rel @!p1 .LBB2_11-.Ltmp5, $4  }
0xd7: {  	[tilespmem:s15+$0x6780] =	vst v0  }
0xd8: {  	[spmem:s26] =	stream.linear.scatter [tilespmem:s5], [sflag:$0x3], $0x2800, $0x38;
	[tilespmem:$0x1F000] =	vst v63  }
0xd9: {  	_ =	swait.ge [sflag:s6], $0x2800  }
0xda: {  	s13 =	sadd.s32 $0xFFFFFFFF, s25;
	s14 =	smov.u32 s26;
	[sflag:s6] =	ssyncset.done $0x0  }
.LBB2_10:
0xdb: {  	p1 =	sne.s32 s13, $0x1;
	[sflag:s6] =	ssyncadd.s32 $0xFFFFD800;
	s14 =	sadd.s32 $0x28000, s14  }
.Ltmp6:
0xdc: {  	s13 =	sadd.s32 $0xFFFFFFFF, s13;
	(pc) =	sbr.rel @p1 .LBB2_10-.Ltmp6, $4  }
0xdd: {  	_ = 	snop  }
0xde: {  	[spmem:s14] =	stream.linear.scatter [tilespmem:s5], [sflag:$0x3], $0x2800, $0x38;
	[tilespmem:$0x1F000] =	vst v63  }
0xdf: {  	_ =	swait.ge [sflag:s6], $0x2800  }
0xe0: {  	[sflag:s6] =	ssyncset.done $0x0  }
.LBB2_11:
0xe1: {  	[sflag:s6] =	ssyncadd.s32 $0xFFFFD800  }
0xe2: {  	_ =	swait.ge [sflag:s7], $0x2710  }
0xe3: {  	[sflag:s7] =	ssyncset.done $0x0  }
0xe4: {  	[sflag:s7] =	ssyncadd.s32 $0xFFFFD8F0  }
0xe5: {  	_ =	swait.ge [sflag:s8], $0x3E80  }
0xe6: {  	[sflag:s8] =	ssyncset.done $0x0  }
0xe7: {  	[sflag:s8] =	ssyncadd.s32 $0xFFFFC180  }
0xe8: {  	s13 =	simm.s32 $0x0;
	[bflag:$0x0] =	sbarrier.arrive $0xFFFF  }
0xe9: {  	[tilespmem:s5], [sflag:$0x1] =	stream.indirect.gather [hbm4b:s21+s9], $0x80, s13, s9, $0xb8;
	[tilespmem:$0x1F000] =	vst v63  }
0xea: {  	s14 =	simm.s32 $0x50  }
0xeb: {  	[tilespmem:s10], [sflag:$0x2] =	stream.indirect.gather [hbm4b:s21+s9], $0x80, s14, s9, $0xb8;
	[tilespmem:$0x1F000] =	vst v63  }
0xec: {  	_ =	swait.ge [sflag:s7], $0x2800  }
0xed: {  	[sflag:s7] =	ssyncset.done $0x0  }
0xee: {  	s15 =	simm.s32 $0x2780;
	[sflag:s7] =	ssyncadd.s32 $0xFFFFD800  }
0xef: {  	[spmem:s22] =	stream.indirect.scatter.add.f32 [tilespmem:s5], [sflag:$0x3], $0x80, s15, s9, $0xb8;
	[tilespmem:$0x1F000] =	vst v63  }
0xf0: {  	_ =	swait.ge [sflag:s6], $0x2800  }
0xf1: {  	[sflag:s6] =	ssyncset.done $0x0  }
0xf2: {  	s16 =	simm.s32 $0xA0;
	[sflag:s6] =	ssyncadd.s32 $0xFFFFD800  }
0xf3: {  	[tilespmem:s5], [sflag:$0x1] =	stream.indirect.gather [hbm4b:s21+s9], $0x80, s16, s9, $0xb8;
	[tilespmem:$0x1F000] =	vst v63  }
0xf4: {  	_ =	swait.ge [sflag:s8], $0x2800  }
0xf5: {  	[sflag:s8] =	ssyncset.done $0x0  }
0xf6: {  	s17 =	simm.s32 $0x2800;
	[sflag:s8] =	ssyncadd.s32 $0xFFFFD800  }
0xf7: {  	[spmem:s22] =	stream.indirect.scatter.add.f32 [tilespmem:s10], [sflag:$0x3], $0x80, s17, s9, $0xb8;
	[tilespmem:$0x1F000] =	vst v63  }
0xf8: {  	s13 =	simm.s32 $0x140;
	_ =	swait.ge [sflag:s6], $0x2800  }
0xf9: {  	s14 =	simm.s32 $0x400;
	s15 =	simm.s32 $0x800;
	[sflag:s6] =	ssyncset.done $0x0  }
.LBB2_12:
0xfa: {  	p1 =	sne.s32 s15, $0xF400;
	s16 =	sadd.s32 $0xFFFFFFB0, s13;
	[sflag:s6] =	ssyncadd.s32 $0xFFFFD800  }
0xfb: {  	[tilespmem:s10], [sflag:$0x2] =	stream.indirect.gather [hbm4b:s21+s9], $0x80, s16, s9, $0xb8;
	[tilespmem:$0x1F000] =	vst v63  }
0xfc: {  	s16 =	smov.u32 s15;
	s15 =	sadd.s32 $0x400, s15;
	_ =	swait.ge [sflag:s7], $0x2800  }
0xfd: {  	s17 =	sshra.s32 s14, $0x2;
	s14 =	smov.u32 s16;
	[sflag:s7] =	ssyncset.done $0x0  }
0xfe: {  	s16 =	sadd.s32 $0x2780, s17;
	[sflag:s7] =	ssyncadd.s32 $0xFFFFD800  }
0xff: {  	[spmem:s22] =	stream.indirect.scatter.add.f32 [tilespmem:s5], [sflag:$0x3], $0x80, s16, s9, $0xb8;
	[tilespmem:$0x1F000] =	vst v63  }
0x100: {  	_ =	swait.ge [sflag:s6], $0x2800  }
0x101: {  	[sflag:s6] =	ssyncset.done $0x0  }
0x102: {  	[sflag:s6] =	ssyncadd.s32 $0xFFFFD800  }
0x103: {  	[tilespmem:s5], [sflag:$0x1] =	stream.indirect.gather [hbm4b:s21+s9], $0x80, s13, s9, $0xb8;
	[tilespmem:$0x1F000] =	vst v63  }
0x104: {  	_ =	swait.ge [sflag:s8], $0x2800  }
.Ltmp7:
0x105: {  	[sflag:s8] =	ssyncset.done $0x0;
	(pc) =	sbr.rel @p1 .LBB2_12-.Ltmp7, $4  }
0x106: {  	s16 =	sadd.s32 $0x2800, s17;
	[sflag:s8] =	ssyncadd.s32 $0xFFFFD800  }
0x107: {  	[spmem:s22] =	stream.indirect.scatter.add.f32 [tilespmem:s10], [sflag:$0x3], $0x80, s16, s9, $0xb8;
	[tilespmem:$0x1F000] =	vst v63  }
0x108: {  	_ =	swait.ge [sflag:s6], $0x2800  }
0x109: {  	s13 =	sadd.s32 $0xA0, s13;
	[sflag:s6] =	ssyncset.done $0x0  }
0x10a: {  	s15 =	sadd.s32 $0xFFFFFFB0, s13;
	[sflag:s6] =	ssyncadd.s32 $0xFFFFD800  }
0x10b: {  	[tilespmem:s10], [sflag:$0x2] =	stream.indirect.gather [hbm4b:s21+s9], $0x80, s15, s9, $0xb8;
	[tilespmem:$0x1F000] =	vst v63  }
0x10c: {  	_ =	swait.ge [sflag:s7], $0x2800  }
0x10d: {  	s14 =	sshra.s32 s14, $0x2;
	[sflag:s7] =	ssyncset.done $0x0  }
0x10e: {  	s16 =	sadd.s32 $0x2780, s14;
	[sflag:s7] =	ssyncadd.s32 $0xFFFFD800  }
0x10f: {  	[spmem:s22] =	stream.indirect.scatter.add.f32 [tilespmem:s5], [sflag:$0x3], $0x80, s16, s9, $0xb8;
	[tilespmem:$0x1F000] =	vst v63  }
0x110: {  	_ =	swait.ge [sflag:s6], $0x2800  }
0x111: {  	[sflag:s6] =	ssyncset.done $0x0  }
0x112: {  	[sflag:s6] =	ssyncadd.s32 $0xFFFFD800  }
0x113: {  	[tilespmem:s5], [sflag:$0x1] =	stream.indirect.gather [hbm4b:s21+s9], $0x80, s13, s9, $0xb8;
	[tilespmem:$0x1F000] =	vst v63  }
0x114: {  	_ =	swait.ge [sflag:s8], $0x2800  }
0x115: {  	[sflag:s8] =	ssyncset.done $0x0  }
0x116: {  	s17 =	sadd.s32 $0x2800, s14;
	[sflag:s8] =	ssyncadd.s32 $0xFFFFD800  }
0x117: {  	[spmem:s22] =	stream.indirect.scatter.add.f32 [tilespmem:s10], [sflag:$0x3], $0x80, s17, s9, $0xb8;
	[tilespmem:$0x1F000] =	vst v63  }
0x118: {  	_ =	swait.ge [sflag:s6], $0x2800  }
0x119: {  	[sflag:s6] =	ssyncset.done $0x0  }
0x11a: {  	[sflag:s6] =	ssyncadd.s32 $0xFFFFD800  }
0x11b: {  	_ =	swait.ge [sflag:s7], $0x2800  }
0x11c: {  	[sflag:s7] =	ssyncset.done $0x0  }
0x11d: {  	[sflag:s7] =	ssyncadd.s32 $0xFFFFD800  }
0x11e: {  	[spmem:s22] =	stream.indirect.scatter.add.f32 [tilespmem:s5], [sflag:$0x3], $0x80, s11, s9, $0xb8;
	[tilespmem:$0x1F000] =	vst v63  }
0x11f: {  	_ =	swait.ge [sflag:s6], $0x2800  }
0x120: {  	[sflag:s6] =	ssyncset.done $0x0  }
0x121: {  	[sflag:s6] =	ssyncadd.s32 $0xFFFFD800  }
0x122: {  	[bflag:$0x0] =	sbarrier.arrive $0xFFFF  }
0x123: {  	[tilespmem:s5], [sflag:$0x3] =	stream.linear.gather [spmem:s26], $0x2800, $0x38;
	[tilespmem:$0x1F000] =	vst v63  }
0x124: {  	_ =	swait.ge [sflag:s6], $0x2800  }
0x125: {  	[sflag:s6] =	ssyncset.done $0x0  }
0x126: {  	s14 =	rddreg [dreg:$0x10];
	[sflag:s6] =	ssyncadd.s32 $0xFFFFD800  }
0x127: {  	[hbm4b:s14+s1] =	stream.linear.scatter [tilespmem:s5], [sflag:$0x1], $0x2800, $0x38;
	[tilespmem:$0x1F000] =	vst v63  }
0x128: {  	_ = 	snop  }
0x129: {  	[tilespmem:s10], [sflag:$0x3] =	stream.linear.gather [spmem:s28], $0x2800, $0x38;
	[tilespmem:$0x1F000] =	vst v63  }
0x12a: {  	_ =	swait.ge [sflag:s6], $0x2800  }
0x12b: {  	[sflag:s6] =	ssyncset.done $0x0  }
0x12c: {  	s15 =	rddreg [dreg:$0x11];
	[sflag:s6] =	ssyncadd.s32 $0xFFFFD800  }
0x12d: {  	[hbm4b:s15+s1] =	stream.linear.scatter [tilespmem:s10], [sflag:$0x2], $0x2800, $0x38;
	[tilespmem:$0x1F000] =	vst v63  }
0x12e: {  	_ =	swait.ge [sflag:s7], $0x2800  }
0x12f: {  	[sflag:s7] =	ssyncset.done $0x0  }
0x130: {  	[sflag:s7] =	ssyncadd.s32 $0xFFFFD800  }
0x131: {  	[tilespmem:s5], [sflag:$0x3] =	stream.linear.gather [spmem:s29], $0x2800, $0x38;
	[tilespmem:$0x1F000] =	vst v63  }
0x132: {  	_ =	swait.ge [sflag:s6], $0x2800  }
0x133: {  	[sflag:s6] =	ssyncset.done $0x0  }
0x134: {  	s16 =	rddreg [dreg:$0x12];
	[sflag:s6] =	ssyncadd.s32 $0xFFFFD800  }
0x135: {  	[hbm4b:s16+s1] =	stream.linear.scatter [tilespmem:s5], [sflag:$0x1], $0x2800, $0x38;
	[tilespmem:$0x1F000] =	vst v63  }
0x136: {  	_ =	swait.ge [sflag:s8], $0x2800  }
0x137: {  	[sflag:s8] =	ssyncset.done $0x0  }
0x138: {  	[sflag:s8] =	ssyncadd.s32 $0xFFFFD800  }
0x139: {  	[tilespmem:s10], [sflag:$0x3] =	stream.linear.gather [spmem:s30], $0x2800, $0x38;
	[tilespmem:$0x1F000] =	vst v63  }
0x13a: {  	_ =	swait.ge [sflag:s6], $0x2800  }
0x13b: {  	[sflag:s6] =	ssyncset.done $0x0  }
0x13c: {  	s17 =	rddreg [dreg:$0x13];
	[sflag:s6] =	ssyncadd.s32 $0xFFFFD800  }
0x13d: {  	[hbm4b:s17+s1] =	stream.linear.scatter [tilespmem:s10], [sflag:$0x2], $0x2800, $0x38;
	[tilespmem:$0x1F000] =	vst v63  }
0x13e: {  	_ =	swait.ge [sflag:s7], $0x2800  }
0x13f: {  	[sflag:s7] =	ssyncset.done $0x0  }
0x140: {  	[sflag:s7] =	ssyncadd.s32 $0xFFFFD800  }
0x141: {  	[tilespmem:s5], [sflag:$0x3] =	stream.linear.gather [spmem:s31], $0x2800, $0x38;
	[tilespmem:$0x1F000] =	vst v63  }
0x142: {  	_ =	swait.ge [sflag:s6], $0x2800  }
0x143: {  	[sflag:s6] =	ssyncset.done $0x0  }
0x144: {  	[sflag:s6] =	ssyncadd.s32 $0xFFFFD800  }
0x145: {  	[hbm4b:s18+s1] =	stream.linear.scatter [tilespmem:s5], [sflag:$0x1], $0x2800, $0x38;
	[tilespmem:$0x1F000] =	vst v63  }
0x146: {  	_ =	swait.ge [sflag:s8], $0x2800  }
0x147: {  	[sflag:s8] =	ssyncset.done $0x0  }
0x148: {  	[sflag:s8] =	ssyncadd.s32 $0xFFFFD800  }
0x149: {  	[tilespmem:s10], [sflag:$0x3] =	stream.linear.gather [spmem:s20], $0x2800, $0x38;
	[tilespmem:$0x1F000] =	vst v63  }
0x14a: {  	_ =	swait.ge [sflag:s6], $0x2800  }
0x14b: {  	[sflag:s6] =	ssyncset.done $0x0  }
0x14c: {  	[sflag:s6] =	ssyncadd.s32 $0xFFFFD800  }
0x14d: {  	[hbm4b:s19+s1] =	stream.linear.scatter [tilespmem:s10], [sflag:$0x2], $0x2800, $0x38;
	[tilespmem:$0x1F000] =	vst v63  }
0x14e: {  	_ =	swait.ge [sflag:s7], $0x2800  }
0x14f: {  	[sflag:s7] =	ssyncset.done $0x0  }
0x150: {  	[sflag:s7] =	ssyncadd.s32 $0xFFFFD800  }
0x151: {  	[tilespmem:s5], [sflag:$0x3] =	stream.linear.gather [spmem:s0], $0x2800, $0x38;
	[tilespmem:$0x1F000] =	vst v63  }
0x152: {  	_ =	swait.ge [sflag:s6], $0x2800  }
0x153: {  	[sflag:s6] =	ssyncset.done $0x0  }
0x154: {  	s13 =	simm.s32 @!p0 $0x2;
	[sflag:s6] =	ssyncadd.s32 $0xFFFFD800  }
0x155: {  	[hbm4b:s23+s1] =	stream.linear.scatter [tilespmem:s5], [sflag:$0x1], $0x2800, $0x38;
	[tilespmem:$0x1F000] =	vst v63  }
0x156: {  	_ =	swait.ge @!p0 [sflag:s13], $0x2800  }
0x157: {  	[sflag:s13] =	ssyncset.done @!p0 $0x0  }
0x158: {  	s14 =	simm.s32 @!p0 $0x3;
	[sflag:s13] =	ssyncadd.s32 @!p0 $0xFFFFD800;
	s13 =	simm.s32 @!p0 $0x8F80  }
0x159: {  	[tilespmem:s13], [sflag:$0x3] =	stream.linear.gather @!p0 [spmem:s2], $0x2800, $0x38;
	[tilespmem:$0x1F000] =	vst v63  }
0x15a: {  	_ =	swait.ge @!p0 [sflag:s14], $0x2800  }
0x15b: {  	[sflag:s14] =	ssyncset.done @!p0 $0x0  }
0x15c: {  	[sflag:s14] =	ssyncadd.s32 @!p0 $0xFFFFD800;
	s14 =	simm.s32 @!p0 $0x0  }
0x15d: {  	[hbm4b:s24+s14] =	stream.linear.scatter @!p0 [tilespmem:s13], [sflag:$0x2], $0x2800, $0x38;
	[tilespmem:$0x1F000] =	vst v63  }
0x15e: {  	_ =	swait.ge [sflag:s7], $0x2800  }
0x15f: {  	s12 =	sadd.s32 $0x1, s12;
	[sflag:s7] =	ssyncset.done $0x0  }
0x160: {  	p1 =	sne.s32 s12, s3;
	[sflag:s7] =	ssyncadd.s32 $0xFFFFD800  }
.Ltmp8:
0x161: {  	_ =	swait.ge [sflag:s8], $0x2800;
	(pc) =	sbr.rel @p1 .LBB2_1-.Ltmp8, $3  }
0x162: {  	[sflag:s8] =	ssyncset.done $0x0  }
0x163: {  	[sflag:s8] =	ssyncadd.s32 $0xFFFFD800  }
0x164: {  	[bflag:$0x0] =	sbarrier.arrive $0xFFFF;
	_ =	sdelay $0x1  }
0x165: {  	_ =	sfence.sel $0x180000  }
0x166: {  	[bflag:$0x0] =	sbarrier.arrive $0xFFFF  }
0x167: {  	_ =	strace $0x9000004D  }
0x168: {  	s0 =	stileid.u32;
	[bflag:$0x2] =	sbarrier.arrive $0xFFFF  }
0x169: {  	p0 =	sne.s32 s0, $0x0;
	s0 =	rddreg [dreg:$0x3]  }
0x16a: {  	s0 =	sadd.s32 @!p0 $0x100000, s0  }
0x16b: {  	[sflag:s0] =	ssyncadd.tile.s32 @!p0 $0x1;
	_ =	shalt  }
.Lfunc_end2:
_tile_overlayer_lowered:
.L_overlay_start_2:
0x16c: {  	(tag) =	ssettag $0x2  }
0x16d: {  	s0 =	rddreg [dreg:$0x0];
	s2 =	stileid.u32  }
0x16e: {  	s1 =	rddreg [dreg:$0x1];
	p0 =	sne.s32 s2, $0x0  }
0x16f: {  	s3 =	rddreg [dreg:$0x2];
	[bflag:$0x3] =	sbarrier.arrive $0xFFFF;
	s2 =	simm.s32 @!p0 $0x1C03  }
0x170: {  	[timem:s3], [sflag:s2] =	dma.local @!p0 [hbm:s0], s1  }
0x171: {  	s0 =	simm.s32 @!p0 $0x3  }
0x172: {  	_ =	swait.ge @!p0 [sflag:s0], s1  }
0x173: {  	s1 =	ssub.s32 @!p0 $0x0, s1;
	[sflag:s0] =	ssyncset.done @!p0 $0x0  }
0x174: {  	[sflag:s0] =	ssyncadd.s32 @!p0 s1  }
0x175: {  	[bflag:$0x3] =	sbarrier.arrive $0xFFFF  }
0x176: {  	_ =	shalt  }

// kernel: kernel.8.cloned.1.call-start
scs
__scs_entry_jumppad:
0x0: {  	(pc) =	sbr.rel $0x88, $3  }
0x1: {  	(tag) =	ssettag $0x0;
	lr =	simm.s32 $0x1  }
0x2: {  	[smem:$0x3F9B] =	sst lr;
	_ =	strace $0xD0000000  }
0x3: {  	_ = 	snop  }
0x4: {  	_ = 	snop  }
0x5: {  	_ = 	snop  }
0x6: {  	_ = 	snop  }
0x7: {  	_ = 	snop  }
__scs_overlays_trampoline_lowered:
0x8: {  	[smem:$0x3FAA] =	sst s0  }
0x9: {  	[smem:$0x3FAB] =	sst s1  }
0xa: {  	[smem:$0x3FAC] =	sst s2  }
0xb: {  	[smem:$0x3FAD] =	sst s3  }
0xc: {  	[smem:$0x3FAE] =	sst s4  }
0xd: {  	[smem:$0x3FAF] =	sst s5  }
0xe: {  	[smem:$0x3FB0] =	sst s6  }
0xf: {  	[smem:$0x3FB1] =	sst s7  }
0x10: {  	[smem:$0x3FB2] =	sst s8  }
0x11: {  	[smem:$0x3FB3] =	sst s9;
	s0 =	simm.s32 @!p0 $0x0  }
0x12: {  	s1 =	sld [smem:$0x3F99];
	s0 =	simm.s32 @p0 $0x1  }
0x13: {  	[smem:$0x3FB4] =	sst s0;
	s0 =	simm.s32 @!p1 $0x0  }
0x14: {  	s2 =	sld [smem:$0x3F98];
	s0 =	simm.s32 @p1 $0x1  }
0x15: {  	[smem:$0x3FB5] =	sst s0;
	s0 =	simm.s32 @!p2 $0x0  }
0x16: {  	s3 =	sld [smem:$0x3FDB];
	s0 =	simm.s32 @p2 $0x1  }
0x17: {  	s4 =	simm.s32 $0x1BF5;
	[smem:$0x3FB7] =	sst s0  }
0x18: {  	s0 =	sld [smem:$0x3F9A];
	_ =	swait.ge [sflag:s4], $0x0  }
0x19: {  	s7 =	sld [smem:$0x3F9B]  }
0x1a: {  	s8 =	sadd.s32 $0xFFFFE003, lr  }
0x1b: {  	s9 =	sadd.s32 $0xFFFFFEF7, lr;
	s5 =	simm.s32 $0xFFFFFFFF;
	p2 =	slt.u32 s8, $0xFFFFF086  }
0x1c: {  	p1 =	slt.u32 s9, $0xF7A;
	s5 =	simm.s32 @!p2 $0x0  }
0x1d: {  	s5 =	simm.s32 @p1 $0x1;
	p0 =	seq.s32 s7, s2  }
0x1e: {  	s7 =	smul.u32 @!p0 $0xF7A, s2;
	p2 =	seq.s32 @!p0 s5, $0x0  }
0x1f: {  	s9 =	smul.u32 $0xF7A, s1;
	s8 =	simm.s32 @!p0 $0x1BF5;
	p2 =	por !p2, p0  }
0x20: {  	[sflag:s8] =	ssyncset.s32 @!p0 $0xFFFFF086;
	s6 =	sadd.s32 @!p0 s3, s7;
	s7 =	simm.s32 @!p0 $0x108  }
0x21: {  	s3 =	sadd.s32 s3, s9;
	s6 =	sadd.s32 @!p0 $0x88, s6;
	s7 =	simm.s32 @p2 $0x1082  }
0x22: {  	[simem:s7], [sflag:s8] =	dma.local @!p0 [hbm:s6], $0xF7A  }
0x23: {  	s9 =	sor.u32 $0xD0000000, s2;
	s6 =	simm.s32 $0x108;
	_ =	swait.ge @!p0 [sflag:s8], $0x0  }
0x24: {  	s3 =	sadd.s32 $0x88, s3;
	s6 =	simm.s32 @!p1 $0x1082;
	[sflag:s4] =	ssyncset.s32 $0xFFFFF086  }
0x25: {  	[simem:s6], [sflag:s4] =	dma.local [hbm:s3], $0xF7A  }
0x26: {  	[smem:$0x3F9B] =	sst s1;
	(tag) =	ssettag s2;
	_ =	strace s9  }
0x27: {  	s1 =	sld [smem:$0x3FAB]  }
0x28: {  	s2 =	sld [smem:$0x3FAC]  }
0x29: {  	s4 =	sld [smem:$0x3FAE]  }
0x2a: {  	p0 =	seq.s32 s5, $0x0;
	s5 =	sld [smem:$0x3FAF]  }
0x2b: {  	s6 =	sld [smem:$0x3FB0]  }
0x2c: {  	s7 =	sld [smem:$0x3FB1]  }
0x2d: {  	s3 =	simm.s32 $0x108;
	s8 =	sld [smem:$0x3FB2]  }
0x2e: {  	s3 =	simm.s32 @!p0 $0x1082;
	s9 =	sld [smem:$0x3FB3]  }
0x2f: {  	lr =	sadd.s32 s0, s3;
	s0 =	sld [smem:$0x3FAA]  }
0x30: {  	s3 =	sld [smem:$0x3FAD]  }
0x31: {  	[smem:$0x3FB6] =	sst s10  }
0x32: {  	s10 =	sld [smem:$0x3FB4];
	_ =	sdelay $0x3  }
0x33: {  	p0 =	seq.s32 s10, $0x1;
	s10 =	sld [smem:$0x3FB6];
	_ =	sdelay $0x3  }
0x34: {  	[smem:$0x3FB6] =	sst s10  }
0x35: {  	s10 =	sld [smem:$0x3FB5];
	_ =	sdelay $0x3  }
0x36: {  	p1 =	seq.s32 s10, $0x1;
	s10 =	sld [smem:$0x3FB6];
	_ =	sdelay $0x3  }
0x37: {  	[smem:$0x3FB6] =	sst s10  }
0x38: {  	s10 =	sld [smem:$0x3FB7]  }
0x39: {  	_ = 	snop;
	(pc) =	sbr.ind lr, $3  }
0x3a: {  	_ = 	snop  }
0x3b: {  	_ = 	snop  }
0x3c: {  	p2 =	seq.s32 s10, $0x1;
	s10 =	sld [smem:$0x3FB6]  }
0x3d: {  	_ =	shalt  }
0x3e: {  	_ =	shalt  }
0x3f: {  	_ =	shalt  }
0x40: {  	_ =	shalt  }
0x41: {  	_ =	shalt  }
0x42: {  	_ =	shalt  }
0x43: {  	_ =	shalt  }
0x44: {  	_ =	shalt  }
0x45: {  	_ =	shalt  }
0x46: {  	_ =	shalt  }
0x47: {  	_ =	shalt  }
0x48: {  	_ =	shalt  }
0x49: {  	_ =	shalt  }
0x4a: {  	_ =	shalt  }
0x4b: {  	_ =	shalt  }
0x4c: {  	_ =	shalt  }
0x4d: {  	_ =	shalt  }
0x4e: {  	_ =	shalt  }
0x4f: {  	_ =	shalt  }
0x50: {  	_ =	shalt  }
0x51: {  	_ =	shalt  }
0x52: {  	_ =	shalt  }
0x53: {  	_ =	shalt  }
0x54: {  	_ =	shalt  }
0x55: {  	_ =	shalt  }
0x56: {  	_ =	shalt  }
0x57: {  	_ =	shalt  }
0x58: {  	_ =	shalt  }
0x59: {  	_ =	shalt  }
0x5a: {  	_ =	shalt  }
0x5b: {  	_ =	shalt  }
0x5c: {  	_ =	shalt  }
0x5d: {  	_ =	shalt  }
0x5e: {  	_ =	shalt  }
0x5f: {  	_ =	shalt  }
0x60: {  	_ =	shalt  }
0x61: {  	_ =	shalt  }
0x62: {  	_ =	shalt  }
0x63: {  	_ =	shalt  }
0x64: {  	_ =	shalt  }
0x65: {  	_ =	shalt  }
0x66: {  	_ =	shalt  }
0x67: {  	_ =	shalt  }
0x68: {  	_ =	shalt  }
0x69: {  	_ =	shalt  }
0x6a: {  	_ =	shalt  }
0x6b: {  	_ =	shalt  }
0x6c: {  	_ =	shalt  }
0x6d: {  	_ =	shalt  }
0x6e: {  	_ =	shalt  }
0x6f: {  	_ =	shalt  }
0x70: {  	_ =	shalt  }
0x71: {  	_ =	shalt  }
0x72: {  	_ =	shalt  }
0x73: {  	_ =	shalt  }
0x74: {  	_ =	shalt  }
0x75: {  	_ =	shalt  }
0x76: {  	_ =	shalt  }
0x77: {  	_ =	shalt  }
0x78: {  	_ =	shalt  }
0x79: {  	_ =	shalt  }
0x7a: {  	_ =	shalt  }
0x7b: {  	_ =	shalt  }
0x7c: {  	_ =	shalt  }
0x7d: {  	_ =	shalt  }
0x7e: {  	_ =	shalt  }
0x7f: {  	_ =	shalt  }
0x80: {  	_ =	shalt  }
0x81: {  	_ =	shalt  }
0x82: {  	_ =	shalt  }
0x83: {  	_ =	shalt  }
0x84: {  	_ =	shalt  }
0x85: {  	_ =	shalt  }
0x86: {  	_ =	shalt  }
0x87: {  	_ =	shalt  }
.Lfunc_end0:
.L_simem_size_0:
called_computation_lowered:
.L_overlay_start_0:
0x88: {  	s2 =	sld [smem:$0x3FD9]  }
0x89: {  	s3 =	sld [smem:$0x3FFE];
	_ =	sdelay $0x1  }
0x8a: {  	s1 =	srdreg.scid  }
0x8b: {  	s0 =	sand.u32 $0x1, s1  }
0x8c: {  	s17 =	sshll.u32 s0, $0xA;
	s2 =	sadd.s32 s3, s2  }
0x8d: {  	s2 =	sadd.s32 s2, s17  }
0x8e: {  	[smem:$0x3FC2] =	sst s2  }
0x8f: {  	_ = 	snop  }
0x90: {  	s2 =	sld [smem:$0x3FD0];
	(tm) =	ssettm $0x1  }
0x91: {  	s18 =	sld [smem:$0x3FFB];
	_ =	sdelay $0x3  }
0x92: {  	_ =	strace s18  }
0x93: {  	s3 =	sld [smem:$0x3FFC];
	_ =	sdelay $0x3  }
0x94: {  	_ =	strace s3  }
0x95: {  	s3 =	sld [smem:$0x3FFD];
	_ =	sdelay $0x3  }
0x96: {  	_ =	strace s3  }
0x97: {  	_ =	strace $0x8FFFFFFF  }
0x98: {  	s19 =	sld [smem:$0x3FDB];
	_ =	sdelay $0x1  }
0x99: {  	s4 =	simm.s32 $_scs_section_size  }
0x9a: {  	s5 =	simm.s32 $_size__tile_overlayer_lowered;
	s6 =	simm.s32 $_tile_overlayer_lowered  }
0x9b: {  	s22 =	simm.s32 $0x1BFF;
	s21 =	sshll.u32 s6, $0x1;
	s3 =	sadd.s32 s4, s19  }
0x9c: {  	s7 =	simm.s32 $0x0;
	s20 =	sshll.u32 s5, $0x1;
	s5 =	sadd.s32 s21, s3  }
0x9d: {  	[timem:s7], [sflag:s22] =	dma.local [hbm:s5], s20  }
0x9e: {  	_ =	swait.ge [sflag:s22], s20  }
0x9f: {  	s4 =	ssub.s32 $0x0, s20;
	[sflag:s22] =	ssyncset.done $0x0  }
0xa0: {  	[sflag:s22] =	ssyncadd.s32 s4;
	_ =	sdelay $0x1  }
0xa1: {  	s23 =	simm.s32 $0x1B8B  }
0xa2: {  	_ =	swait.ge [sflag:s23], $0x1  }
0xa3: {  	[sflag:s23] =	ssyncset.done $0x0  }
0xa4: {  	s25 =	simm.s32 $0x1B8E;
	s24 =	sld [smem:$0x3FFE];
	[sflag:s23] =	ssyncadd.s32 $0xFFFFFFFF  }
0xa5: {  	s26 =	simm.s32 $execute0_lowered;
	[smem:$0x3FD2] =	sst s25  }
0xa6: {  	s5 =	sshll.u32 s26, $0x1;
	_ =	strace $0x80000046;
	[dreg:$0x1] =	wrdreg $0xFFFFFFFF  }
0xa7: {  	s28 =	simm.s32 $_size_execute0_lowered;
	s3 =	sadd.s32 s3, s5;
	[dreg:$0x0] =	wrdreg $0x0  }
0xa8: {  	s5 =	sshll.u32 s28, $0x1;
	[dreg:$0x2] =	wrdreg s3  }
0xa9: {  	[dreg:$0x3] =	wrdreg s5  }
0xaa: {  	[dreg:$0x4] =	wrdreg $0xC0  }
0xab: {  	_ =	task [dreg:s7], $0x5FFFF  }
0xac: {  	[dreg:$0x1] =	wrdreg $0xFFFFFFFF  }
0xad: {  	[dreg:$0x0] =	wrdreg $0x60  }
0xae: {  	[dreg:$0x2] =	wrdreg s2  }
0xaf: {  	[dreg:$0x3] =	wrdreg s24  }
0xb0: {  	[dreg:$0x4] =	wrdreg $0x9  }
0xb1: {  	_ =	task.clear_ibuf [dreg:s7], $0x5FFFF;
	_ =	strace $0x90000046  }
0xb2: {  	s29 =	simm.s32 $0x9;
	_ =	strace $0x80000048  }
0xb3: {  	_ =	swait.ge [sflag:s29], $0x1  }
0xb4: {  	[sflag:s29] =	ssyncadd.s32 $0xFFFFFFFF  }
0xb5: {  	_ =	strace $0x90000048  }
0xb6: {  	_ =	sfence  }
0xb7: {  	s30 =	sld [smem:$0x0];
	_ =	sdelay $0x2  }
0xb8: {  	s31 =	sshll.u32 s1, $0xD;
	s1 =	sshrl.u32 s1, $0x2  }
0xb9: {  	s3 =	sand.u32 $0x4000, s31;
	s1 =	sadd.s32 s1, s30  }
0xba: {  	s0 =	sor.u32 s3, s0;
	s1 =	sshll.u32 s1, $0x11  }
0xbb: {  	s0 =	sor.u32 s1, s0  }
0xbc: {  	s0 =	sadd.s32 $0x8F2B, s0  }
0xbd: {  	[sflag:s0] =	ssyncadd.remote.s32 $0x1  }
0xbe: {  	_ =	sfence.sel $0xFFFF  }
0xbf: {  	[dreg:$0x0] =	wrdreg $0xFFFFFFFF;
	(pc) =	sbr.abs _section_cstart, $3  }
0xc0: {  	[dreg:$0x1] =	wrdreg $0xFFFFFFFF  }
0xc1: {  	_ =	task.clear_ibuf [dreg:s7], $0x2FFFF;
	_ =	strace $0x9FFFFFFF  }
0xc2: {  	(tm) =	ssettm $0x7FFFFFFF  }
0xc3: {  	_ =	shalt  }
tec
execute0_lowered:
.L_overlay_start_1:
0x0: {  	(tag) =	ssettag $0x1  }
0x1: {  	s5 =	rddreg [dreg:$0x0]  }
0x2: {  	s1 =	srdreg.scid;
	s0 =	stileid.u32  }
0x3: {  	s3 =	rddreg [dreg:$0x1];
	s4 =	sand.u32 $0x1, s1;
	s6 =	sshll.u32 s0, $0x1  }
0x4: {  	s2 =	simm.s32 $0x0;
	s10 =	simm.s32 $0x0;
	s6 =	sor.u32 s4, s6  }
0x5: {  	s1 =	rddreg [dreg:$0x2];
	s4 =	ssub.s32 $0x2, s4;
	s7 =	smul.u32 $0x2800, s6  }
0x6: {  	[smem:$0x7FF] =	sst s2;
	s8 =	sshrl.u32 s4, $0x1;
	s6 =	smul.u32 $0x500, s6  }
0x7: {  	s9 =	sadd.s32 $0x3E00, s3;
	_ =	strace $0x80000047;
	s8 =	ssub.s32 s4, s8  }
0x8: {  	s7 =	sshrl.u32 s7, $0x3;
	s3 =	sadd.s32 s5, s6;
	s4 =	sadd.s32 s9, s6  }
0x9: {  	s31 =	sadd.s32 $0xA000, s7;
	s7 =	smax.u32 s8, $0x1;
	s8 =	simm.s32 $0x1  }
0xa: {  	v0 =	vimm.f32 $0.0e+00;
	v1 =	vimm.f32 $1.000000000e+00;
	s5 =	sadd.s32 s5, s31;
	s6 =	sadd.s32 s9, s31;
	s9 =	simm.s32 $0x2800  }
.LBB2_1:
0xb: {  	[tilespmem:s2], [sflag:$0x1] =	stream.linear.gather [hbm4b:s3+s2], $0x2800, $0x38;
	[tilespmem:$0x5000] =	vst v63  }
0xc: {  	_ =	swait.ge [sflag:s8], $0x2800  }
0xd: {  	[sflag:s8] =	ssyncset.done $0x0  }
0xe: {  	s11 =	simm.s32 $0x0;
	s12 =	simm.s32 $0x0;
	[sflag:s8] =	ssyncadd.s32 $0xFFFFD800  }
.LBB2_2:
0xf: {  	p0 =	sne.s32 s12, $0x9FC0  }
.Ltmp0:
0x10: {  	_ = 	snop;
	(pc) =	sbr.rel @p0 .LBB2_2-.Ltmp0, $4  }
0x11: {  	s13 =	sand.u32 $0xFE00, s12  }
0x12: {  	s14 =	sand.u32 $0x70, s11;
	s13 =	sshrl.u32 s13, $0x2  }
0x13: {  	s13 =	sor.u32 s14, s13  }
0x14: {  	s11 =	sadd.s32 $0x10, s11;
	s12 =	sadd.s32 $0x40, s12;
	[tilespmem:s13+$0x2800] =	vst v0  }
0x15: {  	s11 =	simm.s32 $0x0  }
0x16: {  	s12 =	sand.u32 $0xFE00, s11  }
0x17: {  	s11 =	sand.u32 $0x70, s11;
	s12 =	sshrl.u32 s12, $0x2  }
0x18: {  	s11 =	sor.u32 s11, s12  }
0x19: {  	v2 =	vld [tilespmem:s11+$0x0];
	_ =	sdelay $0x4  }
0x1a: {  	s13 =	simm.s32 $0x40  }
0x1b: {  	s13 =	sand.u32 $0xFE00, s13;
	s12 =	simm.s32 $0x80;
	s11 =	simm.s32 $0x10  }
.LBB2_4:
0x1c: {  	p0 =	sne.s32 s12, $0x9FC0;
	s14 =	sand.u32 $0x70, s11;
	s13 =	sshrl.u32 s13, $0x2  }
0x1d: {  	s13 =	sor.u32 s14, s13;
	[tilespmem:v2+s9+$0x0] =	vst.idx.add.f32.msk $0xffff, v1  }
0x1e: {  	v2 =	vld [tilespmem:s13+$0x0];
	_ =	sdelay $0x1  }
.Ltmp1:
0x1f: {  	(pc) =	sbr.rel @p0 .LBB2_4-.Ltmp1, $2  }
0x20: {  	_ =	sdelay $0x2  }
0x21: {  	s11 =	sadd.s32 $0x10, s11;
	s13 =	sand.u32 $0xFE00, s12;
	s12 =	sadd.s32 $0x40, s12  }
0x22: {  	_ =	sdelay $0x2  }
0x23: {  	s11 =	sand.u32 $0x70, s11;
	s12 =	sshrl.u32 s13, $0x2  }
0x24: {  	[tilespmem:v2+s9+$0x0] =	vst.idx.add.f32.msk $0xffff, v1;
	s11 =	sor.u32 s11, s12  }
0x25: {  	v2 =	vld [tilespmem:s11+$0x0];
	_ =	sdelay $0x7  }
0x26: {  	s11 =	simm.s32 $0x0;
	[tilespmem:v2+s9+$0x0] =	vst.idx.add.f32.msk $0xffff, v1  }
0x27: {  	[hbm4b:s4+s11] =	stream.linear.scatter [tilespmem:s9], [sflag:$0x1], $0x2800, $0x38;
	[tilespmem:$0x5000] =	vst v63  }
0x28: {  	_ =	swait.ge [sflag:s8], $0x2800  }
0x29: {  	[sflag:s8] =	ssyncset.done $0x0  }
0x2a: {  	[sflag:s8] =	ssyncadd.s32 $0xFFFFD800  }
0x2b: {  	[tilespmem:s11], [sflag:$0x1] =	stream.linear.gather [hbm4b:s5+s11], $0x2800, $0x38;
	[tilespmem:$0x5000] =	vst v63  }
0x2c: {  	s13 =	simm.s32 $0x40;
	s31 =	sand.u32 $0xFE00, s11;
	_ =	swait.ge [sflag:s8], $0x2800  }
0x2d: {  	s12 =	sand.u32 $0x70, s11;
	s14 =	sshrl.u32 s31, $0x2;
	[sflag:s8] =	ssyncset.done $0x0  }
0x2e: {  	s15 =	sor.u32 s12, s14;
	s14 =	simm.s32 $0x0;
	[sflag:s8] =	ssyncadd.s32 $0xFFFFD800  }
.LBB2_6:
0x2f: {  	p0 =	sne.s32 s13, $0x9FC0  }
0x30: {  	[tilespmem:s15+$0x2800] =	vst v0;
	s14 =	sadd.s32 $0x10, s14;
	s15 =	smov.u32 s13;
	s13 =	sadd.s32 $0x40, s13  }
.Ltmp2:
0x31: {  	(pc) =	sbr.rel @p0 .LBB2_6-.Ltmp2, $4  }
0x32: {  	_ = 	snop  }
0x33: {  	s15 =	sand.u32 $0xFE00, s15  }
0x34: {  	s16 =	sand.u32 $0x70, s14;
	s15 =	sshrl.u32 s15, $0x2  }
0x35: {  	s15 =	sor.u32 s16, s15  }
0x36: {  	s11 =	sand.u32 $0xFE00, s11  }
0x37: {  	s11 =	sshrl.u32 s11, $0x2  }
0x38: {  	[tilespmem:s15+$0x2800] =	vst v0;
	s11 =	sor.u32 s12, s11  }
0x39: {  	v2 =	vld [tilespmem:s11+$0x0];
	_ =	sdelay $0x4  }
0x3a: {  	s13 =	simm.s32 $0x40  }
0x3b: {  	s13 =	sand.u32 $0xFE00, s13;
	s12 =	simm.s32 $0x80;
	s11 =	simm.s32 $0x10  }
.LBB2_8:
0x3c: {  	p0 =	sne.s32 s12, $0x9FC0;
	s14 =	sand.u32 $0x70, s11;
	s13 =	sshrl.u32 s13, $0x2  }
0x3d: {  	s13 =	sor.u32 s14, s13;
	[tilespmem:v2+s9+$0x0] =	vst.idx.add.f32.msk $0xffff, v1  }
0x3e: {  	v2 =	vld [tilespmem:s13+$0x0];
	_ =	sdelay $0x1  }
.Ltmp3:
0x3f: {  	(pc) =	sbr.rel @p0 .LBB2_8-.Ltmp3, $2  }
0x40: {  	_ =	sdelay $0x2  }
0x41: {  	s11 =	sadd.s32 $0x10, s11;
	s13 =	sand.u32 $0xFE00, s12;
	s12 =	sadd.s32 $0x40, s12  }
0x42: {  	_ =	sdelay $0x2  }
0x43: {  	s11 =	sand.u32 $0x70, s11;
	s12 =	sshrl.u32 s13, $0x2  }
0x44: {  	[tilespmem:v2+s9+$0x0] =	vst.idx.add.f32.msk $0xffff, v1;
	s11 =	sor.u32 s11, s12  }
0x45: {  	v2 =	vld [tilespmem:s11+$0x0];
	_ =	sdelay $0x5  }
0x46: {  	s10 =	sadd.s32 $0x1, s10  }
0x47: {  	p0 =	sne.s32 s10, s7  }
.Ltmp4:
0x48: {  	[tilespmem:v2+s9+$0x0] =	vst.idx.add.f32.msk $0xffff, v1;
	(pc) =	sbr.rel @p0 .LBB2_1-.Ltmp4, $4  }
0x49: {  	[hbm4b:s6+s2] =	stream.linear.scatter [tilespmem:s9], [sflag:$0x1], $0x2800, $0x38;
	[tilespmem:$0x5000] =	vst v63  }
0x4a: {  	_ =	swait.ge [sflag:s8], $0x2800  }
0x4b: {  	[sflag:s8] =	ssyncset.done $0x0  }
0x4c: {  	[sflag:s8] =	ssyncadd.s32 $0xFFFFD800  }
0x4d: {  	_ =	sfence.sel $0x180000  }
0x4e: {  	[bflag:$0x0] =	sbarrier.arrive $0xFFFF  }
0x4f: {  	p0 =	sne.s32 s0, $0x0;
	_ =	strace $0x90000047  }
0x50: {  	s0 =	sadd.s32 @!p0 $0x100000, s1;
	[bflag:$0x2] =	sbarrier.arrive $0xFFFF  }
0x51: {  	[sflag:s0] =	ssyncadd.tile.s32 @!p0 $0x1;
	_ =	shalt  }
.Lfunc_end2:
_tile_overlayer_lowered:
.L_overlay_start_2:
0x52: {  	(tag) =	ssettag $0x2  }
0x53: {  	s0 =	rddreg [dreg:$0x0];
	s2 =	stileid.u32  }
0x54: {  	s1 =	rddreg [dreg:$0x1];
	p0 =	sne.s32 s2, $0x0  }
0x55: {  	s3 =	rddreg [dreg:$0x2];
	[bflag:$0x3] =	sbarrier.arrive $0xFFFF;
	s2 =	simm.s32 @!p0 $0x1C01  }
0x56: {  	[timem:s3], [sflag:s2] =	dma.local @!p0 [hbm:s0], s1  }
0x57: {  	s0 =	simm.s32 @!p0 $0x1  }
0x58: {  	_ =	swait.ge @!p0 [sflag:s0], s1  }
0x59: {  	s1 =	ssub.s32 @!p0 $0x0, s1;
	[sflag:s0] =	ssyncset.done @!p0 $0x0  }
0x5a: {  	[sflag:s0] =	ssyncadd.s32 @!p0 s1  }
0x5b: {  	[bflag:$0x3] =	sbarrier.arrive $0xFFFF  }
0x5c: {  	_ =	shalt  }

</sc_bundles>
